<compile_context>
chip_gen: v7x
topology: tpu7x:2x2x1
jax: 0.10.2.dev20260603
libtpu: 0.0.44.dev20260713+nightly
codegen_flags: <defaults>
</compile_context>

<pallas_src>
import functools

import jax
import jax.numpy as jnp
from jax import lax
from jax.experimental import pallas as pl
from jax.experimental.pallas import tpu as pltpu
from jax.experimental.pallas import tpu_sc as plsc

N = 10000
NPAD = 10240
E = 160000
EPAD = 163840
DIN = 128
DH = 512
DOUT = 128
G = 64

NC = 2
NS = 16
W = 128
RPT = NPAD // NS
C1 = DIN + 16

_mesh = plsc.VectorSubcoreMesh(core_axis_name="c", subcore_axis_name="s",
                               num_cores=NC, num_subcores=NS)


def _edge_loop_db(h_hbm, idxs, wbase, rows_a, rows_b, acc, gsa, gsb, nwin,
                  dget):
    pltpu.async_copy(h_hbm.at[idxs.at[wbase]], rows_a, gsa)

    def body(k, carry):
        j0 = 2 * k
        pltpu.make_async_copy(
            h_hbm.at[idxs.at[wbase + j0]], rows_a, gsa).wait()
        db = pltpu.async_copy(h_hbm.at[idxs.at[wbase + j0 + 1]], rows_b, gsb)
        pltpu.sync_copy(rows_a, acc.at[dget(j0)], add=True)
        db.wait()

        @pl.when(j0 + 2 < nwin)
        def _issue_a():
            pltpu.async_copy(h_hbm.at[idxs.at[wbase + j0 + 2]], rows_a, gsa)

        pltpu.sync_copy(rows_b, acc.at[dget(j0 + 1)], add=True)
        return carry

    lax.fori_loop(0, nwin // 2, body, 0)



def _edge_loop_q(h_hbm, idxs, wbase, rows, acc, gs, ss, nwin, dget):
    nb = 4

    def body(k, carry):
        for b in range(nb):
            i = nb * k + b

            @pl.when((i >= nb) & (i < nwin))
            def _wait_s():
                pltpu.make_async_copy(
                    rows[b], acc.at[dget(i - nb)], ss[b]).wait()

            @pl.when(i < nwin)
            def _issue_g():
                pltpu.async_copy(h_hbm.at[idxs.at[wbase + i]], rows[b],
                                 gs[b])

            b2 = (b + 2) % nb

            @pl.when((i >= 2) & (i < nwin + 2))
            def _scatter():
                j = i - 2
                pltpu.make_async_copy(
                    h_hbm.at[idxs.at[wbase + j]], rows[b2], gs[b2]).wait()
                pltpu.async_copy(rows[b2], acc.at[dget(j)], ss[b2],
                                 add=True)
        return carry

    lax.fori_loop(0, (nwin + 2 + nb - 1) // nb + 1, body, 0)
    for t in range(nb):
        wj = nwin - nb + t
        pltpu.make_async_copy(rows[wj % nb], acc.at[dget(wj)],
                              ss[wj % nb]).wait()


def _make_edge_split_agg(C, WL, dt, tiled=False):
    EPW = EPAD // (NC * NS)
    NWIN = EPW // WL
    NHALF = NWIN // 2

    @functools.partial(
        pl.kernel,
        out_type=jax.ShapeDtypeStruct((NC, NPAD, C), dt),
        mesh=_mesh,
        scratch_types=[
            pltpu.VMEM((NWIN, WL), jnp.int32),
            pltpu.VMEM((NHALF, WL), jnp.int32),
            pltpu.VMEM((WL, C), dt),
            pltpu.VMEM((WL, C), dt),
            pltpu.VMEM((WL, C), dt),
            pltpu.VMEM((WL, C), dt),
            pltpu.VMEM_SHARED((NPAD, C), dt),
            pltpu.SemaphoreType.DMA,
            pltpu.SemaphoreType.DMA,
            pltpu.SemaphoreType.DMA,
            pltpu.SemaphoreType.DMA,
            pltpu.SemaphoreType.DMA,
            pltpu.SemaphoreType.DMA,
            pltpu.SemaphoreType.DMA,
            pltpu.SemaphoreType.DMA,
        ],
        compiler_params=(None if tiled else
                         pltpu.CompilerParams(use_tc_tiling_on_sc=False)),
    )
    def agg(h_hbm, src_hbm, dst_hbm, zer_hbm, out_hbm, idxs, idxd,
            ra, rb, rc, rd, acc, g0, g1, g2, g3, s0, s1_, s2_, s3_):
        c = lax.axis_index("c")
        s = lax.axis_index("s")
        w = s * NC + c
        r0 = s * RPT
        pltpu.sync_copy(zer_hbm.at[pl.ds(r0, RPT)], acc.at[pl.ds(r0, RPT)])
        pltpu.sync_copy(src_hbm.at[pl.ds(w * NWIN, NWIN)], idxs)
        plsc.subcore_barrier()
        for half in range(2):
            pltpu.sync_copy(
                dst_hbm.at[pl.ds(w * NWIN + half * NHALF, NHALF)], idxd)
            _edge_loop_q(h_hbm, idxs, half * NHALF, (ra, rb, rc, rd), acc,
                         (g0, g1, g2, g3), (s0, s1_, s2_, s3_),
                         NHALF, lambda j: idxd.at[j])
        plsc.subcore_barrier()
        pltpu.sync_copy(acc.at[pl.ds(r0, RPT)],
                        out_hbm.at[c, pl.ds(r0, RPT)])

    return agg


WL1 = 64
BF16 = jnp.bfloat16
_agg_l1 = _make_edge_split_agg(C1, WL1, BF16)
_agg_l3 = _make_edge_split_agg(DOUT, WL1, jnp.float32, tiled=True)


C2 = 256


def _make_chunk_agg():
    W2 = 64
    EPT = EPAD // NS
    NWIN = EPT // W2

    NHALF = NWIN // 2

    @functools.partial(
        pl.kernel,
        out_type=[jax.ShapeDtypeStruct((NPAD, C2), BF16)] * 2,
        mesh=_mesh,
        scratch_types=[
            pltpu.VMEM((NWIN, W2), jnp.int32),
            pltpu.VMEM((NHALF, W2), jnp.int32),
            pltpu.VMEM((W2, C2), BF16),
            pltpu.VMEM((W2, C2), BF16),
            pltpu.VMEM((W2, C2), BF16),
            pltpu.VMEM((W2, C2), BF16),
            pltpu.VMEM_SHARED((NPAD, C2), BF16),
            pltpu.SemaphoreType.DMA,
            pltpu.SemaphoreType.DMA,
            pltpu.SemaphoreType.DMA,
            pltpu.SemaphoreType.DMA,
            pltpu.SemaphoreType.DMA,
            pltpu.SemaphoreType.DMA,
            pltpu.SemaphoreType.DMA,
            pltpu.SemaphoreType.DMA,
        ],
        compiler_params=pltpu.CompilerParams(use_tc_tiling_on_sc=False),
    )
    def agg2(h0, h1, src_hbm, dst_hbm, zer_hbm,
             o0, o1, idxs, idxd, ra, rb, rc, rd,
             acc, g0, g1, g2, g3, s0, s1_, s2_, s3_):
        c = lax.axis_index("c")
        s = lax.axis_index("s")
        r0 = s * RPT
        hs = (h0, h1)
        os_ = (o0, o1)
        rows = (ra, rb, rc, rd)
        gs = (g0, g1, g2, g3)
        ss = (s0, s1_, s2_, s3_)
        pltpu.sync_copy(src_hbm.at[pl.ds(s * NWIN, NWIN)], idxs)

        for chunk in range(2):
            h_hbm = hs[chunk]
            out_hbm = os_[chunk]

            @pl.when(c == chunk)
            def _process():
                pltpu.sync_copy(zer_hbm.at[pl.ds(r0, RPT)],
                                acc.at[pl.ds(r0, RPT)])
                plsc.subcore_barrier()
                for half in range(2):
                    pltpu.sync_copy(
                        dst_hbm.at[pl.ds(s * NWIN + half * NHALF, NHALF)],
                        idxd)
                    _edge_loop_q(h_hbm, idxs, half * NHALF, rows,
                                 acc, gs, ss, NHALF, lambda j: idxd.at[j])
                plsc.subcore_barrier()
                pltpu.sync_copy(acc.at[pl.ds(r0, RPT)],
                                out_hbm.at[pl.ds(r0, RPT)])

    return agg2


_agg_l2 = _make_chunk_agg()

R = 256
NBLK = NPAD // R


def _l1_body(s1_ref, x_ref, wl_ref, bl_ref, wr_ref,
             h0_ref, h1_ref, rb_ref):
    ssum = s1_ref[0] + s1_ref[1]
    cnt = ssum[:, DIN:DIN + 1].astype(jnp.float32)
    recip = 1.0 / jnp.maximum(cnt, 1.0)
    h = (jnp.dot(ssum[:, :DIN], wl_ref[...].astype(jnp.bfloat16),
                 preferred_element_type=jnp.float32) * recip
         + bl_ref[...]
         + jnp.dot(x_ref[...], wr_ref[...].astype(jnp.bfloat16),
                   preferred_element_type=jnp.float32))
    h = jnp.maximum(h, 0.0)
    hb = h.astype(jnp.bfloat16)
    h0_ref[...] = hb[:, 0:C2]
    h1_ref[...] = hb[:, C2:DH]
    rb_ref[...] = jnp.broadcast_to(recip, (R, DIN)).astype(jnp.bfloat16)


def _tc_layer1(s1, x_pad, wl1, bl1, wr1):
    blk = lambda i: (i, 0)
    whole = lambda i: (0, 0)
    outs_bf = jax.ShapeDtypeStruct((NPAD, C2), BF16)
    outs_rb = jax.ShapeDtypeStruct((NPAD, DIN), BF16)
    return pl.pallas_call(
        _l1_body,
        grid=(NBLK,),
        in_specs=[
            pl.BlockSpec((2, R, C1), lambda i: (0, i, 0)),
            pl.BlockSpec((R, DIN), blk),
            pl.BlockSpec((DIN, DH), whole),
            pl.BlockSpec((1, DH), whole),
            pl.BlockSpec((DIN, DH), whole),
        ],
        out_specs=[pl.BlockSpec((R, C2), blk)] * 2
        + [pl.BlockSpec((R, DIN), blk)],
        out_shape=[outs_bf] * 2 + [outs_rb],
    )(s1, x_pad, wl1, bl1, wr1)


def _l2_body(s20, s21, h10, h11, rb_ref,
             wl2_ref, bl2_ref, wr2_ref, wl3_ref, wr3_ref,
             p3_ref, r3_ref):
    recip = rb_ref[:, 0:1].astype(jnp.float32)
    aggv = jnp.concatenate([s20[...], s21[...]], axis=1)
    h1 = jnp.concatenate([h10[...], h11[...]], axis=1)
    h2 = (jnp.dot(aggv, wl2_ref[...].astype(jnp.bfloat16),
                  preferred_element_type=jnp.float32) * recip
          + bl2_ref[...]
          + jnp.dot(h1, wr2_ref[...].astype(jnp.bfloat16),
                    preferred_element_type=jnp.float32))
    h2 = jnp.maximum(h2, 0.0).astype(jnp.bfloat16)
    p3_ref[...] = jnp.dot(h2, wl3_ref[...].astype(jnp.bfloat16),
                          preferred_element_type=jnp.float32)
    r3_ref[...] = jnp.dot(h2, wr3_ref[...].astype(jnp.bfloat16),
                          preferred_element_type=jnp.float32)


def _tc_layer2(s2s, h1s, recipb, wl2, bl2, wr2, wl3, wr3):
    blk = lambda i: (i, 0)
    whole = lambda i: (0, 0)
    outs_f32 = jax.ShapeDtypeStruct((NPAD, DOUT), jnp.float32)
    return pl.pallas_call(
        _l2_body,
        grid=(NBLK,),
        in_specs=(
            [pl.BlockSpec((R, C2), blk)] * 4
            + [pl.BlockSpec((R, DIN), blk)]
            + [pl.BlockSpec((DH, DH), whole),
               pl.BlockSpec((1, DH), whole),
               pl.BlockSpec((DH, DH), whole),
               pl.BlockSpec((DH, DOUT), whole),
               pl.BlockSpec((DH, DOUT), whole)]
        ),
        out_specs=[pl.BlockSpec((R, DOUT), blk)] * 2,
        out_shape=[outs_f32, outs_f32],
    )(*s2s, *h1s, recipb, wl2, bl2, wr2, wl3, wr3)


def _final_body(s3_ref, rb_ref, r3_ref, b_ref, bl3_ref, g_ref, be_ref,
                out_ref, psum, csum):
    i = pl.program_id(0)

    @pl.when(i == 0)
    def _init():
        psum[...] = jnp.zeros((G, DOUT), jnp.float32)
        csum[...] = jnp.zeros((G, 1), jnp.float32)

    ssum = s3_ref[0].astype(jnp.float32) + s3_ref[1].astype(jnp.float32)
    out3 = (ssum * rb_ref[:, 0:1].astype(jnp.float32)
            + r3_ref[...] + bl3_ref[...])
    bb = b_ref[0]
    gids = lax.broadcasted_iota(jnp.int32, (G, R), 0).astype(jnp.float32)
    onehot = jnp.where(gids == bb, 1.0, 0.0)
    psum[...] += jnp.dot(onehot, out3, preferred_element_type=jnp.float32)
    csum[...] += jnp.sum(onehot, axis=1, keepdims=True)

    @pl.when(i == NBLK - 1)
    def _finish():
        pooled = psum[...] / jnp.maximum(csum[...], 1.0)
        mu = jnp.mean(pooled, axis=1, keepdims=True)
        var = jnp.mean((pooled - mu) ** 2, axis=1, keepdims=True)
        out_ref[...] = ((pooled - mu) * lax.rsqrt(var + 1e-5)
                        * g_ref[...] + be_ref[...])


def _tc_final(s3, recipb, r3, batchf, bl3, ln_g, ln_b):
    blk = lambda i: (i, 0)
    whole = lambda i: (0, 0)
    return pl.pallas_call(
        _final_body,
        grid=(NBLK,),
        in_specs=[
            pl.BlockSpec((2, R, DOUT), lambda i: (0, i, 0)),
            pl.BlockSpec((R, DIN), blk),
            pl.BlockSpec((R, DOUT), blk),
            pl.BlockSpec((1, 1, R), lambda i: (i, 0, 0)),
            pl.BlockSpec((1, DOUT), whole),
            pl.BlockSpec((1, DOUT), whole),
            pl.BlockSpec((1, DOUT), whole),
        ],
        out_specs=pl.BlockSpec((G, DOUT), whole),
        out_shape=jax.ShapeDtypeStruct((G, DOUT), jnp.float32),
        scratch_shapes=[
            pltpu.VMEM((G, DOUT), jnp.float32),
            pltpu.VMEM((G, 1), jnp.float32),
        ],
    )(s3, recipb, r3, batchf, bl3, ln_g, ln_b)


def kernel(x, edge_index, batch, Wl1, bl1, Wr1, Wl2, bl2, Wr2,
           Wl3, bl3, Wr3, ln_g, ln_b):
    f32 = jnp.float32
    src = edge_index[0]
    dst = edge_index[1]
    padidx = (N + (jnp.arange(EPAD - E, dtype=jnp.int32) % (NPAD - N)))
    srcf = jnp.concatenate([src, padidx])
    dstf = jnp.concatenate([dst, padidx])
    srcp64 = srcf.reshape(EPAD // 64, 64)
    dstp64 = dstf.reshape(EPAD // 64, 64)

    xa = jnp.concatenate(
        [x, jnp.ones((N, 1), f32), jnp.zeros((N, C1 - DIN - 1), f32)], axis=1)
    xa = jnp.concatenate([xa, jnp.zeros((NPAD - N, C1), f32)], axis=0)
    xa = xa.astype(BF16)
    x_pad = jnp.concatenate([x, jnp.zeros((NPAD - N, DIN), f32)],
                            axis=0).astype(BF16)

    zer1 = jnp.zeros((NPAD, C1), BF16)
    zer2 = jnp.zeros((NPAD, C2), BF16)
    zer3 = jnp.zeros((NPAD, DIN), f32)

    s1 = _agg_l1(xa, srcp64, dstp64, zer1)
    h1s_and_recip = _tc_layer1(s1, x_pad, Wl1, bl1.reshape(1, DH), Wr1)
    h1s, recipb = h1s_and_recip[:2], h1s_and_recip[2]

    s2s = _agg_l2(*h1s, srcp64, dstp64, zer2)
    p3, r3 = _tc_layer2(s2s, h1s, recipb, Wl2, bl2.reshape(1, DH), Wr2,
                        Wl3, Wr3)

    s3 = _agg_l3(p3, srcp64, dstp64, zer3)
    batchf = jnp.concatenate(
        [batch.astype(f32), jnp.full((NPAD - N,), float(G), f32)]
    ).reshape(NBLK, 1, R)
    out = _tc_final(s3, recipb, r3, batchf, bl3.reshape(1, DOUT),
                    ln_g.reshape(1, DOUT), ln_b.reshape(1, DOUT))
    return out

# --- scband reference (transcript-rebuilt; emitter-appended) ---
"""Pipeline reference for scband-pattern-graph-sage-17102559773406 (READ-ONLY COPY).

The authoritative reference and input builder live on the scoring server;
editing this copy changes nothing except your own understanding.
"""

import jax, jax.numpy as jnp
import numpy as np

N = 10000
E = 160000
DIN = 128
DH = 512
DOUT = 128
G = 64

def setup_inputs(seed: int = 0) -> dict:
    key = jax.random.key(seed)
    ks = jax.random.split(key, 16)
    x = jax.random.normal(ks[0], (N, DIN), dtype=jnp.float32)
    edge_index = jax.random.randint(ks[1], (2, E), 0, N, dtype=jnp.int32)
    batch = jnp.sort(jax.random.randint(ks[2], (N,), 0, G, dtype=jnp.int32))
    s = 0.05
    return {
        'x': x,
        'edge_index': edge_index,
        'batch': batch,
        'Wl1': jax.random.normal(ks[3], (DIN, DH), jnp.float32) * s,
        'bl1': jnp.zeros((DH,), jnp.float32),
        'Wr1': jax.random.normal(ks[4], (DIN, DH), jnp.float32) * s,
        'Wl2': jax.random.normal(ks[5], (DH, DH), jnp.float32) * s,
        'bl2': jnp.zeros((DH,), jnp.float32),
        'Wr2': jax.random.normal(ks[6], (DH, DH), jnp.float32) * s,
        'Wl3': jax.random.normal(ks[7], (DH, DOUT), jnp.float32) * s,
        'bl3': jnp.zeros((DOUT,), jnp.float32),
        'Wr3': jax.random.normal(ks[8], (DH, DOUT), jnp.float32) * s,
        'ln_g': jnp.ones((DOUT,), jnp.float32),
        'ln_b': jnp.zeros((DOUT,), jnp.float32),
    }

def _sage_conv(h, edge_index, Wl, bl, Wr):
    # PyG SAGEConv (mean aggr): out = lin_l(mean_j x_j) + lin_r(x_root)
    src = edge_index[0]
    dst = edge_index[1]
    msgs = h[src]  # gather
    agg_sum = jax.ops.segment_sum(msgs, dst, num_segments=h.shape[0])
    cnt = jax.ops.segment_sum(jnp.ones((src.shape[0], 1), h.dtype), dst, num_segments=h.shape[0])
    agg = agg_sum / jnp.maximum(cnt, 1.0)
    return agg @ Wl + bl + h @ Wr

def reference(x, edge_index, batch, Wl1, bl1, Wr1, Wl2, bl2, Wr2, Wl3, bl3, Wr3, ln_g, ln_b):
    h = _sage_conv(x, edge_index, Wl1, bl1, Wr1)
    h = jax.nn.relu(h)  # dropout is identity at inference
    h = _sage_conv(h, edge_index, Wl2, bl2, Wr2)
    h = jax.nn.relu(h)
    h = _sage_conv(h, edge_index, Wl3, bl3, Wr3)
    # global_mean_pool over graph ids
    sums = jax.ops.segment_sum(h, batch, num_segments=G)
    cnts = jax.ops.segment_sum(jnp.ones((h.shape[0], 1), h.dtype), batch, num_segments=G)
    pooled = sums / jnp.maximum(cnts, 1.0)
    # LayerNorm over last dim (eps=1e-5, biased variance like torch)
    mu = pooled.mean(axis=-1, keepdims=True)
    var = pooled.var(axis=-1, keepdims=True)
    out = (pooled - mu) / jnp.sqrt(var + 1e-5) * ln_g + ln_b
    return out

if __name__ == "__main__":
    import jax
    _d = setup_inputs()
    print(jax.jit(kernel)(*tuple(_d.values())))

</pallas_src>

<mosaic_0001>
#map = affine_map<(d0, d1) -> (0, 0)>
module attributes {stable_mosaic.version = 14 : i64} {
  func.func @agg2(%arg0: i32, %arg1: i32, %arg2: memref<10240x256xbf16, #tpu.memory_space<hbm>>, %arg3: memref<10240x256xbf16, #tpu.memory_space<hbm>>, %arg4: memref<2560x64xi32, #tpu.memory_space<hbm>>, %arg5: memref<2560x64xi32, #tpu.memory_space<hbm>>, %arg6: memref<10240x256xbf16, #tpu.memory_space<hbm>>, %arg7: memref<10240x256xbf16, #tpu.memory_space<hbm>>, %arg8: memref<10240x256xbf16, #tpu.memory_space<hbm>>, %arg9: memref<160x64xi32, #tpu.memory_space<vmem>>, %arg10: memref<80x64xi32, #tpu.memory_space<vmem>>, %arg11: memref<64x256xbf16, #tpu.memory_space<vmem>>, %arg12: memref<64x256xbf16, #tpu.memory_space<vmem>>, %arg13: memref<64x256xbf16, #tpu.memory_space<vmem>>, %arg14: memref<64x256xbf16, #tpu.memory_space<vmem>>, %arg15: memref<10240x256xbf16, #tpu.memory_space<vmem_shared>>, %arg16: memref<!tpu.dma_semaphore, #tpu.memory_space<semaphore_mem>>, %arg17: memref<!tpu.dma_semaphore, #tpu.memory_space<semaphore_mem>>, %arg18: memref<!tpu.dma_semaphore, #tpu.memory_space<semaphore_mem>>, %arg19: memref<!tpu.dma_semaphore, #tpu.memory_space<semaphore_mem>>, %arg20: memref<!tpu.dma_semaphore, #tpu.memory_space<semaphore_mem>>, %arg21: memref<!tpu.dma_semaphore, #tpu.memory_space<semaphore_mem>>, %arg22: memref<!tpu.dma_semaphore, #tpu.memory_space<semaphore_mem>>, %arg23: memref<!tpu.dma_semaphore, #tpu.memory_space<semaphore_mem>>) attributes {dimension_semantics = [#tpu.dimension_semantics<core_parallel>, #tpu.dimension_semantics<subcore_parallel>], iteration_bounds = array<i64: 2, 16>, scalar_prefetch = 0 : i64, scratch_operands = 15 : i64, tpu.core_type = #tpu.core_type<sc_vector_subcore>, window_params = [{transform_indices = #map}, {transform_indices = #map}, {transform_indices = #map}, {transform_indices = #map}, {transform_indices = #map}, {transform_indices = #map}, {transform_indices = #map}]} {
    %mul3A = arith.constant 640 : i32
    %mul3A_0 = arith.muli %arg1, %mul3A : i32
    %mul3A_1 = arith.constant 160 : i32
    %mul3A_2 = arith.muli %arg1, %mul3A_1 : i32
    "tpu.region"() ({
      %run_scoped3A = tpu.sem_alloc : memref<!tpu.dma_semaphore, #tpu.memory_space<semaphore_mem>>
      %dma_start3A = arith.constant 0 : i32
      %dma_start3A_10 = tpu.memref_slice %arg4[%mul3A_2, %dma_start3A] : memref<2560x64xi32, #tpu.memory_space<hbm>> -> memref<160x64xi32, #tpu.memory_space<hbm>>
      %dma_start3A_11 = arith.constant 0 : i32
      %dma_start3A_12 = tpu.memref_slice %arg4[%mul3A_2, %dma_start3A_11] : memref<2560x64xi32, #tpu.memory_space<hbm>> -> memref<160x64xi32, #tpu.memory_space<hbm>>
      tpu.enqueue_dma source(%dma_start3A_12 : memref<160x64xi32, #tpu.memory_space<hbm>>) target(%arg9 : memref<160x64xi32, #tpu.memory_space<vmem>>) target_semaphore(%run_scoped3A : memref<!tpu.dma_semaphore, #tpu.memory_space<semaphore_mem>>)
      %dma_wait3A = arith.constant 0 : i32
      %dma_wait3A_13 = tpu.memref_slice %arg4[%mul3A_2, %dma_wait3A] : memref<2560x64xi32, #tpu.memory_space<hbm>> -> memref<160x64xi32, #tpu.memory_space<hbm>>
      %dma_wait3A_14 = arith.constant 0 : i32
      %dma_wait3A_15 = tpu.memref_slice %arg4[%mul3A_2, %dma_wait3A_14] : memref<2560x64xi32, #tpu.memory_space<hbm>> -> memref<160x64xi32, #tpu.memory_space<hbm>>
      tpu.wait_dma2 semaphore(%run_scoped3A : memref<!tpu.dma_semaphore, #tpu.memory_space<semaphore_mem>>) src(%dma_wait3A_15 : memref<160x64xi32, #tpu.memory_space<hbm>>) dst(%arg9 : memref<160x64xi32, #tpu.memory_space<vmem>>)
      tpu.yield
    }) : () -> ()
    %eq3A = arith.constant 0 : i32
    %eq3A_3 = arith.cmpi eq, %arg0, %eq3A : i32
    %convert_element_type3A = arith.extui %eq3A_3 : i1 to i32
    %cond3A = arith.constant 0 : i32
    %cond3A_4 = arith.cmpi ne, %convert_element_type3A, %cond3A : i32
    scf.if %cond3A_4 {
      "tpu.region"() ({
        %run_scoped3A = tpu.sem_alloc : memref<!tpu.dma_semaphore, #tpu.memory_space<semaphore_mem>>
        %dma_start3A = arith.constant 0 : i32
        %dma_start3A_84 = tpu.memref_slice %arg15[%mul3A_0, %dma_start3A] : memref<10240x256xbf16, #tpu.memory_space<vmem_shared>> -> memref<640x256xbf16, #tpu.memory_space<vmem_shared>>
        %dma_start3A_85 = arith.constant 0 : i32
        %dma_start3A_86 = tpu.memref_slice %arg6[%mul3A_0, %dma_start3A_85] : memref<10240x256xbf16, #tpu.memory_space<hbm>> -> memref<640x256xbf16, #tpu.memory_space<hbm>>
        tpu.enqueue_dma source(%dma_start3A_86 : memref<640x256xbf16, #tpu.memory_space<hbm>>) target(%dma_start3A_84 : memref<640x256xbf16, #tpu.memory_space<vmem_shared>>) target_semaphore(%run_scoped3A : memref<!tpu.dma_semaphore, #tpu.memory_space<semaphore_mem>>)
        %dma_wait3A_87 = arith.constant 0 : i32
        %dma_wait3A_88 = tpu.memref_slice %arg15[%mul3A_0, %dma_wait3A_87] : memref<10240x256xbf16, #tpu.memory_space<vmem_shared>> -> memref<640x256xbf16, #tpu.memory_space<vmem_shared>>
        %dma_wait3A_89 = arith.constant 0 : i32
        %dma_wait3A_90 = tpu.memref_slice %arg6[%mul3A_0, %dma_wait3A_89] : memref<10240x256xbf16, #tpu.memory_space<hbm>> -> memref<640x256xbf16, #tpu.memory_space<hbm>>
        tpu.wait_dma2 semaphore(%run_scoped3A : memref<!tpu.dma_semaphore, #tpu.memory_space<semaphore_mem>>) src(%dma_wait3A_90 : memref<640x256xbf16, #tpu.memory_space<hbm>>) dst(%dma_wait3A_88 : memref<640x256xbf16, #tpu.memory_space<vmem_shared>>)
        tpu.yield
      }) : () -> ()
      %barrier3A = arith.constant 0 : index
      tpu.barrier barrier_id(%barrier3A)
      %mul3A_10 = arith.constant 160 : i32
      %mul3A_11 = arith.muli %arg1, %mul3A_10 : i32
      %add3A = arith.constant 0 : i32
      %add3A_12 = arith.addi %mul3A_11, %add3A : i32
      "tpu.region"() ({
        %run_scoped3A = tpu.sem_alloc : memref<!tpu.dma_semaphore, #tpu.memory_space<semaphore_mem>>
        %dma_start3A = arith.constant 0 : i32
        %dma_start3A_84 = tpu.memref_slice %arg5[%add3A_12, %dma_start3A] : memref<2560x64xi32, #tpu.memory_space<hbm>> -> memref<80x64xi32, #tpu.memory_space<hbm>>
        %dma_start3A_85 = arith.constant 0 : i32
        %dma_start3A_86 = tpu.memref_slice %arg5[%add3A_12, %dma_start3A_85] : memref<2560x64xi32, #tpu.memory_space<hbm>> -> memref<80x64xi32, #tpu.memory_space<hbm>>
        tpu.enqueue_dma source(%dma_start3A_86 : memref<80x64xi32, #tpu.memory_space<hbm>>) target(%arg10 : memref<80x64xi32, #tpu.memory_space<vmem>>) target_semaphore(%run_scoped3A : memref<!tpu.dma_semaphore, #tpu.memory_space<semaphore_mem>>)
        %dma_wait3A_87 = arith.constant 0 : i32
        %dma_wait3A_88 = tpu.memref_slice %arg5[%add3A_12, %dma_wait3A_87] : memref<2560x64xi32, #tpu.memory_space<hbm>> -> memref<80x64xi32, #tpu.memory_space<hbm>>
        %dma_wait3A_89 = arith.constant 0 : i32
        %dma_wait3A_90 = tpu.memref_slice %arg5[%add3A_12, %dma_wait3A_89] : memref<2560x64xi32, #tpu.memory_space<hbm>> -> memref<80x64xi32, #tpu.memory_space<hbm>>
        tpu.wait_dma2 semaphore(%run_scoped3A : memref<!tpu.dma_semaphore, #tpu.memory_space<semaphore_mem>>) src(%dma_wait3A_90 : memref<80x64xi32, #tpu.memory_space<hbm>>) dst(%arg10 : memref<80x64xi32, #tpu.memory_space<vmem>>)
        tpu.yield
      }) : () -> ()
      %scan3A = arith.constant 0 : i32
      %scan3A_13 = arith.constant 0 : i32
      %scan3A_14 = arith.constant 22 : i32
      %scan3A_15 = arith.addi %scan3A_13, %scan3A_14 : i32
      %scan3A_16 = arith.constant 1 : i32
      scf.for %scan3A_84 = %scan3A_13 to %scan3A_15 step %scan3A_16  : i32 {
        %mul3A_85 = arith.constant 4 : i32
        %mul3A_86 = arith.muli %mul3A_85, %scan3A_84 : i32
        %add3A_87 = arith.constant 0 : i32
        %add3A_88 = arith.addi %mul3A_86, %add3A_87 : i32
        %ge3A = arith.constant 4 : i32
        %ge3A_89 = arith.cmpi sge, %add3A_88, %ge3A : i32
        %lt3A = arith.constant 80 : i32
        %lt3A_90 = arith.cmpi slt, %add3A_88, %lt3A : i32
        %and3A = arith.andi %ge3A_89, %lt3A_90 : i1
        %convert_element_type3A_91 = arith.extui %and3A : i1 to i32
        %cond3A_92 = arith.constant 0 : i32
        %cond3A_93 = arith.cmpi ne, %convert_element_type3A_91, %cond3A_92 : i32
        scf.if %cond3A_93 {
          %sub3A = arith.constant 4 : i32
          %sub3A_182 = arith.subi %add3A_88, %sub3A : i32
          %dma_wait3A_183 = arith.constant 0 : i32
          %dma_wait3A_184 = tpu.memref_slice %arg10[%sub3A_182, %dma_wait3A_183] : memref<80x64xi32, #tpu.memory_space<vmem>> -> memref<1x64xi32, #tpu.memory_space<vmem>>
          %dma_wait3A_185 = tpu.memref_squeeze %dma_wait3A_184 : memref<1x64xi32, #tpu.memory_space<vmem>> -> memref<64xi32, #tpu.memory_space<vmem>>
          %dma_wait3A_186 = arith.constant 0 : i32
          %dma_wait3A_187 = arith.constant 0 : i32
          %dma_wait3A_188 = tpu.memref_slice %arg15[%dma_wait3A_186, %dma_wait3A_187] : memref<10240x256xbf16, #tpu.memory_space<vmem_shared>> -> memref<10240x256xbf16, #tpu.memory_space<vmem_shared>>
          tpu.wait_indirect_dma semaphore(%arg20 : memref<!tpu.dma_semaphore, #tpu.memory_space<semaphore_mem>>) src(%arg11 : memref<64x256xbf16, #tpu.memory_space<vmem>>) dst(%dma_wait3A_188 : memref<10240x256xbf16, #tpu.memory_space<vmem_shared>>)
        } else {
        }
        %lt3A_94 = arith.constant 80 : i32
        %lt3A_95 = arith.cmpi slt, %add3A_88, %lt3A_94 : i32
        %convert_element_type3A_96 = arith.extui %lt3A_95 : i1 to i32
        %cond3A_97 = arith.constant 0 : i32
        %cond3A_98 = arith.cmpi ne, %convert_element_type3A_96, %cond3A_97 : i32
        scf.if %cond3A_98 {
          %add3A_182 = arith.constant 0 : i32
          %add3A_183 = arith.addi %add3A_182, %add3A_88 : i32
          %dma_start3A = arith.constant 0 : i32
          %dma_start3A_184 = tpu.memref_slice %arg9[%add3A_183, %dma_start3A] : memref<160x64xi32, #tpu.memory_space<vmem>> -> memref<1x64xi32, #tpu.memory_space<vmem>>
          %dma_start3A_185 = tpu.memref_squeeze %dma_start3A_184 : memref<1x64xi32, #tpu.memory_space<vmem>> -> memref<64xi32, #tpu.memory_space<vmem>>
          %dma_start3A_186 = arith.constant 0 : i32
          %dma_start3A_187 = arith.constant 0 : i32
          %dma_start3A_188 = tpu.memref_slice %arg2[%dma_start3A_186, %dma_start3A_187] : memref<10240x256xbf16, #tpu.memory_space<hbm>> -> memref<10240x256xbf16, #tpu.memory_space<hbm>>
          tpu.enqueue_indirect_dma source(%dma_start3A_188 : memref<10240x256xbf16, #tpu.memory_space<hbm>>) target(%arg11 : memref<64x256xbf16, #tpu.memory_space<vmem>>) offsets(%dma_start3A_185 : memref<64xi32, #tpu.memory_space<vmem>>) semaphore(%arg16 : memref<!tpu.dma_semaphore, #tpu.memory_space<semaphore_mem>>)
        } else {
        }
        %ge3A_99 = arith.constant 2 : i32
        %ge3A_100 = arith.cmpi sge, %add3A_88, %ge3A_99 : i32
        %lt3A_101 = arith.constant 82 : i32
        %lt3A_102 = arith.cmpi slt, %add3A_88, %lt3A_101 : i32
        %and3A_103 = arith.andi %ge3A_100, %lt3A_102 : i1
        %convert_element_type3A_104 = arith.extui %and3A_103 : i1 to i32
        %cond3A_105 = arith.constant 0 : i32
        %cond3A_106 = arith.cmpi ne, %convert_element_type3A_104, %cond3A_105 : i32
        scf.if %cond3A_106 {
          %sub3A = arith.constant 2 : i32
          %sub3A_182 = arith.subi %add3A_88, %sub3A : i32
          %add3A_183 = arith.constant 0 : i32
          %add3A_184 = arith.addi %add3A_183, %sub3A_182 : i32
          %dma_wait3A_185 = arith.constant 0 : i32
          %dma_wait3A_186 = tpu.memref_slice %arg9[%add3A_184, %dma_wait3A_185] : memref<160x64xi32, #tpu.memory_space<vmem>> -> memref<1x64xi32, #tpu.memory_space<vmem>>
          %dma_wait3A_187 = tpu.memref_squeeze %dma_wait3A_186 : memref<1x64xi32, #tpu.memory_space<vmem>> -> memref<64xi32, #tpu.memory_space<vmem>>
          %dma_wait3A_188 = arith.constant 0 : i32
          %dma_wait3A_189 = arith.constant 0 : i32
          %dma_wait3A_190 = tpu.memref_slice %arg2[%dma_wait3A_188, %dma_wait3A_189] : memref<10240x256xbf16, #tpu.memory_space<hbm>> -> memref<10240x256xbf16, #tpu.memory_space<hbm>>
          tpu.wait_indirect_dma semaphore(%arg18 : memref<!tpu.dma_semaphore, #tpu.memory_space<semaphore_mem>>) src(%dma_wait3A_190 : memref<10240x256xbf16, #tpu.memory_space<hbm>>) dst(%arg13 : memref<64x256xbf16, #tpu.memory_space<vmem>>)
          %dma_start3A = arith.constant 0 : i32
          %dma_start3A_191 = tpu.memref_slice %arg10[%sub3A_182, %dma_start3A] : memref<80x64xi32, #tpu.memory_space<vmem>> -> memref<1x64xi32, #tpu.memory_space<vmem>>
          %dma_start3A_192 = tpu.memref_squeeze %dma_start3A_191 : memref<1x64xi32, #tpu.memory_space<vmem>> -> memref<64xi32, #tpu.memory_space<vmem>>
          %dma_start3A_193 = arith.constant 0 : i32
          %dma_start3A_194 = arith.constant 0 : i32
          %dma_start3A_195 = tpu.memref_slice %arg15[%dma_start3A_193, %dma_start3A_194] : memref<10240x256xbf16, #tpu.memory_space<vmem_shared>> -> memref<10240x256xbf16, #tpu.memory_space<vmem_shared>>
          tpu.enqueue_indirect_dma source(%arg13 : memref<64x256xbf16, #tpu.memory_space<vmem>>) target(%dma_start3A_195 : memref<10240x256xbf16, #tpu.memory_space<vmem_shared>>) offsets(%dma_start3A_192 : memref<64xi32, #tpu.memory_space<vmem>>) semaphore(%arg22 : memref<!tpu.dma_semaphore, #tpu.memory_space<semaphore_mem>>) {add = true}
        } else {
        }
        %mul3A_107 = arith.constant 4 : i32
        %mul3A_108 = arith.muli %mul3A_107, %scan3A_84 : i32
        %add3A_109 = arith.constant 1 : i32
        %add3A_110 = arith.addi %mul3A_108, %add3A_109 : i32
        %ge3A_111 = arith.constant 4 : i32
        %ge3A_112 = arith.cmpi sge, %add3A_110, %ge3A_111 : i32
        %lt3A_113 = arith.constant 80 : i32
        %lt3A_114 = arith.cmpi slt, %add3A_110, %lt3A_113 : i32
        %and3A_115 = arith.andi %ge3A_112, %lt3A_114 : i1
        %convert_element_type3A_116 = arith.extui %and3A_115 : i1 to i32
        %cond3A_117 = arith.constant 0 : i32
        %cond3A_118 = arith.cmpi ne, %convert_element_type3A_116, %cond3A_117 : i32
        scf.if %cond3A_118 {
          %sub3A = arith.constant 4 : i32
          %sub3A_182 = arith.subi %add3A_110, %sub3A : i32
          %dma_wait3A_183 = arith.constant 0 : i32
          %dma_wait3A_184 = tpu.memref_slice %arg10[%sub3A_182, %dma_wait3A_183] : memref<80x64xi32, #tpu.memory_space<vmem>> -> memref<1x64xi32, #tpu.memory_space<vmem>>
          %dma_wait3A_185 = tpu.memref_squeeze %dma_wait3A_184 : memref<1x64xi32, #tpu.memory_space<vmem>> -> memref<64xi32, #tpu.memory_space<vmem>>
          %dma_wait3A_186 = arith.constant 0 : i32
          %dma_wait3A_187 = arith.constant 0 : i32
          %dma_wait3A_188 = tpu.memref_slice %arg15[%dma_wait3A_186, %dma_wait3A_187] : memref<10240x256xbf16, #tpu.memory_space<vmem_shared>> -> memref<10240x256xbf16, #tpu.memory_space<vmem_shared>>
          tpu.wait_indirect_dma semaphore(%arg21 : memref<!tpu.dma_semaphore, #tpu.memory_space<semaphore_mem>>) src(%arg12 : memref<64x256xbf16, #tpu.memory_space<vmem>>) dst(%dma_wait3A_188 : memref<10240x256xbf16, #tpu.memory_space<vmem_shared>>)
        } else {
        }
        %lt3A_119 = arith.constant 80 : i32
        %lt3A_120 = arith.cmpi slt, %add3A_110, %lt3A_119 : i32
        %convert_element_type3A_121 = arith.extui %lt3A_120 : i1 to i32
        %cond3A_122 = arith.constant 0 : i32
        %cond3A_123 = arith.cmpi ne, %convert_element_type3A_121, %cond3A_122 : i32
        scf.if %cond3A_123 {
          %add3A_182 = arith.constant 0 : i32
          %add3A_183 = arith.addi %add3A_182, %add3A_110 : i32
          %dma_start3A = arith.constant 0 : i32
          %dma_start3A_184 = tpu.memref_slice %arg9[%add3A_183, %dma_start3A] : memref<160x64xi32, #tpu.memory_space<vmem>> -> memref<1x64xi32, #tpu.memory_space<vmem>>
          %dma_start3A_185 = tpu.memref_squeeze %dma_start3A_184 : memref<1x64xi32, #tpu.memory_space<vmem>> -> memref<64xi32, #tpu.memory_space<vmem>>
          %dma_start3A_186 = arith.constant 0 : i32
          %dma_start3A_187 = arith.constant 0 : i32
          %dma_start3A_188 = tpu.memref_slice %arg2[%dma_start3A_186, %dma_start3A_187] : memref<10240x256xbf16, #tpu.memory_space<hbm>> -> memref<10240x256xbf16, #tpu.memory_space<hbm>>
          tpu.enqueue_indirect_dma source(%dma_start3A_188 : memref<10240x256xbf16, #tpu.memory_space<hbm>>) target(%arg12 : memref<64x256xbf16, #tpu.memory_space<vmem>>) offsets(%dma_start3A_185 : memref<64xi32, #tpu.memory_space<vmem>>) semaphore(%arg17 : memref<!tpu.dma_semaphore, #tpu.memory_space<semaphore_mem>>)
        } else {
        }
        %ge3A_124 = arith.constant 2 : i32
        %ge3A_125 = arith.cmpi sge, %add3A_110, %ge3A_124 : i32
        %lt3A_126 = arith.constant 82 : i32
        %lt3A_127 = arith.cmpi slt, %add3A_110, %lt3A_126 : i32
        %and3A_128 = arith.andi %ge3A_125, %lt3A_127 : i1
        %convert_element_type3A_129 = arith.extui %and3A_128 : i1 to i32
        %cond3A_130 = arith.constant 0 : i32
        %cond3A_131 = arith.cmpi ne, %convert_element_type3A_129, %cond3A_130 : i32
        scf.if %cond3A_131 {
          %sub3A = arith.constant 2 : i32
          %sub3A_182 = arith.subi %add3A_110, %sub3A : i32
          %add3A_183 = arith.constant 0 : i32
          %add3A_184 = arith.addi %add3A_183, %sub3A_182 : i32
          %dma_wait3A_185 = arith.constant 0 : i32
          %dma_wait3A_186 = tpu.memref_slice %arg9[%add3A_184, %dma_wait3A_185] : memref<160x64xi32, #tpu.memory_space<vmem>> -> memref<1x64xi32, #tpu.memory_space<vmem>>
          %dma_wait3A_187 = tpu.memref_squeeze %dma_wait3A_186 : memref<1x64xi32, #tpu.memory_space<vmem>> -> memref<64xi32, #tpu.memory_space<vmem>>
          %dma_wait3A_188 = arith.constant 0 : i32
          %dma_wait3A_189 = arith.constant 0 : i32
          %dma_wait3A_190 = tpu.memref_slice %arg2[%dma_wait3A_188, %dma_wait3A_189] : memref<10240x256xbf16, #tpu.memory_space<hbm>> -> memref<10240x256xbf16, #tpu.memory_space<hbm>>
          tpu.wait_indirect_dma semaphore(%arg19 : memref<!tpu.dma_semaphore, #tpu.memory_space<semaphore_mem>>) src(%dma_wait3A_190 : memref<10240x256xbf16, #tpu.memory_space<hbm>>) dst(%arg14 : memref<64x256xbf16, #tpu.memory_space<vmem>>)
          %dma_start3A = arith.constant 0 : i32
          %dma_start3A_191 = tpu.memref_slice %arg10[%sub3A_182, %dma_start3A] : memref<80x64xi32, #tpu.memory_space<vmem>> -> memref<1x64xi32, #tpu.memory_space<vmem>>
          %dma_start3A_192 = tpu.memref_squeeze %dma_start3A_191 : memref<1x64xi32, #tpu.memory_space<vmem>> -> memref<64xi32, #tpu.memory_space<vmem>>
          %dma_start3A_193 = arith.constant 0 : i32
          %dma_start3A_194 = arith.constant 0 : i32
          %dma_start3A_195 = tpu.memref_slice %arg15[%dma_start3A_193, %dma_start3A_194] : memref<10240x256xbf16, #tpu.memory_space<vmem_shared>> -> memref<10240x256xbf16, #tpu.memory_space<vmem_shared>>
          tpu.enqueue_indirect_dma source(%arg14 : memref<64x256xbf16, #tpu.memory_space<vmem>>) target(%dma_start3A_195 : memref<10240x256xbf16, #tpu.memory_space<vmem_shared>>) offsets(%dma_start3A_192 : memref<64xi32, #tpu.memory_space<vmem>>) semaphore(%arg23 : memref<!tpu.dma_semaphore, #tpu.memory_space<semaphore_mem>>) {add = true}
        } else {
        }
        %mul3A_132 = arith.constant 4 : i32
        %mul3A_133 = arith.muli %mul3A_132, %scan3A_84 : i32
        %add3A_134 = arith.constant 2 : i32
        %add3A_135 = arith.addi %mul3A_133, %add3A_134 : i32
        %ge3A_136 = arith.constant 4 : i32
        %ge3A_137 = arith.cmpi sge, %add3A_135, %ge3A_136 : i32
        %lt3A_138 = arith.constant 80 : i32
        %lt3A_139 = arith.cmpi slt, %add3A_135, %lt3A_138 : i32
        %and3A_140 = arith.andi %ge3A_137, %lt3A_139 : i1
        %convert_element_type3A_141 = arith.extui %and3A_140 : i1 to i32
        %cond3A_142 = arith.constant 0 : i32
        %cond3A_143 = arith.cmpi ne, %convert_element_type3A_141, %cond3A_142 : i32
        scf.if %cond3A_143 {
          %sub3A = arith.constant 4 : i32
          %sub3A_182 = arith.subi %add3A_135, %sub3A : i32
          %dma_wait3A_183 = arith.constant 0 : i32
          %dma_wait3A_184 = tpu.memref_slice %arg10[%sub3A_182, %dma_wait3A_183] : memref<80x64xi32, #tpu.memory_space<vmem>> -> memref<1x64xi32, #tpu.memory_space<vmem>>
          %dma_wait3A_185 = tpu.memref_squeeze %dma_wait3A_184 : memref<1x64xi32, #tpu.memory_space<vmem>> -> memref<64xi32, #tpu.memory_space<vmem>>
          %dma_wait3A_186 = arith.constant 0 : i32
          %dma_wait3A_187 = arith.constant 0 : i32
          %dma_wait3A_188 = tpu.memref_slice %arg15[%dma_wait3A_186, %dma_wait3A_187] : memref<10240x256xbf16, #tpu.memory_space<vmem_shared>> -> memref<10240x256xbf16, #tpu.memory_space<vmem_shared>>
          tpu.wait_indirect_dma semaphore(%arg22 : memref<!tpu.dma_semaphore, #tpu.memory_space<semaphore_mem>>) src(%arg13 : memref<64x256xbf16, #tpu.memory_space<vmem>>) dst(%dma_wait3A_188 : memref<10240x256xbf16, #tpu.memory_space<vmem_shared>>)
        } else {
        }
        %lt3A_144 = arith.constant 80 : i32
        %lt3A_145 = arith.cmpi slt, %add3A_135, %lt3A_144 : i32
        %convert_element_type3A_146 = arith.extui %lt3A_145 : i1 to i32
        %cond3A_147 = arith.constant 0 : i32
        %cond3A_148 = arith.cmpi ne, %convert_element_type3A_146, %cond3A_147 : i32
        scf.if %cond3A_148 {
          %add3A_182 = arith.constant 0 : i32
          %add3A_183 = arith.addi %add3A_182, %add3A_135 : i32
          %dma_start3A = arith.constant 0 : i32
          %dma_start3A_184 = tpu.memref_slice %arg9[%add3A_183, %dma_start3A] : memref<160x64xi32, #tpu.memory_space<vmem>> -> memref<1x64xi32, #tpu.memory_space<vmem>>
          %dma_start3A_185 = tpu.memref_squeeze %dma_start3A_184 : memref<1x64xi32, #tpu.memory_space<vmem>> -> memref<64xi32, #tpu.memory_space<vmem>>
          %dma_start3A_186 = arith.constant 0 : i32
          %dma_start3A_187 = arith.constant 0 : i32
          %dma_start3A_188 = tpu.memref_slice %arg2[%dma_start3A_186, %dma_start3A_187] : memref<10240x256xbf16, #tpu.memory_space<hbm>> -> memref<10240x256xbf16, #tpu.memory_space<hbm>>
          tpu.enqueue_indirect_dma source(%dma_start3A_188 : memref<10240x256xbf16, #tpu.memory_space<hbm>>) target(%arg13 : memref<64x256xbf16, #tpu.memory_space<vmem>>) offsets(%dma_start3A_185 : memref<64xi32, #tpu.memory_space<vmem>>) semaphore(%arg18 : memref<!tpu.dma_semaphore, #tpu.memory_space<semaphore_mem>>)
        } else {
        }
        %ge3A_149 = arith.constant 2 : i32
        %ge3A_150 = arith.cmpi sge, %add3A_135, %ge3A_149 : i32
        %lt3A_151 = arith.constant 82 : i32
        %lt3A_152 = arith.cmpi slt, %add3A_135, %lt3A_151 : i32
        %and3A_153 = arith.andi %ge3A_150, %lt3A_152 : i1
        %convert_element_type3A_154 = arith.extui %and3A_153 : i1 to i32
        %cond3A_155 = arith.constant 0 : i32
        %cond3A_156 = arith.cmpi ne, %convert_element_type3A_154, %cond3A_155 : i32
        scf.if %cond3A_156 {
          %sub3A = arith.constant 2 : i32
          %sub3A_182 = arith.subi %add3A_135, %sub3A : i32
          %add3A_183 = arith.constant 0 : i32
          %add3A_184 = arith.addi %add3A_183, %sub3A_182 : i32
          %dma_wait3A_185 = arith.constant 0 : i32
          %dma_wait3A_186 = tpu.memref_slice %arg9[%add3A_184, %dma_wait3A_185] : memref<160x64xi32, #tpu.memory_space<vmem>> -> memref<1x64xi32, #tpu.memory_space<vmem>>
          %dma_wait3A_187 = tpu.memref_squeeze %dma_wait3A_186 : memref<1x64xi32, #tpu.memory_space<vmem>> -> memref<64xi32, #tpu.memory_space<vmem>>
          %dma_wait3A_188 = arith.constant 0 : i32
          %dma_wait3A_189 = arith.constant 0 : i32
          %dma_wait3A_190 = tpu.memref_slice %arg2[%dma_wait3A_188, %dma_wait3A_189] : memref<10240x256xbf16, #tpu.memory_space<hbm>> -> memref<10240x256xbf16, #tpu.memory_space<hbm>>
          tpu.wait_indirect_dma semaphore(%arg16 : memref<!tpu.dma_semaphore, #tpu.memory_space<semaphore_mem>>) src(%dma_wait3A_190 : memref<10240x256xbf16, #tpu.memory_space<hbm>>) dst(%arg11 : memref<64x256xbf16, #tpu.memory_space<vmem>>)
          %dma_start3A = arith.constant 0 : i32
          %dma_start3A_191 = tpu.memref_slice %arg10[%sub3A_182, %dma_start3A] : memref<80x64xi32, #tpu.memory_space<vmem>> -> memref<1x64xi32, #tpu.memory_space<vmem>>
          %dma_start3A_192 = tpu.memref_squeeze %dma_start3A_191 : memref<1x64xi32, #tpu.memory_space<vmem>> -> memref<64xi32, #tpu.memory_space<vmem>>
          %dma_start3A_193 = arith.constant 0 : i32
          %dma_start3A_194 = arith.constant 0 : i32
          %dma_start3A_195 = tpu.memref_slice %arg15[%dma_start3A_193, %dma_start3A_194] : memref<10240x256xbf16, #tpu.memory_space<vmem_shared>> -> memref<10240x256xbf16, #tpu.memory_space<vmem_shared>>
          tpu.enqueue_indirect_dma source(%arg11 : memref<64x256xbf16, #tpu.memory_space<vmem>>) target(%dma_start3A_195 : memref<10240x256xbf16, #tpu.memory_space<vmem_shared>>) offsets(%dma_start3A_192 : memref<64xi32, #tpu.memory_space<vmem>>) semaphore(%arg20 : memref<!tpu.dma_semaphore, #tpu.memory_space<semaphore_mem>>) {add = true}
        } else {
        }
        %mul3A_157 = arith.constant 4 : i32
        %mul3A_158 = arith.muli %mul3A_157, %scan3A_84 : i32
        %add3A_159 = arith.constant 3 : i32
        %add3A_160 = arith.addi %mul3A_158, %add3A_159 : i32
        %ge3A_161 = arith.constant 4 : i32
        %ge3A_162 = arith.cmpi sge, %add3A_160, %ge3A_161 : i32
        %lt3A_163 = arith.constant 80 : i32
        %lt3A_164 = arith.cmpi slt, %add3A_160, %lt3A_163 : i32
        %and3A_165 = arith.andi %ge3A_162, %lt3A_164 : i1
        %convert_element_type3A_166 = arith.extui %and3A_165 : i1 to i32
        %cond3A_167 = arith.constant 0 : i32
        %cond3A_168 = arith.cmpi ne, %convert_element_type3A_166, %cond3A_167 : i32
        scf.if %cond3A_168 {
          %sub3A = arith.constant 4 : i32
          %sub3A_182 = arith.subi %add3A_160, %sub3A : i32
          %dma_wait3A_183 = arith.constant 0 : i32
          %dma_wait3A_184 = tpu.memref_slice %arg10[%sub3A_182, %dma_wait3A_183] : memref<80x64xi32, #tpu.memory_space<vmem>> -> memref<1x64xi32, #tpu.memory_space<vmem>>
          %dma_wait3A_185 = tpu.memref_squeeze %dma_wait3A_184 : memref<1x64xi32, #tpu.memory_space<vmem>> -> memref<64xi32, #tpu.memory_space<vmem>>
          %dma_wait3A_186 = arith.constant 0 : i32
          %dma_wait3A_187 = arith.constant 0 : i32
          %dma_wait3A_188 = tpu.memref_slice %arg15[%dma_wait3A_186, %dma_wait3A_187] : memref<10240x256xbf16, #tpu.memory_space<vmem_shared>> -> memref<10240x256xbf16, #tpu.memory_space<vmem_shared>>
          tpu.wait_indirect_dma semaphore(%arg23 : memref<!tpu.dma_semaphore, #tpu.memory_space<semaphore_mem>>) src(%arg14 : memref<64x256xbf16, #tpu.memory_space<vmem>>) dst(%dma_wait3A_188 : memref<10240x256xbf16, #tpu.memory_space<vmem_shared>>)
        } else {
        }
        %lt3A_169 = arith.constant 80 : i32
        %lt3A_170 = arith.cmpi slt, %add3A_160, %lt3A_169 : i32
        %convert_element_type3A_171 = arith.extui %lt3A_170 : i1 to i32
        %cond3A_172 = arith.constant 0 : i32
        %cond3A_173 = arith.cmpi ne, %convert_element_type3A_171, %cond3A_172 : i32
        scf.if %cond3A_173 {
          %add3A_182 = arith.constant 0 : i32
          %add3A_183 = arith.addi %add3A_182, %add3A_160 : i32
          %dma_start3A = arith.constant 0 : i32
          %dma_start3A_184 = tpu.memref_slice %arg9[%add3A_183, %dma_start3A] : memref<160x64xi32, #tpu.memory_space<vmem>> -> memref<1x64xi32, #tpu.memory_space<vmem>>
          %dma_start3A_185 = tpu.memref_squeeze %dma_start3A_184 : memref<1x64xi32, #tpu.memory_space<vmem>> -> memref<64xi32, #tpu.memory_space<vmem>>
          %dma_start3A_186 = arith.constant 0 : i32
          %dma_start3A_187 = arith.constant 0 : i32
          %dma_start3A_188 = tpu.memref_slice %arg2[%dma_start3A_186, %dma_start3A_187] : memref<10240x256xbf16, #tpu.memory_space<hbm>> -> memref<10240x256xbf16, #tpu.memory_space<hbm>>
          tpu.enqueue_indirect_dma source(%dma_start3A_188 : memref<10240x256xbf16, #tpu.memory_space<hbm>>) target(%arg14 : memref<64x256xbf16, #tpu.memory_space<vmem>>) offsets(%dma_start3A_185 : memref<64xi32, #tpu.memory_space<vmem>>) semaphore(%arg19 : memref<!tpu.dma_semaphore, #tpu.memory_space<semaphore_mem>>)
        } else {
        }
        %ge3A_174 = arith.constant 2 : i32
        %ge3A_175 = arith.cmpi sge, %add3A_160, %ge3A_174 : i32
        %lt3A_176 = arith.constant 82 : i32
        %lt3A_177 = arith.cmpi slt, %add3A_160, %lt3A_176 : i32
        %and3A_178 = arith.andi %ge3A_175, %lt3A_177 : i1
        %convert_element_type3A_179 = arith.extui %and3A_178 : i1 to i32
        %cond3A_180 = arith.constant 0 : i32
        %cond3A_181 = arith.cmpi ne, %convert_element_type3A_179, %cond3A_180 : i32
        scf.if %cond3A_181 {
          %sub3A = arith.constant 2 : i32
          %sub3A_182 = arith.subi %add3A_160, %sub3A : i32
          %add3A_183 = arith.constant 0 : i32
          %add3A_184 = arith.addi %add3A_183, %sub3A_182 : i32
          %dma_wait3A_185 = arith.constant 0 : i32
          %dma_wait3A_186 = tpu.memref_slice %arg9[%add3A_184, %dma_wait3A_185] : memref<160x64xi32, #tpu.memory_space<vmem>> -> memref<1x64xi32, #tpu.memory_space<vmem>>
          %dma_wait3A_187 = tpu.memref_squeeze %dma_wait3A_186 : memref<1x64xi32, #tpu.memory_space<vmem>> -> memref<64xi32, #tpu.memory_space<vmem>>
          %dma_wait3A_188 = arith.constant 0 : i32
          %dma_wait3A_189 = arith.constant 0 : i32
          %dma_wait3A_190 = tpu.memref_slice %arg2[%dma_wait3A_188, %dma_wait3A_189] : memref<10240x256xbf16, #tpu.memory_space<hbm>> -> memref<10240x256xbf16, #tpu.memory_space<hbm>>
          tpu.wait_indirect_dma semaphore(%arg17 : memref<!tpu.dma_semaphore, #tpu.memory_space<semaphore_mem>>) src(%dma_wait3A_190 : memref<10240x256xbf16, #tpu.memory_space<hbm>>) dst(%arg12 : memref<64x256xbf16, #tpu.memory_space<vmem>>)
          %dma_start3A = arith.constant 0 : i32
          %dma_start3A_191 = tpu.memref_slice %arg10[%sub3A_182, %dma_start3A] : memref<80x64xi32, #tpu.memory_space<vmem>> -> memref<1x64xi32, #tpu.memory_space<vmem>>
          %dma_start3A_192 = tpu.memref_squeeze %dma_start3A_191 : memref<1x64xi32, #tpu.memory_space<vmem>> -> memref<64xi32, #tpu.memory_space<vmem>>
          %dma_start3A_193 = arith.constant 0 : i32
          %dma_start3A_194 = arith.constant 0 : i32
          %dma_start3A_195 = tpu.memref_slice %arg15[%dma_start3A_193, %dma_start3A_194] : memref<10240x256xbf16, #tpu.memory_space<vmem_shared>> -> memref<10240x256xbf16, #tpu.memory_space<vmem_shared>>
          tpu.enqueue_indirect_dma source(%arg12 : memref<64x256xbf16, #tpu.memory_space<vmem>>) target(%dma_start3A_195 : memref<10240x256xbf16, #tpu.memory_space<vmem_shared>>) offsets(%dma_start3A_192 : memref<64xi32, #tpu.memory_space<vmem>>) semaphore(%arg21 : memref<!tpu.dma_semaphore, #tpu.memory_space<semaphore_mem>>) {add = true}
        } else {
        }
      }
      %scan3A_17 = arith.constant 22 : i32
      %dma_wait3A = arith.constant 76 : i32
      %dma_wait3A_18 = arith.constant 0 : i32
      %dma_wait3A_19 = tpu.memref_slice %arg10[%dma_wait3A, %dma_wait3A_18] : memref<80x64xi32, #tpu.memory_space<vmem>> -> memref<1x64xi32, #tpu.memory_space<vmem>>
      %dma_wait3A_20 = tpu.memref_squeeze %dma_wait3A_19 : memref<1x64xi32, #tpu.memory_space<vmem>> -> memref<64xi32, #tpu.memory_space<vmem>>
      %dma_wait3A_21 = arith.constant 0 : i32
      %dma_wait3A_22 = arith.constant 0 : i32
      %dma_wait3A_23 = tpu.memref_slice %arg15[%dma_wait3A_21, %dma_wait3A_22] : memref<10240x256xbf16, #tpu.memory_space<vmem_shared>> -> memref<10240x256xbf16, #tpu.memory_space<vmem_shared>>
      tpu.wait_indirect_dma semaphore(%arg20 : memref<!tpu.dma_semaphore, #tpu.memory_space<semaphore_mem>>) src(%arg11 : memref<64x256xbf16, #tpu.memory_space<vmem>>) dst(%dma_wait3A_23 : memref<10240x256xbf16, #tpu.memory_space<vmem_shared>>)
      %dma_wait3A_24 = arith.constant 77 : i32
      %dma_wait3A_25 = arith.constant 0 : i32
      %dma_wait3A_26 = tpu.memref_slice %arg10[%dma_wait3A_24, %dma_wait3A_25] : memref<80x64xi32, #tpu.memory_space<vmem>> -> memref<1x64xi32, #tpu.memory_space<vmem>>
      %dma_wait3A_27 = tpu.memref_squeeze %dma_wait3A_26 : memref<1x64xi32, #tpu.memory_space<vmem>> -> memref<64xi32, #tpu.memory_space<vmem>>
      %dma_wait3A_28 = arith.constant 0 : i32
      %dma_wait3A_29 = arith.constant 0 : i32
      %dma_wait3A_30 = tpu.memref_slice %arg15[%dma_wait3A_28, %dma_wait3A_29] : memref<10240x256xbf16, #tpu.memory_space<vmem_shared>> -> memref<10240x256xbf16, #tpu.memory_space<vmem_shared>>
      tpu.wait_indirect_dma semaphore(%arg21 : memref<!tpu.dma_semaphore, #tpu.memory_space<semaphore_mem>>) src(%arg12 : memref<64x256xbf16, #tpu.memory_space<vmem>>) dst(%dma_wait3A_30 : memref<10240x256xbf16, #tpu.memory_space<vmem_shared>>)
      %dma_wait3A_31 = arith.constant 78 : i32
      %dma_wait3A_32 = arith.constant 0 : i32
      %dma_wait3A_33 = tpu.memref_slice %arg10[%dma_wait3A_31, %dma_wait3A_32] : memref<80x64xi32, #tpu.memory_space<vmem>> -> memref<1x64xi32, #tpu.memory_space<vmem>>
      %dma_wait3A_34 = tpu.memref_squeeze %dma_wait3A_33 : memref<1x64xi32, #tpu.memory_space<vmem>> -> memref<64xi32, #tpu.memory_space<vmem>>
      %dma_wait3A_35 = arith.constant 0 : i32
      %dma_wait3A_36 = arith.constant 0 : i32
      %dma_wait3A_37 = tpu.memref_slice %arg15[%dma_wait3A_35, %dma_wait3A_36] : memref<10240x256xbf16, #tpu.memory_space<vmem_shared>> -> memref<10240x256xbf16, #tpu.memory_space<vmem_shared>>
      tpu.wait_indirect_dma semaphore(%arg22 : memref<!tpu.dma_semaphore, #tpu.memory_space<semaphore_mem>>) src(%arg13 : memref<64x256xbf16, #tpu.memory_space<vmem>>) dst(%dma_wait3A_37 : memref<10240x256xbf16, #tpu.memory_space<vmem_shared>>)
      %dma_wait3A_38 = arith.constant 79 : i32
      %dma_wait3A_39 = arith.constant 0 : i32
      %dma_wait3A_40 = tpu.memref_slice %arg10[%dma_wait3A_38, %dma_wait3A_39] : memref<80x64xi32, #tpu.memory_space<vmem>> -> memref<1x64xi32, #tpu.memory_space<vmem>>
      %dma_wait3A_41 = tpu.memref_squeeze %dma_wait3A_40 : memref<1x64xi32, #tpu.memory_space<vmem>> -> memref<64xi32, #tpu.memory_space<vmem>>
      %dma_wait3A_42 = arith.constant 0 : i32
      %dma_wait3A_43 = arith.constant 0 : i32
      %dma_wait3A_44 = tpu.memref_slice %arg15[%dma_wait3A_42, %dma_wait3A_43] : memref<10240x256xbf16, #tpu.memory_space<vmem_shared>> -> memref<10240x256xbf16, #tpu.memory_space<vmem_shared>>
      tpu.wait_indirect_dma semaphore(%arg23 : memref<!tpu.dma_semaphore, #tpu.memory_space<semaphore_mem>>) src(%arg14 : memref<64x256xbf16, #tpu.memory_space<vmem>>) dst(%dma_wait3A_44 : memref<10240x256xbf16, #tpu.memory_space<vmem_shared>>)
      %mul3A_45 = arith.constant 160 : i32
      %mul3A_46 = arith.muli %arg1, %mul3A_45 : i32
      %add3A_47 = arith.constant 80 : i32
      %add3A_48 = arith.addi %mul3A_46, %add3A_47 : i32
      "tpu.region"() ({
        %run_scoped3A = tpu.sem_alloc : memref<!tpu.dma_semaphore, #tpu.memory_space<semaphore_mem>>
        %dma_start3A = arith.constant 0 : i32
        %dma_start3A_84 = tpu.memref_slice %arg5[%add3A_48, %dma_start3A] : memref<2560x64xi32, #tpu.memory_space<hbm>> -> memref<80x64xi32, #tpu.memory_space<hbm>>
        %dma_start3A_85 = arith.constant 0 : i32
        %dma_start3A_86 = tpu.memref_slice %arg5[%add3A_48, %dma_start3A_85] : memref<2560x64xi32, #tpu.memory_space<hbm>> -> memref<80x64xi32, #tpu.memory_space<hbm>>
        tpu.enqueue_dma source(%dma_start3A_86 : memref<80x64xi32, #tpu.memory_space<hbm>>) target(%arg10 : memref<80x64xi32, #tpu.memory_space<vmem>>) target_semaphore(%run_scoped3A : memref<!tpu.dma_semaphore, #tpu.memory_space<semaphore_mem>>)
        %dma_wait3A_87 = arith.constant 0 : i32
        %dma_wait3A_88 = tpu.memref_slice %arg5[%add3A_48, %dma_wait3A_87] : memref<2560x64xi32, #tpu.memory_space<hbm>> -> memref<80x64xi32, #tpu.memory_space<hbm>>
        %dma_wait3A_89 = arith.constant 0 : i32
        %dma_wait3A_90 = tpu.memref_slice %arg5[%add3A_48, %dma_wait3A_89] : memref<2560x64xi32, #tpu.memory_space<hbm>> -> memref<80x64xi32, #tpu.memory_space<hbm>>
        tpu.wait_dma2 semaphore(%run_scoped3A : memref<!tpu.dma_semaphore, #tpu.memory_space<semaphore_mem>>) src(%dma_wait3A_90 : memref<80x64xi32, #tpu.memory_space<hbm>>) dst(%arg10 : memref<80x64xi32, #tpu.memory_space<vmem>>)
        tpu.yield
      }) : () -> ()
      %scan3A_49 = arith.constant 0 : i32
      %scan3A_50 = arith.constant 0 : i32
      %scan3A_51 = arith.constant 22 : i32
      %scan3A_52 = arith.addi %scan3A_50, %scan3A_51 : i32
      %scan3A_53 = arith.constant 1 : i32
      scf.for %scan3A_84 = %scan3A_50 to %scan3A_52 step %scan3A_53  : i32 {
        %mul3A_85 = arith.constant 4 : i32
        %mul3A_86 = arith.muli %mul3A_85, %scan3A_84 : i32
        %add3A_87 = arith.constant 0 : i32
        %add3A_88 = arith.addi %mul3A_86, %add3A_87 : i32
        %ge3A = arith.constant 4 : i32
        %ge3A_89 = arith.cmpi sge, %add3A_88, %ge3A : i32
        %lt3A = arith.constant 80 : i32
        %lt3A_90 = arith.cmpi slt, %add3A_88, %lt3A : i32
        %and3A = arith.andi %ge3A_89, %lt3A_90 : i1
        %convert_element_type3A_91 = arith.extui %and3A : i1 to i32
        %cond3A_92 = arith.constant 0 : i32
        %cond3A_93 = arith.cmpi ne, %convert_element_type3A_91, %cond3A_92 : i32
        scf.if %cond3A_93 {
          %sub3A = arith.constant 4 : i32
          %sub3A_182 = arith.subi %add3A_88, %sub3A : i32
          %dma_wait3A_183 = arith.constant 0 : i32
          %dma_wait3A_184 = tpu.memref_slice %arg10[%sub3A_182, %dma_wait3A_183] : memref<80x64xi32, #tpu.memory_space<vmem>> -> memref<1x64xi32, #tpu.memory_space<vmem>>
          %dma_wait3A_185 = tpu.memref_squeeze %dma_wait3A_184 : memref<1x64xi32, #tpu.memory_space<vmem>> -> memref<64xi32, #tpu.memory_space<vmem>>
          %dma_wait3A_186 = arith.constant 0 : i32
          %dma_wait3A_187 = arith.constant 0 : i32
          %dma_wait3A_188 = tpu.memref_slice %arg15[%dma_wait3A_186, %dma_wait3A_187] : memref<10240x256xbf16, #tpu.memory_space<vmem_shared>> -> memref<10240x256xbf16, #tpu.memory_space<vmem_shared>>
          tpu.wait_indirect_dma semaphore(%arg20 : memref<!tpu.dma_semaphore, #tpu.memory_space<semaphore_mem>>) src(%arg11 : memref<64x256xbf16, #tpu.memory_space<vmem>>) dst(%dma_wait3A_188 : memref<10240x256xbf16, #tpu.memory_space<vmem_shared>>)
        } else {
        }
        %lt3A_94 = arith.constant 80 : i32
        %lt3A_95 = arith.cmpi slt, %add3A_88, %lt3A_94 : i32
        %convert_element_type3A_96 = arith.extui %lt3A_95 : i1 to i32
        %cond3A_97 = arith.constant 0 : i32
        %cond3A_98 = arith.cmpi ne, %convert_element_type3A_96, %cond3A_97 : i32
        scf.if %cond3A_98 {
          %add3A_182 = arith.constant 80 : i32
          %add3A_183 = arith.addi %add3A_182, %add3A_88 : i32
          %dma_start3A = arith.constant 0 : i32
          %dma_start3A_184 = tpu.memref_slice %arg9[%add3A_183, %dma_start3A] : memref<160x64xi32, #tpu.memory_space<vmem>> -> memref<1x64xi32, #tpu.memory_space<vmem>>
          %dma_start3A_185 = tpu.memref_squeeze %dma_start3A_184 : memref<1x64xi32, #tpu.memory_space<vmem>> -> memref<64xi32, #tpu.memory_space<vmem>>
          %dma_start3A_186 = arith.constant 0 : i32
          %dma_start3A_187 = arith.constant 0 : i32
          %dma_start3A_188 = tpu.memref_slice %arg2[%dma_start3A_186, %dma_start3A_187] : memref<10240x256xbf16, #tpu.memory_space<hbm>> -> memref<10240x256xbf16, #tpu.memory_space<hbm>>
          tpu.enqueue_indirect_dma source(%dma_start3A_188 : memref<10240x256xbf16, #tpu.memory_space<hbm>>) target(%arg11 : memref<64x256xbf16, #tpu.memory_space<vmem>>) offsets(%dma_start3A_185 : memref<64xi32, #tpu.memory_space<vmem>>) semaphore(%arg16 : memref<!tpu.dma_semaphore, #tpu.memory_space<semaphore_mem>>)
        } else {
        }
        %ge3A_99 = arith.constant 2 : i32
        %ge3A_100 = arith.cmpi sge, %add3A_88, %ge3A_99 : i32
        %lt3A_101 = arith.constant 82 : i32
        %lt3A_102 = arith.cmpi slt, %add3A_88, %lt3A_101 : i32
        %and3A_103 = arith.andi %ge3A_100, %lt3A_102 : i1
        %convert_element_type3A_104 = arith.extui %and3A_103 : i1 to i32
        %cond3A_105 = arith.constant 0 : i32
        %cond3A_106 = arith.cmpi ne, %convert_element_type3A_104, %cond3A_105 : i32
        scf.if %cond3A_106 {
          %sub3A = arith.constant 2 : i32
          %sub3A_182 = arith.subi %add3A_88, %sub3A : i32
          %add3A_183 = arith.constant 80 : i32
          %add3A_184 = arith.addi %add3A_183, %sub3A_182 : i32
          %dma_wait3A_185 = arith.constant 0 : i32
          %dma_wait3A_186 = tpu.memref_slice %arg9[%add3A_184, %dma_wait3A_185] : memref<160x64xi32, #tpu.memory_space<vmem>> -> memref<1x64xi32, #tpu.memory_space<vmem>>
          %dma_wait3A_187 = tpu.memref_squeeze %dma_wait3A_186 : memref<1x64xi32, #tpu.memory_space<vmem>> -> memref<64xi32, #tpu.memory_space<vmem>>
          %dma_wait3A_188 = arith.constant 0 : i32
          %dma_wait3A_189 = arith.constant 0 : i32
          %dma_wait3A_190 = tpu.memref_slice %arg2[%dma_wait3A_188, %dma_wait3A_189] : memref<10240x256xbf16, #tpu.memory_space<hbm>> -> memref<10240x256xbf16, #tpu.memory_space<hbm>>
          tpu.wait_indirect_dma semaphore(%arg18 : memref<!tpu.dma_semaphore, #tpu.memory_space<semaphore_mem>>) src(%dma_wait3A_190 : memref<10240x256xbf16, #tpu.memory_space<hbm>>) dst(%arg13 : memref<64x256xbf16, #tpu.memory_space<vmem>>)
          %dma_start3A = arith.constant 0 : i32
          %dma_start3A_191 = tpu.memref_slice %arg10[%sub3A_182, %dma_start3A] : memref<80x64xi32, #tpu.memory_space<vmem>> -> memref<1x64xi32, #tpu.memory_space<vmem>>
          %dma_start3A_192 = tpu.memref_squeeze %dma_start3A_191 : memref<1x64xi32, #tpu.memory_space<vmem>> -> memref<64xi32, #tpu.memory_space<vmem>>
          %dma_start3A_193 = arith.constant 0 : i32
          %dma_start3A_194 = arith.constant 0 : i32
          %dma_start3A_195 = tpu.memref_slice %arg15[%dma_start3A_193, %dma_start3A_194] : memref<10240x256xbf16, #tpu.memory_space<vmem_shared>> -> memref<10240x256xbf16, #tpu.memory_space<vmem_shared>>
          tpu.enqueue_indirect_dma source(%arg13 : memref<64x256xbf16, #tpu.memory_space<vmem>>) target(%dma_start3A_195 : memref<10240x256xbf16, #tpu.memory_space<vmem_shared>>) offsets(%dma_start3A_192 : memref<64xi32, #tpu.memory_space<vmem>>) semaphore(%arg22 : memref<!tpu.dma_semaphore, #tpu.memory_space<semaphore_mem>>) {add = true}
        } else {
        }
        %mul3A_107 = arith.constant 4 : i32
        %mul3A_108 = arith.muli %mul3A_107, %scan3A_84 : i32
        %add3A_109 = arith.constant 1 : i32
        %add3A_110 = arith.addi %mul3A_108, %add3A_109 : i32
        %ge3A_111 = arith.constant 4 : i32
        %ge3A_112 = arith.cmpi sge, %add3A_110, %ge3A_111 : i32
        %lt3A_113 = arith.constant 80 : i32
        %lt3A_114 = arith.cmpi slt, %add3A_110, %lt3A_113 : i32
        %and3A_115 = arith.andi %ge3A_112, %lt3A_114 : i1
        %convert_element_type3A_116 = arith.extui %and3A_115 : i1 to i32
        %cond3A_117 = arith.constant 0 : i32
        %cond3A_118 = arith.cmpi ne, %convert_element_type3A_116, %cond3A_117 : i32
        scf.if %cond3A_118 {
          %sub3A = arith.constant 4 : i32
          %sub3A_182 = arith.subi %add3A_110, %sub3A : i32
          %dma_wait3A_183 = arith.constant 0 : i32
          %dma_wait3A_184 = tpu.memref_slice %arg10[%sub3A_182, %dma_wait3A_183] : memref<80x64xi32, #tpu.memory_space<vmem>> -> memref<1x64xi32, #tpu.memory_space<vmem>>
          %dma_wait3A_185 = tpu.memref_squeeze %dma_wait3A_184 : memref<1x64xi32, #tpu.memory_space<vmem>> -> memref<64xi32, #tpu.memory_space<vmem>>
          %dma_wait3A_186 = arith.constant 0 : i32
          %dma_wait3A_187 = arith.constant 0 : i32
          %dma_wait3A_188 = tpu.memref_slice %arg15[%dma_wait3A_186, %dma_wait3A_187] : memref<10240x256xbf16, #tpu.memory_space<vmem_shared>> -> memref<10240x256xbf16, #tpu.memory_space<vmem_shared>>
          tpu.wait_indirect_dma semaphore(%arg21 : memref<!tpu.dma_semaphore, #tpu.memory_space<semaphore_mem>>) src(%arg12 : memref<64x256xbf16, #tpu.memory_space<vmem>>) dst(%dma_wait3A_188 : memref<10240x256xbf16, #tpu.memory_space<vmem_shared>>)
        } else {
        }
        %lt3A_119 = arith.constant 80 : i32
        %lt3A_120 = arith.cmpi slt, %add3A_110, %lt3A_119 : i32
        %convert_element_type3A_121 = arith.extui %lt3A_120 : i1 to i32
        %cond3A_122 = arith.constant 0 : i32
        %cond3A_123 = arith.cmpi ne, %convert_element_type3A_121, %cond3A_122 : i32
        scf.if %cond3A_123 {
          %add3A_182 = arith.constant 80 : i32
          %add3A_183 = arith.addi %add3A_182, %add3A_110 : i32
          %dma_start3A = arith.constant 0 : i32
          %dma_start3A_184 = tpu.memref_slice %arg9[%add3A_183, %dma_start3A] : memref<160x64xi32, #tpu.memory_space<vmem>> -> memref<1x64xi32, #tpu.memory_space<vmem>>
          %dma_start3A_185 = tpu.memref_squeeze %dma_start3A_184 : memref<1x64xi32, #tpu.memory_space<vmem>> -> memref<64xi32, #tpu.memory_space<vmem>>
          %dma_start3A_186 = arith.constant 0 : i32
          %dma_start3A_187 = arith.constant 0 : i32
          %dma_start3A_188 = tpu.memref_slice %arg2[%dma_start3A_186, %dma_start3A_187] : memref<10240x256xbf16, #tpu.memory_space<hbm>> -> memref<10240x256xbf16, #tpu.memory_space<hbm>>
          tpu.enqueue_indirect_dma source(%dma_start3A_188 : memref<10240x256xbf16, #tpu.memory_space<hbm>>) target(%arg12 : memref<64x256xbf16, #tpu.memory_space<vmem>>) offsets(%dma_start3A_185 : memref<64xi32, #tpu.memory_space<vmem>>) semaphore(%arg17 : memref<!tpu.dma_semaphore, #tpu.memory_space<semaphore_mem>>)
        } else {
        }
        %ge3A_124 = arith.constant 2 : i32
        %ge3A_125 = arith.cmpi sge, %add3A_110, %ge3A_124 : i32
        %lt3A_126 = arith.constant 82 : i32
        %lt3A_127 = arith.cmpi slt, %add3A_110, %lt3A_126 : i32
        %and3A_128 = arith.andi %ge3A_125, %lt3A_127 : i1
        %convert_element_type3A_129 = arith.extui %and3A_128 : i1 to i32
        %cond3A_130 = arith.constant 0 : i32
        %cond3A_131 = arith.cmpi ne, %convert_element_type3A_129, %cond3A_130 : i32
        scf.if %cond3A_131 {
          %sub3A = arith.constant 2 : i32
          %sub3A_182 = arith.subi %add3A_110, %sub3A : i32
          %add3A_183 = arith.constant 80 : i32
          %add3A_184 = arith.addi %add3A_183, %sub3A_182 : i32
          %dma_wait3A_185 = arith.constant 0 : i32
          %dma_wait3A_186 = tpu.memref_slice %arg9[%add3A_184, %dma_wait3A_185] : memref<160x64xi32, #tpu.memory_space<vmem>> -> memref<1x64xi32, #tpu.memory_space<vmem>>
          %dma_wait3A_187 = tpu.memref_squeeze %dma_wait3A_186 : memref<1x64xi32, #tpu.memory_space<vmem>> -> memref<64xi32, #tpu.memory_space<vmem>>
          %dma_wait3A_188 = arith.constant 0 : i32
          %dma_wait3A_189 = arith.constant 0 : i32
          %dma_wait3A_190 = tpu.memref_slice %arg2[%dma_wait3A_188, %dma_wait3A_189] : memref<10240x256xbf16, #tpu.memory_space<hbm>> -> memref<10240x256xbf16, #tpu.memory_space<hbm>>
          tpu.wait_indirect_dma semaphore(%arg19 : memref<!tpu.dma_semaphore, #tpu.memory_space<semaphore_mem>>) src(%dma_wait3A_190 : memref<10240x256xbf16, #tpu.memory_space<hbm>>) dst(%arg14 : memref<64x256xbf16, #tpu.memory_space<vmem>>)
          %dma_start3A = arith.constant 0 : i32
          %dma_start3A_191 = tpu.memref_slice %arg10[%sub3A_182, %dma_start3A] : memref<80x64xi32, #tpu.memory_space<vmem>> -> memref<1x64xi32, #tpu.memory_space<vmem>>
          %dma_start3A_192 = tpu.memref_squeeze %dma_start3A_191 : memref<1x64xi32, #tpu.memory_space<vmem>> -> memref<64xi32, #tpu.memory_space<vmem>>
          %dma_start3A_193 = arith.constant 0 : i32
          %dma_start3A_194 = arith.constant 0 : i32
          %dma_start3A_195 = tpu.memref_slice %arg15[%dma_start3A_193, %dma_start3A_194] : memref<10240x256xbf16, #tpu.memory_space<vmem_shared>> -> memref<10240x256xbf16, #tpu.memory_space<vmem_shared>>
          tpu.enqueue_indirect_dma source(%arg14 : memref<64x256xbf16, #tpu.memory_space<vmem>>) target(%dma_start3A_195 : memref<10240x256xbf16, #tpu.memory_space<vmem_shared>>) offsets(%dma_start3A_192 : memref<64xi32, #tpu.memory_space<vmem>>) semaphore(%arg23 : memref<!tpu.dma_semaphore, #tpu.memory_space<semaphore_mem>>) {add = true}
        } else {
        }
        %mul3A_132 = arith.constant 4 : i32
        %mul3A_133 = arith.muli %mul3A_132, %scan3A_84 : i32
        %add3A_134 = arith.constant 2 : i32
        %add3A_135 = arith.addi %mul3A_133, %add3A_134 : i32
        %ge3A_136 = arith.constant 4 : i32
        %ge3A_137 = arith.cmpi sge, %add3A_135, %ge3A_136 : i32
        %lt3A_138 = arith.constant 80 : i32
        %lt3A_139 = arith.cmpi slt, %add3A_135, %lt3A_138 : i32
        %and3A_140 = arith.andi %ge3A_137, %lt3A_139 : i1
        %convert_element_type3A_141 = arith.extui %and3A_140 : i1 to i32
        %cond3A_142 = arith.constant 0 : i32
        %cond3A_143 = arith.cmpi ne, %convert_element_type3A_141, %cond3A_142 : i32
        scf.if %cond3A_143 {
          %sub3A = arith.constant 4 : i32
          %sub3A_182 = arith.subi %add3A_135, %sub3A : i32
          %dma_wait3A_183 = arith.constant 0 : i32
          %dma_wait3A_184 = tpu.memref_slice %arg10[%sub3A_182, %dma_wait3A_183] : memref<80x64xi32, #tpu.memory_space<vmem>> -> memref<1x64xi32, #tpu.memory_space<vmem>>
          %dma_wait3A_185 = tpu.memref_squeeze %dma_wait3A_184 : memref<1x64xi32, #tpu.memory_space<vmem>> -> memref<64xi32, #tpu.memory_space<vmem>>
          %dma_wait3A_186 = arith.constant 0 : i32
          %dma_wait3A_187 = arith.constant 0 : i32
          %dma_wait3A_188 = tpu.memref_slice %arg15[%dma_wait3A_186, %dma_wait3A_187] : memref<10240x256xbf16, #tpu.memory_space<vmem_shared>> -> memref<10240x256xbf16, #tpu.memory_space<vmem_shared>>
          tpu.wait_indirect_dma semaphore(%arg22 : memref<!tpu.dma_semaphore, #tpu.memory_space<semaphore_mem>>) src(%arg13 : memref<64x256xbf16, #tpu.memory_space<vmem>>) dst(%dma_wait3A_188 : memref<10240x256xbf16, #tpu.memory_space<vmem_shared>>)
        } else {
        }
        %lt3A_144 = arith.constant 80 : i32
        %lt3A_145 = arith.cmpi slt, %add3A_135, %lt3A_144 : i32
        %convert_element_type3A_146 = arith.extui %lt3A_145 : i1 to i32
        %cond3A_147 = arith.constant 0 : i32
        %cond3A_148 = arith.cmpi ne, %convert_element_type3A_146, %cond3A_147 : i32
        scf.if %cond3A_148 {
          %add3A_182 = arith.constant 80 : i32
          %add3A_183 = arith.addi %add3A_182, %add3A_135 : i32
          %dma_start3A = arith.constant 0 : i32
          %dma_start3A_184 = tpu.memref_slice %arg9[%add3A_183, %dma_start3A] : memref<160x64xi32, #tpu.memory_space<vmem>> -> memref<1x64xi32, #tpu.memory_space<vmem>>
          %dma_start3A_185 = tpu.memref_squeeze %dma_start3A_184 : memref<1x64xi32, #tpu.memory_space<vmem>> -> memref<64xi32, #tpu.memory_space<vmem>>
          %dma_start3A_186 = arith.constant 0 : i32
          %dma_start3A_187 = arith.constant 0 : i32
          %dma_start3A_188 = tpu.memref_slice %arg2[%dma_start3A_186, %dma_start3A_187] : memref<10240x256xbf16, #tpu.memory_space<hbm>> -> memref<10240x256xbf16, #tpu.memory_space<hbm>>
          tpu.enqueue_indirect_dma source(%dma_start3A_188 : memref<10240x256xbf16, #tpu.memory_space<hbm>>) target(%arg13 : memref<64x256xbf16, #tpu.memory_space<vmem>>) offsets(%dma_start3A_185 : memref<64xi32, #tpu.memory_space<vmem>>) semaphore(%arg18 : memref<!tpu.dma_semaphore, #tpu.memory_space<semaphore_mem>>)
        } else {
        }
        %ge3A_149 = arith.constant 2 : i32
        %ge3A_150 = arith.cmpi sge, %add3A_135, %ge3A_149 : i32
        %lt3A_151 = arith.constant 82 : i32
        %lt3A_152 = arith.cmpi slt, %add3A_135, %lt3A_151 : i32
        %and3A_153 = arith.andi %ge3A_150, %lt3A_152 : i1
        %convert_element_type3A_154 = arith.extui %and3A_153 : i1 to i32
        %cond3A_155 = arith.constant 0 : i32
        %cond3A_156 = arith.cmpi ne, %convert_element_type3A_154, %cond3A_155 : i32
        scf.if %cond3A_156 {
          %sub3A = arith.constant 2 : i32
          %sub3A_182 = arith.subi %add3A_135, %sub3A : i32
          %add3A_183 = arith.constant 80 : i32
          %add3A_184 = arith.addi %add3A_183, %sub3A_182 : i32
          %dma_wait3A_185 = arith.constant 0 : i32
          %dma_wait3A_186 = tpu.memref_slice %arg9[%add3A_184, %dma_wait3A_185] : memref<160x64xi32, #tpu.memory_space<vmem>> -> memref<1x64xi32, #tpu.memory_space<vmem>>
          %dma_wait3A_187 = tpu.memref_squeeze %dma_wait3A_186 : memref<1x64xi32, #tpu.memory_space<vmem>> -> memref<64xi32, #tpu.memory_space<vmem>>
          %dma_wait3A_188 = arith.constant 0 : i32
          %dma_wait3A_189 = arith.constant 0 : i32
          %dma_wait3A_190 = tpu.memref_slice %arg2[%dma_wait3A_188, %dma_wait3A_189] : memref<10240x256xbf16, #tpu.memory_space<hbm>> -> memref<10240x256xbf16, #tpu.memory_space<hbm>>
          tpu.wait_indirect_dma semaphore(%arg16 : memref<!tpu.dma_semaphore, #tpu.memory_space<semaphore_mem>>) src(%dma_wait3A_190 : memref<10240x256xbf16, #tpu.memory_space<hbm>>) dst(%arg11 : memref<64x256xbf16, #tpu.memory_space<vmem>>)
          %dma_start3A = arith.constant 0 : i32
          %dma_start3A_191 = tpu.memref_slice %arg10[%sub3A_182, %dma_start3A] : memref<80x64xi32, #tpu.memory_space<vmem>> -> memref<1x64xi32, #tpu.memory_space<vmem>>
          %dma_start3A_192 = tpu.memref_squeeze %dma_start3A_191 : memref<1x64xi32, #tpu.memory_space<vmem>> -> memref<64xi32, #tpu.memory_space<vmem>>
          %dma_start3A_193 = arith.constant 0 : i32
          %dma_start3A_194 = arith.constant 0 : i32
          %dma_start3A_195 = tpu.memref_slice %arg15[%dma_start3A_193, %dma_start3A_194] : memref<10240x256xbf16, #tpu.memory_space<vmem_shared>> -> memref<10240x256xbf16, #tpu.memory_space<vmem_shared>>
          tpu.enqueue_indirect_dma source(%arg11 : memref<64x256xbf16, #tpu.memory_space<vmem>>) target(%dma_start3A_195 : memref<10240x256xbf16, #tpu.memory_space<vmem_shared>>) offsets(%dma_start3A_192 : memref<64xi32, #tpu.memory_space<vmem>>) semaphore(%arg20 : memref<!tpu.dma_semaphore, #tpu.memory_space<semaphore_mem>>) {add = true}
        } else {
        }
        %mul3A_157 = arith.constant 4 : i32
        %mul3A_158 = arith.muli %mul3A_157, %scan3A_84 : i32
        %add3A_159 = arith.constant 3 : i32
        %add3A_160 = arith.addi %mul3A_158, %add3A_159 : i32
        %ge3A_161 = arith.constant 4 : i32
        %ge3A_162 = arith.cmpi sge, %add3A_160, %ge3A_161 : i32
        %lt3A_163 = arith.constant 80 : i32
        %lt3A_164 = arith.cmpi slt, %add3A_160, %lt3A_163 : i32
        %and3A_165 = arith.andi %ge3A_162, %lt3A_164 : i1
        %convert_element_type3A_166 = arith.extui %and3A_165 : i1 to i32
        %cond3A_167 = arith.constant 0 : i32
        %cond3A_168 = arith.cmpi ne, %convert_element_type3A_166, %cond3A_167 : i32
        scf.if %cond3A_168 {
          %sub3A = arith.constant 4 : i32
          %sub3A_182 = arith.subi %add3A_160, %sub3A : i32
          %dma_wait3A_183 = arith.constant 0 : i32
          %dma_wait3A_184 = tpu.memref_slice %arg10[%sub3A_182, %dma_wait3A_183] : memref<80x64xi32, #tpu.memory_space<vmem>> -> memref<1x64xi32, #tpu.memory_space<vmem>>
          %dma_wait3A_185 = tpu.memref_squeeze %dma_wait3A_184 : memref<1x64xi32, #tpu.memory_space<vmem>> -> memref<64xi32, #tpu.memory_space<vmem>>
          %dma_wait3A_186 = arith.constant 0 : i32
          %dma_wait3A_187 = arith.constant 0 : i32
          %dma_wait3A_188 = tpu.memref_slice %arg15[%dma_wait3A_186, %dma_wait3A_187] : memref<10240x256xbf16, #tpu.memory_space<vmem_shared>> -> memref<10240x256xbf16, #tpu.memory_space<vmem_shared>>
          tpu.wait_indirect_dma semaphore(%arg23 : memref<!tpu.dma_semaphore, #tpu.memory_space<semaphore_mem>>) src(%arg14 : memref<64x256xbf16, #tpu.memory_space<vmem>>) dst(%dma_wait3A_188 : memref<10240x256xbf16, #tpu.memory_space<vmem_shared>>)
        } else {
        }
        %lt3A_169 = arith.constant 80 : i32
        %lt3A_170 = arith.cmpi slt, %add3A_160, %lt3A_169 : i32
        %convert_element_type3A_171 = arith.extui %lt3A_170 : i1 to i32
        %cond3A_172 = arith.constant 0 : i32
        %cond3A_173 = arith.cmpi ne, %convert_element_type3A_171, %cond3A_172 : i32
        scf.if %cond3A_173 {
          %add3A_182 = arith.constant 80 : i32
          %add3A_183 = arith.addi %add3A_182, %add3A_160 : i32
          %dma_start3A = arith.constant 0 : i32
          %dma_start3A_184 = tpu.memref_slice %arg9[%add3A_183, %dma_start3A] : memref<160x64xi32, #tpu.memory_space<vmem>> -> memref<1x64xi32, #tpu.memory_space<vmem>>
          %dma_start3A_185 = tpu.memref_squeeze %dma_start3A_184 : memref<1x64xi32, #tpu.memory_space<vmem>> -> memref<64xi32, #tpu.memory_space<vmem>>
          %dma_start3A_186 = arith.constant 0 : i32
          %dma_start3A_187 = arith.constant 0 : i32
          %dma_start3A_188 = tpu.memref_slice %arg2[%dma_start3A_186, %dma_start3A_187] : memref<10240x256xbf16, #tpu.memory_space<hbm>> -> memref<10240x256xbf16, #tpu.memory_space<hbm>>
          tpu.enqueue_indirect_dma source(%dma_start3A_188 : memref<10240x256xbf16, #tpu.memory_space<hbm>>) target(%arg14 : memref<64x256xbf16, #tpu.memory_space<vmem>>) offsets(%dma_start3A_185 : memref<64xi32, #tpu.memory_space<vmem>>) semaphore(%arg19 : memref<!tpu.dma_semaphore, #tpu.memory_space<semaphore_mem>>)
        } else {
        }
        %ge3A_174 = arith.constant 2 : i32
        %ge3A_175 = arith.cmpi sge, %add3A_160, %ge3A_174 : i32
        %lt3A_176 = arith.constant 82 : i32
        %lt3A_177 = arith.cmpi slt, %add3A_160, %lt3A_176 : i32
        %and3A_178 = arith.andi %ge3A_175, %lt3A_177 : i1
        %convert_element_type3A_179 = arith.extui %and3A_178 : i1 to i32
        %cond3A_180 = arith.constant 0 : i32
        %cond3A_181 = arith.cmpi ne, %convert_element_type3A_179, %cond3A_180 : i32
        scf.if %cond3A_181 {
          %sub3A = arith.constant 2 : i32
          %sub3A_182 = arith.subi %add3A_160, %sub3A : i32
          %add3A_183 = arith.constant 80 : i32
          %add3A_184 = arith.addi %add3A_183, %sub3A_182 : i32
          %dma_wait3A_185 = arith.constant 0 : i32
          %dma_wait3A_186 = tpu.memref_slice %arg9[%add3A_184, %dma_wait3A_185] : memref<160x64xi32, #tpu.memory_space<vmem>> -> memref<1x64xi32, #tpu.memory_space<vmem>>
          %dma_wait3A_187 = tpu.memref_squeeze %dma_wait3A_186 : memref<1x64xi32, #tpu.memory_space<vmem>> -> memref<64xi32, #tpu.memory_space<vmem>>
          %dma_wait3A_188 = arith.constant 0 : i32
          %dma_wait3A_189 = arith.constant 0 : i32
          %dma_wait3A_190 = tpu.memref_slice %arg2[%dma_wait3A_188, %dma_wait3A_189] : memref<10240x256xbf16, #tpu.memory_space<hbm>> -> memref<10240x256xbf16, #tpu.memory_space<hbm>>
          tpu.wait_indirect_dma semaphore(%arg17 : memref<!tpu.dma_semaphore, #tpu.memory_space<semaphore_mem>>) src(%dma_wait3A_190 : memref<10240x256xbf16, #tpu.memory_space<hbm>>) dst(%arg12 : memref<64x256xbf16, #tpu.memory_space<vmem>>)
          %dma_start3A = arith.constant 0 : i32
          %dma_start3A_191 = tpu.memref_slice %arg10[%sub3A_182, %dma_start3A] : memref<80x64xi32, #tpu.memory_space<vmem>> -> memref<1x64xi32, #tpu.memory_space<vmem>>
          %dma_start3A_192 = tpu.memref_squeeze %dma_start3A_191 : memref<1x64xi32, #tpu.memory_space<vmem>> -> memref<64xi32, #tpu.memory_space<vmem>>
          %dma_start3A_193 = arith.constant 0 : i32
          %dma_start3A_194 = arith.constant 0 : i32
          %dma_start3A_195 = tpu.memref_slice %arg15[%dma_start3A_193, %dma_start3A_194] : memref<10240x256xbf16, #tpu.memory_space<vmem_shared>> -> memref<10240x256xbf16, #tpu.memory_space<vmem_shared>>
          tpu.enqueue_indirect_dma source(%arg12 : memref<64x256xbf16, #tpu.memory_space<vmem>>) target(%dma_start3A_195 : memref<10240x256xbf16, #tpu.memory_space<vmem_shared>>) offsets(%dma_start3A_192 : memref<64xi32, #tpu.memory_space<vmem>>) semaphore(%arg21 : memref<!tpu.dma_semaphore, #tpu.memory_space<semaphore_mem>>) {add = true}
        } else {
        }
      }
      %scan3A_54 = arith.constant 22 : i32
      %dma_wait3A_55 = arith.constant 76 : i32
      %dma_wait3A_56 = arith.constant 0 : i32
      %dma_wait3A_57 = tpu.memref_slice %arg10[%dma_wait3A_55, %dma_wait3A_56] : memref<80x64xi32, #tpu.memory_space<vmem>> -> memref<1x64xi32, #tpu.memory_space<vmem>>
      %dma_wait3A_58 = tpu.memref_squeeze %dma_wait3A_57 : memref<1x64xi32, #tpu.memory_space<vmem>> -> memref<64xi32, #tpu.memory_space<vmem>>
      %dma_wait3A_59 = arith.constant 0 : i32
      %dma_wait3A_60 = arith.constant 0 : i32
      %dma_wait3A_61 = tpu.memref_slice %arg15[%dma_wait3A_59, %dma_wait3A_60] : memref<10240x256xbf16, #tpu.memory_space<vmem_shared>> -> memref<10240x256xbf16, #tpu.memory_space<vmem_shared>>
      tpu.wait_indirect_dma semaphore(%arg20 : memref<!tpu.dma_semaphore, #tpu.memory_space<semaphore_mem>>) src(%arg11 : memref<64x256xbf16, #tpu.memory_space<vmem>>) dst(%dma_wait3A_61 : memref<10240x256xbf16, #tpu.memory_space<vmem_shared>>)
      %dma_wait3A_62 = arith.constant 77 : i32
      %dma_wait3A_63 = arith.constant 0 : i32
      %dma_wait3A_64 = tpu.memref_slice %arg10[%dma_wait3A_62, %dma_wait3A_63] : memref<80x64xi32, #tpu.memory_space<vmem>> -> memref<1x64xi32, #tpu.memory_space<vmem>>
      %dma_wait3A_65 = tpu.memref_squeeze %dma_wait3A_64 : memref<1x64xi32, #tpu.memory_space<vmem>> -> memref<64xi32, #tpu.memory_space<vmem>>
      %dma_wait3A_66 = arith.constant 0 : i32
      %dma_wait3A_67 = arith.constant 0 : i32
      %dma_wait3A_68 = tpu.memref_slice %arg15[%dma_wait3A_66, %dma_wait3A_67] : memref<10240x256xbf16, #tpu.memory_space<vmem_shared>> -> memref<10240x256xbf16, #tpu.memory_space<vmem_shared>>
      tpu.wait_indirect_dma semaphore(%arg21 : memref<!tpu.dma_semaphore, #tpu.memory_space<semaphore_mem>>) src(%arg12 : memref<64x256xbf16, #tpu.memory_space<vmem>>) dst(%dma_wait3A_68 : memref<10240x256xbf16, #tpu.memory_space<vmem_shared>>)
      %dma_wait3A_69 = arith.constant 78 : i32
      %dma_wait3A_70 = arith.constant 0 : i32
      %dma_wait3A_71 = tpu.memref_slice %arg10[%dma_wait3A_69, %dma_wait3A_70] : memref<80x64xi32, #tpu.memory_space<vmem>> -> memref<1x64xi32, #tpu.memory_space<vmem>>
      %dma_wait3A_72 = tpu.memref_squeeze %dma_wait3A_71 : memref<1x64xi32, #tpu.memory_space<vmem>> -> memref<64xi32, #tpu.memory_space<vmem>>
      %dma_wait3A_73 = arith.constant 0 : i32
      %dma_wait3A_74 = arith.constant 0 : i32
      %dma_wait3A_75 = tpu.memref_slice %arg15[%dma_wait3A_73, %dma_wait3A_74] : memref<10240x256xbf16, #tpu.memory_space<vmem_shared>> -> memref<10240x256xbf16, #tpu.memory_space<vmem_shared>>
      tpu.wait_indirect_dma semaphore(%arg22 : memref<!tpu.dma_semaphore, #tpu.memory_space<semaphore_mem>>) src(%arg13 : memref<64x256xbf16, #tpu.memory_space<vmem>>) dst(%dma_wait3A_75 : memref<10240x256xbf16, #tpu.memory_space<vmem_shared>>)
      %dma_wait3A_76 = arith.constant 79 : i32
      %dma_wait3A_77 = arith.constant 0 : i32
      %dma_wait3A_78 = tpu.memref_slice %arg10[%dma_wait3A_76, %dma_wait3A_77] : memref<80x64xi32, #tpu.memory_space<vmem>> -> memref<1x64xi32, #tpu.memory_space<vmem>>
      %dma_wait3A_79 = tpu.memref_squeeze %dma_wait3A_78 : memref<1x64xi32, #tpu.memory_space<vmem>> -> memref<64xi32, #tpu.memory_space<vmem>>
      %dma_wait3A_80 = arith.constant 0 : i32
      %dma_wait3A_81 = arith.constant 0 : i32
      %dma_wait3A_82 = tpu.memref_slice %arg15[%dma_wait3A_80, %dma_wait3A_81] : memref<10240x256xbf16, #tpu.memory_space<vmem_shared>> -> memref<10240x256xbf16, #tpu.memory_space<vmem_shared>>
      tpu.wait_indirect_dma semaphore(%arg23 : memref<!tpu.dma_semaphore, #tpu.memory_space<semaphore_mem>>) src(%arg14 : memref<64x256xbf16, #tpu.memory_space<vmem>>) dst(%dma_wait3A_82 : memref<10240x256xbf16, #tpu.memory_space<vmem_shared>>)
      %barrier3A_83 = arith.constant 0 : index
      tpu.barrier barrier_id(%barrier3A_83)
      "tpu.region"() ({
        %run_scoped3A = tpu.sem_alloc : memref<!tpu.dma_semaphore, #tpu.memory_space<semaphore_mem>>
        %dma_start3A = arith.constant 0 : i32
        %dma_start3A_84 = tpu.memref_slice %arg7[%mul3A_0, %dma_start3A] : memref<10240x256xbf16, #tpu.memory_space<hbm>> -> memref<640x256xbf16, #tpu.memory_space<hbm>>
        %dma_start3A_85 = arith.constant 0 : i32
        %dma_start3A_86 = tpu.memref_slice %arg15[%mul3A_0, %dma_start3A_85] : memref<10240x256xbf16, #tpu.memory_space<vmem_shared>> -> memref<640x256xbf16, #tpu.memory_space<vmem_shared>>
        tpu.enqueue_dma source(%dma_start3A_86 : memref<640x256xbf16, #tpu.memory_space<vmem_shared>>) target(%dma_start3A_84 : memref<640x256xbf16, #tpu.memory_space<hbm>>) target_semaphore(%run_scoped3A : memref<!tpu.dma_semaphore, #tpu.memory_space<semaphore_mem>>)
        %dma_wait3A_87 = arith.constant 0 : i32
        %dma_wait3A_88 = tpu.memref_slice %arg7[%mul3A_0, %dma_wait3A_87] : memref<10240x256xbf16, #tpu.memory_space<hbm>> -> memref<640x256xbf16, #tpu.memory_space<hbm>>
        %dma_wait3A_89 = arith.constant 0 : i32
        %dma_wait3A_90 = tpu.memref_slice %arg15[%mul3A_0, %dma_wait3A_89] : memref<10240x256xbf16, #tpu.memory_space<vmem_shared>> -> memref<640x256xbf16, #tpu.memory_space<vmem_shared>>
        tpu.wait_dma2 semaphore(%run_scoped3A : memref<!tpu.dma_semaphore, #tpu.memory_space<semaphore_mem>>) src(%dma_wait3A_90 : memref<640x256xbf16, #tpu.memory_space<vmem_shared>>) dst(%dma_wait3A_88 : memref<640x256xbf16, #tpu.memory_space<hbm>>)
        tpu.yield
      }) : () -> ()
    } else {
    }
    %eq3A_5 = arith.constant 1 : i32
    %eq3A_6 = arith.cmpi eq, %arg0, %eq3A_5 : i32
    %convert_element_type3A_7 = arith.extui %eq3A_6 : i1 to i32
    %cond3A_8 = arith.constant 0 : i32
    %cond3A_9 = arith.cmpi ne, %convert_element_type3A_7, %cond3A_8 : i32
    scf.if %cond3A_9 {
      "tpu.region"() ({
        %run_scoped3A = tpu.sem_alloc : memref<!tpu.dma_semaphore, #tpu.memory_space<semaphore_mem>>
        %dma_start3A = arith.constant 0 : i32
        %dma_start3A_84 = tpu.memref_slice %arg15[%mul3A_0, %dma_start3A] : memref<10240x256xbf16, #tpu.memory_space<vmem_shared>> -> memref<640x256xbf16, #tpu.memory_space<vmem_shared>>
        %dma_start3A_85 = arith.constant 0 : i32
        %dma_start3A_86 = tpu.memref_slice %arg6[%mul3A_0, %dma_start3A_85] : memref<10240x256xbf16, #tpu.memory_space<hbm>> -> memref<640x256xbf16, #tpu.memory_space<hbm>>
        tpu.enqueue_dma source(%dma_start3A_86 : memref<640x256xbf16, #tpu.memory_space<hbm>>) target(%dma_start3A_84 : memref<640x256xbf16, #tpu.memory_space<vmem_shared>>) target_semaphore(%run_scoped3A : memref<!tpu.dma_semaphore, #tpu.memory_space<semaphore_mem>>)
        %dma_wait3A_87 = arith.constant 0 : i32
        %dma_wait3A_88 = tpu.memref_slice %arg15[%mul3A_0, %dma_wait3A_87] : memref<10240x256xbf16, #tpu.memory_space<vmem_shared>> -> memref<640x256xbf16, #tpu.memory_space<vmem_shared>>
        %dma_wait3A_89 = arith.constant 0 : i32
        %dma_wait3A_90 = tpu.memref_slice %arg6[%mul3A_0, %dma_wait3A_89] : memref<10240x256xbf16, #tpu.memory_space<hbm>> -> memref<640x256xbf16, #tpu.memory_space<hbm>>
        tpu.wait_dma2 semaphore(%run_scoped3A : memref<!tpu.dma_semaphore, #tpu.memory_space<semaphore_mem>>) src(%dma_wait3A_90 : memref<640x256xbf16, #tpu.memory_space<hbm>>) dst(%dma_wait3A_88 : memref<640x256xbf16, #tpu.memory_space<vmem_shared>>)
        tpu.yield
      }) : () -> ()
      %barrier3A = arith.constant 0 : index
      tpu.barrier barrier_id(%barrier3A)
      %mul3A_10 = arith.constant 160 : i32
      %mul3A_11 = arith.muli %arg1, %mul3A_10 : i32
      %add3A = arith.constant 0 : i32
      %add3A_12 = arith.addi %mul3A_11, %add3A : i32
      "tpu.region"() ({
        %run_scoped3A = tpu.sem_alloc : memref<!tpu.dma_semaphore, #tpu.memory_space<semaphore_mem>>
        %dma_start3A = arith.constant 0 : i32
        %dma_start3A_84 = tpu.memref_slice %arg5[%add3A_12, %dma_start3A] : memref<2560x64xi32, #tpu.memory_space<hbm>> -> memref<80x64xi32, #tpu.memory_space<hbm>>
        %dma_start3A_85 = arith.constant 0 : i32
        %dma_start3A_86 = tpu.memref_slice %arg5[%add3A_12, %dma_start3A_85] : memref<2560x64xi32, #tpu.memory_space<hbm>> -> memref<80x64xi32, #tpu.memory_space<hbm>>
        tpu.enqueue_dma source(%dma_start3A_86 : memref<80x64xi32, #tpu.memory_space<hbm>>) target(%arg10 : memref<80x64xi32, #tpu.memory_space<vmem>>) target_semaphore(%run_scoped3A : memref<!tpu.dma_semaphore, #tpu.memory_space<semaphore_mem>>)
        %dma_wait3A_87 = arith.constant 0 : i32
        %dma_wait3A_88 = tpu.memref_slice %arg5[%add3A_12, %dma_wait3A_87] : memref<2560x64xi32, #tpu.memory_space<hbm>> -> memref<80x64xi32, #tpu.memory_space<hbm>>
        %dma_wait3A_89 = arith.constant 0 : i32
        %dma_wait3A_90 = tpu.memref_slice %arg5[%add3A_12, %dma_wait3A_89] : memref<2560x64xi32, #tpu.memory_space<hbm>> -> memref<80x64xi32, #tpu.memory_space<hbm>>
        tpu.wait_dma2 semaphore(%run_scoped3A : memref<!tpu.dma_semaphore, #tpu.memory_space<semaphore_mem>>) src(%dma_wait3A_90 : memref<80x64xi32, #tpu.memory_space<hbm>>) dst(%arg10 : memref<80x64xi32, #tpu.memory_space<vmem>>)
        tpu.yield
      }) : () -> ()
      %scan3A = arith.constant 0 : i32
      %scan3A_13 = arith.constant 0 : i32
      %scan3A_14 = arith.constant 22 : i32
      %scan3A_15 = arith.addi %scan3A_13, %scan3A_14 : i32
      %scan3A_16 = arith.constant 1 : i32
      scf.for %scan3A_84 = %scan3A_13 to %scan3A_15 step %scan3A_16  : i32 {
        %mul3A_85 = arith.constant 4 : i32
        %mul3A_86 = arith.muli %mul3A_85, %scan3A_84 : i32
        %add3A_87 = arith.constant 0 : i32
        %add3A_88 = arith.addi %mul3A_86, %add3A_87 : i32
        %ge3A = arith.constant 4 : i32
        %ge3A_89 = arith.cmpi sge, %add3A_88, %ge3A : i32
        %lt3A = arith.constant 80 : i32
        %lt3A_90 = arith.cmpi slt, %add3A_88, %lt3A : i32
        %and3A = arith.andi %ge3A_89, %lt3A_90 : i1
        %convert_element_type3A_91 = arith.extui %and3A : i1 to i32
        %cond3A_92 = arith.constant 0 : i32
        %cond3A_93 = arith.cmpi ne, %convert_element_type3A_91, %cond3A_92 : i32
        scf.if %cond3A_93 {
          %sub3A = arith.constant 4 : i32
          %sub3A_182 = arith.subi %add3A_88, %sub3A : i32
          %dma_wait3A_183 = arith.constant 0 : i32
          %dma_wait3A_184 = tpu.memref_slice %arg10[%sub3A_182, %dma_wait3A_183] : memref<80x64xi32, #tpu.memory_space<vmem>> -> memref<1x64xi32, #tpu.memory_space<vmem>>
          %dma_wait3A_185 = tpu.memref_squeeze %dma_wait3A_184 : memref<1x64xi32, #tpu.memory_space<vmem>> -> memref<64xi32, #tpu.memory_space<vmem>>
          %dma_wait3A_186 = arith.constant 0 : i32
          %dma_wait3A_187 = arith.constant 0 : i32
          %dma_wait3A_188 = tpu.memref_slice %arg15[%dma_wait3A_186, %dma_wait3A_187] : memref<10240x256xbf16, #tpu.memory_space<vmem_shared>> -> memref<10240x256xbf16, #tpu.memory_space<vmem_shared>>
          tpu.wait_indirect_dma semaphore(%arg20 : memref<!tpu.dma_semaphore, #tpu.memory_space<semaphore_mem>>) src(%arg11 : memref<64x256xbf16, #tpu.memory_space<vmem>>) dst(%dma_wait3A_188 : memref<10240x256xbf16, #tpu.memory_space<vmem_shared>>)
        } else {
        }
        %lt3A_94 = arith.constant 80 : i32
        %lt3A_95 = arith.cmpi slt, %add3A_88, %lt3A_94 : i32
        %convert_element_type3A_96 = arith.extui %lt3A_95 : i1 to i32
        %cond3A_97 = arith.constant 0 : i32
        %cond3A_98 = arith.cmpi ne, %convert_element_type3A_96, %cond3A_97 : i32
        scf.if %cond3A_98 {
          %add3A_182 = arith.constant 0 : i32
          %add3A_183 = arith.addi %add3A_182, %add3A_88 : i32
          %dma_start3A = arith.constant 0 : i32
          %dma_start3A_184 = tpu.memref_slice %arg9[%add3A_183, %dma_start3A] : memref<160x64xi32, #tpu.memory_space<vmem>> -> memref<1x64xi32, #tpu.memory_space<vmem>>
          %dma_start3A_185 = tpu.memref_squeeze %dma_start3A_184 : memref<1x64xi32, #tpu.memory_space<vmem>> -> memref<64xi32, #tpu.memory_space<vmem>>
          %dma_start3A_186 = arith.constant 0 : i32
          %dma_start3A_187 = arith.constant 0 : i32
          %dma_start3A_188 = tpu.memref_slice %arg3[%dma_start3A_186, %dma_start3A_187] : memref<10240x256xbf16, #tpu.memory_space<hbm>> -> memref<10240x256xbf16, #tpu.memory_space<hbm>>
          tpu.enqueue_indirect_dma source(%dma_start3A_188 : memref<10240x256xbf16, #tpu.memory_space<hbm>>) target(%arg11 : memref<64x256xbf16, #tpu.memory_space<vmem>>) offsets(%dma_start3A_185 : memref<64xi32, #tpu.memory_space<vmem>>) semaphore(%arg16 : memref<!tpu.dma_semaphore, #tpu.memory_space<semaphore_mem>>)
        } else {
        }
        %ge3A_99 = arith.constant 2 : i32
        %ge3A_100 = arith.cmpi sge, %add3A_88, %ge3A_99 : i32
        %lt3A_101 = arith.constant 82 : i32
        %lt3A_102 = arith.cmpi slt, %add3A_88, %lt3A_101 : i32
        %and3A_103 = arith.andi %ge3A_100, %lt3A_102 : i1
        %convert_element_type3A_104 = arith.extui %and3A_103 : i1 to i32
        %cond3A_105 = arith.constant 0 : i32
        %cond3A_106 = arith.cmpi ne, %convert_element_type3A_104, %cond3A_105 : i32
        scf.if %cond3A_106 {
          %sub3A = arith.constant 2 : i32
          %sub3A_182 = arith.subi %add3A_88, %sub3A : i32
          %add3A_183 = arith.constant 0 : i32
          %add3A_184 = arith.addi %add3A_183, %sub3A_182 : i32
          %dma_wait3A_185 = arith.constant 0 : i32
          %dma_wait3A_186 = tpu.memref_slice %arg9[%add3A_184, %dma_wait3A_185] : memref<160x64xi32, #tpu.memory_space<vmem>> -> memref<1x64xi32, #tpu.memory_space<vmem>>
          %dma_wait3A_187 = tpu.memref_squeeze %dma_wait3A_186 : memref<1x64xi32, #tpu.memory_space<vmem>> -> memref<64xi32, #tpu.memory_space<vmem>>
          %dma_wait3A_188 = arith.constant 0 : i32
          %dma_wait3A_189 = arith.constant 0 : i32
          %dma_wait3A_190 = tpu.memref_slice %arg3[%dma_wait3A_188, %dma_wait3A_189] : memref<10240x256xbf16, #tpu.memory_space<hbm>> -> memref<10240x256xbf16, #tpu.memory_space<hbm>>
          tpu.wait_indirect_dma semaphore(%arg18 : memref<!tpu.dma_semaphore, #tpu.memory_space<semaphore_mem>>) src(%dma_wait3A_190 : memref<10240x256xbf16, #tpu.memory_space<hbm>>) dst(%arg13 : memref<64x256xbf16, #tpu.memory_space<vmem>>)
          %dma_start3A = arith.constant 0 : i32
          %dma_start3A_191 = tpu.memref_slice %arg10[%sub3A_182, %dma_start3A] : memref<80x64xi32, #tpu.memory_space<vmem>> -> memref<1x64xi32, #tpu.memory_space<vmem>>
          %dma_start3A_192 = tpu.memref_squeeze %dma_start3A_191 : memref<1x64xi32, #tpu.memory_space<vmem>> -> memref<64xi32, #tpu.memory_space<vmem>>
          %dma_start3A_193 = arith.constant 0 : i32
          %dma_start3A_194 = arith.constant 0 : i32
          %dma_start3A_195 = tpu.memref_slice %arg15[%dma_start3A_193, %dma_start3A_194] : memref<10240x256xbf16, #tpu.memory_space<vmem_shared>> -> memref<10240x256xbf16, #tpu.memory_space<vmem_shared>>
          tpu.enqueue_indirect_dma source(%arg13 : memref<64x256xbf16, #tpu.memory_space<vmem>>) target(%dma_start3A_195 : memref<10240x256xbf16, #tpu.memory_space<vmem_shared>>) offsets(%dma_start3A_192 : memref<64xi32, #tpu.memory_space<vmem>>) semaphore(%arg22 : memref<!tpu.dma_semaphore, #tpu.memory_space<semaphore_mem>>) {add = true}
        } else {
        }
        %mul3A_107 = arith.constant 4 : i32
        %mul3A_108 = arith.muli %mul3A_107, %scan3A_84 : i32
        %add3A_109 = arith.constant 1 : i32
        %add3A_110 = arith.addi %mul3A_108, %add3A_109 : i32
        %ge3A_111 = arith.constant 4 : i32
        %ge3A_112 = arith.cmpi sge, %add3A_110, %ge3A_111 : i32
        %lt3A_113 = arith.constant 80 : i32
        %lt3A_114 = arith.cmpi slt, %add3A_110, %lt3A_113 : i32
        %and3A_115 = arith.andi %ge3A_112, %lt3A_114 : i1
        %convert_element_type3A_116 = arith.extui %and3A_115 : i1 to i32
        %cond3A_117 = arith.constant 0 : i32
        %cond3A_118 = arith.cmpi ne, %convert_element_type3A_116, %cond3A_117 : i32
        scf.if %cond3A_118 {
          %sub3A = arith.constant 4 : i32
          %sub3A_182 = arith.subi %add3A_110, %sub3A : i32
          %dma_wait3A_183 = arith.constant 0 : i32
          %dma_wait3A_184 = tpu.memref_slice %arg10[%sub3A_182, %dma_wait3A_183] : memref<80x64xi32, #tpu.memory_space<vmem>> -> memref<1x64xi32, #tpu.memory_space<vmem>>
          %dma_wait3A_185 = tpu.memref_squeeze %dma_wait3A_184 : memref<1x64xi32, #tpu.memory_space<vmem>> -> memref<64xi32, #tpu.memory_space<vmem>>
          %dma_wait3A_186 = arith.constant 0 : i32
          %dma_wait3A_187 = arith.constant 0 : i32
          %dma_wait3A_188 = tpu.memref_slice %arg15[%dma_wait3A_186, %dma_wait3A_187] : memref<10240x256xbf16, #tpu.memory_space<vmem_shared>> -> memref<10240x256xbf16, #tpu.memory_space<vmem_shared>>
          tpu.wait_indirect_dma semaphore(%arg21 : memref<!tpu.dma_semaphore, #tpu.memory_space<semaphore_mem>>) src(%arg12 : memref<64x256xbf16, #tpu.memory_space<vmem>>) dst(%dma_wait3A_188 : memref<10240x256xbf16, #tpu.memory_space<vmem_shared>>)
        } else {
        }
        %lt3A_119 = arith.constant 80 : i32
        %lt3A_120 = arith.cmpi slt, %add3A_110, %lt3A_119 : i32
        %convert_element_type3A_121 = arith.extui %lt3A_120 : i1 to i32
        %cond3A_122 = arith.constant 0 : i32
        %cond3A_123 = arith.cmpi ne, %convert_element_type3A_121, %cond3A_122 : i32
        scf.if %cond3A_123 {
          %add3A_182 = arith.constant 0 : i32
          %add3A_183 = arith.addi %add3A_182, %add3A_110 : i32
          %dma_start3A = arith.constant 0 : i32
          %dma_start3A_184 = tpu.memref_slice %arg9[%add3A_183, %dma_start3A] : memref<160x64xi32, #tpu.memory_space<vmem>> -> memref<1x64xi32, #tpu.memory_space<vmem>>
          %dma_start3A_185 = tpu.memref_squeeze %dma_start3A_184 : memref<1x64xi32, #tpu.memory_space<vmem>> -> memref<64xi32, #tpu.memory_space<vmem>>
          %dma_start3A_186 = arith.constant 0 : i32
          %dma_start3A_187 = arith.constant 0 : i32
          %dma_start3A_188 = tpu.memref_slice %arg3[%dma_start3A_186, %dma_start3A_187] : memref<10240x256xbf16, #tpu.memory_space<hbm>> -> memref<10240x256xbf16, #tpu.memory_space<hbm>>
          tpu.enqueue_indirect_dma source(%dma_start3A_188 : memref<10240x256xbf16, #tpu.memory_space<hbm>>) target(%arg12 : memref<64x256xbf16, #tpu.memory_space<vmem>>) offsets(%dma_start3A_185 : memref<64xi32, #tpu.memory_space<vmem>>) semaphore(%arg17 : memref<!tpu.dma_semaphore, #tpu.memory_space<semaphore_mem>>)
        } else {
        }
        %ge3A_124 = arith.constant 2 : i32
        %ge3A_125 = arith.cmpi sge, %add3A_110, %ge3A_124 : i32
        %lt3A_126 = arith.constant 82 : i32
        %lt3A_127 = arith.cmpi slt, %add3A_110, %lt3A_126 : i32
        %and3A_128 = arith.andi %ge3A_125, %lt3A_127 : i1
        %convert_element_type3A_129 = arith.extui %and3A_128 : i1 to i32
        %cond3A_130 = arith.constant 0 : i32
        %cond3A_131 = arith.cmpi ne, %convert_element_type3A_129, %cond3A_130 : i32
        scf.if %cond3A_131 {
          %sub3A = arith.constant 2 : i32
          %sub3A_182 = arith.subi %add3A_110, %sub3A : i32
          %add3A_183 = arith.constant 0 : i32
          %add3A_184 = arith.addi %add3A_183, %sub3A_182 : i32
          %dma_wait3A_185 = arith.constant 0 : i32
          %dma_wait3A_186 = tpu.memref_slice %arg9[%add3A_184, %dma_wait3A_185] : memref<160x64xi32, #tpu.memory_space<vmem>> -> memref<1x64xi32, #tpu.memory_space<vmem>>
          %dma_wait3A_187 = tpu.memref_squeeze %dma_wait3A_186 : memref<1x64xi32, #tpu.memory_space<vmem>> -> memref<64xi32, #tpu.memory_space<vmem>>
          %dma_wait3A_188 = arith.constant 0 : i32
          %dma_wait3A_189 = arith.constant 0 : i32
          %dma_wait3A_190 = tpu.memref_slice %arg3[%dma_wait3A_188, %dma_wait3A_189] : memref<10240x256xbf16, #tpu.memory_space<hbm>> -> memref<10240x256xbf16, #tpu.memory_space<hbm>>
          tpu.wait_indirect_dma semaphore(%arg19 : memref<!tpu.dma_semaphore, #tpu.memory_space<semaphore_mem>>) src(%dma_wait3A_190 : memref<10240x256xbf16, #tpu.memory_space<hbm>>) dst(%arg14 : memref<64x256xbf16, #tpu.memory_space<vmem>>)
          %dma_start3A = arith.constant 0 : i32
          %dma_start3A_191 = tpu.memref_slice %arg10[%sub3A_182, %dma_start3A] : memref<80x64xi32, #tpu.memory_space<vmem>> -> memref<1x64xi32, #tpu.memory_space<vmem>>
          %dma_start3A_192 = tpu.memref_squeeze %dma_start3A_191 : memref<1x64xi32, #tpu.memory_space<vmem>> -> memref<64xi32, #tpu.memory_space<vmem>>
          %dma_start3A_193 = arith.constant 0 : i32
          %dma_start3A_194 = arith.constant 0 : i32
          %dma_start3A_195 = tpu.memref_slice %arg15[%dma_start3A_193, %dma_start3A_194] : memref<10240x256xbf16, #tpu.memory_space<vmem_shared>> -> memref<10240x256xbf16, #tpu.memory_space<vmem_shared>>
          tpu.enqueue_indirect_dma source(%arg14 : memref<64x256xbf16, #tpu.memory_space<vmem>>) target(%dma_start3A_195 : memref<10240x256xbf16, #tpu.memory_space<vmem_shared>>) offsets(%dma_start3A_192 : memref<64xi32, #tpu.memory_space<vmem>>) semaphore(%arg23 : memref<!tpu.dma_semaphore, #tpu.memory_space<semaphore_mem>>) {add = true}
        } else {
        }
        %mul3A_132 = arith.constant 4 : i32
        %mul3A_133 = arith.muli %mul3A_132, %scan3A_84 : i32
        %add3A_134 = arith.constant 2 : i32
        %add3A_135 = arith.addi %mul3A_133, %add3A_134 : i32
        %ge3A_136 = arith.constant 4 : i32
        %ge3A_137 = arith.cmpi sge, %add3A_135, %ge3A_136 : i32
        %lt3A_138 = arith.constant 80 : i32
        %lt3A_139 = arith.cmpi slt, %add3A_135, %lt3A_138 : i32
        %and3A_140 = arith.andi %ge3A_137, %lt3A_139 : i1
        %convert_element_type3A_141 = arith.extui %and3A_140 : i1 to i32
        %cond3A_142 = arith.constant 0 : i32
        %cond3A_143 = arith.cmpi ne, %convert_element_type3A_141, %cond3A_142 : i32
        scf.if %cond3A_143 {
          %sub3A = arith.constant 4 : i32
          %sub3A_182 = arith.subi %add3A_135, %sub3A : i32
          %dma_wait3A_183 = arith.constant 0 : i32
          %dma_wait3A_184 = tpu.memref_slice %arg10[%sub3A_182, %dma_wait3A_183] : memref<80x64xi32, #tpu.memory_space<vmem>> -> memref<1x64xi32, #tpu.memory_space<vmem>>
          %dma_wait3A_185 = tpu.memref_squeeze %dma_wait3A_184 : memref<1x64xi32, #tpu.memory_space<vmem>> -> memref<64xi32, #tpu.memory_space<vmem>>
          %dma_wait3A_186 = arith.constant 0 : i32
          %dma_wait3A_187 = arith.constant 0 : i32
          %dma_wait3A_188 = tpu.memref_slice %arg15[%dma_wait3A_186, %dma_wait3A_187] : memref<10240x256xbf16, #tpu.memory_space<vmem_shared>> -> memref<10240x256xbf16, #tpu.memory_space<vmem_shared>>
          tpu.wait_indirect_dma semaphore(%arg22 : memref<!tpu.dma_semaphore, #tpu.memory_space<semaphore_mem>>) src(%arg13 : memref<64x256xbf16, #tpu.memory_space<vmem>>) dst(%dma_wait3A_188 : memref<10240x256xbf16, #tpu.memory_space<vmem_shared>>)
        } else {
        }
        %lt3A_144 = arith.constant 80 : i32
        %lt3A_145 = arith.cmpi slt, %add3A_135, %lt3A_144 : i32
        %convert_element_type3A_146 = arith.extui %lt3A_145 : i1 to i32
        %cond3A_147 = arith.constant 0 : i32
        %cond3A_148 = arith.cmpi ne, %convert_element_type3A_146, %cond3A_147 : i32
        scf.if %cond3A_148 {
          %add3A_182 = arith.constant 0 : i32
          %add3A_183 = arith.addi %add3A_182, %add3A_135 : i32
          %dma_start3A = arith.constant 0 : i32
          %dma_start3A_184 = tpu.memref_slice %arg9[%add3A_183, %dma_start3A] : memref<160x64xi32, #tpu.memory_space<vmem>> -> memref<1x64xi32, #tpu.memory_space<vmem>>
          %dma_start3A_185 = tpu.memref_squeeze %dma_start3A_184 : memref<1x64xi32, #tpu.memory_space<vmem>> -> memref<64xi32, #tpu.memory_space<vmem>>
          %dma_start3A_186 = arith.constant 0 : i32
          %dma_start3A_187 = arith.constant 0 : i32
          %dma_start3A_188 = tpu.memref_slice %arg3[%dma_start3A_186, %dma_start3A_187] : memref<10240x256xbf16, #tpu.memory_space<hbm>> -> memref<10240x256xbf16, #tpu.memory_space<hbm>>
          tpu.enqueue_indirect_dma source(%dma_start3A_188 : memref<10240x256xbf16, #tpu.memory_space<hbm>>) target(%arg13 : memref<64x256xbf16, #tpu.memory_space<vmem>>) offsets(%dma_start3A_185 : memref<64xi32, #tpu.memory_space<vmem>>) semaphore(%arg18 : memref<!tpu.dma_semaphore, #tpu.memory_space<semaphore_mem>>)
        } else {
        }
        %ge3A_149 = arith.constant 2 : i32
        %ge3A_150 = arith.cmpi sge, %add3A_135, %ge3A_149 : i32
        %lt3A_151 = arith.constant 82 : i32
        %lt3A_152 = arith.cmpi slt, %add3A_135, %lt3A_151 : i32
        %and3A_153 = arith.andi %ge3A_150, %lt3A_152 : i1
        %convert_element_type3A_154 = arith.extui %and3A_153 : i1 to i32
        %cond3A_155 = arith.constant 0 : i32
        %cond3A_156 = arith.cmpi ne, %convert_element_type3A_154, %cond3A_155 : i32
        scf.if %cond3A_156 {
          %sub3A = arith.constant 2 : i32
          %sub3A_182 = arith.subi %add3A_135, %sub3A : i32
          %add3A_183 = arith.constant 0 : i32
          %add3A_184 = arith.addi %add3A_183, %sub3A_182 : i32
          %dma_wait3A_185 = arith.constant 0 : i32
          %dma_wait3A_186 = tpu.memref_slice %arg9[%add3A_184, %dma_wait3A_185] : memref<160x64xi32, #tpu.memory_space<vmem>> -> memref<1x64xi32, #tpu.memory_space<vmem>>
          %dma_wait3A_187 = tpu.memref_squeeze %dma_wait3A_186 : memref<1x64xi32, #tpu.memory_space<vmem>> -> memref<64xi32, #tpu.memory_space<vmem>>
          %dma_wait3A_188 = arith.constant 0 : i32
          %dma_wait3A_189 = arith.constant 0 : i32
          %dma_wait3A_190 = tpu.memref_slice %arg3[%dma_wait3A_188, %dma_wait3A_189] : memref<10240x256xbf16, #tpu.memory_space<hbm>> -> memref<10240x256xbf16, #tpu.memory_space<hbm>>
          tpu.wait_indirect_dma semaphore(%arg16 : memref<!tpu.dma_semaphore, #tpu.memory_space<semaphore_mem>>) src(%dma_wait3A_190 : memref<10240x256xbf16, #tpu.memory_space<hbm>>) dst(%arg11 : memref<64x256xbf16, #tpu.memory_space<vmem>>)
          %dma_start3A = arith.constant 0 : i32
          %dma_start3A_191 = tpu.memref_slice %arg10[%sub3A_182, %dma_start3A] : memref<80x64xi32, #tpu.memory_space<vmem>> -> memref<1x64xi32, #tpu.memory_space<vmem>>
          %dma_start3A_192 = tpu.memref_squeeze %dma_start3A_191 : memref<1x64xi32, #tpu.memory_space<vmem>> -> memref<64xi32, #tpu.memory_space<vmem>>
          %dma_start3A_193 = arith.constant 0 : i32
          %dma_start3A_194 = arith.constant 0 : i32
          %dma_start3A_195 = tpu.memref_slice %arg15[%dma_start3A_193, %dma_start3A_194] : memref<10240x256xbf16, #tpu.memory_space<vmem_shared>> -> memref<10240x256xbf16, #tpu.memory_space<vmem_shared>>
          tpu.enqueue_indirect_dma source(%arg11 : memref<64x256xbf16, #tpu.memory_space<vmem>>) target(%dma_start3A_195 : memref<10240x256xbf16, #tpu.memory_space<vmem_shared>>) offsets(%dma_start3A_192 : memref<64xi32, #tpu.memory_space<vmem>>) semaphore(%arg20 : memref<!tpu.dma_semaphore, #tpu.memory_space<semaphore_mem>>) {add = true}
        } else {
        }
        %mul3A_157 = arith.constant 4 : i32
        %mul3A_158 = arith.muli %mul3A_157, %scan3A_84 : i32
        %add3A_159 = arith.constant 3 : i32
        %add3A_160 = arith.addi %mul3A_158, %add3A_159 : i32
        %ge3A_161 = arith.constant 4 : i32
        %ge3A_162 = arith.cmpi sge, %add3A_160, %ge3A_161 : i32
        %lt3A_163 = arith.constant 80 : i32
        %lt3A_164 = arith.cmpi slt, %add3A_160, %lt3A_163 : i32
        %and3A_165 = arith.andi %ge3A_162, %lt3A_164 : i1
        %convert_element_type3A_166 = arith.extui %and3A_165 : i1 to i32
        %cond3A_167 = arith.constant 0 : i32
        %cond3A_168 = arith.cmpi ne, %convert_element_type3A_166, %cond3A_167 : i32
        scf.if %cond3A_168 {
          %sub3A = arith.constant 4 : i32
          %sub3A_182 = arith.subi %add3A_160, %sub3A : i32
          %dma_wait3A_183 = arith.constant 0 : i32
          %dma_wait3A_184 = tpu.memref_slice %arg10[%sub3A_182, %dma_wait3A_183] : memref<80x64xi32, #tpu.memory_space<vmem>> -> memref<1x64xi32, #tpu.memory_space<vmem>>
          %dma_wait3A_185 = tpu.memref_squeeze %dma_wait3A_184 : memref<1x64xi32, #tpu.memory_space<vmem>> -> memref<64xi32, #tpu.memory_space<vmem>>
          %dma_wait3A_186 = arith.constant 0 : i32
          %dma_wait3A_187 = arith.constant 0 : i32
          %dma_wait3A_188 = tpu.memref_slice %arg15[%dma_wait3A_186, %dma_wait3A_187] : memref<10240x256xbf16, #tpu.memory_space<vmem_shared>> -> memref<10240x256xbf16, #tpu.memory_space<vmem_shared>>
          tpu.wait_indirect_dma semaphore(%arg23 : memref<!tpu.dma_semaphore, #tpu.memory_space<semaphore_mem>>) src(%arg14 : memref<64x256xbf16, #tpu.memory_space<vmem>>) dst(%dma_wait3A_188 : memref<10240x256xbf16, #tpu.memory_space<vmem_shared>>)
        } else {
        }
        %lt3A_169 = arith.constant 80 : i32
        %lt3A_170 = arith.cmpi slt, %add3A_160, %lt3A_169 : i32
        %convert_element_type3A_171 = arith.extui %lt3A_170 : i1 to i32
        %cond3A_172 = arith.constant 0 : i32
        %cond3A_173 = arith.cmpi ne, %convert_element_type3A_171, %cond3A_172 : i32
        scf.if %cond3A_173 {
          %add3A_182 = arith.constant 0 : i32
          %add3A_183 = arith.addi %add3A_182, %add3A_160 : i32
          %dma_start3A = arith.constant 0 : i32
          %dma_start3A_184 = tpu.memref_slice %arg9[%add3A_183, %dma_start3A] : memref<160x64xi32, #tpu.memory_space<vmem>> -> memref<1x64xi32, #tpu.memory_space<vmem>>
          %dma_start3A_185 = tpu.memref_squeeze %dma_start3A_184 : memref<1x64xi32, #tpu.memory_space<vmem>> -> memref<64xi32, #tpu.memory_space<vmem>>
          %dma_start3A_186 = arith.constant 0 : i32
          %dma_start3A_187 = arith.constant 0 : i32
          %dma_start3A_188 = tpu.memref_slice %arg3[%dma_start3A_186, %dma_start3A_187] : memref<10240x256xbf16, #tpu.memory_space<hbm>> -> memref<10240x256xbf16, #tpu.memory_space<hbm>>
          tpu.enqueue_indirect_dma source(%dma_start3A_188 : memref<10240x256xbf16, #tpu.memory_space<hbm>>) target(%arg14 : memref<64x256xbf16, #tpu.memory_space<vmem>>) offsets(%dma_start3A_185 : memref<64xi32, #tpu.memory_space<vmem>>) semaphore(%arg19 : memref<!tpu.dma_semaphore, #tpu.memory_space<semaphore_mem>>)
        } else {
        }
        %ge3A_174 = arith.constant 2 : i32
        %ge3A_175 = arith.cmpi sge, %add3A_160, %ge3A_174 : i32
        %lt3A_176 = arith.constant 82 : i32
        %lt3A_177 = arith.cmpi slt, %add3A_160, %lt3A_176 : i32
        %and3A_178 = arith.andi %ge3A_175, %lt3A_177 : i1
        %convert_element_type3A_179 = arith.extui %and3A_178 : i1 to i32
        %cond3A_180 = arith.constant 0 : i32
        %cond3A_181 = arith.cmpi ne, %convert_element_type3A_179, %cond3A_180 : i32
        scf.if %cond3A_181 {
          %sub3A = arith.constant 2 : i32
          %sub3A_182 = arith.subi %add3A_160, %sub3A : i32
          %add3A_183 = arith.constant 0 : i32
          %add3A_184 = arith.addi %add3A_183, %sub3A_182 : i32
          %dma_wait3A_185 = arith.constant 0 : i32
          %dma_wait3A_186 = tpu.memref_slice %arg9[%add3A_184, %dma_wait3A_185] : memref<160x64xi32, #tpu.memory_space<vmem>> -> memref<1x64xi32, #tpu.memory_space<vmem>>
          %dma_wait3A_187 = tpu.memref_squeeze %dma_wait3A_186 : memref<1x64xi32, #tpu.memory_space<vmem>> -> memref<64xi32, #tpu.memory_space<vmem>>
          %dma_wait3A_188 = arith.constant 0 : i32
          %dma_wait3A_189 = arith.constant 0 : i32
          %dma_wait3A_190 = tpu.memref_slice %arg3[%dma_wait3A_188, %dma_wait3A_189] : memref<10240x256xbf16, #tpu.memory_space<hbm>> -> memref<10240x256xbf16, #tpu.memory_space<hbm>>
          tpu.wait_indirect_dma semaphore(%arg17 : memref<!tpu.dma_semaphore, #tpu.memory_space<semaphore_mem>>) src(%dma_wait3A_190 : memref<10240x256xbf16, #tpu.memory_space<hbm>>) dst(%arg12 : memref<64x256xbf16, #tpu.memory_space<vmem>>)
          %dma_start3A = arith.constant 0 : i32
          %dma_start3A_191 = tpu.memref_slice %arg10[%sub3A_182, %dma_start3A] : memref<80x64xi32, #tpu.memory_space<vmem>> -> memref<1x64xi32, #tpu.memory_space<vmem>>
          %dma_start3A_192 = tpu.memref_squeeze %dma_start3A_191 : memref<1x64xi32, #tpu.memory_space<vmem>> -> memref<64xi32, #tpu.memory_space<vmem>>
          %dma_start3A_193 = arith.constant 0 : i32
          %dma_start3A_194 = arith.constant 0 : i32
          %dma_start3A_195 = tpu.memref_slice %arg15[%dma_start3A_193, %dma_start3A_194] : memref<10240x256xbf16, #tpu.memory_space<vmem_shared>> -> memref<10240x256xbf16, #tpu.memory_space<vmem_shared>>
          tpu.enqueue_indirect_dma source(%arg12 : memref<64x256xbf16, #tpu.memory_space<vmem>>) target(%dma_start3A_195 : memref<10240x256xbf16, #tpu.memory_space<vmem_shared>>) offsets(%dma_start3A_192 : memref<64xi32, #tpu.memory_space<vmem>>) semaphore(%arg21 : memref<!tpu.dma_semaphore, #tpu.memory_space<semaphore_mem>>) {add = true}
        } else {
        }
      }
      %scan3A_17 = arith.constant 22 : i32
      %dma_wait3A = arith.constant 76 : i32
      %dma_wait3A_18 = arith.constant 0 : i32
      %dma_wait3A_19 = tpu.memref_slice %arg10[%dma_wait3A, %dma_wait3A_18] : memref<80x64xi32, #tpu.memory_space<vmem>> -> memref<1x64xi32, #tpu.memory_space<vmem>>
      %dma_wait3A_20 = tpu.memref_squeeze %dma_wait3A_19 : memref<1x64xi32, #tpu.memory_space<vmem>> -> memref<64xi32, #tpu.memory_space<vmem>>
      %dma_wait3A_21 = arith.constant 0 : i32
      %dma_wait3A_22 = arith.constant 0 : i32
      %dma_wait3A_23 = tpu.memref_slice %arg15[%dma_wait3A_21, %dma_wait3A_22] : memref<10240x256xbf16, #tpu.memory_space<vmem_shared>> -> memref<10240x256xbf16, #tpu.memory_space<vmem_shared>>
      tpu.wait_indirect_dma semaphore(%arg20 : memref<!tpu.dma_semaphore, #tpu.memory_space<semaphore_mem>>) src(%arg11 : memref<64x256xbf16, #tpu.memory_space<vmem>>) dst(%dma_wait3A_23 : memref<10240x256xbf16, #tpu.memory_space<vmem_shared>>)
      %dma_wait3A_24 = arith.constant 77 : i32
      %dma_wait3A_25 = arith.constant 0 : i32
      %dma_wait3A_26 = tpu.memref_slice %arg10[%dma_wait3A_24, %dma_wait3A_25] : memref<80x64xi32, #tpu.memory_space<vmem>> -> memref<1x64xi32, #tpu.memory_space<vmem>>
      %dma_wait3A_27 = tpu.memref_squeeze %dma_wait3A_26 : memref<1x64xi32, #tpu.memory_space<vmem>> -> memref<64xi32, #tpu.memory_space<vmem>>
      %dma_wait3A_28 = arith.constant 0 : i32
      %dma_wait3A_29 = arith.constant 0 : i32
      %dma_wait3A_30 = tpu.memref_slice %arg15[%dma_wait3A_28, %dma_wait3A_29] : memref<10240x256xbf16, #tpu.memory_space<vmem_shared>> -> memref<10240x256xbf16, #tpu.memory_space<vmem_shared>>
      tpu.wait_indirect_dma semaphore(%arg21 : memref<!tpu.dma_semaphore, #tpu.memory_space<semaphore_mem>>) src(%arg12 : memref<64x256xbf16, #tpu.memory_space<vmem>>) dst(%dma_wait3A_30 : memref<10240x256xbf16, #tpu.memory_space<vmem_shared>>)
      %dma_wait3A_31 = arith.constant 78 : i32
      %dma_wait3A_32 = arith.constant 0 : i32
      %dma_wait3A_33 = tpu.memref_slice %arg10[%dma_wait3A_31, %dma_wait3A_32] : memref<80x64xi32, #tpu.memory_space<vmem>> -> memref<1x64xi32, #tpu.memory_space<vmem>>
      %dma_wait3A_34 = tpu.memref_squeeze %dma_wait3A_33 : memref<1x64xi32, #tpu.memory_space<vmem>> -> memref<64xi32, #tpu.memory_space<vmem>>
      %dma_wait3A_35 = arith.constant 0 : i32
      %dma_wait3A_36 = arith.constant 0 : i32
      %dma_wait3A_37 = tpu.memref_slice %arg15[%dma_wait3A_35, %dma_wait3A_36] : memref<10240x256xbf16, #tpu.memory_space<vmem_shared>> -> memref<10240x256xbf16, #tpu.memory_space<vmem_shared>>
      tpu.wait_indirect_dma semaphore(%arg22 : memref<!tpu.dma_semaphore, #tpu.memory_space<semaphore_mem>>) src(%arg13 : memref<64x256xbf16, #tpu.memory_space<vmem>>) dst(%dma_wait3A_37 : memref<10240x256xbf16, #tpu.memory_space<vmem_shared>>)
      %dma_wait3A_38 = arith.constant 79 : i32
      %dma_wait3A_39 = arith.constant 0 : i32
      %dma_wait3A_40 = tpu.memref_slice %arg10[%dma_wait3A_38, %dma_wait3A_39] : memref<80x64xi32, #tpu.memory_space<vmem>> -> memref<1x64xi32, #tpu.memory_space<vmem>>
      %dma_wait3A_41 = tpu.memref_squeeze %dma_wait3A_40 : memref<1x64xi32, #tpu.memory_space<vmem>> -> memref<64xi32, #tpu.memory_space<vmem>>
      %dma_wait3A_42 = arith.constant 0 : i32
      %dma_wait3A_43 = arith.constant 0 : i32
      %dma_wait3A_44 = tpu.memref_slice %arg15[%dma_wait3A_42, %dma_wait3A_43] : memref<10240x256xbf16, #tpu.memory_space<vmem_shared>> -> memref<10240x256xbf16, #tpu.memory_space<vmem_shared>>
      tpu.wait_indirect_dma semaphore(%arg23 : memref<!tpu.dma_semaphore, #tpu.memory_space<semaphore_mem>>) src(%arg14 : memref<64x256xbf16, #tpu.memory_space<vmem>>) dst(%dma_wait3A_44 : memref<10240x256xbf16, #tpu.memory_space<vmem_shared>>)
      %mul3A_45 = arith.constant 160 : i32
      %mul3A_46 = arith.muli %arg1, %mul3A_45 : i32
      %add3A_47 = arith.constant 80 : i32
      %add3A_48 = arith.addi %mul3A_46, %add3A_47 : i32
      "tpu.region"() ({
        %run_scoped3A = tpu.sem_alloc : memref<!tpu.dma_semaphore, #tpu.memory_space<semaphore_mem>>
        %dma_start3A = arith.constant 0 : i32
        %dma_start3A_84 = tpu.memref_slice %arg5[%add3A_48, %dma_start3A] : memref<2560x64xi32, #tpu.memory_space<hbm>> -> memref<80x64xi32, #tpu.memory_space<hbm>>
        %dma_start3A_85 = arith.constant 0 : i32
        %dma_start3A_86 = tpu.memref_slice %arg5[%add3A_48, %dma_start3A_85] : memref<2560x64xi32, #tpu.memory_space<hbm>> -> memref<80x64xi32, #tpu.memory_space<hbm>>
        tpu.enqueue_dma source(%dma_start3A_86 : memref<80x64xi32, #tpu.memory_space<hbm>>) target(%arg10 : memref<80x64xi32, #tpu.memory_space<vmem>>) target_semaphore(%run_scoped3A : memref<!tpu.dma_semaphore, #tpu.memory_space<semaphore_mem>>)
        %dma_wait3A_87 = arith.constant 0 : i32
        %dma_wait3A_88 = tpu.memref_slice %arg5[%add3A_48, %dma_wait3A_87] : memref<2560x64xi32, #tpu.memory_space<hbm>> -> memref<80x64xi32, #tpu.memory_space<hbm>>
        %dma_wait3A_89 = arith.constant 0 : i32
        %dma_wait3A_90 = tpu.memref_slice %arg5[%add3A_48, %dma_wait3A_89] : memref<2560x64xi32, #tpu.memory_space<hbm>> -> memref<80x64xi32, #tpu.memory_space<hbm>>
        tpu.wait_dma2 semaphore(%run_scoped3A : memref<!tpu.dma_semaphore, #tpu.memory_space<semaphore_mem>>) src(%dma_wait3A_90 : memref<80x64xi32, #tpu.memory_space<hbm>>) dst(%arg10 : memref<80x64xi32, #tpu.memory_space<vmem>>)
        tpu.yield
      }) : () -> ()
      %scan3A_49 = arith.constant 0 : i32
      %scan3A_50 = arith.constant 0 : i32
      %scan3A_51 = arith.constant 22 : i32
      %scan3A_52 = arith.addi %scan3A_50, %scan3A_51 : i32
      %scan3A_53 = arith.constant 1 : i32
      scf.for %scan3A_84 = %scan3A_50 to %scan3A_52 step %scan3A_53  : i32 {
        %mul3A_85 = arith.constant 4 : i32
        %mul3A_86 = arith.muli %mul3A_85, %scan3A_84 : i32
        %add3A_87 = arith.constant 0 : i32
        %add3A_88 = arith.addi %mul3A_86, %add3A_87 : i32
        %ge3A = arith.constant 4 : i32
        %ge3A_89 = arith.cmpi sge, %add3A_88, %ge3A : i32
        %lt3A = arith.constant 80 : i32
        %lt3A_90 = arith.cmpi slt, %add3A_88, %lt3A : i32
        %and3A = arith.andi %ge3A_89, %lt3A_90 : i1
        %convert_element_type3A_91 = arith.extui %and3A : i1 to i32
        %cond3A_92 = arith.constant 0 : i32
        %cond3A_93 = arith.cmpi ne, %convert_element_type3A_91, %cond3A_92 : i32
        scf.if %cond3A_93 {
          %sub3A = arith.constant 4 : i32
          %sub3A_182 = arith.subi %add3A_88, %sub3A : i32
          %dma_wait3A_183 = arith.constant 0 : i32
          %dma_wait3A_184 = tpu.memref_slice %arg10[%sub3A_182, %dma_wait3A_183] : memref<80x64xi32, #tpu.memory_space<vmem>> -> memref<1x64xi32, #tpu.memory_space<vmem>>
          %dma_wait3A_185 = tpu.memref_squeeze %dma_wait3A_184 : memref<1x64xi32, #tpu.memory_space<vmem>> -> memref<64xi32, #tpu.memory_space<vmem>>
          %dma_wait3A_186 = arith.constant 0 : i32
          %dma_wait3A_187 = arith.constant 0 : i32
          %dma_wait3A_188 = tpu.memref_slice %arg15[%dma_wait3A_186, %dma_wait3A_187] : memref<10240x256xbf16, #tpu.memory_space<vmem_shared>> -> memref<10240x256xbf16, #tpu.memory_space<vmem_shared>>
          tpu.wait_indirect_dma semaphore(%arg20 : memref<!tpu.dma_semaphore, #tpu.memory_space<semaphore_mem>>) src(%arg11 : memref<64x256xbf16, #tpu.memory_space<vmem>>) dst(%dma_wait3A_188 : memref<10240x256xbf16, #tpu.memory_space<vmem_shared>>)
        } else {
        }
        %lt3A_94 = arith.constant 80 : i32
        %lt3A_95 = arith.cmpi slt, %add3A_88, %lt3A_94 : i32
        %convert_element_type3A_96 = arith.extui %lt3A_95 : i1 to i32
        %cond3A_97 = arith.constant 0 : i32
        %cond3A_98 = arith.cmpi ne, %convert_element_type3A_96, %cond3A_97 : i32
        scf.if %cond3A_98 {
          %add3A_182 = arith.constant 80 : i32
          %add3A_183 = arith.addi %add3A_182, %add3A_88 : i32
          %dma_start3A = arith.constant 0 : i32
          %dma_start3A_184 = tpu.memref_slice %arg9[%add3A_183, %dma_start3A] : memref<160x64xi32, #tpu.memory_space<vmem>> -> memref<1x64xi32, #tpu.memory_space<vmem>>
          %dma_start3A_185 = tpu.memref_squeeze %dma_start3A_184 : memref<1x64xi32, #tpu.memory_space<vmem>> -> memref<64xi32, #tpu.memory_space<vmem>>
          %dma_start3A_186 = arith.constant 0 : i32
          %dma_start3A_187 = arith.constant 0 : i32
          %dma_start3A_188 = tpu.memref_slice %arg3[%dma_start3A_186, %dma_start3A_187] : memref<10240x256xbf16, #tpu.memory_space<hbm>> -> memref<10240x256xbf16, #tpu.memory_space<hbm>>
          tpu.enqueue_indirect_dma source(%dma_start3A_188 : memref<10240x256xbf16, #tpu.memory_space<hbm>>) target(%arg11 : memref<64x256xbf16, #tpu.memory_space<vmem>>) offsets(%dma_start3A_185 : memref<64xi32, #tpu.memory_space<vmem>>) semaphore(%arg16 : memref<!tpu.dma_semaphore, #tpu.memory_space<semaphore_mem>>)
        } else {
        }
        %ge3A_99 = arith.constant 2 : i32
        %ge3A_100 = arith.cmpi sge, %add3A_88, %ge3A_99 : i32
        %lt3A_101 = arith.constant 82 : i32
        %lt3A_102 = arith.cmpi slt, %add3A_88, %lt3A_101 : i32
        %and3A_103 = arith.andi %ge3A_100, %lt3A_102 : i1
        %convert_element_type3A_104 = arith.extui %and3A_103 : i1 to i32
        %cond3A_105 = arith.constant 0 : i32
        %cond3A_106 = arith.cmpi ne, %convert_element_type3A_104, %cond3A_105 : i32
        scf.if %cond3A_106 {
          %sub3A = arith.constant 2 : i32
          %sub3A_182 = arith.subi %add3A_88, %sub3A : i32
          %add3A_183 = arith.constant 80 : i32
          %add3A_184 = arith.addi %add3A_183, %sub3A_182 : i32
          %dma_wait3A_185 = arith.constant 0 : i32
          %dma_wait3A_186 = tpu.memref_slice %arg9[%add3A_184, %dma_wait3A_185] : memref<160x64xi32, #tpu.memory_space<vmem>> -> memref<1x64xi32, #tpu.memory_space<vmem>>
          %dma_wait3A_187 = tpu.memref_squeeze %dma_wait3A_186 : memref<1x64xi32, #tpu.memory_space<vmem>> -> memref<64xi32, #tpu.memory_space<vmem>>
          %dma_wait3A_188 = arith.constant 0 : i32
          %dma_wait3A_189 = arith.constant 0 : i32
          %dma_wait3A_190 = tpu.memref_slice %arg3[%dma_wait3A_188, %dma_wait3A_189] : memref<10240x256xbf16, #tpu.memory_space<hbm>> -> memref<10240x256xbf16, #tpu.memory_space<hbm>>
          tpu.wait_indirect_dma semaphore(%arg18 : memref<!tpu.dma_semaphore, #tpu.memory_space<semaphore_mem>>) src(%dma_wait3A_190 : memref<10240x256xbf16, #tpu.memory_space<hbm>>) dst(%arg13 : memref<64x256xbf16, #tpu.memory_space<vmem>>)
          %dma_start3A = arith.constant 0 : i32
          %dma_start3A_191 = tpu.memref_slice %arg10[%sub3A_182, %dma_start3A] : memref<80x64xi32, #tpu.memory_space<vmem>> -> memref<1x64xi32, #tpu.memory_space<vmem>>
          %dma_start3A_192 = tpu.memref_squeeze %dma_start3A_191 : memref<1x64xi32, #tpu.memory_space<vmem>> -> memref<64xi32, #tpu.memory_space<vmem>>
          %dma_start3A_193 = arith.constant 0 : i32
          %dma_start3A_194 = arith.constant 0 : i32
          %dma_start3A_195 = tpu.memref_slice %arg15[%dma_start3A_193, %dma_start3A_194] : memref<10240x256xbf16, #tpu.memory_space<vmem_shared>> -> memref<10240x256xbf16, #tpu.memory_space<vmem_shared>>
          tpu.enqueue_indirect_dma source(%arg13 : memref<64x256xbf16, #tpu.memory_space<vmem>>) target(%dma_start3A_195 : memref<10240x256xbf16, #tpu.memory_space<vmem_shared>>) offsets(%dma_start3A_192 : memref<64xi32, #tpu.memory_space<vmem>>) semaphore(%arg22 : memref<!tpu.dma_semaphore, #tpu.memory_space<semaphore_mem>>) {add = true}
        } else {
        }
        %mul3A_107 = arith.constant 4 : i32
        %mul3A_108 = arith.muli %mul3A_107, %scan3A_84 : i32
        %add3A_109 = arith.constant 1 : i32
        %add3A_110 = arith.addi %mul3A_108, %add3A_109 : i32
        %ge3A_111 = arith.constant 4 : i32
        %ge3A_112 = arith.cmpi sge, %add3A_110, %ge3A_111 : i32
        %lt3A_113 = arith.constant 80 : i32
        %lt3A_114 = arith.cmpi slt, %add3A_110, %lt3A_113 : i32
        %and3A_115 = arith.andi %ge3A_112, %lt3A_114 : i1
        %convert_element_type3A_116 = arith.extui %and3A_115 : i1 to i32
        %cond3A_117 = arith.constant 0 : i32
        %cond3A_118 = arith.cmpi ne, %convert_element_type3A_116, %cond3A_117 : i32
        scf.if %cond3A_118 {
          %sub3A = arith.constant 4 : i32
          %sub3A_182 = arith.subi %add3A_110, %sub3A : i32
          %dma_wait3A_183 = arith.constant 0 : i32
          %dma_wait3A_184 = tpu.memref_slice %arg10[%sub3A_182, %dma_wait3A_183] : memref<80x64xi32, #tpu.memory_space<vmem>> -> memref<1x64xi32, #tpu.memory_space<vmem>>
          %dma_wait3A_185 = tpu.memref_squeeze %dma_wait3A_184 : memref<1x64xi32, #tpu.memory_space<vmem>> -> memref<64xi32, #tpu.memory_space<vmem>>
          %dma_wait3A_186 = arith.constant 0 : i32
          %dma_wait3A_187 = arith.constant 0 : i32
          %dma_wait3A_188 = tpu.memref_slice %arg15[%dma_wait3A_186, %dma_wait3A_187] : memref<10240x256xbf16, #tpu.memory_space<vmem_shared>> -> memref<10240x256xbf16, #tpu.memory_space<vmem_shared>>
          tpu.wait_indirect_dma semaphore(%arg21 : memref<!tpu.dma_semaphore, #tpu.memory_space<semaphore_mem>>) src(%arg12 : memref<64x256xbf16, #tpu.memory_space<vmem>>) dst(%dma_wait3A_188 : memref<10240x256xbf16, #tpu.memory_space<vmem_shared>>)
        } else {
        }
        %lt3A_119 = arith.constant 80 : i32
        %lt3A_120 = arith.cmpi slt, %add3A_110, %lt3A_119 : i32
        %convert_element_type3A_121 = arith.extui %lt3A_120 : i1 to i32
        %cond3A_122 = arith.constant 0 : i32
        %cond3A_123 = arith.cmpi ne, %convert_element_type3A_121, %cond3A_122 : i32
        scf.if %cond3A_123 {
          %add3A_182 = arith.constant 80 : i32
          %add3A_183 = arith.addi %add3A_182, %add3A_110 : i32
          %dma_start3A = arith.constant 0 : i32
          %dma_start3A_184 = tpu.memref_slice %arg9[%add3A_183, %dma_start3A] : memref<160x64xi32, #tpu.memory_space<vmem>> -> memref<1x64xi32, #tpu.memory_space<vmem>>
          %dma_start3A_185 = tpu.memref_squeeze %dma_start3A_184 : memref<1x64xi32, #tpu.memory_space<vmem>> -> memref<64xi32, #tpu.memory_space<vmem>>
          %dma_start3A_186 = arith.constant 0 : i32
          %dma_start3A_187 = arith.constant 0 : i32
          %dma_start3A_188 = tpu.memref_slice %arg3[%dma_start3A_186, %dma_start3A_187] : memref<10240x256xbf16, #tpu.memory_space<hbm>> -> memref<10240x256xbf16, #tpu.memory_space<hbm>>
          tpu.enqueue_indirect_dma source(%dma_start3A_188 : memref<10240x256xbf16, #tpu.memory_space<hbm>>) target(%arg12 : memref<64x256xbf16, #tpu.memory_space<vmem>>) offsets(%dma_start3A_185 : memref<64xi32, #tpu.memory_space<vmem>>) semaphore(%arg17 : memref<!tpu.dma_semaphore, #tpu.memory_space<semaphore_mem>>)
        } else {
        }
        %ge3A_124 = arith.constant 2 : i32
        %ge3A_125 = arith.cmpi sge, %add3A_110, %ge3A_124 : i32
        %lt3A_126 = arith.constant 82 : i32
        %lt3A_127 = arith.cmpi slt, %add3A_110, %lt3A_126 : i32
        %and3A_128 = arith.andi %ge3A_125, %lt3A_127 : i1
        %convert_element_type3A_129 = arith.extui %and3A_128 : i1 to i32
        %cond3A_130 = arith.constant 0 : i32
        %cond3A_131 = arith.cmpi ne, %convert_element_type3A_129, %cond3A_130 : i32
        scf.if %cond3A_131 {
          %sub3A = arith.constant 2 : i32
          %sub3A_182 = arith.subi %add3A_110, %sub3A : i32
          %add3A_183 = arith.constant 80 : i32
          %add3A_184 = arith.addi %add3A_183, %sub3A_182 : i32
          %dma_wait3A_185 = arith.constant 0 : i32
          %dma_wait3A_186 = tpu.memref_slice %arg9[%add3A_184, %dma_wait3A_185] : memref<160x64xi32, #tpu.memory_space<vmem>> -> memref<1x64xi32, #tpu.memory_space<vmem>>
          %dma_wait3A_187 = tpu.memref_squeeze %dma_wait3A_186 : memref<1x64xi32, #tpu.memory_space<vmem>> -> memref<64xi32, #tpu.memory_space<vmem>>
          %dma_wait3A_188 = arith.constant 0 : i32
          %dma_wait3A_189 = arith.constant 0 : i32
          %dma_wait3A_190 = tpu.memref_slice %arg3[%dma_wait3A_188, %dma_wait3A_189] : memref<10240x256xbf16, #tpu.memory_space<hbm>> -> memref<10240x256xbf16, #tpu.memory_space<hbm>>
          tpu.wait_indirect_dma semaphore(%arg19 : memref<!tpu.dma_semaphore, #tpu.memory_space<semaphore_mem>>) src(%dma_wait3A_190 : memref<10240x256xbf16, #tpu.memory_space<hbm>>) dst(%arg14 : memref<64x256xbf16, #tpu.memory_space<vmem>>)
          %dma_start3A = arith.constant 0 : i32
          %dma_start3A_191 = tpu.memref_slice %arg10[%sub3A_182, %dma_start3A] : memref<80x64xi32, #tpu.memory_space<vmem>> -> memref<1x64xi32, #tpu.memory_space<vmem>>
          %dma_start3A_192 = tpu.memref_squeeze %dma_start3A_191 : memref<1x64xi32, #tpu.memory_space<vmem>> -> memref<64xi32, #tpu.memory_space<vmem>>
          %dma_start3A_193 = arith.constant 0 : i32
          %dma_start3A_194 = arith.constant 0 : i32
          %dma_start3A_195 = tpu.memref_slice %arg15[%dma_start3A_193, %dma_start3A_194] : memref<10240x256xbf16, #tpu.memory_space<vmem_shared>> -> memref<10240x256xbf16, #tpu.memory_space<vmem_shared>>
          tpu.enqueue_indirect_dma source(%arg14 : memref<64x256xbf16, #tpu.memory_space<vmem>>) target(%dma_start3A_195 : memref<10240x256xbf16, #tpu.memory_space<vmem_shared>>) offsets(%dma_start3A_192 : memref<64xi32, #tpu.memory_space<vmem>>) semaphore(%arg23 : memref<!tpu.dma_semaphore, #tpu.memory_space<semaphore_mem>>) {add = true}
        } else {
        }
        %mul3A_132 = arith.constant 4 : i32
        %mul3A_133 = arith.muli %mul3A_132, %scan3A_84 : i32
        %add3A_134 = arith.constant 2 : i32
        %add3A_135 = arith.addi %mul3A_133, %add3A_134 : i32
        %ge3A_136 = arith.constant 4 : i32
        %ge3A_137 = arith.cmpi sge, %add3A_135, %ge3A_136 : i32
        %lt3A_138 = arith.constant 80 : i32
        %lt3A_139 = arith.cmpi slt, %add3A_135, %lt3A_138 : i32
        %and3A_140 = arith.andi %ge3A_137, %lt3A_139 : i1
        %convert_element_type3A_141 = arith.extui %and3A_140 : i1 to i32
        %cond3A_142 = arith.constant 0 : i32
        %cond3A_143 = arith.cmpi ne, %convert_element_type3A_141, %cond3A_142 : i32
        scf.if %cond3A_143 {
          %sub3A = arith.constant 4 : i32
          %sub3A_182 = arith.subi %add3A_135, %sub3A : i32
          %dma_wait3A_183 = arith.constant 0 : i32
          %dma_wait3A_184 = tpu.memref_slice %arg10[%sub3A_182, %dma_wait3A_183] : memref<80x64xi32, #tpu.memory_space<vmem>> -> memref<1x64xi32, #tpu.memory_space<vmem>>
          %dma_wait3A_185 = tpu.memref_squeeze %dma_wait3A_184 : memref<1x64xi32, #tpu.memory_space<vmem>> -> memref<64xi32, #tpu.memory_space<vmem>>
          %dma_wait3A_186 = arith.constant 0 : i32
          %dma_wait3A_187 = arith.constant 0 : i32
          %dma_wait3A_188 = tpu.memref_slice %arg15[%dma_wait3A_186, %dma_wait3A_187] : memref<10240x256xbf16, #tpu.memory_space<vmem_shared>> -> memref<10240x256xbf16, #tpu.memory_space<vmem_shared>>
          tpu.wait_indirect_dma semaphore(%arg22 : memref<!tpu.dma_semaphore, #tpu.memory_space<semaphore_mem>>) src(%arg13 : memref<64x256xbf16, #tpu.memory_space<vmem>>) dst(%dma_wait3A_188 : memref<10240x256xbf16, #tpu.memory_space<vmem_shared>>)
        } else {
        }
        %lt3A_144 = arith.constant 80 : i32
        %lt3A_145 = arith.cmpi slt, %add3A_135, %lt3A_144 : i32
        %convert_element_type3A_146 = arith.extui %lt3A_145 : i1 to i32
        %cond3A_147 = arith.constant 0 : i32
        %cond3A_148 = arith.cmpi ne, %convert_element_type3A_146, %cond3A_147 : i32
        scf.if %cond3A_148 {
          %add3A_182 = arith.constant 80 : i32
          %add3A_183 = arith.addi %add3A_182, %add3A_135 : i32
          %dma_start3A = arith.constant 0 : i32
          %dma_start3A_184 = tpu.memref_slice %arg9[%add3A_183, %dma_start3A] : memref<160x64xi32, #tpu.memory_space<vmem>> -> memref<1x64xi32, #tpu.memory_space<vmem>>
          %dma_start3A_185 = tpu.memref_squeeze %dma_start3A_184 : memref<1x64xi32, #tpu.memory_space<vmem>> -> memref<64xi32, #tpu.memory_space<vmem>>
          %dma_start3A_186 = arith.constant 0 : i32
          %dma_start3A_187 = arith.constant 0 : i32
          %dma_start3A_188 = tpu.memref_slice %arg3[%dma_start3A_186, %dma_start3A_187] : memref<10240x256xbf16, #tpu.memory_space<hbm>> -> memref<10240x256xbf16, #tpu.memory_space<hbm>>
          tpu.enqueue_indirect_dma source(%dma_start3A_188 : memref<10240x256xbf16, #tpu.memory_space<hbm>>) target(%arg13 : memref<64x256xbf16, #tpu.memory_space<vmem>>) offsets(%dma_start3A_185 : memref<64xi32, #tpu.memory_space<vmem>>) semaphore(%arg18 : memref<!tpu.dma_semaphore, #tpu.memory_space<semaphore_mem>>)
        } else {
        }
        %ge3A_149 = arith.constant 2 : i32
        %ge3A_150 = arith.cmpi sge, %add3A_135, %ge3A_149 : i32
        %lt3A_151 = arith.constant 82 : i32
        %lt3A_152 = arith.cmpi slt, %add3A_135, %lt3A_151 : i32
        %and3A_153 = arith.andi %ge3A_150, %lt3A_152 : i1
        %convert_element_type3A_154 = arith.extui %and3A_153 : i1 to i32
        %cond3A_155 = arith.constant 0 : i32
        %cond3A_156 = arith.cmpi ne, %convert_element_type3A_154, %cond3A_155 : i32
        scf.if %cond3A_156 {
          %sub3A = arith.constant 2 : i32
          %sub3A_182 = arith.subi %add3A_135, %sub3A : i32
          %add3A_183 = arith.constant 80 : i32
          %add3A_184 = arith.addi %add3A_183, %sub3A_182 : i32
          %dma_wait3A_185 = arith.constant 0 : i32
          %dma_wait3A_186 = tpu.memref_slice %arg9[%add3A_184, %dma_wait3A_185] : memref<160x64xi32, #tpu.memory_space<vmem>> -> memref<1x64xi32, #tpu.memory_space<vmem>>
          %dma_wait3A_187 = tpu.memref_squeeze %dma_wait3A_186 : memref<1x64xi32, #tpu.memory_space<vmem>> -> memref<64xi32, #tpu.memory_space<vmem>>
          %dma_wait3A_188 = arith.constant 0 : i32
          %dma_wait3A_189 = arith.constant 0 : i32
          %dma_wait3A_190 = tpu.memref_slice %arg3[%dma_wait3A_188, %dma_wait3A_189] : memref<10240x256xbf16, #tpu.memory_space<hbm>> -> memref<10240x256xbf16, #tpu.memory_space<hbm>>
          tpu.wait_indirect_dma semaphore(%arg16 : memref<!tpu.dma_semaphore, #tpu.memory_space<semaphore_mem>>) src(%dma_wait3A_190 : memref<10240x256xbf16, #tpu.memory_space<hbm>>) dst(%arg11 : memref<64x256xbf16, #tpu.memory_space<vmem>>)
          %dma_start3A = arith.constant 0 : i32
          %dma_start3A_191 = tpu.memref_slice %arg10[%sub3A_182, %dma_start3A] : memref<80x64xi32, #tpu.memory_space<vmem>> -> memref<1x64xi32, #tpu.memory_space<vmem>>
          %dma_start3A_192 = tpu.memref_squeeze %dma_start3A_191 : memref<1x64xi32, #tpu.memory_space<vmem>> -> memref<64xi32, #tpu.memory_space<vmem>>
          %dma_start3A_193 = arith.constant 0 : i32
          %dma_start3A_194 = arith.constant 0 : i32
          %dma_start3A_195 = tpu.memref_slice %arg15[%dma_start3A_193, %dma_start3A_194] : memref<10240x256xbf16, #tpu.memory_space<vmem_shared>> -> memref<10240x256xbf16, #tpu.memory_space<vmem_shared>>
          tpu.enqueue_indirect_dma source(%arg11 : memref<64x256xbf16, #tpu.memory_space<vmem>>) target(%dma_start3A_195 : memref<10240x256xbf16, #tpu.memory_space<vmem_shared>>) offsets(%dma_start3A_192 : memref<64xi32, #tpu.memory_space<vmem>>) semaphore(%arg20 : memref<!tpu.dma_semaphore, #tpu.memory_space<semaphore_mem>>) {add = true}
        } else {
        }
        %mul3A_157 = arith.constant 4 : i32
        %mul3A_158 = arith.muli %mul3A_157, %scan3A_84 : i32
        %add3A_159 = arith.constant 3 : i32
        %add3A_160 = arith.addi %mul3A_158, %add3A_159 : i32
        %ge3A_161 = arith.constant 4 : i32
        %ge3A_162 = arith.cmpi sge, %add3A_160, %ge3A_161 : i32
        %lt3A_163 = arith.constant 80 : i32
        %lt3A_164 = arith.cmpi slt, %add3A_160, %lt3A_163 : i32
        %and3A_165 = arith.andi %ge3A_162, %lt3A_164 : i1
        %convert_element_type3A_166 = arith.extui %and3A_165 : i1 to i32
        %cond3A_167 = arith.constant 0 : i32
        %cond3A_168 = arith.cmpi ne, %convert_element_type3A_166, %cond3A_167 : i32
        scf.if %cond3A_168 {
          %sub3A = arith.constant 4 : i32
          %sub3A_182 = arith.subi %add3A_160, %sub3A : i32
          %dma_wait3A_183 = arith.constant 0 : i32
          %dma_wait3A_184 = tpu.memref_slice %arg10[%sub3A_182, %dma_wait3A_183] : memref<80x64xi32, #tpu.memory_space<vmem>> -> memref<1x64xi32, #tpu.memory_space<vmem>>
          %dma_wait3A_185 = tpu.memref_squeeze %dma_wait3A_184 : memref<1x64xi32, #tpu.memory_space<vmem>> -> memref<64xi32, #tpu.memory_space<vmem>>
          %dma_wait3A_186 = arith.constant 0 : i32
          %dma_wait3A_187 = arith.constant 0 : i32
          %dma_wait3A_188 = tpu.memref_slice %arg15[%dma_wait3A_186, %dma_wait3A_187] : memref<10240x256xbf16, #tpu.memory_space<vmem_shared>> -> memref<10240x256xbf16, #tpu.memory_space<vmem_shared>>
          tpu.wait_indirect_dma semaphore(%arg23 : memref<!tpu.dma_semaphore, #tpu.memory_space<semaphore_mem>>) src(%arg14 : memref<64x256xbf16, #tpu.memory_space<vmem>>) dst(%dma_wait3A_188 : memref<10240x256xbf16, #tpu.memory_space<vmem_shared>>)
        } else {
        }
        %lt3A_169 = arith.constant 80 : i32
        %lt3A_170 = arith.cmpi slt, %add3A_160, %lt3A_169 : i32
        %convert_element_type3A_171 = arith.extui %lt3A_170 : i1 to i32
        %cond3A_172 = arith.constant 0 : i32
        %cond3A_173 = arith.cmpi ne, %convert_element_type3A_171, %cond3A_172 : i32
        scf.if %cond3A_173 {
          %add3A_182 = arith.constant 80 : i32
          %add3A_183 = arith.addi %add3A_182, %add3A_160 : i32
          %dma_start3A = arith.constant 0 : i32
          %dma_start3A_184 = tpu.memref_slice %arg9[%add3A_183, %dma_start3A] : memref<160x64xi32, #tpu.memory_space<vmem>> -> memref<1x64xi32, #tpu.memory_space<vmem>>
          %dma_start3A_185 = tpu.memref_squeeze %dma_start3A_184 : memref<1x64xi32, #tpu.memory_space<vmem>> -> memref<64xi32, #tpu.memory_space<vmem>>
          %dma_start3A_186 = arith.constant 0 : i32
          %dma_start3A_187 = arith.constant 0 : i32
          %dma_start3A_188 = tpu.memref_slice %arg3[%dma_start3A_186, %dma_start3A_187] : memref<10240x256xbf16, #tpu.memory_space<hbm>> -> memref<10240x256xbf16, #tpu.memory_space<hbm>>
          tpu.enqueue_indirect_dma source(%dma_start3A_188 : memref<10240x256xbf16, #tpu.memory_space<hbm>>) target(%arg14 : memref<64x256xbf16, #tpu.memory_space<vmem>>) offsets(%dma_start3A_185 : memref<64xi32, #tpu.memory_space<vmem>>) semaphore(%arg19 : memref<!tpu.dma_semaphore, #tpu.memory_space<semaphore_mem>>)
        } else {
        }
        %ge3A_174 = arith.constant 2 : i32
        %ge3A_175 = arith.cmpi sge, %add3A_160, %ge3A_174 : i32
        %lt3A_176 = arith.constant 82 : i32
        %lt3A_177 = arith.cmpi slt, %add3A_160, %lt3A_176 : i32
        %and3A_178 = arith.andi %ge3A_175, %lt3A_177 : i1
        %convert_element_type3A_179 = arith.extui %and3A_178 : i1 to i32
        %cond3A_180 = arith.constant 0 : i32
        %cond3A_181 = arith.cmpi ne, %convert_element_type3A_179, %cond3A_180 : i32
        scf.if %cond3A_181 {
          %sub3A = arith.constant 2 : i32
          %sub3A_182 = arith.subi %add3A_160, %sub3A : i32
          %add3A_183 = arith.constant 80 : i32
          %add3A_184 = arith.addi %add3A_183, %sub3A_182 : i32
          %dma_wait3A_185 = arith.constant 0 : i32
          %dma_wait3A_186 = tpu.memref_slice %arg9[%add3A_184, %dma_wait3A_185] : memref<160x64xi32, #tpu.memory_space<vmem>> -> memref<1x64xi32, #tpu.memory_space<vmem>>
          %dma_wait3A_187 = tpu.memref_squeeze %dma_wait3A_186 : memref<1x64xi32, #tpu.memory_space<vmem>> -> memref<64xi32, #tpu.memory_space<vmem>>
          %dma_wait3A_188 = arith.constant 0 : i32
          %dma_wait3A_189 = arith.constant 0 : i32
          %dma_wait3A_190 = tpu.memref_slice %arg3[%dma_wait3A_188, %dma_wait3A_189] : memref<10240x256xbf16, #tpu.memory_space<hbm>> -> memref<10240x256xbf16, #tpu.memory_space<hbm>>
          tpu.wait_indirect_dma semaphore(%arg17 : memref<!tpu.dma_semaphore, #tpu.memory_space<semaphore_mem>>) src(%dma_wait3A_190 : memref<10240x256xbf16, #tpu.memory_space<hbm>>) dst(%arg12 : memref<64x256xbf16, #tpu.memory_space<vmem>>)
          %dma_start3A = arith.constant 0 : i32
          %dma_start3A_191 = tpu.memref_slice %arg10[%sub3A_182, %dma_start3A] : memref<80x64xi32, #tpu.memory_space<vmem>> -> memref<1x64xi32, #tpu.memory_space<vmem>>
          %dma_start3A_192 = tpu.memref_squeeze %dma_start3A_191 : memref<1x64xi32, #tpu.memory_space<vmem>> -> memref<64xi32, #tpu.memory_space<vmem>>
          %dma_start3A_193 = arith.constant 0 : i32
          %dma_start3A_194 = arith.constant 0 : i32
          %dma_start3A_195 = tpu.memref_slice %arg15[%dma_start3A_193, %dma_start3A_194] : memref<10240x256xbf16, #tpu.memory_space<vmem_shared>> -> memref<10240x256xbf16, #tpu.memory_space<vmem_shared>>
          tpu.enqueue_indirect_dma source(%arg12 : memref<64x256xbf16, #tpu.memory_space<vmem>>) target(%dma_start3A_195 : memref<10240x256xbf16, #tpu.memory_space<vmem_shared>>) offsets(%dma_start3A_192 : memref<64xi32, #tpu.memory_space<vmem>>) semaphore(%arg21 : memref<!tpu.dma_semaphore, #tpu.memory_space<semaphore_mem>>) {add = true}
        } else {
        }
      }
      %scan3A_54 = arith.constant 22 : i32
      %dma_wait3A_55 = arith.constant 76 : i32
      %dma_wait3A_56 = arith.constant 0 : i32
      %dma_wait3A_57 = tpu.memref_slice %arg10[%dma_wait3A_55, %dma_wait3A_56] : memref<80x64xi32, #tpu.memory_space<vmem>> -> memref<1x64xi32, #tpu.memory_space<vmem>>
      %dma_wait3A_58 = tpu.memref_squeeze %dma_wait3A_57 : memref<1x64xi32, #tpu.memory_space<vmem>> -> memref<64xi32, #tpu.memory_space<vmem>>
      %dma_wait3A_59 = arith.constant 0 : i32
      %dma_wait3A_60 = arith.constant 0 : i32
      %dma_wait3A_61 = tpu.memref_slice %arg15[%dma_wait3A_59, %dma_wait3A_60] : memref<10240x256xbf16, #tpu.memory_space<vmem_shared>> -> memref<10240x256xbf16, #tpu.memory_space<vmem_shared>>
      tpu.wait_indirect_dma semaphore(%arg20 : memref<!tpu.dma_semaphore, #tpu.memory_space<semaphore_mem>>) src(%arg11 : memref<64x256xbf16, #tpu.memory_space<vmem>>) dst(%dma_wait3A_61 : memref<10240x256xbf16, #tpu.memory_space<vmem_shared>>)
      %dma_wait3A_62 = arith.constant 77 : i32
      %dma_wait3A_63 = arith.constant 0 : i32
      %dma_wait3A_64 = tpu.memref_slice %arg10[%dma_wait3A_62, %dma_wait3A_63] : memref<80x64xi32, #tpu.memory_space<vmem>> -> memref<1x64xi32, #tpu.memory_space<vmem>>
      %dma_wait3A_65 = tpu.memref_squeeze %dma_wait3A_64 : memref<1x64xi32, #tpu.memory_space<vmem>> -> memref<64xi32, #tpu.memory_space<vmem>>
      %dma_wait3A_66 = arith.constant 0 : i32
      %dma_wait3A_67 = arith.constant 0 : i32
      %dma_wait3A_68 = tpu.memref_slice %arg15[%dma_wait3A_66, %dma_wait3A_67] : memref<10240x256xbf16, #tpu.memory_space<vmem_shared>> -> memref<10240x256xbf16, #tpu.memory_space<vmem_shared>>
      tpu.wait_indirect_dma semaphore(%arg21 : memref<!tpu.dma_semaphore, #tpu.memory_space<semaphore_mem>>) src(%arg12 : memref<64x256xbf16, #tpu.memory_space<vmem>>) dst(%dma_wait3A_68 : memref<10240x256xbf16, #tpu.memory_space<vmem_shared>>)
      %dma_wait3A_69 = arith.constant 78 : i32
      %dma_wait3A_70 = arith.constant 0 : i32
      %dma_wait3A_71 = tpu.memref_slice %arg10[%dma_wait3A_69, %dma_wait3A_70] : memref<80x64xi32, #tpu.memory_space<vmem>> -> memref<1x64xi32, #tpu.memory_space<vmem>>
      %dma_wait3A_72 = tpu.memref_squeeze %dma_wait3A_71 : memref<1x64xi32, #tpu.memory_space<vmem>> -> memref<64xi32, #tpu.memory_space<vmem>>
      %dma_wait3A_73 = arith.constant 0 : i32
      %dma_wait3A_74 = arith.constant 0 : i32
      %dma_wait3A_75 = tpu.memref_slice %arg15[%dma_wait3A_73, %dma_wait3A_74] : memref<10240x256xbf16, #tpu.memory_space<vmem_shared>> -> memref<10240x256xbf16, #tpu.memory_space<vmem_shared>>
      tpu.wait_indirect_dma semaphore(%arg22 : memref<!tpu.dma_semaphore, #tpu.memory_space<semaphore_mem>>) src(%arg13 : memref<64x256xbf16, #tpu.memory_space<vmem>>) dst(%dma_wait3A_75 : memref<10240x256xbf16, #tpu.memory_space<vmem_shared>>)
      %dma_wait3A_76 = arith.constant 79 : i32
      %dma_wait3A_77 = arith.constant 0 : i32
      %dma_wait3A_78 = tpu.memref_slice %arg10[%dma_wait3A_76, %dma_wait3A_77] : memref<80x64xi32, #tpu.memory_space<vmem>> -> memref<1x64xi32, #tpu.memory_space<vmem>>
      %dma_wait3A_79 = tpu.memref_squeeze %dma_wait3A_78 : memref<1x64xi32, #tpu.memory_space<vmem>> -> memref<64xi32, #tpu.memory_space<vmem>>
      %dma_wait3A_80 = arith.constant 0 : i32
      %dma_wait3A_81 = arith.constant 0 : i32
      %dma_wait3A_82 = tpu.memref_slice %arg15[%dma_wait3A_80, %dma_wait3A_81] : memref<10240x256xbf16, #tpu.memory_space<vmem_shared>> -> memref<10240x256xbf16, #tpu.memory_space<vmem_shared>>
      tpu.wait_indirect_dma semaphore(%arg23 : memref<!tpu.dma_semaphore, #tpu.memory_space<semaphore_mem>>) src(%arg14 : memref<64x256xbf16, #tpu.memory_space<vmem>>) dst(%dma_wait3A_82 : memref<10240x256xbf16, #tpu.memory_space<vmem_shared>>)
      %barrier3A_83 = arith.constant 0 : index
      tpu.barrier barrier_id(%barrier3A_83)
      "tpu.region"() ({
        %run_scoped3A = tpu.sem_alloc : memref<!tpu.dma_semaphore, #tpu.memory_space<semaphore_mem>>
        %dma_start3A = arith.constant 0 : i32
        %dma_start3A_84 = tpu.memref_slice %arg8[%mul3A_0, %dma_start3A] : memref<10240x256xbf16, #tpu.memory_space<hbm>> -> memref<640x256xbf16, #tpu.memory_space<hbm>>
        %dma_start3A_85 = arith.constant 0 : i32
        %dma_start3A_86 = tpu.memref_slice %arg15[%mul3A_0, %dma_start3A_85] : memref<10240x256xbf16, #tpu.memory_space<vmem_shared>> -> memref<640x256xbf16, #tpu.memory_space<vmem_shared>>
        tpu.enqueue_dma source(%dma_start3A_86 : memref<640x256xbf16, #tpu.memory_space<vmem_shared>>) target(%dma_start3A_84 : memref<640x256xbf16, #tpu.memory_space<hbm>>) target_semaphore(%run_scoped3A : memref<!tpu.dma_semaphore, #tpu.memory_space<semaphore_mem>>)
        %dma_wait3A_87 = arith.constant 0 : i32
        %dma_wait3A_88 = tpu.memref_slice %arg8[%mul3A_0, %dma_wait3A_87] : memref<10240x256xbf16, #tpu.memory_space<hbm>> -> memref<640x256xbf16, #tpu.memory_space<hbm>>
        %dma_wait3A_89 = arith.constant 0 : i32
        %dma_wait3A_90 = tpu.memref_slice %arg15[%mul3A_0, %dma_wait3A_89] : memref<10240x256xbf16, #tpu.memory_space<vmem_shared>> -> memref<640x256xbf16, #tpu.memory_space<vmem_shared>>
        tpu.wait_dma2 semaphore(%run_scoped3A : memref<!tpu.dma_semaphore, #tpu.memory_space<semaphore_mem>>) src(%dma_wait3A_90 : memref<640x256xbf16, #tpu.memory_space<vmem_shared>>) dst(%dma_wait3A_88 : memref<640x256xbf16, #tpu.memory_space<hbm>>)
        tpu.yield
      }) : () -> ()
    } else {
    }
    return
  }
}

#map = affine_map<(d0, d1) -> (0, 0)>
#map1 = affine_map<(d0, d1) -> (0, 0, 0)>
module attributes {stable_mosaic.version = 14 : i64} {
  func.func @agg(%arg0: i32, %arg1: i32, %arg2: memref<10240x144xbf16, #tpu.memory_space<hbm>>, %arg3: memref<2560x64xi32, #tpu.memory_space<hbm>>, %arg4: memref<2560x64xi32, #tpu.memory_space<hbm>>, %arg5: memref<10240x144xbf16, #tpu.memory_space<hbm>>, %arg6: memref<2x10240x144xbf16, #tpu.memory_space<hbm>>, %arg7: memref<80x64xi32, #tpu.memory_space<vmem>>, %arg8: memref<40x64xi32, #tpu.memory_space<vmem>>, %arg9: memref<64x144xbf16, #tpu.memory_space<vmem>>, %arg10: memref<64x144xbf16, #tpu.memory_space<vmem>>, %arg11: memref<64x144xbf16, #tpu.memory_space<vmem>>, %arg12: memref<64x144xbf16, #tpu.memory_space<vmem>>, %arg13: memref<10240x144xbf16, #tpu.memory_space<vmem_shared>>, %arg14: memref<!tpu.dma_semaphore, #tpu.memory_space<semaphore_mem>>, %arg15: memref<!tpu.dma_semaphore, #tpu.memory_space<semaphore_mem>>, %arg16: memref<!tpu.dma_semaphore, #tpu.memory_space<semaphore_mem>>, %arg17: memref<!tpu.dma_semaphore, #tpu.memory_space<semaphore_mem>>, %arg18: memref<!tpu.dma_semaphore, #tpu.memory_space<semaphore_mem>>, %arg19: memref<!tpu.dma_semaphore, #tpu.memory_space<semaphore_mem>>, %arg20: memref<!tpu.dma_semaphore, #tpu.memory_space<semaphore_mem>>, %arg21: memref<!tpu.dma_semaphore, #tpu.memory_space<semaphore_mem>>) attributes {dimension_semantics = [#tpu.dimension_semantics<core_parallel>, #tpu.dimension_semantics<subcore_parallel>], iteration_bounds = array<i64: 2, 16>, scalar_prefetch = 0 : i64, scratch_operands = 15 : i64, tpu.core_type = #tpu.core_type<sc_vector_subcore>, window_params = [{transform_indices = #map}, {transform_indices = #map}, {transform_indices = #map}, {transform_indices = #map}, {transform_indices = #map1}]} {
    %mul3A = arith.constant 2 : i32
    %mul3A_0 = arith.muli %arg1, %mul3A : i32
    %add3A = arith.addi %mul3A_0, %arg0 : i32
    %mul3A_1 = arith.constant 640 : i32
    %mul3A_2 = arith.muli %arg1, %mul3A_1 : i32
    "tpu.region"() ({
      %run_scoped3A = tpu.sem_alloc : memref<!tpu.dma_semaphore, #tpu.memory_space<semaphore_mem>>
      %dma_start3A = arith.constant 0 : i32
      %dma_start3A_80 = tpu.memref_slice %arg13[%mul3A_2, %dma_start3A] : memref<10240x144xbf16, #tpu.memory_space<vmem_shared>> -> memref<640x144xbf16, #tpu.memory_space<vmem_shared>>
      %dma_start3A_81 = arith.constant 0 : i32
      %dma_start3A_82 = tpu.memref_slice %arg5[%mul3A_2, %dma_start3A_81] : memref<10240x144xbf16, #tpu.memory_space<hbm>> -> memref<640x144xbf16, #tpu.memory_space<hbm>>
      tpu.enqueue_dma source(%dma_start3A_82 : memref<640x144xbf16, #tpu.memory_space<hbm>>) target(%dma_start3A_80 : memref<640x144xbf16, #tpu.memory_space<vmem_shared>>) target_semaphore(%run_scoped3A : memref<!tpu.dma_semaphore, #tpu.memory_space<semaphore_mem>>)
      %dma_wait3A_83 = arith.constant 0 : i32
      %dma_wait3A_84 = tpu.memref_slice %arg13[%mul3A_2, %dma_wait3A_83] : memref<10240x144xbf16, #tpu.memory_space<vmem_shared>> -> memref<640x144xbf16, #tpu.memory_space<vmem_shared>>
      %dma_wait3A_85 = arith.constant 0 : i32
      %dma_wait3A_86 = tpu.memref_slice %arg5[%mul3A_2, %dma_wait3A_85] : memref<10240x144xbf16, #tpu.memory_space<hbm>> -> memref<640x144xbf16, #tpu.memory_space<hbm>>
      tpu.wait_dma2 semaphore(%run_scoped3A : memref<!tpu.dma_semaphore, #tpu.memory_space<semaphore_mem>>) src(%dma_wait3A_86 : memref<640x144xbf16, #tpu.memory_space<hbm>>) dst(%dma_wait3A_84 : memref<640x144xbf16, #tpu.memory_space<vmem_shared>>)
      tpu.yield
    }) : () -> ()
    %mul3A_3 = arith.constant 80 : i32
    %mul3A_4 = arith.muli %add3A, %mul3A_3 : i32
    "tpu.region"() ({
      %run_scoped3A = tpu.sem_alloc : memref<!tpu.dma_semaphore, #tpu.memory_space<semaphore_mem>>
      %dma_start3A = arith.constant 0 : i32
      %dma_start3A_80 = tpu.memref_slice %arg3[%mul3A_4, %dma_start3A] : memref<2560x64xi32, #tpu.memory_space<hbm>> -> memref<80x64xi32, #tpu.memory_space<hbm>>
      %dma_start3A_81 = arith.constant 0 : i32
      %dma_start3A_82 = tpu.memref_slice %arg3[%mul3A_4, %dma_start3A_81] : memref<2560x64xi32, #tpu.memory_space<hbm>> -> memref<80x64xi32, #tpu.memory_space<hbm>>
      tpu.enqueue_dma source(%dma_start3A_82 : memref<80x64xi32, #tpu.memory_space<hbm>>) target(%arg7 : memref<80x64xi32, #tpu.memory_space<vmem>>) target_semaphore(%run_scoped3A : memref<!tpu.dma_semaphore, #tpu.memory_space<semaphore_mem>>)
      %dma_wait3A_83 = arith.constant 0 : i32
      %dma_wait3A_84 = tpu.memref_slice %arg3[%mul3A_4, %dma_wait3A_83] : memref<2560x64xi32, #tpu.memory_space<hbm>> -> memref<80x64xi32, #tpu.memory_space<hbm>>
      %dma_wait3A_85 = arith.constant 0 : i32
      %dma_wait3A_86 = tpu.memref_slice %arg3[%mul3A_4, %dma_wait3A_85] : memref<2560x64xi32, #tpu.memory_space<hbm>> -> memref<80x64xi32, #tpu.memory_space<hbm>>
      tpu.wait_dma2 semaphore(%run_scoped3A : memref<!tpu.dma_semaphore, #tpu.memory_space<semaphore_mem>>) src(%dma_wait3A_86 : memref<80x64xi32, #tpu.memory_space<hbm>>) dst(%arg7 : memref<80x64xi32, #tpu.memory_space<vmem>>)
      tpu.yield
    }) : () -> ()
    %barrier3A = arith.constant 0 : index
    tpu.barrier barrier_id(%barrier3A)
    %mul3A_5 = arith.constant 80 : i32
    %mul3A_6 = arith.muli %add3A, %mul3A_5 : i32
    %add3A_7 = arith.constant 0 : i32
    %add3A_8 = arith.addi %mul3A_6, %add3A_7 : i32
    "tpu.region"() ({
      %run_scoped3A = tpu.sem_alloc : memref<!tpu.dma_semaphore, #tpu.memory_space<semaphore_mem>>
      %dma_start3A = arith.constant 0 : i32
      %dma_start3A_80 = tpu.memref_slice %arg4[%add3A_8, %dma_start3A] : memref<2560x64xi32, #tpu.memory_space<hbm>> -> memref<40x64xi32, #tpu.memory_space<hbm>>
      %dma_start3A_81 = arith.constant 0 : i32
      %dma_start3A_82 = tpu.memref_slice %arg4[%add3A_8, %dma_start3A_81] : memref<2560x64xi32, #tpu.memory_space<hbm>> -> memref<40x64xi32, #tpu.memory_space<hbm>>
      tpu.enqueue_dma source(%dma_start3A_82 : memref<40x64xi32, #tpu.memory_space<hbm>>) target(%arg8 : memref<40x64xi32, #tpu.memory_space<vmem>>) target_semaphore(%run_scoped3A : memref<!tpu.dma_semaphore, #tpu.memory_space<semaphore_mem>>)
      %dma_wait3A_83 = arith.constant 0 : i32
      %dma_wait3A_84 = tpu.memref_slice %arg4[%add3A_8, %dma_wait3A_83] : memref<2560x64xi32, #tpu.memory_space<hbm>> -> memref<40x64xi32, #tpu.memory_space<hbm>>
      %dma_wait3A_85 = arith.constant 0 : i32
      %dma_wait3A_86 = tpu.memref_slice %arg4[%add3A_8, %dma_wait3A_85] : memref<2560x64xi32, #tpu.memory_space<hbm>> -> memref<40x64xi32, #tpu.memory_space<hbm>>
      tpu.wait_dma2 semaphore(%run_scoped3A : memref<!tpu.dma_semaphore, #tpu.memory_space<semaphore_mem>>) src(%dma_wait3A_86 : memref<40x64xi32, #tpu.memory_space<hbm>>) dst(%arg8 : memref<40x64xi32, #tpu.memory_space<vmem>>)
      tpu.yield
    }) : () -> ()
    %scan3A = arith.constant 0 : i32
    %scan3A_9 = arith.constant 0 : i32
    %scan3A_10 = arith.constant 12 : i32
    %scan3A_11 = arith.addi %scan3A_9, %scan3A_10 : i32
    %scan3A_12 = arith.constant 1 : i32
    scf.for %scan3A_80 = %scan3A_9 to %scan3A_11 step %scan3A_12  : i32 {
      %mul3A_81 = arith.constant 4 : i32
      %mul3A_82 = arith.muli %mul3A_81, %scan3A_80 : i32
      %add3A_83 = arith.constant 0 : i32
      %add3A_84 = arith.addi %mul3A_82, %add3A_83 : i32
      %ge3A = arith.constant 4 : i32
      %ge3A_85 = arith.cmpi sge, %add3A_84, %ge3A : i32
      %lt3A = arith.constant 40 : i32
      %lt3A_86 = arith.cmpi slt, %add3A_84, %lt3A : i32
      %and3A = arith.andi %ge3A_85, %lt3A_86 : i1
      %convert_element_type3A = arith.extui %and3A : i1 to i32
      %cond3A = arith.constant 0 : i32
      %cond3A_87 = arith.cmpi ne, %convert_element_type3A, %cond3A : i32
      scf.if %cond3A_87 {
        %sub3A = arith.constant 4 : i32
        %sub3A_176 = arith.subi %add3A_84, %sub3A : i32
        %dma_wait3A_177 = arith.constant 0 : i32
        %dma_wait3A_178 = tpu.memref_slice %arg8[%sub3A_176, %dma_wait3A_177] : memref<40x64xi32, #tpu.memory_space<vmem>> -> memref<1x64xi32, #tpu.memory_space<vmem>>
        %dma_wait3A_179 = tpu.memref_squeeze %dma_wait3A_178 : memref<1x64xi32, #tpu.memory_space<vmem>> -> memref<64xi32, #tpu.memory_space<vmem>>
        %dma_wait3A_180 = arith.constant 0 : i32
        %dma_wait3A_181 = arith.constant 0 : i32
        %dma_wait3A_182 = tpu.memref_slice %arg13[%dma_wait3A_180, %dma_wait3A_181] : memref<10240x144xbf16, #tpu.memory_space<vmem_shared>> -> memref<10240x144xbf16, #tpu.memory_space<vmem_shared>>
        tpu.wait_indirect_dma semaphore(%arg18 : memref<!tpu.dma_semaphore, #tpu.memory_space<semaphore_mem>>) src(%arg9 : memref<64x144xbf16, #tpu.memory_space<vmem>>) dst(%dma_wait3A_182 : memref<10240x144xbf16, #tpu.memory_space<vmem_shared>>)
      } else {
      }
      %lt3A_88 = arith.constant 40 : i32
      %lt3A_89 = arith.cmpi slt, %add3A_84, %lt3A_88 : i32
      %convert_element_type3A_90 = arith.extui %lt3A_89 : i1 to i32
      %cond3A_91 = arith.constant 0 : i32
      %cond3A_92 = arith.cmpi ne, %convert_element_type3A_90, %cond3A_91 : i32
      scf.if %cond3A_92 {
        %add3A_176 = arith.constant 0 : i32
        %add3A_177 = arith.addi %add3A_176, %add3A_84 : i32
        %dma_start3A = arith.constant 0 : i32
        %dma_start3A_178 = tpu.memref_slice %arg7[%add3A_177, %dma_start3A] : memref<80x64xi32, #tpu.memory_space<vmem>> -> memref<1x64xi32, #tpu.memory_space<vmem>>
        %dma_start3A_179 = tpu.memref_squeeze %dma_start3A_178 : memref<1x64xi32, #tpu.memory_space<vmem>> -> memref<64xi32, #tpu.memory_space<vmem>>
        %dma_start3A_180 = arith.constant 0 : i32
        %dma_start3A_181 = arith.constant 0 : i32
        %dma_start3A_182 = tpu.memref_slice %arg2[%dma_start3A_180, %dma_start3A_181] : memref<10240x144xbf16, #tpu.memory_space<hbm>> -> memref<10240x144xbf16, #tpu.memory_space<hbm>>
        tpu.enqueue_indirect_dma source(%dma_start3A_182 : memref<10240x144xbf16, #tpu.memory_space<hbm>>) target(%arg9 : memref<64x144xbf16, #tpu.memory_space<vmem>>) offsets(%dma_start3A_179 : memref<64xi32, #tpu.memory_space<vmem>>) semaphore(%arg14 : memref<!tpu.dma_semaphore, #tpu.memory_space<semaphore_mem>>)
      } else {
      }
      %ge3A_93 = arith.constant 2 : i32
      %ge3A_94 = arith.cmpi sge, %add3A_84, %ge3A_93 : i32
      %lt3A_95 = arith.constant 42 : i32
      %lt3A_96 = arith.cmpi slt, %add3A_84, %lt3A_95 : i32
      %and3A_97 = arith.andi %ge3A_94, %lt3A_96 : i1
      %convert_element_type3A_98 = arith.extui %and3A_97 : i1 to i32
      %cond3A_99 = arith.constant 0 : i32
      %cond3A_100 = arith.cmpi ne, %convert_element_type3A_98, %cond3A_99 : i32
      scf.if %cond3A_100 {
        %sub3A = arith.constant 2 : i32
        %sub3A_176 = arith.subi %add3A_84, %sub3A : i32
        %add3A_177 = arith.constant 0 : i32
        %add3A_178 = arith.addi %add3A_177, %sub3A_176 : i32
        %dma_wait3A_179 = arith.constant 0 : i32
        %dma_wait3A_180 = tpu.memref_slice %arg7[%add3A_178, %dma_wait3A_179] : memref<80x64xi32, #tpu.memory_space<vmem>> -> memref<1x64xi32, #tpu.memory_space<vmem>>
        %dma_wait3A_181 = tpu.memref_squeeze %dma_wait3A_180 : memref<1x64xi32, #tpu.memory_space<vmem>> -> memref<64xi32, #tpu.memory_space<vmem>>
        %dma_wait3A_182 = arith.constant 0 : i32
        %dma_wait3A_183 = arith.constant 0 : i32
        %dma_wait3A_184 = tpu.memref_slice %arg2[%dma_wait3A_182, %dma_wait3A_183] : memref<10240x144xbf16, #tpu.memory_space<hbm>> -> memref<10240x144xbf16, #tpu.memory_space<hbm>>
        tpu.wait_indirect_dma semaphore(%arg16 : memref<!tpu.dma_semaphore, #tpu.memory_space<semaphore_mem>>) src(%dma_wait3A_184 : memref<10240x144xbf16, #tpu.memory_space<hbm>>) dst(%arg11 : memref<64x144xbf16, #tpu.memory_space<vmem>>)
        %dma_start3A = arith.constant 0 : i32
        %dma_start3A_185 = tpu.memref_slice %arg8[%sub3A_176, %dma_start3A] : memref<40x64xi32, #tpu.memory_space<vmem>> -> memref<1x64xi32, #tpu.memory_space<vmem>>
        %dma_start3A_186 = tpu.memref_squeeze %dma_start3A_185 : memref<1x64xi32, #tpu.memory_space<vmem>> -> memref<64xi32, #tpu.memory_space<vmem>>
        %dma_start3A_187 = arith.constant 0 : i32
        %dma_start3A_188 = arith.constant 0 : i32
        %dma_start3A_189 = tpu.memref_slice %arg13[%dma_start3A_187, %dma_start3A_188] : memref<10240x144xbf16, #tpu.memory_space<vmem_shared>> -> memref<10240x144xbf16, #tpu.memory_space<vmem_shared>>
        tpu.enqueue_indirect_dma source(%arg11 : memref<64x144xbf16, #tpu.memory_space<vmem>>) target(%dma_start3A_189 : memref<10240x144xbf16, #tpu.memory_space<vmem_shared>>) offsets(%dma_start3A_186 : memref<64xi32, #tpu.memory_space<vmem>>) semaphore(%arg20 : memref<!tpu.dma_semaphore, #tpu.memory_space<semaphore_mem>>) {add = true}
      } else {
      }
      %mul3A_101 = arith.constant 4 : i32
      %mul3A_102 = arith.muli %mul3A_101, %scan3A_80 : i32
      %add3A_103 = arith.constant 1 : i32
      %add3A_104 = arith.addi %mul3A_102, %add3A_103 : i32
      %ge3A_105 = arith.constant 4 : i32
      %ge3A_106 = arith.cmpi sge, %add3A_104, %ge3A_105 : i32
      %lt3A_107 = arith.constant 40 : i32
      %lt3A_108 = arith.cmpi slt, %add3A_104, %lt3A_107 : i32
      %and3A_109 = arith.andi %ge3A_106, %lt3A_108 : i1
      %convert_element_type3A_110 = arith.extui %and3A_109 : i1 to i32
      %cond3A_111 = arith.constant 0 : i32
      %cond3A_112 = arith.cmpi ne, %convert_element_type3A_110, %cond3A_111 : i32
      scf.if %cond3A_112 {
        %sub3A = arith.constant 4 : i32
        %sub3A_176 = arith.subi %add3A_104, %sub3A : i32
        %dma_wait3A_177 = arith.constant 0 : i32
        %dma_wait3A_178 = tpu.memref_slice %arg8[%sub3A_176, %dma_wait3A_177] : memref<40x64xi32, #tpu.memory_space<vmem>> -> memref<1x64xi32, #tpu.memory_space<vmem>>
        %dma_wait3A_179 = tpu.memref_squeeze %dma_wait3A_178 : memref<1x64xi32, #tpu.memory_space<vmem>> -> memref<64xi32, #tpu.memory_space<vmem>>
        %dma_wait3A_180 = arith.constant 0 : i32
        %dma_wait3A_181 = arith.constant 0 : i32
        %dma_wait3A_182 = tpu.memref_slice %arg13[%dma_wait3A_180, %dma_wait3A_181] : memref<10240x144xbf16, #tpu.memory_space<vmem_shared>> -> memref<10240x144xbf16, #tpu.memory_space<vmem_shared>>
        tpu.wait_indirect_dma semaphore(%arg19 : memref<!tpu.dma_semaphore, #tpu.memory_space<semaphore_mem>>) src(%arg10 : memref<64x144xbf16, #tpu.memory_space<vmem>>) dst(%dma_wait3A_182 : memref<10240x144xbf16, #tpu.memory_space<vmem_shared>>)
      } else {
      }
      %lt3A_113 = arith.constant 40 : i32
      %lt3A_114 = arith.cmpi slt, %add3A_104, %lt3A_113 : i32
      %convert_element_type3A_115 = arith.extui %lt3A_114 : i1 to i32
      %cond3A_116 = arith.constant 0 : i32
      %cond3A_117 = arith.cmpi ne, %convert_element_type3A_115, %cond3A_116 : i32
      scf.if %cond3A_117 {
        %add3A_176 = arith.constant 0 : i32
        %add3A_177 = arith.addi %add3A_176, %add3A_104 : i32
        %dma_start3A = arith.constant 0 : i32
        %dma_start3A_178 = tpu.memref_slice %arg7[%add3A_177, %dma_start3A] : memref<80x64xi32, #tpu.memory_space<vmem>> -> memref<1x64xi32, #tpu.memory_space<vmem>>
        %dma_start3A_179 = tpu.memref_squeeze %dma_start3A_178 : memref<1x64xi32, #tpu.memory_space<vmem>> -> memref<64xi32, #tpu.memory_space<vmem>>
        %dma_start3A_180 = arith.constant 0 : i32
        %dma_start3A_181 = arith.constant 0 : i32
        %dma_start3A_182 = tpu.memref_slice %arg2[%dma_start3A_180, %dma_start3A_181] : memref<10240x144xbf16, #tpu.memory_space<hbm>> -> memref<10240x144xbf16, #tpu.memory_space<hbm>>
        tpu.enqueue_indirect_dma source(%dma_start3A_182 : memref<10240x144xbf16, #tpu.memory_space<hbm>>) target(%arg10 : memref<64x144xbf16, #tpu.memory_space<vmem>>) offsets(%dma_start3A_179 : memref<64xi32, #tpu.memory_space<vmem>>) semaphore(%arg15 : memref<!tpu.dma_semaphore, #tpu.memory_space<semaphore_mem>>)
      } else {
      }
      %ge3A_118 = arith.constant 2 : i32
      %ge3A_119 = arith.cmpi sge, %add3A_104, %ge3A_118 : i32
      %lt3A_120 = arith.constant 42 : i32
      %lt3A_121 = arith.cmpi slt, %add3A_104, %lt3A_120 : i32
      %and3A_122 = arith.andi %ge3A_119, %lt3A_121 : i1
      %convert_element_type3A_123 = arith.extui %and3A_122 : i1 to i32
      %cond3A_124 = arith.constant 0 : i32
      %cond3A_125 = arith.cmpi ne, %convert_element_type3A_123, %cond3A_124 : i32
      scf.if %cond3A_125 {
        %sub3A = arith.constant 2 : i32
        %sub3A_176 = arith.subi %add3A_104, %sub3A : i32
        %add3A_177 = arith.constant 0 : i32
        %add3A_178 = arith.addi %add3A_177, %sub3A_176 : i32
        %dma_wait3A_179 = arith.constant 0 : i32
        %dma_wait3A_180 = tpu.memref_slice %arg7[%add3A_178, %dma_wait3A_179] : memref<80x64xi32, #tpu.memory_space<vmem>> -> memref<1x64xi32, #tpu.memory_space<vmem>>
        %dma_wait3A_181 = tpu.memref_squeeze %dma_wait3A_180 : memref<1x64xi32, #tpu.memory_space<vmem>> -> memref<64xi32, #tpu.memory_space<vmem>>
        %dma_wait3A_182 = arith.constant 0 : i32
        %dma_wait3A_183 = arith.constant 0 : i32
        %dma_wait3A_184 = tpu.memref_slice %arg2[%dma_wait3A_182, %dma_wait3A_183] : memref<10240x144xbf16, #tpu.memory_space<hbm>> -> memref<10240x144xbf16, #tpu.memory_space<hbm>>
        tpu.wait_indirect_dma semaphore(%arg17 : memref<!tpu.dma_semaphore, #tpu.memory_space<semaphore_mem>>) src(%dma_wait3A_184 : memref<10240x144xbf16, #tpu.memory_space<hbm>>) dst(%arg12 : memref<64x144xbf16, #tpu.memory_space<vmem>>)
        %dma_start3A = arith.constant 0 : i32
        %dma_start3A_185 = tpu.memref_slice %arg8[%sub3A_176, %dma_start3A] : memref<40x64xi32, #tpu.memory_space<vmem>> -> memref<1x64xi32, #tpu.memory_space<vmem>>
        %dma_start3A_186 = tpu.memref_squeeze %dma_start3A_185 : memref<1x64xi32, #tpu.memory_space<vmem>> -> memref<64xi32, #tpu.memory_space<vmem>>
        %dma_start3A_187 = arith.constant 0 : i32
        %dma_start3A_188 = arith.constant 0 : i32
        %dma_start3A_189 = tpu.memref_slice %arg13[%dma_start3A_187, %dma_start3A_188] : memref<10240x144xbf16, #tpu.memory_space<vmem_shared>> -> memref<10240x144xbf16, #tpu.memory_space<vmem_shared>>
        tpu.enqueue_indirect_dma source(%arg12 : memref<64x144xbf16, #tpu.memory_space<vmem>>) target(%dma_start3A_189 : memref<10240x144xbf16, #tpu.memory_space<vmem_shared>>) offsets(%dma_start3A_186 : memref<64xi32, #tpu.memory_space<vmem>>) semaphore(%arg21 : memref<!tpu.dma_semaphore, #tpu.memory_space<semaphore_mem>>) {add = true}
      } else {
      }
      %mul3A_126 = arith.constant 4 : i32
      %mul3A_127 = arith.muli %mul3A_126, %scan3A_80 : i32
      %add3A_128 = arith.constant 2 : i32
      %add3A_129 = arith.addi %mul3A_127, %add3A_128 : i32
      %ge3A_130 = arith.constant 4 : i32
      %ge3A_131 = arith.cmpi sge, %add3A_129, %ge3A_130 : i32
      %lt3A_132 = arith.constant 40 : i32
      %lt3A_133 = arith.cmpi slt, %add3A_129, %lt3A_132 : i32
      %and3A_134 = arith.andi %ge3A_131, %lt3A_133 : i1
      %convert_element_type3A_135 = arith.extui %and3A_134 : i1 to i32
      %cond3A_136 = arith.constant 0 : i32
      %cond3A_137 = arith.cmpi ne, %convert_element_type3A_135, %cond3A_136 : i32
      scf.if %cond3A_137 {
        %sub3A = arith.constant 4 : i32
        %sub3A_176 = arith.subi %add3A_129, %sub3A : i32
        %dma_wait3A_177 = arith.constant 0 : i32
        %dma_wait3A_178 = tpu.memref_slice %arg8[%sub3A_176, %dma_wait3A_177] : memref<40x64xi32, #tpu.memory_space<vmem>> -> memref<1x64xi32, #tpu.memory_space<vmem>>
        %dma_wait3A_179 = tpu.memref_squeeze %dma_wait3A_178 : memref<1x64xi32, #tpu.memory_space<vmem>> -> memref<64xi32, #tpu.memory_space<vmem>>
        %dma_wait3A_180 = arith.constant 0 : i32
        %dma_wait3A_181 = arith.constant 0 : i32
        %dma_wait3A_182 = tpu.memref_slice %arg13[%dma_wait3A_180, %dma_wait3A_181] : memref<10240x144xbf16, #tpu.memory_space<vmem_shared>> -> memref<10240x144xbf16, #tpu.memory_space<vmem_shared>>
        tpu.wait_indirect_dma semaphore(%arg20 : memref<!tpu.dma_semaphore, #tpu.memory_space<semaphore_mem>>) src(%arg11 : memref<64x144xbf16, #tpu.memory_space<vmem>>) dst(%dma_wait3A_182 : memref<10240x144xbf16, #tpu.memory_space<vmem_shared>>)
      } else {
      }
      %lt3A_138 = arith.constant 40 : i32
      %lt3A_139 = arith.cmpi slt, %add3A_129, %lt3A_138 : i32
      %convert_element_type3A_140 = arith.extui %lt3A_139 : i1 to i32
      %cond3A_141 = arith.constant 0 : i32
      %cond3A_142 = arith.cmpi ne, %convert_element_type3A_140, %cond3A_141 : i32
      scf.if %cond3A_142 {
        %add3A_176 = arith.constant 0 : i32
        %add3A_177 = arith.addi %add3A_176, %add3A_129 : i32
        %dma_start3A = arith.constant 0 : i32
        %dma_start3A_178 = tpu.memref_slice %arg7[%add3A_177, %dma_start3A] : memref<80x64xi32, #tpu.memory_space<vmem>> -> memref<1x64xi32, #tpu.memory_space<vmem>>
        %dma_start3A_179 = tpu.memref_squeeze %dma_start3A_178 : memref<1x64xi32, #tpu.memory_space<vmem>> -> memref<64xi32, #tpu.memory_space<vmem>>
        %dma_start3A_180 = arith.constant 0 : i32
        %dma_start3A_181 = arith.constant 0 : i32
        %dma_start3A_182 = tpu.memref_slice %arg2[%dma_start3A_180, %dma_start3A_181] : memref<10240x144xbf16, #tpu.memory_space<hbm>> -> memref<10240x144xbf16, #tpu.memory_space<hbm>>
        tpu.enqueue_indirect_dma source(%dma_start3A_182 : memref<10240x144xbf16, #tpu.memory_space<hbm>>) target(%arg11 : memref<64x144xbf16, #tpu.memory_space<vmem>>) offsets(%dma_start3A_179 : memref<64xi32, #tpu.memory_space<vmem>>) semaphore(%arg16 : memref<!tpu.dma_semaphore, #tpu.memory_space<semaphore_mem>>)
      } else {
      }
      %ge3A_143 = arith.constant 2 : i32
      %ge3A_144 = arith.cmpi sge, %add3A_129, %ge3A_143 : i32
      %lt3A_145 = arith.constant 42 : i32
      %lt3A_146 = arith.cmpi slt, %add3A_129, %lt3A_145 : i32
      %and3A_147 = arith.andi %ge3A_144, %lt3A_146 : i1
      %convert_element_type3A_148 = arith.extui %and3A_147 : i1 to i32
      %cond3A_149 = arith.constant 0 : i32
      %cond3A_150 = arith.cmpi ne, %convert_element_type3A_148, %cond3A_149 : i32
      scf.if %cond3A_150 {
        %sub3A = arith.constant 2 : i32
        %sub3A_176 = arith.subi %add3A_129, %sub3A : i32
        %add3A_177 = arith.constant 0 : i32
        %add3A_178 = arith.addi %add3A_177, %sub3A_176 : i32
        %dma_wait3A_179 = arith.constant 0 : i32
        %dma_wait3A_180 = tpu.memref_slice %arg7[%add3A_178, %dma_wait3A_179] : memref<80x64xi32, #tpu.memory_space<vmem>> -> memref<1x64xi32, #tpu.memory_space<vmem>>
        %dma_wait3A_181 = tpu.memref_squeeze %dma_wait3A_180 : memref<1x64xi32, #tpu.memory_space<vmem>> -> memref<64xi32, #tpu.memory_space<vmem>>
        %dma_wait3A_182 = arith.constant 0 : i32
        %dma_wait3A_183 = arith.constant 0 : i32
        %dma_wait3A_184 = tpu.memref_slice %arg2[%dma_wait3A_182, %dma_wait3A_183] : memref<10240x144xbf16, #tpu.memory_space<hbm>> -> memref<10240x144xbf16, #tpu.memory_space<hbm>>
        tpu.wait_indirect_dma semaphore(%arg14 : memref<!tpu.dma_semaphore, #tpu.memory_space<semaphore_mem>>) src(%dma_wait3A_184 : memref<10240x144xbf16, #tpu.memory_space<hbm>>) dst(%arg9 : memref<64x144xbf16, #tpu.memory_space<vmem>>)
        %dma_start3A = arith.constant 0 : i32
        %dma_start3A_185 = tpu.memref_slice %arg8[%sub3A_176, %dma_start3A] : memref<40x64xi32, #tpu.memory_space<vmem>> -> memref<1x64xi32, #tpu.memory_space<vmem>>
        %dma_start3A_186 = tpu.memref_squeeze %dma_start3A_185 : memref<1x64xi32, #tpu.memory_space<vmem>> -> memref<64xi32, #tpu.memory_space<vmem>>
        %dma_start3A_187 = arith.constant 0 : i32
        %dma_start3A_188 = arith.constant 0 : i32
        %dma_start3A_189 = tpu.memref_slice %arg13[%dma_start3A_187, %dma_start3A_188] : memref<10240x144xbf16, #tpu.memory_space<vmem_shared>> -> memref<10240x144xbf16, #tpu.memory_space<vmem_shared>>
        tpu.enqueue_indirect_dma source(%arg9 : memref<64x144xbf16, #tpu.memory_space<vmem>>) target(%dma_start3A_189 : memref<10240x144xbf16, #tpu.memory_space<vmem_shared>>) offsets(%dma_start3A_186 : memref<64xi32, #tpu.memory_space<vmem>>) semaphore(%arg18 : memref<!tpu.dma_semaphore, #tpu.memory_space<semaphore_mem>>) {add = true}
      } else {
      }
      %mul3A_151 = arith.constant 4 : i32
      %mul3A_152 = arith.muli %mul3A_151, %scan3A_80 : i32
      %add3A_153 = arith.constant 3 : i32
      %add3A_154 = arith.addi %mul3A_152, %add3A_153 : i32
      %ge3A_155 = arith.constant 4 : i32
      %ge3A_156 = arith.cmpi sge, %add3A_154, %ge3A_155 : i32
      %lt3A_157 = arith.constant 40 : i32
      %lt3A_158 = arith.cmpi slt, %add3A_154, %lt3A_157 : i32
      %and3A_159 = arith.andi %ge3A_156, %lt3A_158 : i1
      %convert_element_type3A_160 = arith.extui %and3A_159 : i1 to i32
      %cond3A_161 = arith.constant 0 : i32
      %cond3A_162 = arith.cmpi ne, %convert_element_type3A_160, %cond3A_161 : i32
      scf.if %cond3A_162 {
        %sub3A = arith.constant 4 : i32
        %sub3A_176 = arith.subi %add3A_154, %sub3A : i32
        %dma_wait3A_177 = arith.constant 0 : i32
        %dma_wait3A_178 = tpu.memref_slice %arg8[%sub3A_176, %dma_wait3A_177] : memref<40x64xi32, #tpu.memory_space<vmem>> -> memref<1x64xi32, #tpu.memory_space<vmem>>
        %dma_wait3A_179 = tpu.memref_squeeze %dma_wait3A_178 : memref<1x64xi32, #tpu.memory_space<vmem>> -> memref<64xi32, #tpu.memory_space<vmem>>
        %dma_wait3A_180 = arith.constant 0 : i32
        %dma_wait3A_181 = arith.constant 0 : i32
        %dma_wait3A_182 = tpu.memref_slice %arg13[%dma_wait3A_180, %dma_wait3A_181] : memref<10240x144xbf16, #tpu.memory_space<vmem_shared>> -> memref<10240x144xbf16, #tpu.memory_space<vmem_shared>>
        tpu.wait_indirect_dma semaphore(%arg21 : memref<!tpu.dma_semaphore, #tpu.memory_space<semaphore_mem>>) src(%arg12 : memref<64x144xbf16, #tpu.memory_space<vmem>>) dst(%dma_wait3A_182 : memref<10240x144xbf16, #tpu.memory_space<vmem_shared>>)
      } else {
      }
      %lt3A_163 = arith.constant 40 : i32
      %lt3A_164 = arith.cmpi slt, %add3A_154, %lt3A_163 : i32
      %convert_element_type3A_165 = arith.extui %lt3A_164 : i1 to i32
      %cond3A_166 = arith.constant 0 : i32
      %cond3A_167 = arith.cmpi ne, %convert_element_type3A_165, %cond3A_166 : i32
      scf.if %cond3A_167 {
        %add3A_176 = arith.constant 0 : i32
        %add3A_177 = arith.addi %add3A_176, %add3A_154 : i32
        %dma_start3A = arith.constant 0 : i32
        %dma_start3A_178 = tpu.memref_slice %arg7[%add3A_177, %dma_start3A] : memref<80x64xi32, #tpu.memory_space<vmem>> -> memref<1x64xi32, #tpu.memory_space<vmem>>
        %dma_start3A_179 = tpu.memref_squeeze %dma_start3A_178 : memref<1x64xi32, #tpu.memory_space<vmem>> -> memref<64xi32, #tpu.memory_space<vmem>>
        %dma_start3A_180 = arith.constant 0 : i32
        %dma_start3A_181 = arith.constant 0 : i32
        %dma_start3A_182 = tpu.memref_slice %arg2[%dma_start3A_180, %dma_start3A_181] : memref<10240x144xbf16, #tpu.memory_space<hbm>> -> memref<10240x144xbf16, #tpu.memory_space<hbm>>
        tpu.enqueue_indirect_dma source(%dma_start3A_182 : memref<10240x144xbf16, #tpu.memory_space<hbm>>) target(%arg12 : memref<64x144xbf16, #tpu.memory_space<vmem>>) offsets(%dma_start3A_179 : memref<64xi32, #tpu.memory_space<vmem>>) semaphore(%arg17 : memref<!tpu.dma_semaphore, #tpu.memory_space<semaphore_mem>>)
      } else {
      }
      %ge3A_168 = arith.constant 2 : i32
      %ge3A_169 = arith.cmpi sge, %add3A_154, %ge3A_168 : i32
      %lt3A_170 = arith.constant 42 : i32
      %lt3A_171 = arith.cmpi slt, %add3A_154, %lt3A_170 : i32
      %and3A_172 = arith.andi %ge3A_169, %lt3A_171 : i1
      %convert_element_type3A_173 = arith.extui %and3A_172 : i1 to i32
      %cond3A_174 = arith.constant 0 : i32
      %cond3A_175 = arith.cmpi ne, %convert_element_type3A_173, %cond3A_174 : i32
      scf.if %cond3A_175 {
        %sub3A = arith.constant 2 : i32
        %sub3A_176 = arith.subi %add3A_154, %sub3A : i32
        %add3A_177 = arith.constant 0 : i32
        %add3A_178 = arith.addi %add3A_177, %sub3A_176 : i32
        %dma_wait3A_179 = arith.constant 0 : i32
        %dma_wait3A_180 = tpu.memref_slice %arg7[%add3A_178, %dma_wait3A_179] : memref<80x64xi32, #tpu.memory_space<vmem>> -> memref<1x64xi32, #tpu.memory_space<vmem>>
        %dma_wait3A_181 = tpu.memref_squeeze %dma_wait3A_180 : memref<1x64xi32, #tpu.memory_space<vmem>> -> memref<64xi32, #tpu.memory_space<vmem>>
        %dma_wait3A_182 = arith.constant 0 : i32
        %dma_wait3A_183 = arith.constant 0 : i32
        %dma_wait3A_184 = tpu.memref_slice %arg2[%dma_wait3A_182, %dma_wait3A_183] : memref<10240x144xbf16, #tpu.memory_space<hbm>> -> memref<10240x144xbf16, #tpu.memory_space<hbm>>
        tpu.wait_indirect_dma semaphore(%arg15 : memref<!tpu.dma_semaphore, #tpu.memory_space<semaphore_mem>>) src(%dma_wait3A_184 : memref<10240x144xbf16, #tpu.memory_space<hbm>>) dst(%arg10 : memref<64x144xbf16, #tpu.memory_space<vmem>>)
        %dma_start3A = arith.constant 0 : i32
        %dma_start3A_185 = tpu.memref_slice %arg8[%sub3A_176, %dma_start3A] : memref<40x64xi32, #tpu.memory_space<vmem>> -> memref<1x64xi32, #tpu.memory_space<vmem>>
        %dma_start3A_186 = tpu.memref_squeeze %dma_start3A_185 : memref<1x64xi32, #tpu.memory_space<vmem>> -> memref<64xi32, #tpu.memory_space<vmem>>
        %dma_start3A_187 = arith.constant 0 : i32
        %dma_start3A_188 = arith.constant 0 : i32
        %dma_start3A_189 = tpu.memref_slice %arg13[%dma_start3A_187, %dma_start3A_188] : memref<10240x144xbf16, #tpu.memory_space<vmem_shared>> -> memref<10240x144xbf16, #tpu.memory_space<vmem_shared>>
        tpu.enqueue_indirect_dma source(%arg10 : memref<64x144xbf16, #tpu.memory_space<vmem>>) target(%dma_start3A_189 : memref<10240x144xbf16, #tpu.memory_space<vmem_shared>>) offsets(%dma_start3A_186 : memref<64xi32, #tpu.memory_space<vmem>>) semaphore(%arg19 : memref<!tpu.dma_semaphore, #tpu.memory_space<semaphore_mem>>) {add = true}
      } else {
      }
    }
    %scan3A_13 = arith.constant 12 : i32
    %dma_wait3A = arith.constant 36 : i32
    %dma_wait3A_14 = arith.constant 0 : i32
    %dma_wait3A_15 = tpu.memref_slice %arg8[%dma_wait3A, %dma_wait3A_14] : memref<40x64xi32, #tpu.memory_space<vmem>> -> memref<1x64xi32, #tpu.memory_space<vmem>>
    %dma_wait3A_16 = tpu.memref_squeeze %dma_wait3A_15 : memref<1x64xi32, #tpu.memory_space<vmem>> -> memref<64xi32, #tpu.memory_space<vmem>>
    %dma_wait3A_17 = arith.constant 0 : i32
    %dma_wait3A_18 = arith.constant 0 : i32
    %dma_wait3A_19 = tpu.memref_slice %arg13[%dma_wait3A_17, %dma_wait3A_18] : memref<10240x144xbf16, #tpu.memory_space<vmem_shared>> -> memref<10240x144xbf16, #tpu.memory_space<vmem_shared>>
    tpu.wait_indirect_dma semaphore(%arg18 : memref<!tpu.dma_semaphore, #tpu.memory_space<semaphore_mem>>) src(%arg9 : memref<64x144xbf16, #tpu.memory_space<vmem>>) dst(%dma_wait3A_19 : memref<10240x144xbf16, #tpu.memory_space<vmem_shared>>)
    %dma_wait3A_20 = arith.constant 37 : i32
    %dma_wait3A_21 = arith.constant 0 : i32
    %dma_wait3A_22 = tpu.memref_slice %arg8[%dma_wait3A_20, %dma_wait3A_21] : memref<40x64xi32, #tpu.memory_space<vmem>> -> memref<1x64xi32, #tpu.memory_space<vmem>>
    %dma_wait3A_23 = tpu.memref_squeeze %dma_wait3A_22 : memref<1x64xi32, #tpu.memory_space<vmem>> -> memref<64xi32, #tpu.memory_space<vmem>>
    %dma_wait3A_24 = arith.constant 0 : i32
    %dma_wait3A_25 = arith.constant 0 : i32
    %dma_wait3A_26 = tpu.memref_slice %arg13[%dma_wait3A_24, %dma_wait3A_25] : memref<10240x144xbf16, #tpu.memory_space<vmem_shared>> -> memref<10240x144xbf16, #tpu.memory_space<vmem_shared>>
    tpu.wait_indirect_dma semaphore(%arg19 : memref<!tpu.dma_semaphore, #tpu.memory_space<semaphore_mem>>) src(%arg10 : memref<64x144xbf16, #tpu.memory_space<vmem>>) dst(%dma_wait3A_26 : memref<10240x144xbf16, #tpu.memory_space<vmem_shared>>)
    %dma_wait3A_27 = arith.constant 38 : i32
    %dma_wait3A_28 = arith.constant 0 : i32
    %dma_wait3A_29 = tpu.memref_slice %arg8[%dma_wait3A_27, %dma_wait3A_28] : memref<40x64xi32, #tpu.memory_space<vmem>> -> memref<1x64xi32, #tpu.memory_space<vmem>>
    %dma_wait3A_30 = tpu.memref_squeeze %dma_wait3A_29 : memref<1x64xi32, #tpu.memory_space<vmem>> -> memref<64xi32, #tpu.memory_space<vmem>>
    %dma_wait3A_31 = arith.constant 0 : i32
    %dma_wait3A_32 = arith.constant 0 : i32
    %dma_wait3A_33 = tpu.memref_slice %arg13[%dma_wait3A_31, %dma_wait3A_32] : memref<10240x144xbf16, #tpu.memory_space<vmem_shared>> -> memref<10240x144xbf16, #tpu.memory_space<vmem_shared>>
    tpu.wait_indirect_dma semaphore(%arg20 : memref<!tpu.dma_semaphore, #tpu.memory_space<semaphore_mem>>) src(%arg11 : memref<64x144xbf16, #tpu.memory_space<vmem>>) dst(%dma_wait3A_33 : memref<10240x144xbf16, #tpu.memory_space<vmem_shared>>)
    %dma_wait3A_34 = arith.constant 39 : i32
    %dma_wait3A_35 = arith.constant 0 : i32
    %dma_wait3A_36 = tpu.memref_slice %arg8[%dma_wait3A_34, %dma_wait3A_35] : memref<40x64xi32, #tpu.memory_space<vmem>> -> memref<1x64xi32, #tpu.memory_space<vmem>>
    %dma_wait3A_37 = tpu.memref_squeeze %dma_wait3A_36 : memref<1x64xi32, #tpu.memory_space<vmem>> -> memref<64xi32, #tpu.memory_space<vmem>>
    %dma_wait3A_38 = arith.constant 0 : i32
    %dma_wait3A_39 = arith.constant 0 : i32
    %dma_wait3A_40 = tpu.memref_slice %arg13[%dma_wait3A_38, %dma_wait3A_39] : memref<10240x144xbf16, #tpu.memory_space<vmem_shared>> -> memref<10240x144xbf16, #tpu.memory_space<vmem_shared>>
    tpu.wait_indirect_dma semaphore(%arg21 : memref<!tpu.dma_semaphore, #tpu.memory_space<semaphore_mem>>) src(%arg12 : memref<64x144xbf16, #tpu.memory_space<vmem>>) dst(%dma_wait3A_40 : memref<10240x144xbf16, #tpu.memory_space<vmem_shared>>)
    %mul3A_41 = arith.constant 80 : i32
    %mul3A_42 = arith.muli %add3A, %mul3A_41 : i32
    %add3A_43 = arith.constant 40 : i32
    %add3A_44 = arith.addi %mul3A_42, %add3A_43 : i32
    "tpu.region"() ({
      %run_scoped3A = tpu.sem_alloc : memref<!tpu.dma_semaphore, #tpu.memory_space<semaphore_mem>>
      %dma_start3A = arith.constant 0 : i32
      %dma_start3A_80 = tpu.memref_slice %arg4[%add3A_44, %dma_start3A] : memref<2560x64xi32, #tpu.memory_space<hbm>> -> memref<40x64xi32, #tpu.memory_space<hbm>>
      %dma_start3A_81 = arith.constant 0 : i32
      %dma_start3A_82 = tpu.memref_slice %arg4[%add3A_44, %dma_start3A_81] : memref<2560x64xi32, #tpu.memory_space<hbm>> -> memref<40x64xi32, #tpu.memory_space<hbm>>
      tpu.enqueue_dma source(%dma_start3A_82 : memref<40x64xi32, #tpu.memory_space<hbm>>) target(%arg8 : memref<40x64xi32, #tpu.memory_space<vmem>>) target_semaphore(%run_scoped3A : memref<!tpu.dma_semaphore, #tpu.memory_space<semaphore_mem>>)
      %dma_wait3A_83 = arith.constant 0 : i32
      %dma_wait3A_84 = tpu.memref_slice %arg4[%add3A_44, %dma_wait3A_83] : memref<2560x64xi32, #tpu.memory_space<hbm>> -> memref<40x64xi32, #tpu.memory_space<hbm>>
      %dma_wait3A_85 = arith.constant 0 : i32
      %dma_wait3A_86 = tpu.memref_slice %arg4[%add3A_44, %dma_wait3A_85] : memref<2560x64xi32, #tpu.memory_space<hbm>> -> memref<40x64xi32, #tpu.memory_space<hbm>>
      tpu.wait_dma2 semaphore(%run_scoped3A : memref<!tpu.dma_semaphore, #tpu.memory_space<semaphore_mem>>) src(%dma_wait3A_86 : memref<40x64xi32, #tpu.memory_space<hbm>>) dst(%arg8 : memref<40x64xi32, #tpu.memory_space<vmem>>)
      tpu.yield
    }) : () -> ()
    %scan3A_45 = arith.constant 0 : i32
    %scan3A_46 = arith.constant 0 : i32
    %scan3A_47 = arith.constant 12 : i32
    %scan3A_48 = arith.addi %scan3A_46, %scan3A_47 : i32
    %scan3A_49 = arith.constant 1 : i32
    scf.for %scan3A_80 = %scan3A_46 to %scan3A_48 step %scan3A_49  : i32 {
      %mul3A_81 = arith.constant 4 : i32
      %mul3A_82 = arith.muli %mul3A_81, %scan3A_80 : i32
      %add3A_83 = arith.constant 0 : i32
      %add3A_84 = arith.addi %mul3A_82, %add3A_83 : i32
      %ge3A = arith.constant 4 : i32
      %ge3A_85 = arith.cmpi sge, %add3A_84, %ge3A : i32
      %lt3A = arith.constant 40 : i32
      %lt3A_86 = arith.cmpi slt, %add3A_84, %lt3A : i32
      %and3A = arith.andi %ge3A_85, %lt3A_86 : i1
      %convert_element_type3A = arith.extui %and3A : i1 to i32
      %cond3A = arith.constant 0 : i32
      %cond3A_87 = arith.cmpi ne, %convert_element_type3A, %cond3A : i32
      scf.if %cond3A_87 {
        %sub3A = arith.constant 4 : i32
        %sub3A_176 = arith.subi %add3A_84, %sub3A : i32
        %dma_wait3A_177 = arith.constant 0 : i32
        %dma_wait3A_178 = tpu.memref_slice %arg8[%sub3A_176, %dma_wait3A_177] : memref<40x64xi32, #tpu.memory_space<vmem>> -> memref<1x64xi32, #tpu.memory_space<vmem>>
        %dma_wait3A_179 = tpu.memref_squeeze %dma_wait3A_178 : memref<1x64xi32, #tpu.memory_space<vmem>> -> memref<64xi32, #tpu.memory_space<vmem>>
        %dma_wait3A_180 = arith.constant 0 : i32
        %dma_wait3A_181 = arith.constant 0 : i32
        %dma_wait3A_182 = tpu.memref_slice %arg13[%dma_wait3A_180, %dma_wait3A_181] : memref<10240x144xbf16, #tpu.memory_space<vmem_shared>> -> memref<10240x144xbf16, #tpu.memory_space<vmem_shared>>
        tpu.wait_indirect_dma semaphore(%arg18 : memref<!tpu.dma_semaphore, #tpu.memory_space<semaphore_mem>>) src(%arg9 : memref<64x144xbf16, #tpu.memory_space<vmem>>) dst(%dma_wait3A_182 : memref<10240x144xbf16, #tpu.memory_space<vmem_shared>>)
      } else {
      }
      %lt3A_88 = arith.constant 40 : i32
      %lt3A_89 = arith.cmpi slt, %add3A_84, %lt3A_88 : i32
      %convert_element_type3A_90 = arith.extui %lt3A_89 : i1 to i32
      %cond3A_91 = arith.constant 0 : i32
      %cond3A_92 = arith.cmpi ne, %convert_element_type3A_90, %cond3A_91 : i32
      scf.if %cond3A_92 {
        %add3A_176 = arith.constant 40 : i32
        %add3A_177 = arith.addi %add3A_176, %add3A_84 : i32
        %dma_start3A = arith.constant 0 : i32
        %dma_start3A_178 = tpu.memref_slice %arg7[%add3A_177, %dma_start3A] : memref<80x64xi32, #tpu.memory_space<vmem>> -> memref<1x64xi32, #tpu.memory_space<vmem>>
        %dma_start3A_179 = tpu.memref_squeeze %dma_start3A_178 : memref<1x64xi32, #tpu.memory_space<vmem>> -> memref<64xi32, #tpu.memory_space<vmem>>
        %dma_start3A_180 = arith.constant 0 : i32
        %dma_start3A_181 = arith.constant 0 : i32
        %dma_start3A_182 = tpu.memref_slice %arg2[%dma_start3A_180, %dma_start3A_181] : memref<10240x144xbf16, #tpu.memory_space<hbm>> -> memref<10240x144xbf16, #tpu.memory_space<hbm>>
        tpu.enqueue_indirect_dma source(%dma_start3A_182 : memref<10240x144xbf16, #tpu.memory_space<hbm>>) target(%arg9 : memref<64x144xbf16, #tpu.memory_space<vmem>>) offsets(%dma_start3A_179 : memref<64xi32, #tpu.memory_space<vmem>>) semaphore(%arg14 : memref<!tpu.dma_semaphore, #tpu.memory_space<semaphore_mem>>)
      } else {
      }
      %ge3A_93 = arith.constant 2 : i32
      %ge3A_94 = arith.cmpi sge, %add3A_84, %ge3A_93 : i32
      %lt3A_95 = arith.constant 42 : i32
      %lt3A_96 = arith.cmpi slt, %add3A_84, %lt3A_95 : i32
      %and3A_97 = arith.andi %ge3A_94, %lt3A_96 : i1
      %convert_element_type3A_98 = arith.extui %and3A_97 : i1 to i32
      %cond3A_99 = arith.constant 0 : i32
      %cond3A_100 = arith.cmpi ne, %convert_element_type3A_98, %cond3A_99 : i32
      scf.if %cond3A_100 {
        %sub3A = arith.constant 2 : i32
        %sub3A_176 = arith.subi %add3A_84, %sub3A : i32
        %add3A_177 = arith.constant 40 : i32
        %add3A_178 = arith.addi %add3A_177, %sub3A_176 : i32
        %dma_wait3A_179 = arith.constant 0 : i32
        %dma_wait3A_180 = tpu.memref_slice %arg7[%add3A_178, %dma_wait3A_179] : memref<80x64xi32, #tpu.memory_space<vmem>> -> memref<1x64xi32, #tpu.memory_space<vmem>>
        %dma_wait3A_181 = tpu.memref_squeeze %dma_wait3A_180 : memref<1x64xi32, #tpu.memory_space<vmem>> -> memref<64xi32, #tpu.memory_space<vmem>>
        %dma_wait3A_182 = arith.constant 0 : i32
        %dma_wait3A_183 = arith.constant 0 : i32
        %dma_wait3A_184 = tpu.memref_slice %arg2[%dma_wait3A_182, %dma_wait3A_183] : memref<10240x144xbf16, #tpu.memory_space<hbm>> -> memref<10240x144xbf16, #tpu.memory_space<hbm>>
        tpu.wait_indirect_dma semaphore(%arg16 : memref<!tpu.dma_semaphore, #tpu.memory_space<semaphore_mem>>) src(%dma_wait3A_184 : memref<10240x144xbf16, #tpu.memory_space<hbm>>) dst(%arg11 : memref<64x144xbf16, #tpu.memory_space<vmem>>)
        %dma_start3A = arith.constant 0 : i32
        %dma_start3A_185 = tpu.memref_slice %arg8[%sub3A_176, %dma_start3A] : memref<40x64xi32, #tpu.memory_space<vmem>> -> memref<1x64xi32, #tpu.memory_space<vmem>>
        %dma_start3A_186 = tpu.memref_squeeze %dma_start3A_185 : memref<1x64xi32, #tpu.memory_space<vmem>> -> memref<64xi32, #tpu.memory_space<vmem>>
        %dma_start3A_187 = arith.constant 0 : i32
        %dma_start3A_188 = arith.constant 0 : i32
        %dma_start3A_189 = tpu.memref_slice %arg13[%dma_start3A_187, %dma_start3A_188] : memref<10240x144xbf16, #tpu.memory_space<vmem_shared>> -> memref<10240x144xbf16, #tpu.memory_space<vmem_shared>>
        tpu.enqueue_indirect_dma source(%arg11 : memref<64x144xbf16, #tpu.memory_space<vmem>>) target(%dma_start3A_189 : memref<10240x144xbf16, #tpu.memory_space<vmem_shared>>) offsets(%dma_start3A_186 : memref<64xi32, #tpu.memory_space<vmem>>) semaphore(%arg20 : memref<!tpu.dma_semaphore, #tpu.memory_space<semaphore_mem>>) {add = true}
      } else {
      }
      %mul3A_101 = arith.constant 4 : i32
      %mul3A_102 = arith.muli %mul3A_101, %scan3A_80 : i32
      %add3A_103 = arith.constant 1 : i32
      %add3A_104 = arith.addi %mul3A_102, %add3A_103 : i32
      %ge3A_105 = arith.constant 4 : i32
      %ge3A_106 = arith.cmpi sge, %add3A_104, %ge3A_105 : i32
      %lt3A_107 = arith.constant 40 : i32
      %lt3A_108 = arith.cmpi slt, %add3A_104, %lt3A_107 : i32
      %and3A_109 = arith.andi %ge3A_106, %lt3A_108 : i1
      %convert_element_type3A_110 = arith.extui %and3A_109 : i1 to i32
      %cond3A_111 = arith.constant 0 : i32
      %cond3A_112 = arith.cmpi ne, %convert_element_type3A_110, %cond3A_111 : i32
      scf.if %cond3A_112 {
        %sub3A = arith.constant 4 : i32
        %sub3A_176 = arith.subi %add3A_104, %sub3A : i32
        %dma_wait3A_177 = arith.constant 0 : i32
        %dma_wait3A_178 = tpu.memref_slice %arg8[%sub3A_176, %dma_wait3A_177] : memref<40x64xi32, #tpu.memory_space<vmem>> -> memref<1x64xi32, #tpu.memory_space<vmem>>
        %dma_wait3A_179 = tpu.memref_squeeze %dma_wait3A_178 : memref<1x64xi32, #tpu.memory_space<vmem>> -> memref<64xi32, #tpu.memory_space<vmem>>
        %dma_wait3A_180 = arith.constant 0 : i32
        %dma_wait3A_181 = arith.constant 0 : i32
        %dma_wait3A_182 = tpu.memref_slice %arg13[%dma_wait3A_180, %dma_wait3A_181] : memref<10240x144xbf16, #tpu.memory_space<vmem_shared>> -> memref<10240x144xbf16, #tpu.memory_space<vmem_shared>>
        tpu.wait_indirect_dma semaphore(%arg19 : memref<!tpu.dma_semaphore, #tpu.memory_space<semaphore_mem>>) src(%arg10 : memref<64x144xbf16, #tpu.memory_space<vmem>>) dst(%dma_wait3A_182 : memref<10240x144xbf16, #tpu.memory_space<vmem_shared>>)
      } else {
      }
      %lt3A_113 = arith.constant 40 : i32
      %lt3A_114 = arith.cmpi slt, %add3A_104, %lt3A_113 : i32
      %convert_element_type3A_115 = arith.extui %lt3A_114 : i1 to i32
      %cond3A_116 = arith.constant 0 : i32
      %cond3A_117 = arith.cmpi ne, %convert_element_type3A_115, %cond3A_116 : i32
      scf.if %cond3A_117 {
        %add3A_176 = arith.constant 40 : i32
        %add3A_177 = arith.addi %add3A_176, %add3A_104 : i32
        %dma_start3A = arith.constant 0 : i32
        %dma_start3A_178 = tpu.memref_slice %arg7[%add3A_177, %dma_start3A] : memref<80x64xi32, #tpu.memory_space<vmem>> -> memref<1x64xi32, #tpu.memory_space<vmem>>
        %dma_start3A_179 = tpu.memref_squeeze %dma_start3A_178 : memref<1x64xi32, #tpu.memory_space<vmem>> -> memref<64xi32, #tpu.memory_space<vmem>>
        %dma_start3A_180 = arith.constant 0 : i32
        %dma_start3A_181 = arith.constant 0 : i32
        %dma_start3A_182 = tpu.memref_slice %arg2[%dma_start3A_180, %dma_start3A_181] : memref<10240x144xbf16, #tpu.memory_space<hbm>> -> memref<10240x144xbf16, #tpu.memory_space<hbm>>
        tpu.enqueue_indirect_dma source(%dma_start3A_182 : memref<10240x144xbf16, #tpu.memory_space<hbm>>) target(%arg10 : memref<64x144xbf16, #tpu.memory_space<vmem>>) offsets(%dma_start3A_179 : memref<64xi32, #tpu.memory_space<vmem>>) semaphore(%arg15 : memref<!tpu.dma_semaphore, #tpu.memory_space<semaphore_mem>>)
      } else {
      }
      %ge3A_118 = arith.constant 2 : i32
      %ge3A_119 = arith.cmpi sge, %add3A_104, %ge3A_118 : i32
      %lt3A_120 = arith.constant 42 : i32
      %lt3A_121 = arith.cmpi slt, %add3A_104, %lt3A_120 : i32
      %and3A_122 = arith.andi %ge3A_119, %lt3A_121 : i1
      %convert_element_type3A_123 = arith.extui %and3A_122 : i1 to i32
      %cond3A_124 = arith.constant 0 : i32
      %cond3A_125 = arith.cmpi ne, %convert_element_type3A_123, %cond3A_124 : i32
      scf.if %cond3A_125 {
        %sub3A = arith.constant 2 : i32
        %sub3A_176 = arith.subi %add3A_104, %sub3A : i32
        %add3A_177 = arith.constant 40 : i32
        %add3A_178 = arith.addi %add3A_177, %sub3A_176 : i32
        %dma_wait3A_179 = arith.constant 0 : i32
        %dma_wait3A_180 = tpu.memref_slice %arg7[%add3A_178, %dma_wait3A_179] : memref<80x64xi32, #tpu.memory_space<vmem>> -> memref<1x64xi32, #tpu.memory_space<vmem>>
        %dma_wait3A_181 = tpu.memref_squeeze %dma_wait3A_180 : memref<1x64xi32, #tpu.memory_space<vmem>> -> memref<64xi32, #tpu.memory_space<vmem>>
        %dma_wait3A_182 = arith.constant 0 : i32
        %dma_wait3A_183 = arith.constant 0 : i32
        %dma_wait3A_184 = tpu.memref_slice %arg2[%dma_wait3A_182, %dma_wait3A_183] : memref<10240x144xbf16, #tpu.memory_space<hbm>> -> memref<10240x144xbf16, #tpu.memory_space<hbm>>
        tpu.wait_indirect_dma semaphore(%arg17 : memref<!tpu.dma_semaphore, #tpu.memory_space<semaphore_mem>>) src(%dma_wait3A_184 : memref<10240x144xbf16, #tpu.memory_space<hbm>>) dst(%arg12 : memref<64x144xbf16, #tpu.memory_space<vmem>>)
        %dma_start3A = arith.constant 0 : i32
        %dma_start3A_185 = tpu.memref_slice %arg8[%sub3A_176, %dma_start3A] : memref<40x64xi32, #tpu.memory_space<vmem>> -> memref<1x64xi32, #tpu.memory_space<vmem>>
        %dma_start3A_186 = tpu.memref_squeeze %dma_start3A_185 : memref<1x64xi32, #tpu.memory_space<vmem>> -> memref<64xi32, #tpu.memory_space<vmem>>
        %dma_start3A_187 = arith.constant 0 : i32
        %dma_start3A_188 = arith.constant 0 : i32
        %dma_start3A_189 = tpu.memref_slice %arg13[%dma_start3A_187, %dma_start3A_188] : memref<10240x144xbf16, #tpu.memory_space<vmem_shared>> -> memref<10240x144xbf16, #tpu.memory_space<vmem_shared>>
        tpu.enqueue_indirect_dma source(%arg12 : memref<64x144xbf16, #tpu.memory_space<vmem>>) target(%dma_start3A_189 : memref<10240x144xbf16, #tpu.memory_space<vmem_shared>>) offsets(%dma_start3A_186 : memref<64xi32, #tpu.memory_space<vmem>>) semaphore(%arg21 : memref<!tpu.dma_semaphore, #tpu.memory_space<semaphore_mem>>) {add = true}
      } else {
      }
      %mul3A_126 = arith.constant 4 : i32
      %mul3A_127 = arith.muli %mul3A_126, %scan3A_80 : i32
      %add3A_128 = arith.constant 2 : i32
      %add3A_129 = arith.addi %mul3A_127, %add3A_128 : i32
      %ge3A_130 = arith.constant 4 : i32
      %ge3A_131 = arith.cmpi sge, %add3A_129, %ge3A_130 : i32
      %lt3A_132 = arith.constant 40 : i32
      %lt3A_133 = arith.cmpi slt, %add3A_129, %lt3A_132 : i32
      %and3A_134 = arith.andi %ge3A_131, %lt3A_133 : i1
      %convert_element_type3A_135 = arith.extui %and3A_134 : i1 to i32
      %cond3A_136 = arith.constant 0 : i32
      %cond3A_137 = arith.cmpi ne, %convert_element_type3A_135, %cond3A_136 : i32
      scf.if %cond3A_137 {
        %sub3A = arith.constant 4 : i32
        %sub3A_176 = arith.subi %add3A_129, %sub3A : i32
        %dma_wait3A_177 = arith.constant 0 : i32
        %dma_wait3A_178 = tpu.memref_slice %arg8[%sub3A_176, %dma_wait3A_177] : memref<40x64xi32, #tpu.memory_space<vmem>> -> memref<1x64xi32, #tpu.memory_space<vmem>>
        %dma_wait3A_179 = tpu.memref_squeeze %dma_wait3A_178 : memref<1x64xi32, #tpu.memory_space<vmem>> -> memref<64xi32, #tpu.memory_space<vmem>>
        %dma_wait3A_180 = arith.constant 0 : i32
        %dma_wait3A_181 = arith.constant 0 : i32
        %dma_wait3A_182 = tpu.memref_slice %arg13[%dma_wait3A_180, %dma_wait3A_181] : memref<10240x144xbf16, #tpu.memory_space<vmem_shared>> -> memref<10240x144xbf16, #tpu.memory_space<vmem_shared>>
        tpu.wait_indirect_dma semaphore(%arg20 : memref<!tpu.dma_semaphore, #tpu.memory_space<semaphore_mem>>) src(%arg11 : memref<64x144xbf16, #tpu.memory_space<vmem>>) dst(%dma_wait3A_182 : memref<10240x144xbf16, #tpu.memory_space<vmem_shared>>)
      } else {
      }
      %lt3A_138 = arith.constant 40 : i32
      %lt3A_139 = arith.cmpi slt, %add3A_129, %lt3A_138 : i32
      %convert_element_type3A_140 = arith.extui %lt3A_139 : i1 to i32
      %cond3A_141 = arith.constant 0 : i32
      %cond3A_142 = arith.cmpi ne, %convert_element_type3A_140, %cond3A_141 : i32
      scf.if %cond3A_142 {
        %add3A_176 = arith.constant 40 : i32
        %add3A_177 = arith.addi %add3A_176, %add3A_129 : i32
        %dma_start3A = arith.constant 0 : i32
        %dma_start3A_178 = tpu.memref_slice %arg7[%add3A_177, %dma_start3A] : memref<80x64xi32, #tpu.memory_space<vmem>> -> memref<1x64xi32, #tpu.memory_space<vmem>>
        %dma_start3A_179 = tpu.memref_squeeze %dma_start3A_178 : memref<1x64xi32, #tpu.memory_space<vmem>> -> memref<64xi32, #tpu.memory_space<vmem>>
        %dma_start3A_180 = arith.constant 0 : i32
        %dma_start3A_181 = arith.constant 0 : i32
        %dma_start3A_182 = tpu.memref_slice %arg2[%dma_start3A_180, %dma_start3A_181] : memref<10240x144xbf16, #tpu.memory_space<hbm>> -> memref<10240x144xbf16, #tpu.memory_space<hbm>>
        tpu.enqueue_indirect_dma source(%dma_start3A_182 : memref<10240x144xbf16, #tpu.memory_space<hbm>>) target(%arg11 : memref<64x144xbf16, #tpu.memory_space<vmem>>) offsets(%dma_start3A_179 : memref<64xi32, #tpu.memory_space<vmem>>) semaphore(%arg16 : memref<!tpu.dma_semaphore, #tpu.memory_space<semaphore_mem>>)
      } else {
      }
      %ge3A_143 = arith.constant 2 : i32
      %ge3A_144 = arith.cmpi sge, %add3A_129, %ge3A_143 : i32
      %lt3A_145 = arith.constant 42 : i32
      %lt3A_146 = arith.cmpi slt, %add3A_129, %lt3A_145 : i32
      %and3A_147 = arith.andi %ge3A_144, %lt3A_146 : i1
      %convert_element_type3A_148 = arith.extui %and3A_147 : i1 to i32
      %cond3A_149 = arith.constant 0 : i32
      %cond3A_150 = arith.cmpi ne, %convert_element_type3A_148, %cond3A_149 : i32
      scf.if %cond3A_150 {
        %sub3A = arith.constant 2 : i32
        %sub3A_176 = arith.subi %add3A_129, %sub3A : i32
        %add3A_177 = arith.constant 40 : i32
        %add3A_178 = arith.addi %add3A_177, %sub3A_176 : i32
        %dma_wait3A_179 = arith.constant 0 : i32
        %dma_wait3A_180 = tpu.memref_slice %arg7[%add3A_178, %dma_wait3A_179] : memref<80x64xi32, #tpu.memory_space<vmem>> -> memref<1x64xi32, #tpu.memory_space<vmem>>
        %dma_wait3A_181 = tpu.memref_squeeze %dma_wait3A_180 : memref<1x64xi32, #tpu.memory_space<vmem>> -> memref<64xi32, #tpu.memory_space<vmem>>
        %dma_wait3A_182 = arith.constant 0 : i32
        %dma_wait3A_183 = arith.constant 0 : i32
        %dma_wait3A_184 = tpu.memref_slice %arg2[%dma_wait3A_182, %dma_wait3A_183] : memref<10240x144xbf16, #tpu.memory_space<hbm>> -> memref<10240x144xbf16, #tpu.memory_space<hbm>>
        tpu.wait_indirect_dma semaphore(%arg14 : memref<!tpu.dma_semaphore, #tpu.memory_space<semaphore_mem>>) src(%dma_wait3A_184 : memref<10240x144xbf16, #tpu.memory_space<hbm>>) dst(%arg9 : memref<64x144xbf16, #tpu.memory_space<vmem>>)
        %dma_start3A = arith.constant 0 : i32
        %dma_start3A_185 = tpu.memref_slice %arg8[%sub3A_176, %dma_start3A] : memref<40x64xi32, #tpu.memory_space<vmem>> -> memref<1x64xi32, #tpu.memory_space<vmem>>
        %dma_start3A_186 = tpu.memref_squeeze %dma_start3A_185 : memref<1x64xi32, #tpu.memory_space<vmem>> -> memref<64xi32, #tpu.memory_space<vmem>>
        %dma_start3A_187 = arith.constant 0 : i32
        %dma_start3A_188 = arith.constant 0 : i32
        %dma_start3A_189 = tpu.memref_slice %arg13[%dma_start3A_187, %dma_start3A_188] : memref<10240x144xbf16, #tpu.memory_space<vmem_shared>> -> memref<10240x144xbf16, #tpu.memory_space<vmem_shared>>
        tpu.enqueue_indirect_dma source(%arg9 : memref<64x144xbf16, #tpu.memory_space<vmem>>) target(%dma_start3A_189 : memref<10240x144xbf16, #tpu.memory_space<vmem_shared>>) offsets(%dma_start3A_186 : memref<64xi32, #tpu.memory_space<vmem>>) semaphore(%arg18 : memref<!tpu.dma_semaphore, #tpu.memory_space<semaphore_mem>>) {add = true}
      } else {
      }
      %mul3A_151 = arith.constant 4 : i32
      %mul3A_152 = arith.muli %mul3A_151, %scan3A_80 : i32
      %add3A_153 = arith.constant 3 : i32
      %add3A_154 = arith.addi %mul3A_152, %add3A_153 : i32
      %ge3A_155 = arith.constant 4 : i32
      %ge3A_156 = arith.cmpi sge, %add3A_154, %ge3A_155 : i32
      %lt3A_157 = arith.constant 40 : i32
      %lt3A_158 = arith.cmpi slt, %add3A_154, %lt3A_157 : i32
      %and3A_159 = arith.andi %ge3A_156, %lt3A_158 : i1
      %convert_element_type3A_160 = arith.extui %and3A_159 : i1 to i32
      %cond3A_161 = arith.constant 0 : i32
      %cond3A_162 = arith.cmpi ne, %convert_element_type3A_160, %cond3A_161 : i32
      scf.if %cond3A_162 {
        %sub3A = arith.constant 4 : i32
        %sub3A_176 = arith.subi %add3A_154, %sub3A : i32
        %dma_wait3A_177 = arith.constant 0 : i32
        %dma_wait3A_178 = tpu.memref_slice %arg8[%sub3A_176, %dma_wait3A_177] : memref<40x64xi32, #tpu.memory_space<vmem>> -> memref<1x64xi32, #tpu.memory_space<vmem>>
        %dma_wait3A_179 = tpu.memref_squeeze %dma_wait3A_178 : memref<1x64xi32, #tpu.memory_space<vmem>> -> memref<64xi32, #tpu.memory_space<vmem>>
        %dma_wait3A_180 = arith.constant 0 : i32
        %dma_wait3A_181 = arith.constant 0 : i32
        %dma_wait3A_182 = tpu.memref_slice %arg13[%dma_wait3A_180, %dma_wait3A_181] : memref<10240x144xbf16, #tpu.memory_space<vmem_shared>> -> memref<10240x144xbf16, #tpu.memory_space<vmem_shared>>
        tpu.wait_indirect_dma semaphore(%arg21 : memref<!tpu.dma_semaphore, #tpu.memory_space<semaphore_mem>>) src(%arg12 : memref<64x144xbf16, #tpu.memory_space<vmem>>) dst(%dma_wait3A_182 : memref<10240x144xbf16, #tpu.memory_space<vmem_shared>>)
      } else {
      }
      %lt3A_163 = arith.constant 40 : i32
      %lt3A_164 = arith.cmpi slt, %add3A_154, %lt3A_163 : i32
      %convert_element_type3A_165 = arith.extui %lt3A_164 : i1 to i32
      %cond3A_166 = arith.constant 0 : i32
      %cond3A_167 = arith.cmpi ne, %convert_element_type3A_165, %cond3A_166 : i32
      scf.if %cond3A_167 {
        %add3A_176 = arith.constant 40 : i32
        %add3A_177 = arith.addi %add3A_176, %add3A_154 : i32
        %dma_start3A = arith.constant 0 : i32
        %dma_start3A_178 = tpu.memref_slice %arg7[%add3A_177, %dma_start3A] : memref<80x64xi32, #tpu.memory_space<vmem>> -> memref<1x64xi32, #tpu.memory_space<vmem>>
        %dma_start3A_179 = tpu.memref_squeeze %dma_start3A_178 : memref<1x64xi32, #tpu.memory_space<vmem>> -> memref<64xi32, #tpu.memory_space<vmem>>
        %dma_start3A_180 = arith.constant 0 : i32
        %dma_start3A_181 = arith.constant 0 : i32
        %dma_start3A_182 = tpu.memref_slice %arg2[%dma_start3A_180, %dma_start3A_181] : memref<10240x144xbf16, #tpu.memory_space<hbm>> -> memref<10240x144xbf16, #tpu.memory_space<hbm>>
        tpu.enqueue_indirect_dma source(%dma_start3A_182 : memref<10240x144xbf16, #tpu.memory_space<hbm>>) target(%arg12 : memref<64x144xbf16, #tpu.memory_space<vmem>>) offsets(%dma_start3A_179 : memref<64xi32, #tpu.memory_space<vmem>>) semaphore(%arg17 : memref<!tpu.dma_semaphore, #tpu.memory_space<semaphore_mem>>)
      } else {
      }
      %ge3A_168 = arith.constant 2 : i32
      %ge3A_169 = arith.cmpi sge, %add3A_154, %ge3A_168 : i32
      %lt3A_170 = arith.constant 42 : i32
      %lt3A_171 = arith.cmpi slt, %add3A_154, %lt3A_170 : i32
      %and3A_172 = arith.andi %ge3A_169, %lt3A_171 : i1
      %convert_element_type3A_173 = arith.extui %and3A_172 : i1 to i32
      %cond3A_174 = arith.constant 0 : i32
      %cond3A_175 = arith.cmpi ne, %convert_element_type3A_173, %cond3A_174 : i32
      scf.if %cond3A_175 {
        %sub3A = arith.constant 2 : i32
        %sub3A_176 = arith.subi %add3A_154, %sub3A : i32
        %add3A_177 = arith.constant 40 : i32
        %add3A_178 = arith.addi %add3A_177, %sub3A_176 : i32
        %dma_wait3A_179 = arith.constant 0 : i32
        %dma_wait3A_180 = tpu.memref_slice %arg7[%add3A_178, %dma_wait3A_179] : memref<80x64xi32, #tpu.memory_space<vmem>> -> memref<1x64xi32, #tpu.memory_space<vmem>>
        %dma_wait3A_181 = tpu.memref_squeeze %dma_wait3A_180 : memref<1x64xi32, #tpu.memory_space<vmem>> -> memref<64xi32, #tpu.memory_space<vmem>>
        %dma_wait3A_182 = arith.constant 0 : i32
        %dma_wait3A_183 = arith.constant 0 : i32
        %dma_wait3A_184 = tpu.memref_slice %arg2[%dma_wait3A_182, %dma_wait3A_183] : memref<10240x144xbf16, #tpu.memory_space<hbm>> -> memref<10240x144xbf16, #tpu.memory_space<hbm>>
        tpu.wait_indirect_dma semaphore(%arg15 : memref<!tpu.dma_semaphore, #tpu.memory_space<semaphore_mem>>) src(%dma_wait3A_184 : memref<10240x144xbf16, #tpu.memory_space<hbm>>) dst(%arg10 : memref<64x144xbf16, #tpu.memory_space<vmem>>)
        %dma_start3A = arith.constant 0 : i32
        %dma_start3A_185 = tpu.memref_slice %arg8[%sub3A_176, %dma_start3A] : memref<40x64xi32, #tpu.memory_space<vmem>> -> memref<1x64xi32, #tpu.memory_space<vmem>>
        %dma_start3A_186 = tpu.memref_squeeze %dma_start3A_185 : memref<1x64xi32, #tpu.memory_space<vmem>> -> memref<64xi32, #tpu.memory_space<vmem>>
        %dma_start3A_187 = arith.constant 0 : i32
        %dma_start3A_188 = arith.constant 0 : i32
        %dma_start3A_189 = tpu.memref_slice %arg13[%dma_start3A_187, %dma_start3A_188] : memref<10240x144xbf16, #tpu.memory_space<vmem_shared>> -> memref<10240x144xbf16, #tpu.memory_space<vmem_shared>>
        tpu.enqueue_indirect_dma source(%arg10 : memref<64x144xbf16, #tpu.memory_space<vmem>>) target(%dma_start3A_189 : memref<10240x144xbf16, #tpu.memory_space<vmem_shared>>) offsets(%dma_start3A_186 : memref<64xi32, #tpu.memory_space<vmem>>) semaphore(%arg19 : memref<!tpu.dma_semaphore, #tpu.memory_space<semaphore_mem>>) {add = true}
      } else {
      }
    }
    %scan3A_50 = arith.constant 12 : i32
    %dma_wait3A_51 = arith.constant 36 : i32
    %dma_wait3A_52 = arith.constant 0 : i32
    %dma_wait3A_53 = tpu.memref_slice %arg8[%dma_wait3A_51, %dma_wait3A_52] : memref<40x64xi32, #tpu.memory_space<vmem>> -> memref<1x64xi32, #tpu.memory_space<vmem>>
    %dma_wait3A_54 = tpu.memref_squeeze %dma_wait3A_53 : memref<1x64xi32, #tpu.memory_space<vmem>> -> memref<64xi32, #tpu.memory_space<vmem>>
    %dma_wait3A_55 = arith.constant 0 : i32
    %dma_wait3A_56 = arith.constant 0 : i32
    %dma_wait3A_57 = tpu.memref_slice %arg13[%dma_wait3A_55, %dma_wait3A_56] : memref<10240x144xbf16, #tpu.memory_space<vmem_shared>> -> memref<10240x144xbf16, #tpu.memory_space<vmem_shared>>
    tpu.wait_indirect_dma semaphore(%arg18 : memref<!tpu.dma_semaphore, #tpu.memory_space<semaphore_mem>>) src(%arg9 : memref<64x144xbf16, #tpu.memory_space<vmem>>) dst(%dma_wait3A_57 : memref<10240x144xbf16, #tpu.memory_space<vmem_shared>>)
    %dma_wait3A_58 = arith.constant 37 : i32
    %dma_wait3A_59 = arith.constant 0 : i32
    %dma_wait3A_60 = tpu.memref_slice %arg8[%dma_wait3A_58, %dma_wait3A_59] : memref<40x64xi32, #tpu.memory_space<vmem>> -> memref<1x64xi32, #tpu.memory_space<vmem>>
    %dma_wait3A_61 = tpu.memref_squeeze %dma_wait3A_60 : memref<1x64xi32, #tpu.memory_space<vmem>> -> memref<64xi32, #tpu.memory_space<vmem>>
    %dma_wait3A_62 = arith.constant 0 : i32
    %dma_wait3A_63 = arith.constant 0 : i32
    %dma_wait3A_64 = tpu.memref_slice %arg13[%dma_wait3A_62, %dma_wait3A_63] : memref<10240x144xbf16, #tpu.memory_space<vmem_shared>> -> memref<10240x144xbf16, #tpu.memory_space<vmem_shared>>
    tpu.wait_indirect_dma semaphore(%arg19 : memref<!tpu.dma_semaphore, #tpu.memory_space<semaphore_mem>>) src(%arg10 : memref<64x144xbf16, #tpu.memory_space<vmem>>) dst(%dma_wait3A_64 : memref<10240x144xbf16, #tpu.memory_space<vmem_shared>>)
    %dma_wait3A_65 = arith.constant 38 : i32
    %dma_wait3A_66 = arith.constant 0 : i32
    %dma_wait3A_67 = tpu.memref_slice %arg8[%dma_wait3A_65, %dma_wait3A_66] : memref<40x64xi32, #tpu.memory_space<vmem>> -> memref<1x64xi32, #tpu.memory_space<vmem>>
    %dma_wait3A_68 = tpu.memref_squeeze %dma_wait3A_67 : memref<1x64xi32, #tpu.memory_space<vmem>> -> memref<64xi32, #tpu.memory_space<vmem>>
    %dma_wait3A_69 = arith.constant 0 : i32
    %dma_wait3A_70 = arith.constant 0 : i32
    %dma_wait3A_71 = tpu.memref_slice %arg13[%dma_wait3A_69, %dma_wait3A_70] : memref<10240x144xbf16, #tpu.memory_space<vmem_shared>> -> memref<10240x144xbf16, #tpu.memory_space<vmem_shared>>
    tpu.wait_indirect_dma semaphore(%arg20 : memref<!tpu.dma_semaphore, #tpu.memory_space<semaphore_mem>>) src(%arg11 : memref<64x144xbf16, #tpu.memory_space<vmem>>) dst(%dma_wait3A_71 : memref<10240x144xbf16, #tpu.memory_space<vmem_shared>>)
    %dma_wait3A_72 = arith.constant 39 : i32
    %dma_wait3A_73 = arith.constant 0 : i32
    %dma_wait3A_74 = tpu.memref_slice %arg8[%dma_wait3A_72, %dma_wait3A_73] : memref<40x64xi32, #tpu.memory_space<vmem>> -> memref<1x64xi32, #tpu.memory_space<vmem>>
    %dma_wait3A_75 = tpu.memref_squeeze %dma_wait3A_74 : memref<1x64xi32, #tpu.memory_space<vmem>> -> memref<64xi32, #tpu.memory_space<vmem>>
    %dma_wait3A_76 = arith.constant 0 : i32
    %dma_wait3A_77 = arith.constant 0 : i32
    %dma_wait3A_78 = tpu.memref_slice %arg13[%dma_wait3A_76, %dma_wait3A_77] : memref<10240x144xbf16, #tpu.memory_space<vmem_shared>> -> memref<10240x144xbf16, #tpu.memory_space<vmem_shared>>
    tpu.wait_indirect_dma semaphore(%arg21 : memref<!tpu.dma_semaphore, #tpu.memory_space<semaphore_mem>>) src(%arg12 : memref<64x144xbf16, #tpu.memory_space<vmem>>) dst(%dma_wait3A_78 : memref<10240x144xbf16, #tpu.memory_space<vmem_shared>>)
    %barrier3A_79 = arith.constant 0 : index
    tpu.barrier barrier_id(%barrier3A_79)
    "tpu.region"() ({
      %run_scoped3A = tpu.sem_alloc : memref<!tpu.dma_semaphore, #tpu.memory_space<semaphore_mem>>
      %dma_start3A = arith.constant 0 : i32
      %dma_start3A_80 = tpu.memref_slice %arg6[%arg0, %mul3A_2, %dma_start3A] : memref<2x10240x144xbf16, #tpu.memory_space<hbm>> -> memref<1x640x144xbf16, #tpu.memory_space<hbm>>
      %dma_start3A_81 = tpu.memref_squeeze %dma_start3A_80 : memref<1x640x144xbf16, #tpu.memory_space<hbm>> -> memref<640x144xbf16, #tpu.memory_space<hbm>>
      %dma_start3A_82 = arith.constant 0 : i32
      %dma_start3A_83 = tpu.memref_slice %arg13[%mul3A_2, %dma_start3A_82] : memref<10240x144xbf16, #tpu.memory_space<vmem_shared>> -> memref<640x144xbf16, #tpu.memory_space<vmem_shared>>
      tpu.enqueue_dma source(%dma_start3A_83 : memref<640x144xbf16, #tpu.memory_space<vmem_shared>>) target(%dma_start3A_81 : memref<640x144xbf16, #tpu.memory_space<hbm>>) target_semaphore(%run_scoped3A : memref<!tpu.dma_semaphore, #tpu.memory_space<semaphore_mem>>)
      %dma_wait3A_84 = arith.constant 0 : i32
      %dma_wait3A_85 = tpu.memref_slice %arg6[%arg0, %mul3A_2, %dma_wait3A_84] : memref<2x10240x144xbf16, #tpu.memory_space<hbm>> -> memref<1x640x144xbf16, #tpu.memory_space<hbm>>
      %dma_wait3A_86 = tpu.memref_squeeze %dma_wait3A_85 : memref<1x640x144xbf16, #tpu.memory_space<hbm>> -> memref<640x144xbf16, #tpu.memory_space<hbm>>
      %dma_wait3A_87 = arith.constant 0 : i32
      %dma_wait3A_88 = tpu.memref_slice %arg13[%mul3A_2, %dma_wait3A_87] : memref<10240x144xbf16, #tpu.memory_space<vmem_shared>> -> memref<640x144xbf16, #tpu.memory_space<vmem_shared>>
      tpu.wait_dma2 semaphore(%run_scoped3A : memref<!tpu.dma_semaphore, #tpu.memory_space<semaphore_mem>>) src(%dma_wait3A_88 : memref<640x144xbf16, #tpu.memory_space<vmem_shared>>) dst(%dma_wait3A_86 : memref<640x144xbf16, #tpu.memory_space<hbm>>)
      tpu.yield
    }) : () -> ()
    return
  }
}

#map = affine_map<(d0, d1) -> (0, 0)>
#map1 = affine_map<(d0, d1) -> (0, 0, 0)>
module attributes {stable_mosaic.version = 14 : i64} {
  func.func @agg(%arg0: i32, %arg1: i32, %arg2: memref<10240x128xf32, #tpu.memory_space<hbm>>, %arg3: memref<2560x64xi32, #tpu.memory_space<hbm>>, %arg4: memref<2560x64xi32, #tpu.memory_space<hbm>>, %arg5: memref<10240x128xf32, #tpu.memory_space<hbm>>, %arg6: memref<2x10240x128xf32, #tpu.memory_space<hbm>>, %arg7: memref<80x64xi32, #tpu.memory_space<vmem>>, %arg8: memref<40x64xi32, #tpu.memory_space<vmem>>, %arg9: memref<64x128xf32, #tpu.memory_space<vmem>>, %arg10: memref<64x128xf32, #tpu.memory_space<vmem>>, %arg11: memref<64x128xf32, #tpu.memory_space<vmem>>, %arg12: memref<64x128xf32, #tpu.memory_space<vmem>>, %arg13: memref<10240x128xf32, #tpu.memory_space<vmem_shared>>, %arg14: memref<!tpu.dma_semaphore, #tpu.memory_space<semaphore_mem>>, %arg15: memref<!tpu.dma_semaphore, #tpu.memory_space<semaphore_mem>>, %arg16: memref<!tpu.dma_semaphore, #tpu.memory_space<semaphore_mem>>, %arg17: memref<!tpu.dma_semaphore, #tpu.memory_space<semaphore_mem>>, %arg18: memref<!tpu.dma_semaphore, #tpu.memory_space<semaphore_mem>>, %arg19: memref<!tpu.dma_semaphore, #tpu.memory_space<semaphore_mem>>, %arg20: memref<!tpu.dma_semaphore, #tpu.memory_space<semaphore_mem>>, %arg21: memref<!tpu.dma_semaphore, #tpu.memory_space<semaphore_mem>>) attributes {dimension_semantics = [#tpu.dimension_semantics<core_parallel>, #tpu.dimension_semantics<subcore_parallel>], iteration_bounds = array<i64: 2, 16>, scalar_prefetch = 0 : i64, scratch_operands = 15 : i64, tpu.core_type = #tpu.core_type<sc_vector_subcore>, window_params = [{transform_indices = #map}, {transform_indices = #map}, {transform_indices = #map}, {transform_indices = #map}, {transform_indices = #map1}]} {
    %mul3A = arith.constant 2 : i32
    %mul3A_0 = arith.muli %arg1, %mul3A : i32
    %add3A = arith.addi %mul3A_0, %arg0 : i32
    %mul3A_1 = arith.constant 640 : i32
    %mul3A_2 = arith.muli %arg1, %mul3A_1 : i32
    "tpu.region"() ({
      %run_scoped3A = tpu.sem_alloc : memref<!tpu.dma_semaphore, #tpu.memory_space<semaphore_mem>>
      %dma_start3A = arith.constant 0 : i32
      %dma_start3A_80 = tpu.memref_slice %arg13[%mul3A_2, %dma_start3A] : memref<10240x128xf32, #tpu.memory_space<vmem_shared>> -> memref<640x128xf32, #tpu.memory_space<vmem_shared>>
      %dma_start3A_81 = arith.constant 0 : i32
      %dma_start3A_82 = tpu.memref_slice %arg5[%mul3A_2, %dma_start3A_81] : memref<10240x128xf32, #tpu.memory_space<hbm>> -> memref<640x128xf32, #tpu.memory_space<hbm>>
      tpu.enqueue_dma source(%dma_start3A_82 : memref<640x128xf32, #tpu.memory_space<hbm>>) target(%dma_start3A_80 : memref<640x128xf32, #tpu.memory_space<vmem_shared>>) target_semaphore(%run_scoped3A : memref<!tpu.dma_semaphore, #tpu.memory_space<semaphore_mem>>)
      %dma_wait3A_83 = arith.constant 0 : i32
      %dma_wait3A_84 = tpu.memref_slice %arg13[%mul3A_2, %dma_wait3A_83] : memref<10240x128xf32, #tpu.memory_space<vmem_shared>> -> memref<640x128xf32, #tpu.memory_space<vmem_shared>>
      %dma_wait3A_85 = arith.constant 0 : i32
      %dma_wait3A_86 = tpu.memref_slice %arg5[%mul3A_2, %dma_wait3A_85] : memref<10240x128xf32, #tpu.memory_space<hbm>> -> memref<640x128xf32, #tpu.memory_space<hbm>>
      tpu.wait_dma2 semaphore(%run_scoped3A : memref<!tpu.dma_semaphore, #tpu.memory_space<semaphore_mem>>) src(%dma_wait3A_86 : memref<640x128xf32, #tpu.memory_space<hbm>>) dst(%dma_wait3A_84 : memref<640x128xf32, #tpu.memory_space<vmem_shared>>)
      tpu.yield
    }) : () -> ()
    %mul3A_3 = arith.constant 80 : i32
    %mul3A_4 = arith.muli %add3A, %mul3A_3 : i32
    "tpu.region"() ({
      %run_scoped3A = tpu.sem_alloc : memref<!tpu.dma_semaphore, #tpu.memory_space<semaphore_mem>>
      %dma_start3A = arith.constant 0 : i32
      %dma_start3A_80 = tpu.memref_slice %arg3[%mul3A_4, %dma_start3A] : memref<2560x64xi32, #tpu.memory_space<hbm>> -> memref<80x64xi32, #tpu.memory_space<hbm>>
      %dma_start3A_81 = arith.constant 0 : i32
      %dma_start3A_82 = tpu.memref_slice %arg3[%mul3A_4, %dma_start3A_81] : memref<2560x64xi32, #tpu.memory_space<hbm>> -> memref<80x64xi32, #tpu.memory_space<hbm>>
      tpu.enqueue_dma source(%dma_start3A_82 : memref<80x64xi32, #tpu.memory_space<hbm>>) target(%arg7 : memref<80x64xi32, #tpu.memory_space<vmem>>) target_semaphore(%run_scoped3A : memref<!tpu.dma_semaphore, #tpu.memory_space<semaphore_mem>>)
      %dma_wait3A_83 = arith.constant 0 : i32
      %dma_wait3A_84 = tpu.memref_slice %arg3[%mul3A_4, %dma_wait3A_83] : memref<2560x64xi32, #tpu.memory_space<hbm>> -> memref<80x64xi32, #tpu.memory_space<hbm>>
      %dma_wait3A_85 = arith.constant 0 : i32
      %dma_wait3A_86 = tpu.memref_slice %arg3[%mul3A_4, %dma_wait3A_85] : memref<2560x64xi32, #tpu.memory_space<hbm>> -> memref<80x64xi32, #tpu.memory_space<hbm>>
      tpu.wait_dma2 semaphore(%run_scoped3A : memref<!tpu.dma_semaphore, #tpu.memory_space<semaphore_mem>>) src(%dma_wait3A_86 : memref<80x64xi32, #tpu.memory_space<hbm>>) dst(%arg7 : memref<80x64xi32, #tpu.memory_space<vmem>>)
      tpu.yield
    }) : () -> ()
    %barrier3A = arith.constant 0 : index
    tpu.barrier barrier_id(%barrier3A)
    %mul3A_5 = arith.constant 80 : i32
    %mul3A_6 = arith.muli %add3A, %mul3A_5 : i32
    %add3A_7 = arith.constant 0 : i32
    %add3A_8 = arith.addi %mul3A_6, %add3A_7 : i32
    "tpu.region"() ({
      %run_scoped3A = tpu.sem_alloc : memref<!tpu.dma_semaphore, #tpu.memory_space<semaphore_mem>>
      %dma_start3A = arith.constant 0 : i32
      %dma_start3A_80 = tpu.memref_slice %arg4[%add3A_8, %dma_start3A] : memref<2560x64xi32, #tpu.memory_space<hbm>> -> memref<40x64xi32, #tpu.memory_space<hbm>>
      %dma_start3A_81 = arith.constant 0 : i32
      %dma_start3A_82 = tpu.memref_slice %arg4[%add3A_8, %dma_start3A_81] : memref<2560x64xi32, #tpu.memory_space<hbm>> -> memref<40x64xi32, #tpu.memory_space<hbm>>
      tpu.enqueue_dma source(%dma_start3A_82 : memref<40x64xi32, #tpu.memory_space<hbm>>) target(%arg8 : memref<40x64xi32, #tpu.memory_space<vmem>>) target_semaphore(%run_scoped3A : memref<!tpu.dma_semaphore, #tpu.memory_space<semaphore_mem>>)
      %dma_wait3A_83 = arith.constant 0 : i32
      %dma_wait3A_84 = tpu.memref_slice %arg4[%add3A_8, %dma_wait3A_83] : memref<2560x64xi32, #tpu.memory_space<hbm>> -> memref<40x64xi32, #tpu.memory_space<hbm>>
      %dma_wait3A_85 = arith.constant 0 : i32
      %dma_wait3A_86 = tpu.memref_slice %arg4[%add3A_8, %dma_wait3A_85] : memref<2560x64xi32, #tpu.memory_space<hbm>> -> memref<40x64xi32, #tpu.memory_space<hbm>>
      tpu.wait_dma2 semaphore(%run_scoped3A : memref<!tpu.dma_semaphore, #tpu.memory_space<semaphore_mem>>) src(%dma_wait3A_86 : memref<40x64xi32, #tpu.memory_space<hbm>>) dst(%arg8 : memref<40x64xi32, #tpu.memory_space<vmem>>)
      tpu.yield
    }) : () -> ()
    %scan3A = arith.constant 0 : i32
    %scan3A_9 = arith.constant 0 : i32
    %scan3A_10 = arith.constant 12 : i32
    %scan3A_11 = arith.addi %scan3A_9, %scan3A_10 : i32
    %scan3A_12 = arith.constant 1 : i32
    scf.for %scan3A_80 = %scan3A_9 to %scan3A_11 step %scan3A_12  : i32 {
      %mul3A_81 = arith.constant 4 : i32
      %mul3A_82 = arith.muli %mul3A_81, %scan3A_80 : i32
      %add3A_83 = arith.constant 0 : i32
      %add3A_84 = arith.addi %mul3A_82, %add3A_83 : i32
      %ge3A = arith.constant 4 : i32
      %ge3A_85 = arith.cmpi sge, %add3A_84, %ge3A : i32
      %lt3A = arith.constant 40 : i32
      %lt3A_86 = arith.cmpi slt, %add3A_84, %lt3A : i32
      %and3A = arith.andi %ge3A_85, %lt3A_86 : i1
      %convert_element_type3A = arith.extui %and3A : i1 to i32
      %cond3A = arith.constant 0 : i32
      %cond3A_87 = arith.cmpi ne, %convert_element_type3A, %cond3A : i32
      scf.if %cond3A_87 {
        %sub3A = arith.constant 4 : i32
        %sub3A_176 = arith.subi %add3A_84, %sub3A : i32
        %dma_wait3A_177 = arith.constant 0 : i32
        %dma_wait3A_178 = tpu.memref_slice %arg8[%sub3A_176, %dma_wait3A_177] : memref<40x64xi32, #tpu.memory_space<vmem>> -> memref<1x64xi32, #tpu.memory_space<vmem>>
        %dma_wait3A_179 = tpu.memref_squeeze %dma_wait3A_178 : memref<1x64xi32, #tpu.memory_space<vmem>> -> memref<64xi32, #tpu.memory_space<vmem>>
        %dma_wait3A_180 = arith.constant 0 : i32
        %dma_wait3A_181 = arith.constant 0 : i32
        %dma_wait3A_182 = tpu.memref_slice %arg13[%dma_wait3A_180, %dma_wait3A_181] : memref<10240x128xf32, #tpu.memory_space<vmem_shared>> -> memref<10240x128xf32, #tpu.memory_space<vmem_shared>>
        tpu.wait_indirect_dma semaphore(%arg18 : memref<!tpu.dma_semaphore, #tpu.memory_space<semaphore_mem>>) src(%arg9 : memref<64x128xf32, #tpu.memory_space<vmem>>) dst(%dma_wait3A_182 : memref<10240x128xf32, #tpu.memory_space<vmem_shared>>)
      } else {
      }
      %lt3A_88 = arith.constant 40 : i32
      %lt3A_89 = arith.cmpi slt, %add3A_84, %lt3A_88 : i32
      %convert_element_type3A_90 = arith.extui %lt3A_89 : i1 to i32
      %cond3A_91 = arith.constant 0 : i32
      %cond3A_92 = arith.cmpi ne, %convert_element_type3A_90, %cond3A_91 : i32
      scf.if %cond3A_92 {
        %add3A_176 = arith.constant 0 : i32
        %add3A_177 = arith.addi %add3A_176, %add3A_84 : i32
        %dma_start3A = arith.constant 0 : i32
        %dma_start3A_178 = tpu.memref_slice %arg7[%add3A_177, %dma_start3A] : memref<80x64xi32, #tpu.memory_space<vmem>> -> memref<1x64xi32, #tpu.memory_space<vmem>>
        %dma_start3A_179 = tpu.memref_squeeze %dma_start3A_178 : memref<1x64xi32, #tpu.memory_space<vmem>> -> memref<64xi32, #tpu.memory_space<vmem>>
        %dma_start3A_180 = arith.constant 0 : i32
        %dma_start3A_181 = arith.constant 0 : i32
        %dma_start3A_182 = tpu.memref_slice %arg2[%dma_start3A_180, %dma_start3A_181] : memref<10240x128xf32, #tpu.memory_space<hbm>> -> memref<10240x128xf32, #tpu.memory_space<hbm>>
        tpu.enqueue_indirect_dma source(%dma_start3A_182 : memref<10240x128xf32, #tpu.memory_space<hbm>>) target(%arg9 : memref<64x128xf32, #tpu.memory_space<vmem>>) offsets(%dma_start3A_179 : memref<64xi32, #tpu.memory_space<vmem>>) semaphore(%arg14 : memref<!tpu.dma_semaphore, #tpu.memory_space<semaphore_mem>>)
      } else {
      }
      %ge3A_93 = arith.constant 2 : i32
      %ge3A_94 = arith.cmpi sge, %add3A_84, %ge3A_93 : i32
      %lt3A_95 = arith.constant 42 : i32
      %lt3A_96 = arith.cmpi slt, %add3A_84, %lt3A_95 : i32
      %and3A_97 = arith.andi %ge3A_94, %lt3A_96 : i1
      %convert_element_type3A_98 = arith.extui %and3A_97 : i1 to i32
      %cond3A_99 = arith.constant 0 : i32
      %cond3A_100 = arith.cmpi ne, %convert_element_type3A_98, %cond3A_99 : i32
      scf.if %cond3A_100 {
        %sub3A = arith.constant 2 : i32
        %sub3A_176 = arith.subi %add3A_84, %sub3A : i32
        %add3A_177 = arith.constant 0 : i32
        %add3A_178 = arith.addi %add3A_177, %sub3A_176 : i32
        %dma_wait3A_179 = arith.constant 0 : i32
        %dma_wait3A_180 = tpu.memref_slice %arg7[%add3A_178, %dma_wait3A_179] : memref<80x64xi32, #tpu.memory_space<vmem>> -> memref<1x64xi32, #tpu.memory_space<vmem>>
        %dma_wait3A_181 = tpu.memref_squeeze %dma_wait3A_180 : memref<1x64xi32, #tpu.memory_space<vmem>> -> memref<64xi32, #tpu.memory_space<vmem>>
        %dma_wait3A_182 = arith.constant 0 : i32
        %dma_wait3A_183 = arith.constant 0 : i32
        %dma_wait3A_184 = tpu.memref_slice %arg2[%dma_wait3A_182, %dma_wait3A_183] : memref<10240x128xf32, #tpu.memory_space<hbm>> -> memref<10240x128xf32, #tpu.memory_space<hbm>>
        tpu.wait_indirect_dma semaphore(%arg16 : memref<!tpu.dma_semaphore, #tpu.memory_space<semaphore_mem>>) src(%dma_wait3A_184 : memref<10240x128xf32, #tpu.memory_space<hbm>>) dst(%arg11 : memref<64x128xf32, #tpu.memory_space<vmem>>)
        %dma_start3A = arith.constant 0 : i32
        %dma_start3A_185 = tpu.memref_slice %arg8[%sub3A_176, %dma_start3A] : memref<40x64xi32, #tpu.memory_space<vmem>> -> memref<1x64xi32, #tpu.memory_space<vmem>>
        %dma_start3A_186 = tpu.memref_squeeze %dma_start3A_185 : memref<1x64xi32, #tpu.memory_space<vmem>> -> memref<64xi32, #tpu.memory_space<vmem>>
        %dma_start3A_187 = arith.constant 0 : i32
        %dma_start3A_188 = arith.constant 0 : i32
        %dma_start3A_189 = tpu.memref_slice %arg13[%dma_start3A_187, %dma_start3A_188] : memref<10240x128xf32, #tpu.memory_space<vmem_shared>> -> memref<10240x128xf32, #tpu.memory_space<vmem_shared>>
        tpu.enqueue_indirect_dma source(%arg11 : memref<64x128xf32, #tpu.memory_space<vmem>>) target(%dma_start3A_189 : memref<10240x128xf32, #tpu.memory_space<vmem_shared>>) offsets(%dma_start3A_186 : memref<64xi32, #tpu.memory_space<vmem>>) semaphore(%arg20 : memref<!tpu.dma_semaphore, #tpu.memory_space<semaphore_mem>>) {add = true}
      } else {
      }
      %mul3A_101 = arith.constant 4 : i32
      %mul3A_102 = arith.muli %mul3A_101, %scan3A_80 : i32
      %add3A_103 = arith.constant 1 : i32
      %add3A_104 = arith.addi %mul3A_102, %add3A_103 : i32
      %ge3A_105 = arith.constant 4 : i32
      %ge3A_106 = arith.cmpi sge, %add3A_104, %ge3A_105 : i32
      %lt3A_107 = arith.constant 40 : i32
      %lt3A_108 = arith.cmpi slt, %add3A_104, %lt3A_107 : i32
      %and3A_109 = arith.andi %ge3A_106, %lt3A_108 : i1
      %convert_element_type3A_110 = arith.extui %and3A_109 : i1 to i32
      %cond3A_111 = arith.constant 0 : i32
      %cond3A_112 = arith.cmpi ne, %convert_element_type3A_110, %cond3A_111 : i32
      scf.if %cond3A_112 {
        %sub3A = arith.constant 4 : i32
        %sub3A_176 = arith.subi %add3A_104, %sub3A : i32
        %dma_wait3A_177 = arith.constant 0 : i32
        %dma_wait3A_178 = tpu.memref_slice %arg8[%sub3A_176, %dma_wait3A_177] : memref<40x64xi32, #tpu.memory_space<vmem>> -> memref<1x64xi32, #tpu.memory_space<vmem>>
        %dma_wait3A_179 = tpu.memref_squeeze %dma_wait3A_178 : memref<1x64xi32, #tpu.memory_space<vmem>> -> memref<64xi32, #tpu.memory_space<vmem>>
        %dma_wait3A_180 = arith.constant 0 : i32
        %dma_wait3A_181 = arith.constant 0 : i32
        %dma_wait3A_182 = tpu.memref_slice %arg13[%dma_wait3A_180, %dma_wait3A_181] : memref<10240x128xf32, #tpu.memory_space<vmem_shared>> -> memref<10240x128xf32, #tpu.memory_space<vmem_shared>>
        tpu.wait_indirect_dma semaphore(%arg19 : memref<!tpu.dma_semaphore, #tpu.memory_space<semaphore_mem>>) src(%arg10 : memref<64x128xf32, #tpu.memory_space<vmem>>) dst(%dma_wait3A_182 : memref<10240x128xf32, #tpu.memory_space<vmem_shared>>)
      } else {
      }
      %lt3A_113 = arith.constant 40 : i32
      %lt3A_114 = arith.cmpi slt, %add3A_104, %lt3A_113 : i32
      %convert_element_type3A_115 = arith.extui %lt3A_114 : i1 to i32
      %cond3A_116 = arith.constant 0 : i32
      %cond3A_117 = arith.cmpi ne, %convert_element_type3A_115, %cond3A_116 : i32
      scf.if %cond3A_117 {
        %add3A_176 = arith.constant 0 : i32
        %add3A_177 = arith.addi %add3A_176, %add3A_104 : i32
        %dma_start3A = arith.constant 0 : i32
        %dma_start3A_178 = tpu.memref_slice %arg7[%add3A_177, %dma_start3A] : memref<80x64xi32, #tpu.memory_space<vmem>> -> memref<1x64xi32, #tpu.memory_space<vmem>>
        %dma_start3A_179 = tpu.memref_squeeze %dma_start3A_178 : memref<1x64xi32, #tpu.memory_space<vmem>> -> memref<64xi32, #tpu.memory_space<vmem>>
        %dma_start3A_180 = arith.constant 0 : i32
        %dma_start3A_181 = arith.constant 0 : i32
        %dma_start3A_182 = tpu.memref_slice %arg2[%dma_start3A_180, %dma_start3A_181] : memref<10240x128xf32, #tpu.memory_space<hbm>> -> memref<10240x128xf32, #tpu.memory_space<hbm>>
        tpu.enqueue_indirect_dma source(%dma_start3A_182 : memref<10240x128xf32, #tpu.memory_space<hbm>>) target(%arg10 : memref<64x128xf32, #tpu.memory_space<vmem>>) offsets(%dma_start3A_179 : memref<64xi32, #tpu.memory_space<vmem>>) semaphore(%arg15 : memref<!tpu.dma_semaphore, #tpu.memory_space<semaphore_mem>>)
      } else {
      }
      %ge3A_118 = arith.constant 2 : i32
      %ge3A_119 = arith.cmpi sge, %add3A_104, %ge3A_118 : i32
      %lt3A_120 = arith.constant 42 : i32
      %lt3A_121 = arith.cmpi slt, %add3A_104, %lt3A_120 : i32
      %and3A_122 = arith.andi %ge3A_119, %lt3A_121 : i1
      %convert_element_type3A_123 = arith.extui %and3A_122 : i1 to i32
      %cond3A_124 = arith.constant 0 : i32
      %cond3A_125 = arith.cmpi ne, %convert_element_type3A_123, %cond3A_124 : i32
      scf.if %cond3A_125 {
        %sub3A = arith.constant 2 : i32
        %sub3A_176 = arith.subi %add3A_104, %sub3A : i32
        %add3A_177 = arith.constant 0 : i32
        %add3A_178 = arith.addi %add3A_177, %sub3A_176 : i32
        %dma_wait3A_179 = arith.constant 0 : i32
        %dma_wait3A_180 = tpu.memref_slice %arg7[%add3A_178, %dma_wait3A_179] : memref<80x64xi32, #tpu.memory_space<vmem>> -> memref<1x64xi32, #tpu.memory_space<vmem>>
        %dma_wait3A_181 = tpu.memref_squeeze %dma_wait3A_180 : memref<1x64xi32, #tpu.memory_space<vmem>> -> memref<64xi32, #tpu.memory_space<vmem>>
        %dma_wait3A_182 = arith.constant 0 : i32
        %dma_wait3A_183 = arith.constant 0 : i32
        %dma_wait3A_184 = tpu.memref_slice %arg2[%dma_wait3A_182, %dma_wait3A_183] : memref<10240x128xf32, #tpu.memory_space<hbm>> -> memref<10240x128xf32, #tpu.memory_space<hbm>>
        tpu.wait_indirect_dma semaphore(%arg17 : memref<!tpu.dma_semaphore, #tpu.memory_space<semaphore_mem>>) src(%dma_wait3A_184 : memref<10240x128xf32, #tpu.memory_space<hbm>>) dst(%arg12 : memref<64x128xf32, #tpu.memory_space<vmem>>)
        %dma_start3A = arith.constant 0 : i32
        %dma_start3A_185 = tpu.memref_slice %arg8[%sub3A_176, %dma_start3A] : memref<40x64xi32, #tpu.memory_space<vmem>> -> memref<1x64xi32, #tpu.memory_space<vmem>>
        %dma_start3A_186 = tpu.memref_squeeze %dma_start3A_185 : memref<1x64xi32, #tpu.memory_space<vmem>> -> memref<64xi32, #tpu.memory_space<vmem>>
        %dma_start3A_187 = arith.constant 0 : i32
        %dma_start3A_188 = arith.constant 0 : i32
        %dma_start3A_189 = tpu.memref_slice %arg13[%dma_start3A_187, %dma_start3A_188] : memref<10240x128xf32, #tpu.memory_space<vmem_shared>> -> memref<10240x128xf32, #tpu.memory_space<vmem_shared>>
        tpu.enqueue_indirect_dma source(%arg12 : memref<64x128xf32, #tpu.memory_space<vmem>>) target(%dma_start3A_189 : memref<10240x128xf32, #tpu.memory_space<vmem_shared>>) offsets(%dma_start3A_186 : memref<64xi32, #tpu.memory_space<vmem>>) semaphore(%arg21 : memref<!tpu.dma_semaphore, #tpu.memory_space<semaphore_mem>>) {add = true}
      } else {
      }
      %mul3A_126 = arith.constant 4 : i32
      %mul3A_127 = arith.muli %mul3A_126, %scan3A_80 : i32
      %add3A_128 = arith.constant 2 : i32
      %add3A_129 = arith.addi %mul3A_127, %add3A_128 : i32
      %ge3A_130 = arith.constant 4 : i32
      %ge3A_131 = arith.cmpi sge, %add3A_129, %ge3A_130 : i32
      %lt3A_132 = arith.constant 40 : i32
      %lt3A_133 = arith.cmpi slt, %add3A_129, %lt3A_132 : i32
      %and3A_134 = arith.andi %ge3A_131, %lt3A_133 : i1
      %convert_element_type3A_135 = arith.extui %and3A_134 : i1 to i32
      %cond3A_136 = arith.constant 0 : i32
      %cond3A_137 = arith.cmpi ne, %convert_element_type3A_135, %cond3A_136 : i32
      scf.if %cond3A_137 {
        %sub3A = arith.constant 4 : i32
        %sub3A_176 = arith.subi %add3A_129, %sub3A : i32
        %dma_wait3A_177 = arith.constant 0 : i32
        %dma_wait3A_178 = tpu.memref_slice %arg8[%sub3A_176, %dma_wait3A_177] : memref<40x64xi32, #tpu.memory_space<vmem>> -> memref<1x64xi32, #tpu.memory_space<vmem>>
        %dma_wait3A_179 = tpu.memref_squeeze %dma_wait3A_178 : memref<1x64xi32, #tpu.memory_space<vmem>> -> memref<64xi32, #tpu.memory_space<vmem>>
        %dma_wait3A_180 = arith.constant 0 : i32
        %dma_wait3A_181 = arith.constant 0 : i32
        %dma_wait3A_182 = tpu.memref_slice %arg13[%dma_wait3A_180, %dma_wait3A_181] : memref<10240x128xf32, #tpu.memory_space<vmem_shared>> -> memref<10240x128xf32, #tpu.memory_space<vmem_shared>>
        tpu.wait_indirect_dma semaphore(%arg20 : memref<!tpu.dma_semaphore, #tpu.memory_space<semaphore_mem>>) src(%arg11 : memref<64x128xf32, #tpu.memory_space<vmem>>) dst(%dma_wait3A_182 : memref<10240x128xf32, #tpu.memory_space<vmem_shared>>)
      } else {
      }
      %lt3A_138 = arith.constant 40 : i32
      %lt3A_139 = arith.cmpi slt, %add3A_129, %lt3A_138 : i32
      %convert_element_type3A_140 = arith.extui %lt3A_139 : i1 to i32
      %cond3A_141 = arith.constant 0 : i32
      %cond3A_142 = arith.cmpi ne, %convert_element_type3A_140, %cond3A_141 : i32
      scf.if %cond3A_142 {
        %add3A_176 = arith.constant 0 : i32
        %add3A_177 = arith.addi %add3A_176, %add3A_129 : i32
        %dma_start3A = arith.constant 0 : i32
        %dma_start3A_178 = tpu.memref_slice %arg7[%add3A_177, %dma_start3A] : memref<80x64xi32, #tpu.memory_space<vmem>> -> memref<1x64xi32, #tpu.memory_space<vmem>>
        %dma_start3A_179 = tpu.memref_squeeze %dma_start3A_178 : memref<1x64xi32, #tpu.memory_space<vmem>> -> memref<64xi32, #tpu.memory_space<vmem>>
        %dma_start3A_180 = arith.constant 0 : i32
        %dma_start3A_181 = arith.constant 0 : i32
        %dma_start3A_182 = tpu.memref_slice %arg2[%dma_start3A_180, %dma_start3A_181] : memref<10240x128xf32, #tpu.memory_space<hbm>> -> memref<10240x128xf32, #tpu.memory_space<hbm>>
        tpu.enqueue_indirect_dma source(%dma_start3A_182 : memref<10240x128xf32, #tpu.memory_space<hbm>>) target(%arg11 : memref<64x128xf32, #tpu.memory_space<vmem>>) offsets(%dma_start3A_179 : memref<64xi32, #tpu.memory_space<vmem>>) semaphore(%arg16 : memref<!tpu.dma_semaphore, #tpu.memory_space<semaphore_mem>>)
      } else {
      }
      %ge3A_143 = arith.constant 2 : i32
      %ge3A_144 = arith.cmpi sge, %add3A_129, %ge3A_143 : i32
      %lt3A_145 = arith.constant 42 : i32
      %lt3A_146 = arith.cmpi slt, %add3A_129, %lt3A_145 : i32
      %and3A_147 = arith.andi %ge3A_144, %lt3A_146 : i1
      %convert_element_type3A_148 = arith.extui %and3A_147 : i1 to i32
      %cond3A_149 = arith.constant 0 : i32
      %cond3A_150 = arith.cmpi ne, %convert_element_type3A_148, %cond3A_149 : i32
      scf.if %cond3A_150 {
        %sub3A = arith.constant 2 : i32
        %sub3A_176 = arith.subi %add3A_129, %sub3A : i32
        %add3A_177 = arith.constant 0 : i32
        %add3A_178 = arith.addi %add3A_177, %sub3A_176 : i32
        %dma_wait3A_179 = arith.constant 0 : i32
        %dma_wait3A_180 = tpu.memref_slice %arg7[%add3A_178, %dma_wait3A_179] : memref<80x64xi32, #tpu.memory_space<vmem>> -> memref<1x64xi32, #tpu.memory_space<vmem>>
        %dma_wait3A_181 = tpu.memref_squeeze %dma_wait3A_180 : memref<1x64xi32, #tpu.memory_space<vmem>> -> memref<64xi32, #tpu.memory_space<vmem>>
        %dma_wait3A_182 = arith.constant 0 : i32
        %dma_wait3A_183 = arith.constant 0 : i32
        %dma_wait3A_184 = tpu.memref_slice %arg2[%dma_wait3A_182, %dma_wait3A_183] : memref<10240x128xf32, #tpu.memory_space<hbm>> -> memref<10240x128xf32, #tpu.memory_space<hbm>>
        tpu.wait_indirect_dma semaphore(%arg14 : memref<!tpu.dma_semaphore, #tpu.memory_space<semaphore_mem>>) src(%dma_wait3A_184 : memref<10240x128xf32, #tpu.memory_space<hbm>>) dst(%arg9 : memref<64x128xf32, #tpu.memory_space<vmem>>)
        %dma_start3A = arith.constant 0 : i32
        %dma_start3A_185 = tpu.memref_slice %arg8[%sub3A_176, %dma_start3A] : memref<40x64xi32, #tpu.memory_space<vmem>> -> memref<1x64xi32, #tpu.memory_space<vmem>>
        %dma_start3A_186 = tpu.memref_squeeze %dma_start3A_185 : memref<1x64xi32, #tpu.memory_space<vmem>> -> memref<64xi32, #tpu.memory_space<vmem>>
        %dma_start3A_187 = arith.constant 0 : i32
        %dma_start3A_188 = arith.constant 0 : i32
        %dma_start3A_189 = tpu.memref_slice %arg13[%dma_start3A_187, %dma_start3A_188] : memref<10240x128xf32, #tpu.memory_space<vmem_shared>> -> memref<10240x128xf32, #tpu.memory_space<vmem_shared>>
        tpu.enqueue_indirect_dma source(%arg9 : memref<64x128xf32, #tpu.memory_space<vmem>>) target(%dma_start3A_189 : memref<10240x128xf32, #tpu.memory_space<vmem_shared>>) offsets(%dma_start3A_186 : memref<64xi32, #tpu.memory_space<vmem>>) semaphore(%arg18 : memref<!tpu.dma_semaphore, #tpu.memory_space<semaphore_mem>>) {add = true}
      } else {
      }
      %mul3A_151 = arith.constant 4 : i32
      %mul3A_152 = arith.muli %mul3A_151, %scan3A_80 : i32
      %add3A_153 = arith.constant 3 : i32
      %add3A_154 = arith.addi %mul3A_152, %add3A_153 : i32
      %ge3A_155 = arith.constant 4 : i32
      %ge3A_156 = arith.cmpi sge, %add3A_154, %ge3A_155 : i32
      %lt3A_157 = arith.constant 40 : i32
      %lt3A_158 = arith.cmpi slt, %add3A_154, %lt3A_157 : i32
      %and3A_159 = arith.andi %ge3A_156, %lt3A_158 : i1
      %convert_element_type3A_160 = arith.extui %and3A_159 : i1 to i32
      %cond3A_161 = arith.constant 0 : i32
      %cond3A_162 = arith.cmpi ne, %convert_element_type3A_160, %cond3A_161 : i32
      scf.if %cond3A_162 {
        %sub3A = arith.constant 4 : i32
        %sub3A_176 = arith.subi %add3A_154, %sub3A : i32
        %dma_wait3A_177 = arith.constant 0 : i32
        %dma_wait3A_178 = tpu.memref_slice %arg8[%sub3A_176, %dma_wait3A_177] : memref<40x64xi32, #tpu.memory_space<vmem>> -> memref<1x64xi32, #tpu.memory_space<vmem>>
        %dma_wait3A_179 = tpu.memref_squeeze %dma_wait3A_178 : memref<1x64xi32, #tpu.memory_space<vmem>> -> memref<64xi32, #tpu.memory_space<vmem>>
        %dma_wait3A_180 = arith.constant 0 : i32
        %dma_wait3A_181 = arith.constant 0 : i32
        %dma_wait3A_182 = tpu.memref_slice %arg13[%dma_wait3A_180, %dma_wait3A_181] : memref<10240x128xf32, #tpu.memory_space<vmem_shared>> -> memref<10240x128xf32, #tpu.memory_space<vmem_shared>>
        tpu.wait_indirect_dma semaphore(%arg21 : memref<!tpu.dma_semaphore, #tpu.memory_space<semaphore_mem>>) src(%arg12 : memref<64x128xf32, #tpu.memory_space<vmem>>) dst(%dma_wait3A_182 : memref<10240x128xf32, #tpu.memory_space<vmem_shared>>)
      } else {
      }
      %lt3A_163 = arith.constant 40 : i32
      %lt3A_164 = arith.cmpi slt, %add3A_154, %lt3A_163 : i32
      %convert_element_type3A_165 = arith.extui %lt3A_164 : i1 to i32
      %cond3A_166 = arith.constant 0 : i32
      %cond3A_167 = arith.cmpi ne, %convert_element_type3A_165, %cond3A_166 : i32
      scf.if %cond3A_167 {
        %add3A_176 = arith.constant 0 : i32
        %add3A_177 = arith.addi %add3A_176, %add3A_154 : i32
        %dma_start3A = arith.constant 0 : i32
        %dma_start3A_178 = tpu.memref_slice %arg7[%add3A_177, %dma_start3A] : memref<80x64xi32, #tpu.memory_space<vmem>> -> memref<1x64xi32, #tpu.memory_space<vmem>>
        %dma_start3A_179 = tpu.memref_squeeze %dma_start3A_178 : memref<1x64xi32, #tpu.memory_space<vmem>> -> memref<64xi32, #tpu.memory_space<vmem>>
        %dma_start3A_180 = arith.constant 0 : i32
        %dma_start3A_181 = arith.constant 0 : i32
        %dma_start3A_182 = tpu.memref_slice %arg2[%dma_start3A_180, %dma_start3A_181] : memref<10240x128xf32, #tpu.memory_space<hbm>> -> memref<10240x128xf32, #tpu.memory_space<hbm>>
        tpu.enqueue_indirect_dma source(%dma_start3A_182 : memref<10240x128xf32, #tpu.memory_space<hbm>>) target(%arg12 : memref<64x128xf32, #tpu.memory_space<vmem>>) offsets(%dma_start3A_179 : memref<64xi32, #tpu.memory_space<vmem>>) semaphore(%arg17 : memref<!tpu.dma_semaphore, #tpu.memory_space<semaphore_mem>>)
      } else {
      }
      %ge3A_168 = arith.constant 2 : i32
      %ge3A_169 = arith.cmpi sge, %add3A_154, %ge3A_168 : i32
      %lt3A_170 = arith.constant 42 : i32
      %lt3A_171 = arith.cmpi slt, %add3A_154, %lt3A_170 : i32
      %and3A_172 = arith.andi %ge3A_169, %lt3A_171 : i1
      %convert_element_type3A_173 = arith.extui %and3A_172 : i1 to i32
      %cond3A_174 = arith.constant 0 : i32
      %cond3A_175 = arith.cmpi ne, %convert_element_type3A_173, %cond3A_174 : i32
      scf.if %cond3A_175 {
        %sub3A = arith.constant 2 : i32
        %sub3A_176 = arith.subi %add3A_154, %sub3A : i32
        %add3A_177 = arith.constant 0 : i32
        %add3A_178 = arith.addi %add3A_177, %sub3A_176 : i32
        %dma_wait3A_179 = arith.constant 0 : i32
        %dma_wait3A_180 = tpu.memref_slice %arg7[%add3A_178, %dma_wait3A_179] : memref<80x64xi32, #tpu.memory_space<vmem>> -> memref<1x64xi32, #tpu.memory_space<vmem>>
        %dma_wait3A_181 = tpu.memref_squeeze %dma_wait3A_180 : memref<1x64xi32, #tpu.memory_space<vmem>> -> memref<64xi32, #tpu.memory_space<vmem>>
        %dma_wait3A_182 = arith.constant 0 : i32
        %dma_wait3A_183 = arith.constant 0 : i32
        %dma_wait3A_184 = tpu.memref_slice %arg2[%dma_wait3A_182, %dma_wait3A_183] : memref<10240x128xf32, #tpu.memory_space<hbm>> -> memref<10240x128xf32, #tpu.memory_space<hbm>>
        tpu.wait_indirect_dma semaphore(%arg15 : memref<!tpu.dma_semaphore, #tpu.memory_space<semaphore_mem>>) src(%dma_wait3A_184 : memref<10240x128xf32, #tpu.memory_space<hbm>>) dst(%arg10 : memref<64x128xf32, #tpu.memory_space<vmem>>)
        %dma_start3A = arith.constant 0 : i32
        %dma_start3A_185 = tpu.memref_slice %arg8[%sub3A_176, %dma_start3A] : memref<40x64xi32, #tpu.memory_space<vmem>> -> memref<1x64xi32, #tpu.memory_space<vmem>>
        %dma_start3A_186 = tpu.memref_squeeze %dma_start3A_185 : memref<1x64xi32, #tpu.memory_space<vmem>> -> memref<64xi32, #tpu.memory_space<vmem>>
        %dma_start3A_187 = arith.constant 0 : i32
        %dma_start3A_188 = arith.constant 0 : i32
        %dma_start3A_189 = tpu.memref_slice %arg13[%dma_start3A_187, %dma_start3A_188] : memref<10240x128xf32, #tpu.memory_space<vmem_shared>> -> memref<10240x128xf32, #tpu.memory_space<vmem_shared>>
        tpu.enqueue_indirect_dma source(%arg10 : memref<64x128xf32, #tpu.memory_space<vmem>>) target(%dma_start3A_189 : memref<10240x128xf32, #tpu.memory_space<vmem_shared>>) offsets(%dma_start3A_186 : memref<64xi32, #tpu.memory_space<vmem>>) semaphore(%arg19 : memref<!tpu.dma_semaphore, #tpu.memory_space<semaphore_mem>>) {add = true}
      } else {
      }
    }
    %scan3A_13 = arith.constant 12 : i32
    %dma_wait3A = arith.constant 36 : i32
    %dma_wait3A_14 = arith.constant 0 : i32
    %dma_wait3A_15 = tpu.memref_slice %arg8[%dma_wait3A, %dma_wait3A_14] : memref<40x64xi32, #tpu.memory_space<vmem>> -> memref<1x64xi32, #tpu.memory_space<vmem>>
    %dma_wait3A_16 = tpu.memref_squeeze %dma_wait3A_15 : memref<1x64xi32, #tpu.memory_space<vmem>> -> memref<64xi32, #tpu.memory_space<vmem>>
    %dma_wait3A_17 = arith.constant 0 : i32
    %dma_wait3A_18 = arith.constant 0 : i32
    %dma_wait3A_19 = tpu.memref_slice %arg13[%dma_wait3A_17, %dma_wait3A_18] : memref<10240x128xf32, #tpu.memory_space<vmem_shared>> -> memref<10240x128xf32, #tpu.memory_space<vmem_shared>>
    tpu.wait_indirect_dma semaphore(%arg18 : memref<!tpu.dma_semaphore, #tpu.memory_space<semaphore_mem>>) src(%arg9 : memref<64x128xf32, #tpu.memory_space<vmem>>) dst(%dma_wait3A_19 : memref<10240x128xf32, #tpu.memory_space<vmem_shared>>)
    %dma_wait3A_20 = arith.constant 37 : i32
    %dma_wait3A_21 = arith.constant 0 : i32
    %dma_wait3A_22 = tpu.memref_slice %arg8[%dma_wait3A_20, %dma_wait3A_21] : memref<40x64xi32, #tpu.memory_space<vmem>> -> memref<1x64xi32, #tpu.memory_space<vmem>>
    %dma_wait3A_23 = tpu.memref_squeeze %dma_wait3A_22 : memref<1x64xi32, #tpu.memory_space<vmem>> -> memref<64xi32, #tpu.memory_space<vmem>>
    %dma_wait3A_24 = arith.constant 0 : i32
    %dma_wait3A_25 = arith.constant 0 : i32
    %dma_wait3A_26 = tpu.memref_slice %arg13[%dma_wait3A_24, %dma_wait3A_25] : memref<10240x128xf32, #tpu.memory_space<vmem_shared>> -> memref<10240x128xf32, #tpu.memory_space<vmem_shared>>
    tpu.wait_indirect_dma semaphore(%arg19 : memref<!tpu.dma_semaphore, #tpu.memory_space<semaphore_mem>>) src(%arg10 : memref<64x128xf32, #tpu.memory_space<vmem>>) dst(%dma_wait3A_26 : memref<10240x128xf32, #tpu.memory_space<vmem_shared>>)
    %dma_wait3A_27 = arith.constant 38 : i32
    %dma_wait3A_28 = arith.constant 0 : i32
    %dma_wait3A_29 = tpu.memref_slice %arg8[%dma_wait3A_27, %dma_wait3A_28] : memref<40x64xi32, #tpu.memory_space<vmem>> -> memref<1x64xi32, #tpu.memory_space<vmem>>
    %dma_wait3A_30 = tpu.memref_squeeze %dma_wait3A_29 : memref<1x64xi32, #tpu.memory_space<vmem>> -> memref<64xi32, #tpu.memory_space<vmem>>
    %dma_wait3A_31 = arith.constant 0 : i32
    %dma_wait3A_32 = arith.constant 0 : i32
    %dma_wait3A_33 = tpu.memref_slice %arg13[%dma_wait3A_31, %dma_wait3A_32] : memref<10240x128xf32, #tpu.memory_space<vmem_shared>> -> memref<10240x128xf32, #tpu.memory_space<vmem_shared>>
    tpu.wait_indirect_dma semaphore(%arg20 : memref<!tpu.dma_semaphore, #tpu.memory_space<semaphore_mem>>) src(%arg11 : memref<64x128xf32, #tpu.memory_space<vmem>>) dst(%dma_wait3A_33 : memref<10240x128xf32, #tpu.memory_space<vmem_shared>>)
    %dma_wait3A_34 = arith.constant 39 : i32
    %dma_wait3A_35 = arith.constant 0 : i32
    %dma_wait3A_36 = tpu.memref_slice %arg8[%dma_wait3A_34, %dma_wait3A_35] : memref<40x64xi32, #tpu.memory_space<vmem>> -> memref<1x64xi32, #tpu.memory_space<vmem>>
    %dma_wait3A_37 = tpu.memref_squeeze %dma_wait3A_36 : memref<1x64xi32, #tpu.memory_space<vmem>> -> memref<64xi32, #tpu.memory_space<vmem>>
    %dma_wait3A_38 = arith.constant 0 : i32
    %dma_wait3A_39 = arith.constant 0 : i32
    %dma_wait3A_40 = tpu.memref_slice %arg13[%dma_wait3A_38, %dma_wait3A_39] : memref<10240x128xf32, #tpu.memory_space<vmem_shared>> -> memref<10240x128xf32, #tpu.memory_space<vmem_shared>>
    tpu.wait_indirect_dma semaphore(%arg21 : memref<!tpu.dma_semaphore, #tpu.memory_space<semaphore_mem>>) src(%arg12 : memref<64x128xf32, #tpu.memory_space<vmem>>) dst(%dma_wait3A_40 : memref<10240x128xf32, #tpu.memory_space<vmem_shared>>)
    %mul3A_41 = arith.constant 80 : i32
    %mul3A_42 = arith.muli %add3A, %mul3A_41 : i32
    %add3A_43 = arith.constant 40 : i32
    %add3A_44 = arith.addi %mul3A_42, %add3A_43 : i32
    "tpu.region"() ({
      %run_scoped3A = tpu.sem_alloc : memref<!tpu.dma_semaphore, #tpu.memory_space<semaphore_mem>>
      %dma_start3A = arith.constant 0 : i32
      %dma_start3A_80 = tpu.memref_slice %arg4[%add3A_44, %dma_start3A] : memref<2560x64xi32, #tpu.memory_space<hbm>> -> memref<40x64xi32, #tpu.memory_space<hbm>>
      %dma_start3A_81 = arith.constant 0 : i32
      %dma_start3A_82 = tpu.memref_slice %arg4[%add3A_44, %dma_start3A_81] : memref<2560x64xi32, #tpu.memory_space<hbm>> -> memref<40x64xi32, #tpu.memory_space<hbm>>
      tpu.enqueue_dma source(%dma_start3A_82 : memref<40x64xi32, #tpu.memory_space<hbm>>) target(%arg8 : memref<40x64xi32, #tpu.memory_space<vmem>>) target_semaphore(%run_scoped3A : memref<!tpu.dma_semaphore, #tpu.memory_space<semaphore_mem>>)
      %dma_wait3A_83 = arith.constant 0 : i32
      %dma_wait3A_84 = tpu.memref_slice %arg4[%add3A_44, %dma_wait3A_83] : memref<2560x64xi32, #tpu.memory_space<hbm>> -> memref<40x64xi32, #tpu.memory_space<hbm>>
      %dma_wait3A_85 = arith.constant 0 : i32
      %dma_wait3A_86 = tpu.memref_slice %arg4[%add3A_44, %dma_wait3A_85] : memref<2560x64xi32, #tpu.memory_space<hbm>> -> memref<40x64xi32, #tpu.memory_space<hbm>>
      tpu.wait_dma2 semaphore(%run_scoped3A : memref<!tpu.dma_semaphore, #tpu.memory_space<semaphore_mem>>) src(%dma_wait3A_86 : memref<40x64xi32, #tpu.memory_space<hbm>>) dst(%arg8 : memref<40x64xi32, #tpu.memory_space<vmem>>)
      tpu.yield
    }) : () -> ()
    %scan3A_45 = arith.constant 0 : i32
    %scan3A_46 = arith.constant 0 : i32
    %scan3A_47 = arith.constant 12 : i32
    %scan3A_48 = arith.addi %scan3A_46, %scan3A_47 : i32
    %scan3A_49 = arith.constant 1 : i32
    scf.for %scan3A_80 = %scan3A_46 to %scan3A_48 step %scan3A_49  : i32 {
      %mul3A_81 = arith.constant 4 : i32
      %mul3A_82 = arith.muli %mul3A_81, %scan3A_80 : i32
      %add3A_83 = arith.constant 0 : i32
      %add3A_84 = arith.addi %mul3A_82, %add3A_83 : i32
      %ge3A = arith.constant 4 : i32
      %ge3A_85 = arith.cmpi sge, %add3A_84, %ge3A : i32
      %lt3A = arith.constant 40 : i32
      %lt3A_86 = arith.cmpi slt, %add3A_84, %lt3A : i32
      %and3A = arith.andi %ge3A_85, %lt3A_86 : i1
      %convert_element_type3A = arith.extui %and3A : i1 to i32
      %cond3A = arith.constant 0 : i32
      %cond3A_87 = arith.cmpi ne, %convert_element_type3A, %cond3A : i32
      scf.if %cond3A_87 {
        %sub3A = arith.constant 4 : i32
        %sub3A_176 = arith.subi %add3A_84, %sub3A : i32
        %dma_wait3A_177 = arith.constant 0 : i32
        %dma_wait3A_178 = tpu.memref_slice %arg8[%sub3A_176, %dma_wait3A_177] : memref<40x64xi32, #tpu.memory_space<vmem>> -> memref<1x64xi32, #tpu.memory_space<vmem>>
        %dma_wait3A_179 = tpu.memref_squeeze %dma_wait3A_178 : memref<1x64xi32, #tpu.memory_space<vmem>> -> memref<64xi32, #tpu.memory_space<vmem>>
        %dma_wait3A_180 = arith.constant 0 : i32
        %dma_wait3A_181 = arith.constant 0 : i32
        %dma_wait3A_182 = tpu.memref_slice %arg13[%dma_wait3A_180, %dma_wait3A_181] : memref<10240x128xf32, #tpu.memory_space<vmem_shared>> -> memref<10240x128xf32, #tpu.memory_space<vmem_shared>>
        tpu.wait_indirect_dma semaphore(%arg18 : memref<!tpu.dma_semaphore, #tpu.memory_space<semaphore_mem>>) src(%arg9 : memref<64x128xf32, #tpu.memory_space<vmem>>) dst(%dma_wait3A_182 : memref<10240x128xf32, #tpu.memory_space<vmem_shared>>)
      } else {
      }
      %lt3A_88 = arith.constant 40 : i32
      %lt3A_89 = arith.cmpi slt, %add3A_84, %lt3A_88 : i32
      %convert_element_type3A_90 = arith.extui %lt3A_89 : i1 to i32
      %cond3A_91 = arith.constant 0 : i32
      %cond3A_92 = arith.cmpi ne, %convert_element_type3A_90, %cond3A_91 : i32
      scf.if %cond3A_92 {
        %add3A_176 = arith.constant 40 : i32
        %add3A_177 = arith.addi %add3A_176, %add3A_84 : i32
        %dma_start3A = arith.constant 0 : i32
        %dma_start3A_178 = tpu.memref_slice %arg7[%add3A_177, %dma_start3A] : memref<80x64xi32, #tpu.memory_space<vmem>> -> memref<1x64xi32, #tpu.memory_space<vmem>>
        %dma_start3A_179 = tpu.memref_squeeze %dma_start3A_178 : memref<1x64xi32, #tpu.memory_space<vmem>> -> memref<64xi32, #tpu.memory_space<vmem>>
        %dma_start3A_180 = arith.constant 0 : i32
        %dma_start3A_181 = arith.constant 0 : i32
        %dma_start3A_182 = tpu.memref_slice %arg2[%dma_start3A_180, %dma_start3A_181] : memref<10240x128xf32, #tpu.memory_space<hbm>> -> memref<10240x128xf32, #tpu.memory_space<hbm>>
        tpu.enqueue_indirect_dma source(%dma_start3A_182 : memref<10240x128xf32, #tpu.memory_space<hbm>>) target(%arg9 : memref<64x128xf32, #tpu.memory_space<vmem>>) offsets(%dma_start3A_179 : memref<64xi32, #tpu.memory_space<vmem>>) semaphore(%arg14 : memref<!tpu.dma_semaphore, #tpu.memory_space<semaphore_mem>>)
      } else {
      }
      %ge3A_93 = arith.constant 2 : i32
      %ge3A_94 = arith.cmpi sge, %add3A_84, %ge3A_93 : i32
      %lt3A_95 = arith.constant 42 : i32
      %lt3A_96 = arith.cmpi slt, %add3A_84, %lt3A_95 : i32
      %and3A_97 = arith.andi %ge3A_94, %lt3A_96 : i1
      %convert_element_type3A_98 = arith.extui %and3A_97 : i1 to i32
      %cond3A_99 = arith.constant 0 : i32
      %cond3A_100 = arith.cmpi ne, %convert_element_type3A_98, %cond3A_99 : i32
      scf.if %cond3A_100 {
        %sub3A = arith.constant 2 : i32
        %sub3A_176 = arith.subi %add3A_84, %sub3A : i32
        %add3A_177 = arith.constant 40 : i32
        %add3A_178 = arith.addi %add3A_177, %sub3A_176 : i32
        %dma_wait3A_179 = arith.constant 0 : i32
        %dma_wait3A_180 = tpu.memref_slice %arg7[%add3A_178, %dma_wait3A_179] : memref<80x64xi32, #tpu.memory_space<vmem>> -> memref<1x64xi32, #tpu.memory_space<vmem>>
        %dma_wait3A_181 = tpu.memref_squeeze %dma_wait3A_180 : memref<1x64xi32, #tpu.memory_space<vmem>> -> memref<64xi32, #tpu.memory_space<vmem>>
        %dma_wait3A_182 = arith.constant 0 : i32
        %dma_wait3A_183 = arith.constant 0 : i32
        %dma_wait3A_184 = tpu.memref_slice %arg2[%dma_wait3A_182, %dma_wait3A_183] : memref<10240x128xf32, #tpu.memory_space<hbm>> -> memref<10240x128xf32, #tpu.memory_space<hbm>>
        tpu.wait_indirect_dma semaphore(%arg16 : memref<!tpu.dma_semaphore, #tpu.memory_space<semaphore_mem>>) src(%dma_wait3A_184 : memref<10240x128xf32, #tpu.memory_space<hbm>>) dst(%arg11 : memref<64x128xf32, #tpu.memory_space<vmem>>)
        %dma_start3A = arith.constant 0 : i32
        %dma_start3A_185 = tpu.memref_slice %arg8[%sub3A_176, %dma_start3A] : memref<40x64xi32, #tpu.memory_space<vmem>> -> memref<1x64xi32, #tpu.memory_space<vmem>>
        %dma_start3A_186 = tpu.memref_squeeze %dma_start3A_185 : memref<1x64xi32, #tpu.memory_space<vmem>> -> memref<64xi32, #tpu.memory_space<vmem>>
        %dma_start3A_187 = arith.constant 0 : i32
        %dma_start3A_188 = arith.constant 0 : i32
        %dma_start3A_189 = tpu.memref_slice %arg13[%dma_start3A_187, %dma_start3A_188] : memref<10240x128xf32, #tpu.memory_space<vmem_shared>> -> memref<10240x128xf32, #tpu.memory_space<vmem_shared>>
        tpu.enqueue_indirect_dma source(%arg11 : memref<64x128xf32, #tpu.memory_space<vmem>>) target(%dma_start3A_189 : memref<10240x128xf32, #tpu.memory_space<vmem_shared>>) offsets(%dma_start3A_186 : memref<64xi32, #tpu.memory_space<vmem>>) semaphore(%arg20 : memref<!tpu.dma_semaphore, #tpu.memory_space<semaphore_mem>>) {add = true}
      } else {
      }
      %mul3A_101 = arith.constant 4 : i32
      %mul3A_102 = arith.muli %mul3A_101, %scan3A_80 : i32
      %add3A_103 = arith.constant 1 : i32
      %add3A_104 = arith.addi %mul3A_102, %add3A_103 : i32
      %ge3A_105 = arith.constant 4 : i32
      %ge3A_106 = arith.cmpi sge, %add3A_104, %ge3A_105 : i32
      %lt3A_107 = arith.constant 40 : i32
      %lt3A_108 = arith.cmpi slt, %add3A_104, %lt3A_107 : i32
      %and3A_109 = arith.andi %ge3A_106, %lt3A_108 : i1
      %convert_element_type3A_110 = arith.extui %and3A_109 : i1 to i32
      %cond3A_111 = arith.constant 0 : i32
      %cond3A_112 = arith.cmpi ne, %convert_element_type3A_110, %cond3A_111 : i32
      scf.if %cond3A_112 {
        %sub3A = arith.constant 4 : i32
        %sub3A_176 = arith.subi %add3A_104, %sub3A : i32
        %dma_wait3A_177 = arith.constant 0 : i32
        %dma_wait3A_178 = tpu.memref_slice %arg8[%sub3A_176, %dma_wait3A_177] : memref<40x64xi32, #tpu.memory_space<vmem>> -> memref<1x64xi32, #tpu.memory_space<vmem>>
        %dma_wait3A_179 = tpu.memref_squeeze %dma_wait3A_178 : memref<1x64xi32, #tpu.memory_space<vmem>> -> memref<64xi32, #tpu.memory_space<vmem>>
        %dma_wait3A_180 = arith.constant 0 : i32
        %dma_wait3A_181 = arith.constant 0 : i32
        %dma_wait3A_182 = tpu.memref_slice %arg13[%dma_wait3A_180, %dma_wait3A_181] : memref<10240x128xf32, #tpu.memory_space<vmem_shared>> -> memref<10240x128xf32, #tpu.memory_space<vmem_shared>>
        tpu.wait_indirect_dma semaphore(%arg19 : memref<!tpu.dma_semaphore, #tpu.memory_space<semaphore_mem>>) src(%arg10 : memref<64x128xf32, #tpu.memory_space<vmem>>) dst(%dma_wait3A_182 : memref<10240x128xf32, #tpu.memory_space<vmem_shared>>)
      } else {
      }
      %lt3A_113 = arith.constant 40 : i32
      %lt3A_114 = arith.cmpi slt, %add3A_104, %lt3A_113 : i32
      %convert_element_type3A_115 = arith.extui %lt3A_114 : i1 to i32
      %cond3A_116 = arith.constant 0 : i32
      %cond3A_117 = arith.cmpi ne, %convert_element_type3A_115, %cond3A_116 : i32
      scf.if %cond3A_117 {
        %add3A_176 = arith.constant 40 : i32
        %add3A_177 = arith.addi %add3A_176, %add3A_104 : i32
        %dma_start3A = arith.constant 0 : i32
        %dma_start3A_178 = tpu.memref_slice %arg7[%add3A_177, %dma_start3A] : memref<80x64xi32, #tpu.memory_space<vmem>> -> memref<1x64xi32, #tpu.memory_space<vmem>>
        %dma_start3A_179 = tpu.memref_squeeze %dma_start3A_178 : memref<1x64xi32, #tpu.memory_space<vmem>> -> memref<64xi32, #tpu.memory_space<vmem>>
        %dma_start3A_180 = arith.constant 0 : i32
        %dma_start3A_181 = arith.constant 0 : i32
        %dma_start3A_182 = tpu.memref_slice %arg2[%dma_start3A_180, %dma_start3A_181] : memref<10240x128xf32, #tpu.memory_space<hbm>> -> memref<10240x128xf32, #tpu.memory_space<hbm>>
        tpu.enqueue_indirect_dma source(%dma_start3A_182 : memref<10240x128xf32, #tpu.memory_space<hbm>>) target(%arg10 : memref<64x128xf32, #tpu.memory_space<vmem>>) offsets(%dma_start3A_179 : memref<64xi32, #tpu.memory_space<vmem>>) semaphore(%arg15 : memref<!tpu.dma_semaphore, #tpu.memory_space<semaphore_mem>>)
      } else {
      }
      %ge3A_118 = arith.constant 2 : i32
      %ge3A_119 = arith.cmpi sge, %add3A_104, %ge3A_118 : i32
      %lt3A_120 = arith.constant 42 : i32
      %lt3A_121 = arith.cmpi slt, %add3A_104, %lt3A_120 : i32
      %and3A_122 = arith.andi %ge3A_119, %lt3A_121 : i1
      %convert_element_type3A_123 = arith.extui %and3A_122 : i1 to i32
      %cond3A_124 = arith.constant 0 : i32
      %cond3A_125 = arith.cmpi ne, %convert_element_type3A_123, %cond3A_124 : i32
      scf.if %cond3A_125 {
        %sub3A = arith.constant 2 : i32
        %sub3A_176 = arith.subi %add3A_104, %sub3A : i32
        %add3A_177 = arith.constant 40 : i32
        %add3A_178 = arith.addi %add3A_177, %sub3A_176 : i32
        %dma_wait3A_179 = arith.constant 0 : i32
        %dma_wait3A_180 = tpu.memref_slice %arg7[%add3A_178, %dma_wait3A_179] : memref<80x64xi32, #tpu.memory_space<vmem>> -> memref<1x64xi32, #tpu.memory_space<vmem>>
        %dma_wait3A_181 = tpu.memref_squeeze %dma_wait3A_180 : memref<1x64xi32, #tpu.memory_space<vmem>> -> memref<64xi32, #tpu.memory_space<vmem>>
        %dma_wait3A_182 = arith.constant 0 : i32
        %dma_wait3A_183 = arith.constant 0 : i32
        %dma_wait3A_184 = tpu.memref_slice %arg2[%dma_wait3A_182, %dma_wait3A_183] : memref<10240x128xf32, #tpu.memory_space<hbm>> -> memref<10240x128xf32, #tpu.memory_space<hbm>>
        tpu.wait_indirect_dma semaphore(%arg17 : memref<!tpu.dma_semaphore, #tpu.memory_space<semaphore_mem>>) src(%dma_wait3A_184 : memref<10240x128xf32, #tpu.memory_space<hbm>>) dst(%arg12 : memref<64x128xf32, #tpu.memory_space<vmem>>)
        %dma_start3A = arith.constant 0 : i32
        %dma_start3A_185 = tpu.memref_slice %arg8[%sub3A_176, %dma_start3A] : memref<40x64xi32, #tpu.memory_space<vmem>> -> memref<1x64xi32, #tpu.memory_space<vmem>>
        %dma_start3A_186 = tpu.memref_squeeze %dma_start3A_185 : memref<1x64xi32, #tpu.memory_space<vmem>> -> memref<64xi32, #tpu.memory_space<vmem>>
        %dma_start3A_187 = arith.constant 0 : i32
        %dma_start3A_188 = arith.constant 0 : i32
        %dma_start3A_189 = tpu.memref_slice %arg13[%dma_start3A_187, %dma_start3A_188] : memref<10240x128xf32, #tpu.memory_space<vmem_shared>> -> memref<10240x128xf32, #tpu.memory_space<vmem_shared>>
        tpu.enqueue_indirect_dma source(%arg12 : memref<64x128xf32, #tpu.memory_space<vmem>>) target(%dma_start3A_189 : memref<10240x128xf32, #tpu.memory_space<vmem_shared>>) offsets(%dma_start3A_186 : memref<64xi32, #tpu.memory_space<vmem>>) semaphore(%arg21 : memref<!tpu.dma_semaphore, #tpu.memory_space<semaphore_mem>>) {add = true}
      } else {
      }
      %mul3A_126 = arith.constant 4 : i32
      %mul3A_127 = arith.muli %mul3A_126, %scan3A_80 : i32
      %add3A_128 = arith.constant 2 : i32
      %add3A_129 = arith.addi %mul3A_127, %add3A_128 : i32
      %ge3A_130 = arith.constant 4 : i32
      %ge3A_131 = arith.cmpi sge, %add3A_129, %ge3A_130 : i32
      %lt3A_132 = arith.constant 40 : i32
      %lt3A_133 = arith.cmpi slt, %add3A_129, %lt3A_132 : i32
      %and3A_134 = arith.andi %ge3A_131, %lt3A_133 : i1
      %convert_element_type3A_135 = arith.extui %and3A_134 : i1 to i32
      %cond3A_136 = arith.constant 0 : i32
      %cond3A_137 = arith.cmpi ne, %convert_element_type3A_135, %cond3A_136 : i32
      scf.if %cond3A_137 {
        %sub3A = arith.constant 4 : i32
        %sub3A_176 = arith.subi %add3A_129, %sub3A : i32
        %dma_wait3A_177 = arith.constant 0 : i32
        %dma_wait3A_178 = tpu.memref_slice %arg8[%sub3A_176, %dma_wait3A_177] : memref<40x64xi32, #tpu.memory_space<vmem>> -> memref<1x64xi32, #tpu.memory_space<vmem>>
        %dma_wait3A_179 = tpu.memref_squeeze %dma_wait3A_178 : memref<1x64xi32, #tpu.memory_space<vmem>> -> memref<64xi32, #tpu.memory_space<vmem>>
        %dma_wait3A_180 = arith.constant 0 : i32
        %dma_wait3A_181 = arith.constant 0 : i32
        %dma_wait3A_182 = tpu.memref_slice %arg13[%dma_wait3A_180, %dma_wait3A_181] : memref<10240x128xf32, #tpu.memory_space<vmem_shared>> -> memref<10240x128xf32, #tpu.memory_space<vmem_shared>>
        tpu.wait_indirect_dma semaphore(%arg20 : memref<!tpu.dma_semaphore, #tpu.memory_space<semaphore_mem>>) src(%arg11 : memref<64x128xf32, #tpu.memory_space<vmem>>) dst(%dma_wait3A_182 : memref<10240x128xf32, #tpu.memory_space<vmem_shared>>)
      } else {
      }
      %lt3A_138 = arith.constant 40 : i32
      %lt3A_139 = arith.cmpi slt, %add3A_129, %lt3A_138 : i32
      %convert_element_type3A_140 = arith.extui %lt3A_139 : i1 to i32
      %cond3A_141 = arith.constant 0 : i32
      %cond3A_142 = arith.cmpi ne, %convert_element_type3A_140, %cond3A_141 : i32
      scf.if %cond3A_142 {
        %add3A_176 = arith.constant 40 : i32
        %add3A_177 = arith.addi %add3A_176, %add3A_129 : i32
        %dma_start3A = arith.constant 0 : i32
        %dma_start3A_178 = tpu.memref_slice %arg7[%add3A_177, %dma_start3A] : memref<80x64xi32, #tpu.memory_space<vmem>> -> memref<1x64xi32, #tpu.memory_space<vmem>>
        %dma_start3A_179 = tpu.memref_squeeze %dma_start3A_178 : memref<1x64xi32, #tpu.memory_space<vmem>> -> memref<64xi32, #tpu.memory_space<vmem>>
        %dma_start3A_180 = arith.constant 0 : i32
        %dma_start3A_181 = arith.constant 0 : i32
        %dma_start3A_182 = tpu.memref_slice %arg2[%dma_start3A_180, %dma_start3A_181] : memref<10240x128xf32, #tpu.memory_space<hbm>> -> memref<10240x128xf32, #tpu.memory_space<hbm>>
        tpu.enqueue_indirect_dma source(%dma_start3A_182 : memref<10240x128xf32, #tpu.memory_space<hbm>>) target(%arg11 : memref<64x128xf32, #tpu.memory_space<vmem>>) offsets(%dma_start3A_179 : memref<64xi32, #tpu.memory_space<vmem>>) semaphore(%arg16 : memref<!tpu.dma_semaphore, #tpu.memory_space<semaphore_mem>>)
      } else {
      }
      %ge3A_143 = arith.constant 2 : i32
      %ge3A_144 = arith.cmpi sge, %add3A_129, %ge3A_143 : i32
      %lt3A_145 = arith.constant 42 : i32
      %lt3A_146 = arith.cmpi slt, %add3A_129, %lt3A_145 : i32
      %and3A_147 = arith.andi %ge3A_144, %lt3A_146 : i1
      %convert_element_type3A_148 = arith.extui %and3A_147 : i1 to i32
      %cond3A_149 = arith.constant 0 : i32
      %cond3A_150 = arith.cmpi ne, %convert_element_type3A_148, %cond3A_149 : i32
      scf.if %cond3A_150 {
        %sub3A = arith.constant 2 : i32
        %sub3A_176 = arith.subi %add3A_129, %sub3A : i32
        %add3A_177 = arith.constant 40 : i32
        %add3A_178 = arith.addi %add3A_177, %sub3A_176 : i32
        %dma_wait3A_179 = arith.constant 0 : i32
        %dma_wait3A_180 = tpu.memref_slice %arg7[%add3A_178, %dma_wait3A_179] : memref<80x64xi32, #tpu.memory_space<vmem>> -> memref<1x64xi32, #tpu.memory_space<vmem>>
        %dma_wait3A_181 = tpu.memref_squeeze %dma_wait3A_180 : memref<1x64xi32, #tpu.memory_space<vmem>> -> memref<64xi32, #tpu.memory_space<vmem>>
        %dma_wait3A_182 = arith.constant 0 : i32
        %dma_wait3A_183 = arith.constant 0 : i32
        %dma_wait3A_184 = tpu.memref_slice %arg2[%dma_wait3A_182, %dma_wait3A_183] : memref<10240x128xf32, #tpu.memory_space<hbm>> -> memref<10240x128xf32, #tpu.memory_space<hbm>>
        tpu.wait_indirect_dma semaphore(%arg14 : memref<!tpu.dma_semaphore, #tpu.memory_space<semaphore_mem>>) src(%dma_wait3A_184 : memref<10240x128xf32, #tpu.memory_space<hbm>>) dst(%arg9 : memref<64x128xf32, #tpu.memory_space<vmem>>)
        %dma_start3A = arith.constant 0 : i32
        %dma_start3A_185 = tpu.memref_slice %arg8[%sub3A_176, %dma_start3A] : memref<40x64xi32, #tpu.memory_space<vmem>> -> memref<1x64xi32, #tpu.memory_space<vmem>>
        %dma_start3A_186 = tpu.memref_squeeze %dma_start3A_185 : memref<1x64xi32, #tpu.memory_space<vmem>> -> memref<64xi32, #tpu.memory_space<vmem>>
        %dma_start3A_187 = arith.constant 0 : i32
        %dma_start3A_188 = arith.constant 0 : i32
        %dma_start3A_189 = tpu.memref_slice %arg13[%dma_start3A_187, %dma_start3A_188] : memref<10240x128xf32, #tpu.memory_space<vmem_shared>> -> memref<10240x128xf32, #tpu.memory_space<vmem_shared>>
        tpu.enqueue_indirect_dma source(%arg9 : memref<64x128xf32, #tpu.memory_space<vmem>>) target(%dma_start3A_189 : memref<10240x128xf32, #tpu.memory_space<vmem_shared>>) offsets(%dma_start3A_186 : memref<64xi32, #tpu.memory_space<vmem>>) semaphore(%arg18 : memref<!tpu.dma_semaphore, #tpu.memory_space<semaphore_mem>>) {add = true}
      } else {
      }
      %mul3A_151 = arith.constant 4 : i32
      %mul3A_152 = arith.muli %mul3A_151, %scan3A_80 : i32
      %add3A_153 = arith.constant 3 : i32
      %add3A_154 = arith.addi %mul3A_152, %add3A_153 : i32
      %ge3A_155 = arith.constant 4 : i32
      %ge3A_156 = arith.cmpi sge, %add3A_154, %ge3A_155 : i32
      %lt3A_157 = arith.constant 40 : i32
      %lt3A_158 = arith.cmpi slt, %add3A_154, %lt3A_157 : i32
      %and3A_159 = arith.andi %ge3A_156, %lt3A_158 : i1
      %convert_element_type3A_160 = arith.extui %and3A_159 : i1 to i32
      %cond3A_161 = arith.constant 0 : i32
      %cond3A_162 = arith.cmpi ne, %convert_element_type3A_160, %cond3A_161 : i32
      scf.if %cond3A_162 {
        %sub3A = arith.constant 4 : i32
        %sub3A_176 = arith.subi %add3A_154, %sub3A : i32
        %dma_wait3A_177 = arith.constant 0 : i32
        %dma_wait3A_178 = tpu.memref_slice %arg8[%sub3A_176, %dma_wait3A_177] : memref<40x64xi32, #tpu.memory_space<vmem>> -> memref<1x64xi32, #tpu.memory_space<vmem>>
        %dma_wait3A_179 = tpu.memref_squeeze %dma_wait3A_178 : memref<1x64xi32, #tpu.memory_space<vmem>> -> memref<64xi32, #tpu.memory_space<vmem>>
        %dma_wait3A_180 = arith.constant 0 : i32
        %dma_wait3A_181 = arith.constant 0 : i32
        %dma_wait3A_182 = tpu.memref_slice %arg13[%dma_wait3A_180, %dma_wait3A_181] : memref<10240x128xf32, #tpu.memory_space<vmem_shared>> -> memref<10240x128xf32, #tpu.memory_space<vmem_shared>>
        tpu.wait_indirect_dma semaphore(%arg21 : memref<!tpu.dma_semaphore, #tpu.memory_space<semaphore_mem>>) src(%arg12 : memref<64x128xf32, #tpu.memory_space<vmem>>) dst(%dma_wait3A_182 : memref<10240x128xf32, #tpu.memory_space<vmem_shared>>)
      } else {
      }
      %lt3A_163 = arith.constant 40 : i32
      %lt3A_164 = arith.cmpi slt, %add3A_154, %lt3A_163 : i32
      %convert_element_type3A_165 = arith.extui %lt3A_164 : i1 to i32
      %cond3A_166 = arith.constant 0 : i32
      %cond3A_167 = arith.cmpi ne, %convert_element_type3A_165, %cond3A_166 : i32
      scf.if %cond3A_167 {
        %add3A_176 = arith.constant 40 : i32
        %add3A_177 = arith.addi %add3A_176, %add3A_154 : i32
        %dma_start3A = arith.constant 0 : i32
        %dma_start3A_178 = tpu.memref_slice %arg7[%add3A_177, %dma_start3A] : memref<80x64xi32, #tpu.memory_space<vmem>> -> memref<1x64xi32, #tpu.memory_space<vmem>>
        %dma_start3A_179 = tpu.memref_squeeze %dma_start3A_178 : memref<1x64xi32, #tpu.memory_space<vmem>> -> memref<64xi32, #tpu.memory_space<vmem>>
        %dma_start3A_180 = arith.constant 0 : i32
        %dma_start3A_181 = arith.constant 0 : i32
        %dma_start3A_182 = tpu.memref_slice %arg2[%dma_start3A_180, %dma_start3A_181] : memref<10240x128xf32, #tpu.memory_space<hbm>> -> memref<10240x128xf32, #tpu.memory_space<hbm>>
        tpu.enqueue_indirect_dma source(%dma_start3A_182 : memref<10240x128xf32, #tpu.memory_space<hbm>>) target(%arg12 : memref<64x128xf32, #tpu.memory_space<vmem>>) offsets(%dma_start3A_179 : memref<64xi32, #tpu.memory_space<vmem>>) semaphore(%arg17 : memref<!tpu.dma_semaphore, #tpu.memory_space<semaphore_mem>>)
      } else {
      }
      %ge3A_168 = arith.constant 2 : i32
      %ge3A_169 = arith.cmpi sge, %add3A_154, %ge3A_168 : i32
      %lt3A_170 = arith.constant 42 : i32
      %lt3A_171 = arith.cmpi slt, %add3A_154, %lt3A_170 : i32
      %and3A_172 = arith.andi %ge3A_169, %lt3A_171 : i1
      %convert_element_type3A_173 = arith.extui %and3A_172 : i1 to i32
      %cond3A_174 = arith.constant 0 : i32
      %cond3A_175 = arith.cmpi ne, %convert_element_type3A_173, %cond3A_174 : i32
      scf.if %cond3A_175 {
        %sub3A = arith.constant 2 : i32
        %sub3A_176 = arith.subi %add3A_154, %sub3A : i32
        %add3A_177 = arith.constant 40 : i32
        %add3A_178 = arith.addi %add3A_177, %sub3A_176 : i32
        %dma_wait3A_179 = arith.constant 0 : i32
        %dma_wait3A_180 = tpu.memref_slice %arg7[%add3A_178, %dma_wait3A_179] : memref<80x64xi32, #tpu.memory_space<vmem>> -> memref<1x64xi32, #tpu.memory_space<vmem>>
        %dma_wait3A_181 = tpu.memref_squeeze %dma_wait3A_180 : memref<1x64xi32, #tpu.memory_space<vmem>> -> memref<64xi32, #tpu.memory_space<vmem>>
        %dma_wait3A_182 = arith.constant 0 : i32
        %dma_wait3A_183 = arith.constant 0 : i32
        %dma_wait3A_184 = tpu.memref_slice %arg2[%dma_wait3A_182, %dma_wait3A_183] : memref<10240x128xf32, #tpu.memory_space<hbm>> -> memref<10240x128xf32, #tpu.memory_space<hbm>>
        tpu.wait_indirect_dma semaphore(%arg15 : memref<!tpu.dma_semaphore, #tpu.memory_space<semaphore_mem>>) src(%dma_wait3A_184 : memref<10240x128xf32, #tpu.memory_space<hbm>>) dst(%arg10 : memref<64x128xf32, #tpu.memory_space<vmem>>)
        %dma_start3A = arith.constant 0 : i32
        %dma_start3A_185 = tpu.memref_slice %arg8[%sub3A_176, %dma_start3A] : memref<40x64xi32, #tpu.memory_space<vmem>> -> memref<1x64xi32, #tpu.memory_space<vmem>>
        %dma_start3A_186 = tpu.memref_squeeze %dma_start3A_185 : memref<1x64xi32, #tpu.memory_space<vmem>> -> memref<64xi32, #tpu.memory_space<vmem>>
        %dma_start3A_187 = arith.constant 0 : i32
        %dma_start3A_188 = arith.constant 0 : i32
        %dma_start3A_189 = tpu.memref_slice %arg13[%dma_start3A_187, %dma_start3A_188] : memref<10240x128xf32, #tpu.memory_space<vmem_shared>> -> memref<10240x128xf32, #tpu.memory_space<vmem_shared>>
        tpu.enqueue_indirect_dma source(%arg10 : memref<64x128xf32, #tpu.memory_space<vmem>>) target(%dma_start3A_189 : memref<10240x128xf32, #tpu.memory_space<vmem_shared>>) offsets(%dma_start3A_186 : memref<64xi32, #tpu.memory_space<vmem>>) semaphore(%arg19 : memref<!tpu.dma_semaphore, #tpu.memory_space<semaphore_mem>>) {add = true}
      } else {
      }
    }
    %scan3A_50 = arith.constant 12 : i32
    %dma_wait3A_51 = arith.constant 36 : i32
    %dma_wait3A_52 = arith.constant 0 : i32
    %dma_wait3A_53 = tpu.memref_slice %arg8[%dma_wait3A_51, %dma_wait3A_52] : memref<40x64xi32, #tpu.memory_space<vmem>> -> memref<1x64xi32, #tpu.memory_space<vmem>>
    %dma_wait3A_54 = tpu.memref_squeeze %dma_wait3A_53 : memref<1x64xi32, #tpu.memory_space<vmem>> -> memref<64xi32, #tpu.memory_space<vmem>>
    %dma_wait3A_55 = arith.constant 0 : i32
    %dma_wait3A_56 = arith.constant 0 : i32
    %dma_wait3A_57 = tpu.memref_slice %arg13[%dma_wait3A_55, %dma_wait3A_56] : memref<10240x128xf32, #tpu.memory_space<vmem_shared>> -> memref<10240x128xf32, #tpu.memory_space<vmem_shared>>
    tpu.wait_indirect_dma semaphore(%arg18 : memref<!tpu.dma_semaphore, #tpu.memory_space<semaphore_mem>>) src(%arg9 : memref<64x128xf32, #tpu.memory_space<vmem>>) dst(%dma_wait3A_57 : memref<10240x128xf32, #tpu.memory_space<vmem_shared>>)
    %dma_wait3A_58 = arith.constant 37 : i32
    %dma_wait3A_59 = arith.constant 0 : i32
    %dma_wait3A_60 = tpu.memref_slice %arg8[%dma_wait3A_58, %dma_wait3A_59] : memref<40x64xi32, #tpu.memory_space<vmem>> -> memref<1x64xi32, #tpu.memory_space<vmem>>
    %dma_wait3A_61 = tpu.memref_squeeze %dma_wait3A_60 : memref<1x64xi32, #tpu.memory_space<vmem>> -> memref<64xi32, #tpu.memory_space<vmem>>
    %dma_wait3A_62 = arith.constant 0 : i32
    %dma_wait3A_63 = arith.constant 0 : i32
    %dma_wait3A_64 = tpu.memref_slice %arg13[%dma_wait3A_62, %dma_wait3A_63] : memref<10240x128xf32, #tpu.memory_space<vmem_shared>> -> memref<10240x128xf32, #tpu.memory_space<vmem_shared>>
    tpu.wait_indirect_dma semaphore(%arg19 : memref<!tpu.dma_semaphore, #tpu.memory_space<semaphore_mem>>) src(%arg10 : memref<64x128xf32, #tpu.memory_space<vmem>>) dst(%dma_wait3A_64 : memref<10240x128xf32, #tpu.memory_space<vmem_shared>>)
    %dma_wait3A_65 = arith.constant 38 : i32
    %dma_wait3A_66 = arith.constant 0 : i32
    %dma_wait3A_67 = tpu.memref_slice %arg8[%dma_wait3A_65, %dma_wait3A_66] : memref<40x64xi32, #tpu.memory_space<vmem>> -> memref<1x64xi32, #tpu.memory_space<vmem>>
    %dma_wait3A_68 = tpu.memref_squeeze %dma_wait3A_67 : memref<1x64xi32, #tpu.memory_space<vmem>> -> memref<64xi32, #tpu.memory_space<vmem>>
    %dma_wait3A_69 = arith.constant 0 : i32
    %dma_wait3A_70 = arith.constant 0 : i32
    %dma_wait3A_71 = tpu.memref_slice %arg13[%dma_wait3A_69, %dma_wait3A_70] : memref<10240x128xf32, #tpu.memory_space<vmem_shared>> -> memref<10240x128xf32, #tpu.memory_space<vmem_shared>>
    tpu.wait_indirect_dma semaphore(%arg20 : memref<!tpu.dma_semaphore, #tpu.memory_space<semaphore_mem>>) src(%arg11 : memref<64x128xf32, #tpu.memory_space<vmem>>) dst(%dma_wait3A_71 : memref<10240x128xf32, #tpu.memory_space<vmem_shared>>)
    %dma_wait3A_72 = arith.constant 39 : i32
    %dma_wait3A_73 = arith.constant 0 : i32
    %dma_wait3A_74 = tpu.memref_slice %arg8[%dma_wait3A_72, %dma_wait3A_73] : memref<40x64xi32, #tpu.memory_space<vmem>> -> memref<1x64xi32, #tpu.memory_space<vmem>>
    %dma_wait3A_75 = tpu.memref_squeeze %dma_wait3A_74 : memref<1x64xi32, #tpu.memory_space<vmem>> -> memref<64xi32, #tpu.memory_space<vmem>>
    %dma_wait3A_76 = arith.constant 0 : i32
    %dma_wait3A_77 = arith.constant 0 : i32
    %dma_wait3A_78 = tpu.memref_slice %arg13[%dma_wait3A_76, %dma_wait3A_77] : memref<10240x128xf32, #tpu.memory_space<vmem_shared>> -> memref<10240x128xf32, #tpu.memory_space<vmem_shared>>
    tpu.wait_indirect_dma semaphore(%arg21 : memref<!tpu.dma_semaphore, #tpu.memory_space<semaphore_mem>>) src(%arg12 : memref<64x128xf32, #tpu.memory_space<vmem>>) dst(%dma_wait3A_78 : memref<10240x128xf32, #tpu.memory_space<vmem_shared>>)
    %barrier3A_79 = arith.constant 0 : index
    tpu.barrier barrier_id(%barrier3A_79)
    "tpu.region"() ({
      %run_scoped3A = tpu.sem_alloc : memref<!tpu.dma_semaphore, #tpu.memory_space<semaphore_mem>>
      %dma_start3A = arith.constant 0 : i32
      %dma_start3A_80 = tpu.memref_slice %arg6[%arg0, %mul3A_2, %dma_start3A] : memref<2x10240x128xf32, #tpu.memory_space<hbm>> -> memref<1x640x128xf32, #tpu.memory_space<hbm>>
      %dma_start3A_81 = tpu.memref_squeeze %dma_start3A_80 : memref<1x640x128xf32, #tpu.memory_space<hbm>> -> memref<640x128xf32, #tpu.memory_space<hbm>>
      %dma_start3A_82 = arith.constant 0 : i32
      %dma_start3A_83 = tpu.memref_slice %arg13[%mul3A_2, %dma_start3A_82] : memref<10240x128xf32, #tpu.memory_space<vmem_shared>> -> memref<640x128xf32, #tpu.memory_space<vmem_shared>>
      tpu.enqueue_dma source(%dma_start3A_83 : memref<640x128xf32, #tpu.memory_space<vmem_shared>>) target(%dma_start3A_81 : memref<640x128xf32, #tpu.memory_space<hbm>>) target_semaphore(%run_scoped3A : memref<!tpu.dma_semaphore, #tpu.memory_space<semaphore_mem>>)
      %dma_wait3A_84 = arith.constant 0 : i32
      %dma_wait3A_85 = tpu.memref_slice %arg6[%arg0, %mul3A_2, %dma_wait3A_84] : memref<2x10240x128xf32, #tpu.memory_space<hbm>> -> memref<1x640x128xf32, #tpu.memory_space<hbm>>
      %dma_wait3A_86 = tpu.memref_squeeze %dma_wait3A_85 : memref<1x640x128xf32, #tpu.memory_space<hbm>> -> memref<640x128xf32, #tpu.memory_space<hbm>>
      %dma_wait3A_87 = arith.constant 0 : i32
      %dma_wait3A_88 = tpu.memref_slice %arg13[%mul3A_2, %dma_wait3A_87] : memref<10240x128xf32, #tpu.memory_space<vmem_shared>> -> memref<640x128xf32, #tpu.memory_space<vmem_shared>>
      tpu.wait_dma2 semaphore(%run_scoped3A : memref<!tpu.dma_semaphore, #tpu.memory_space<semaphore_mem>>) src(%dma_wait3A_88 : memref<640x128xf32, #tpu.memory_space<vmem_shared>>) dst(%dma_wait3A_86 : memref<640x128xf32, #tpu.memory_space<hbm>>)
      tpu.yield
    }) : () -> ()
    return
  }
}

module attributes {stable_mosaic.version = 14 : i64} {
  func.func @_l1_body(%arg0: i32, %arg1: memref<2x256x144xbf16, #tpu.memory_space<vmem>>, %arg2: memref<256x128xbf16, #tpu.memory_space<vmem>>, %arg3: memref<128x512xf32, #tpu.memory_space<vmem>>, %arg4: memref<1x512xf32, #tpu.memory_space<vmem>>, %arg5: memref<128x512xf32, #tpu.memory_space<vmem>>, %arg6: memref<256x256xbf16, #tpu.memory_space<vmem>>, %arg7: memref<256x256xbf16, #tpu.memory_space<vmem>>, %arg8: memref<256x128xbf16, #tpu.memory_space<vmem>>) attributes {dimension_semantics = [#tpu.dimension_semantics<arbitrary>], iteration_bounds = array<i64: 40>, scalar_prefetch = 0 : i64, scratch_operands = 0 : i64, tpu.core_type = #tpu.core_type<tc>, window_params = [{transform_indices = @transform_0, window_bounds = array<i64: 2, 256, 144>}, {transform_indices = @transform_1, window_bounds = array<i64: 256, 128>}, {pipeline_mode = #tpu.pipeline_mode<synchronous>, transform_indices = @transform_2, window_bounds = array<i64: 128, 512>}, {pipeline_mode = #tpu.pipeline_mode<synchronous>, transform_indices = @transform_3, window_bounds = array<i64: 1, 512>}, {pipeline_mode = #tpu.pipeline_mode<synchronous>, transform_indices = @transform_4, window_bounds = array<i64: 128, 512>}, {transform_indices = @transform_5, window_bounds = array<i64: 256, 256>}, {transform_indices = @transform_6, window_bounds = array<i64: 256, 256>}, {transform_indices = @transform_7, window_bounds = array<i64: 256, 128>}]} {
    %get3A = arith.constant 0 : index
    %get3A_0 = arith.constant 0 : index
    %get3A_1 = arith.constant 0 : index
    %get3A_2 = vector.load %arg1[%get3A, %get3A_0, %get3A_1] : memref<2x256x144xbf16, #tpu.memory_space<vmem>>, vector<1x256x144xbf16>
    %get3A_3 = vector.shape_cast %get3A_2 : vector<1x256x144xbf16> to vector<256x144xbf16>
    %get3A_4 = arith.constant 1 : index
    %get3A_5 = arith.constant 0 : index
    %get3A_6 = arith.constant 0 : index
    %get3A_7 = vector.load %arg1[%get3A_4, %get3A_5, %get3A_6] : memref<2x256x144xbf16, #tpu.memory_space<vmem>>, vector<1x256x144xbf16>
    %get3A_8 = vector.shape_cast %get3A_7 : vector<1x256x144xbf16> to vector<256x144xbf16>
    %add3A = arith.addf %get3A_3, %get3A_8 : vector<256x144xbf16>
    %slice3A = vector.extract_strided_slice %add3A {offsets = [0, 128], sizes = [256, 1], strides = [1, 1]} : vector<256x144xbf16> to vector<256x1xbf16>
    %convert_element_type3A = arith.extf %slice3A : vector<256x1xbf16> to vector<256x1xf32>
    %max3A = arith.constant 1.000000e+00 : f32
    %max3A_9 = vector.broadcast %max3A : f32 to vector<256x1xf32>
    %max3A_10 = arith.maximumf %convert_element_type3A, %max3A_9 : vector<256x1xf32>
    %div3A = arith.constant 1.000000e+00 : f32
    %div3A_11 = vector.broadcast %div3A : f32 to vector<256x1xf32>
    %div3A_12 = arith.divf %div3A_11, %max3A_10 : vector<256x1xf32>
    %slice3A_13 = vector.extract_strided_slice %add3A {offsets = [0, 0], sizes = [256, 128], strides = [1, 1]} : vector<256x144xbf16> to vector<256x128xbf16>
    %get3A_14 = arith.constant 0 : index
    %get3A_15 = arith.constant 0 : index
    %get3A_16 = vector.load %arg3[%get3A_14, %get3A_15] : memref<128x512xf32, #tpu.memory_space<vmem>>, vector<128x512xf32>
    %convert_element_type3A_17 = arith.truncf %get3A_16 : vector<128x512xf32> to vector<128x512xbf16>
    %dot_general3A = arith.constant dense<0.000000e+00> : vector<256x512xf32>
    %dot_general3A_18 = tpu.matmul %slice3A_13, %convert_element_type3A_17, %dot_general3A {dimension_numbers = #tpu.dot_dimension_numbers<[1], [0], [0], [1], [0, 0, 1, 1], [], []>, transpose_lhs_hint = false} : vector<256x128xbf16>, vector<128x512xbf16>, vector<256x512xf32> -> vector<256x512xf32>
    %mul3A = vector.broadcast %div3A_12 : vector<256x1xf32> to vector<256x512xf32>
    %mul3A_19 = arith.mulf %dot_general3A_18, %mul3A : vector<256x512xf32>
    %get3A_20 = arith.constant 0 : index
    %get3A_21 = arith.constant 0 : index
    %get3A_22 = vector.load %arg4[%get3A_20, %get3A_21] : memref<1x512xf32, #tpu.memory_space<vmem>>, vector<1x512xf32>
    %add3A_23 = vector.broadcast %get3A_22 : vector<1x512xf32> to vector<256x512xf32>
    %add3A_24 = arith.addf %mul3A_19, %add3A_23 : vector<256x512xf32>
    %get3A_25 = arith.constant 0 : index
    %get3A_26 = arith.constant 0 : index
    %get3A_27 = vector.load %arg2[%get3A_25, %get3A_26] : memref<256x128xbf16, #tpu.memory_space<vmem>>, vector<256x128xbf16>
    %get3A_28 = arith.constant 0 : index
    %get3A_29 = arith.constant 0 : index
    %get3A_30 = vector.load %arg5[%get3A_28, %get3A_29] : memref<128x512xf32, #tpu.memory_space<vmem>>, vector<128x512xf32>
    %convert_element_type3A_31 = arith.truncf %get3A_30 : vector<128x512xf32> to vector<128x512xbf16>
    %dot_general3A_32 = arith.constant dense<0.000000e+00> : vector<256x512xf32>
    %dot_general3A_33 = tpu.matmul %get3A_27, %convert_element_type3A_31, %dot_general3A_32 {dimension_numbers = #tpu.dot_dimension_numbers<[1], [0], [0], [1], [0, 0, 1, 1], [], []>, transpose_lhs_hint = false} : vector<256x128xbf16>, vector<128x512xbf16>, vector<256x512xf32> -> vector<256x512xf32>
    %add3A_34 = arith.addf %add3A_24, %dot_general3A_33 : vector<256x512xf32>
    %max3A_35 = arith.constant 0.000000e+00 : f32
    %max3A_36 = vector.broadcast %max3A_35 : f32 to vector<256x512xf32>
    %max3A_37 = arith.maximumf %add3A_34, %max3A_36 : vector<256x512xf32>
    %convert_element_type3A_38 = arith.truncf %max3A_37 : vector<256x512xf32> to vector<256x512xbf16>
    %slice3A_39 = vector.extract_strided_slice %convert_element_type3A_38 {offsets = [0, 0], sizes = [256, 256], strides = [1, 1]} : vector<256x512xbf16> to vector<256x256xbf16>
    %swap3A = arith.constant 0 : index
    %swap3A_40 = arith.constant 0 : index
    %swap3A_41 = vector.load %arg6[%swap3A, %swap3A_40] : memref<256x256xbf16, #tpu.memory_space<vmem>>, vector<256x256xbf16>
    tpu.vector_store %arg6[%swap3A, %swap3A_40], %slice3A_39 {strides = array<i32>} : memref<256x256xbf16, #tpu.memory_space<vmem>>, vector<256x256xbf16>,
    %slice3A_42 = vector.extract_strided_slice %convert_element_type3A_38 {offsets = [0, 256], sizes = [256, 256], strides = [1, 1]} : vector<256x512xbf16> to vector<256x256xbf16>
    %swap3A_43 = arith.constant 0 : index
    %swap3A_44 = arith.constant 0 : index
    %swap3A_45 = vector.load %arg7[%swap3A_43, %swap3A_44] : memref<256x256xbf16, #tpu.memory_space<vmem>>, vector<256x256xbf16>
    tpu.vector_store %arg7[%swap3A_43, %swap3A_44], %slice3A_42 {strides = array<i32>} : memref<256x256xbf16, #tpu.memory_space<vmem>>, vector<256x256xbf16>,
    %broadcast_in_dim3A = vector.shape_cast %div3A_12 : vector<256x1xf32> to vector<256x1xf32>
    %broadcast_in_dim3A_46 = vector.broadcast %broadcast_in_dim3A : vector<256x1xf32> to vector<256x128xf32>
    %convert_element_type3A_47 = arith.truncf %broadcast_in_dim3A_46 : vector<256x128xf32> to vector<256x128xbf16>
    %swap3A_48 = arith.constant 0 : index
    %swap3A_49 = arith.constant 0 : index
    %swap3A_50 = vector.load %arg8[%swap3A_48, %swap3A_49] : memref<256x128xbf16, #tpu.memory_space<vmem>>, vector<256x128xbf16>
    tpu.vector_store %arg8[%swap3A_48, %swap3A_49], %convert_element_type3A_47 {strides = array<i32>} : memref<256x128xbf16, #tpu.memory_space<vmem>>, vector<256x128xbf16>,
    return
  }
  func.func @transform_0(%arg0: i32) -> (i32, i32, i32) {
    %c0_i32 = arith.constant 0 : i32
    %c0_i32_0 = arith.constant 0 : i32
    %c0_i32_1 = arith.constant 0 : i32
    return %c0_i32, %arg0, %c0_i32_0 : i32, i32, i32
  }
  func.func @transform_1(%arg0: i32) -> (i32, i32) {
    %c0_i32 = arith.constant 0 : i32
    %c0_i32_0 = arith.constant 0 : i32
    return %arg0, %c0_i32 : i32, i32
  }
  func.func @transform_2(%arg0: i32) -> (i32, i32) {
    %c0_i32 = arith.constant 0 : i32
    %c0_i32_0 = arith.constant 0 : i32
    %c0_i32_1 = arith.constant 0 : i32
    return %c0_i32, %c0_i32_0 : i32, i32
  }
  func.func @transform_3(%arg0: i32) -> (i32, i32) {
    %c0_i32 = arith.constant 0 : i32
    %c0_i32_0 = arith.constant 0 : i32
    %c0_i32_1 = arith.constant 0 : i32
    return %c0_i32, %c0_i32_0 : i32, i32
  }
  func.func @transform_4(%arg0: i32) -> (i32, i32) {
    %c0_i32 = arith.constant 0 : i32
    %c0_i32_0 = arith.constant 0 : i32
    %c0_i32_1 = arith.constant 0 : i32
    return %c0_i32, %c0_i32_0 : i32, i32
  }
  func.func @transform_5(%arg0: i32) -> (i32, i32) {
    %c0_i32 = arith.constant 0 : i32
    %c0_i32_0 = arith.constant 0 : i32
    return %arg0, %c0_i32 : i32, i32
  }
  func.func @transform_6(%arg0: i32) -> (i32, i32) {
    %c0_i32 = arith.constant 0 : i32
    %c0_i32_0 = arith.constant 0 : i32
    return %arg0, %c0_i32 : i32, i32
  }
  func.func @transform_7(%arg0: i32) -> (i32, i32) {
    %c0_i32 = arith.constant 0 : i32
    %c0_i32_0 = arith.constant 0 : i32
    return %arg0, %c0_i32 : i32, i32
  }
}

module attributes {stable_mosaic.version = 14 : i64} {
  func.func @_l2_body(%arg0: i32, %arg1: memref<256x256xbf16, #tpu.memory_space<vmem>>, %arg2: memref<256x256xbf16, #tpu.memory_space<vmem>>, %arg3: memref<256x256xbf16, #tpu.memory_space<vmem>>, %arg4: memref<256x256xbf16, #tpu.memory_space<vmem>>, %arg5: memref<256x128xbf16, #tpu.memory_space<vmem>>, %arg6: memref<512x512xf32, #tpu.memory_space<vmem>>, %arg7: memref<1x512xf32, #tpu.memory_space<vmem>>, %arg8: memref<512x512xf32, #tpu.memory_space<vmem>>, %arg9: memref<512x128xf32, #tpu.memory_space<vmem>>, %arg10: memref<512x128xf32, #tpu.memory_space<vmem>>, %arg11: memref<256x128xf32, #tpu.memory_space<vmem>>, %arg12: memref<256x128xf32, #tpu.memory_space<vmem>>) attributes {dimension_semantics = [#tpu.dimension_semantics<arbitrary>], iteration_bounds = array<i64: 40>, scalar_prefetch = 0 : i64, scratch_operands = 0 : i64, tpu.core_type = #tpu.core_type<tc>, window_params = [{transform_indices = @transform_0, window_bounds = array<i64: 256, 256>}, {transform_indices = @transform_1, window_bounds = array<i64: 256, 256>}, {transform_indices = @transform_2, window_bounds = array<i64: 256, 256>}, {transform_indices = @transform_3, window_bounds = array<i64: 256, 256>}, {transform_indices = @transform_4, window_bounds = array<i64: 256, 128>}, {pipeline_mode = #tpu.pipeline_mode<synchronous>, transform_indices = @transform_5, window_bounds = array<i64: 512, 512>}, {pipeline_mode = #tpu.pipeline_mode<synchronous>, transform_indices = @transform_6, window_bounds = array<i64: 1, 512>}, {pipeline_mode = #tpu.pipeline_mode<synchronous>, transform_indices = @transform_7, window_bounds = array<i64: 512, 512>}, {pipeline_mode = #tpu.pipeline_mode<synchronous>, transform_indices = @transform_8, window_bounds = array<i64: 512, 128>}, {pipeline_mode = #tpu.pipeline_mode<synchronous>, transform_indices = @transform_9, window_bounds = array<i64: 512, 128>}, {transform_indices = @transform_10, window_bounds = array<i64: 256, 128>}, {transform_indices = @transform_11, window_bounds = array<i64: 256, 128>}]} {
    %get3A = arith.constant 0 : index
    %get3A_0 = arith.constant 0 : index
    %get3A_1 = vector.load %arg5[%get3A, %get3A_0] : memref<256x128xbf16, #tpu.memory_space<vmem>>, vector<256x1xbf16>
    %convert_element_type3A = arith.extf %get3A_1 : vector<256x1xbf16> to vector<256x1xf32>
    %get3A_2 = arith.constant 0 : index
    %get3A_3 = arith.constant 0 : index
    %get3A_4 = vector.load %arg1[%get3A_2, %get3A_3] : memref<256x256xbf16, #tpu.memory_space<vmem>>, vector<256x256xbf16>
    %get3A_5 = arith.constant 0 : index
    %get3A_6 = arith.constant 0 : index
    %get3A_7 = vector.load %arg2[%get3A_5, %get3A_6] : memref<256x256xbf16, #tpu.memory_space<vmem>>, vector<256x256xbf16>
    %concatenate3A = tpu.concatenate %get3A_4, %get3A_7 in 1 : vector<256x256xbf16>, vector<256x256xbf16> -> vector<256x512xbf16>
    %get3A_8 = arith.constant 0 : index
    %get3A_9 = arith.constant 0 : index
    %get3A_10 = vector.load %arg3[%get3A_8, %get3A_9] : memref<256x256xbf16, #tpu.memory_space<vmem>>, vector<256x256xbf16>
    %get3A_11 = arith.constant 0 : index
    %get3A_12 = arith.constant 0 : index
    %get3A_13 = vector.load %arg4[%get3A_11, %get3A_12] : memref<256x256xbf16, #tpu.memory_space<vmem>>, vector<256x256xbf16>
    %concatenate3A_14 = tpu.concatenate %get3A_10, %get3A_13 in 1 : vector<256x256xbf16>, vector<256x256xbf16> -> vector<256x512xbf16>
    %get3A_15 = arith.constant 0 : index
    %get3A_16 = arith.constant 0 : index
    %get3A_17 = vector.load %arg6[%get3A_15, %get3A_16] : memref<512x512xf32, #tpu.memory_space<vmem>>, vector<512x512xf32>
    %convert_element_type3A_18 = arith.truncf %get3A_17 : vector<512x512xf32> to vector<512x512xbf16>
    %dot_general3A = arith.constant dense<0.000000e+00> : vector<256x512xf32>
    %dot_general3A_19 = tpu.matmul %concatenate3A, %convert_element_type3A_18, %dot_general3A {dimension_numbers = #tpu.dot_dimension_numbers<[1], [0], [0], [1], [0, 0, 1, 1], [], []>, transpose_lhs_hint = false} : vector<256x512xbf16>, vector<512x512xbf16>, vector<256x512xf32> -> vector<256x512xf32>
    %mul3A = vector.broadcast %convert_element_type3A : vector<256x1xf32> to vector<256x512xf32>
    %mul3A_20 = arith.mulf %dot_general3A_19, %mul3A : vector<256x512xf32>
    %get3A_21 = arith.constant 0 : index
    %get3A_22 = arith.constant 0 : index
    %get3A_23 = vector.load %arg7[%get3A_21, %get3A_22] : memref<1x512xf32, #tpu.memory_space<vmem>>, vector<1x512xf32>
    %add3A = vector.broadcast %get3A_23 : vector<1x512xf32> to vector<256x512xf32>
    %add3A_24 = arith.addf %mul3A_20, %add3A : vector<256x512xf32>
    %get3A_25 = arith.constant 0 : index
    %get3A_26 = arith.constant 0 : index
    %get3A_27 = vector.load %arg8[%get3A_25, %get3A_26] : memref<512x512xf32, #tpu.memory_space<vmem>>, vector<512x512xf32>
    %convert_element_type3A_28 = arith.truncf %get3A_27 : vector<512x512xf32> to vector<512x512xbf16>
    %dot_general3A_29 = arith.constant dense<0.000000e+00> : vector<256x512xf32>
    %dot_general3A_30 = tpu.matmul %concatenate3A_14, %convert_element_type3A_28, %dot_general3A_29 {dimension_numbers = #tpu.dot_dimension_numbers<[1], [0], [0], [1], [0, 0, 1, 1], [], []>, transpose_lhs_hint = false} : vector<256x512xbf16>, vector<512x512xbf16>, vector<256x512xf32> -> vector<256x512xf32>
    %add3A_31 = arith.addf %add3A_24, %dot_general3A_30 : vector<256x512xf32>
    %max3A = arith.constant 0.000000e+00 : f32
    %max3A_32 = vector.broadcast %max3A : f32 to vector<256x512xf32>
    %max3A_33 = arith.maximumf %add3A_31, %max3A_32 : vector<256x512xf32>
    %convert_element_type3A_34 = arith.truncf %max3A_33 : vector<256x512xf32> to vector<256x512xbf16>
    %get3A_35 = arith.constant 0 : index
    %get3A_36 = arith.constant 0 : index
    %get3A_37 = vector.load %arg9[%get3A_35, %get3A_36] : memref<512x128xf32, #tpu.memory_space<vmem>>, vector<512x128xf32>
    %convert_element_type3A_38 = arith.truncf %get3A_37 : vector<512x128xf32> to vector<512x128xbf16>
    %dot_general3A_39 = arith.constant dense<0.000000e+00> : vector<256x128xf32>
    %dot_general3A_40 = tpu.matmul %convert_element_type3A_34, %convert_element_type3A_38, %dot_general3A_39 {dimension_numbers = #tpu.dot_dimension_numbers<[1], [0], [0], [1], [0, 0, 1, 1], [], []>, transpose_lhs_hint = false} : vector<256x512xbf16>, vector<512x128xbf16>, vector<256x128xf32> -> vector<256x128xf32>
    %swap3A = arith.constant 0 : index
    %swap3A_41 = arith.constant 0 : index
    %swap3A_42 = vector.load %arg11[%swap3A, %swap3A_41] : memref<256x128xf32, #tpu.memory_space<vmem>>, vector<256x128xf32>
    tpu.vector_store %arg11[%swap3A, %swap3A_41], %dot_general3A_40 {strides = array<i32>} : memref<256x128xf32, #tpu.memory_space<vmem>>, vector<256x128xf32>,
    %get3A_43 = arith.constant 0 : index
    %get3A_44 = arith.constant 0 : index
    %get3A_45 = vector.load %arg10[%get3A_43, %get3A_44] : memref<512x128xf32, #tpu.memory_space<vmem>>, vector<512x128xf32>
    %convert_element_type3A_46 = arith.truncf %get3A_45 : vector<512x128xf32> to vector<512x128xbf16>
    %dot_general3A_47 = arith.constant dense<0.000000e+00> : vector<256x128xf32>
    %dot_general3A_48 = tpu.matmul %convert_element_type3A_34, %convert_element_type3A_46, %dot_general3A_47 {dimension_numbers = #tpu.dot_dimension_numbers<[1], [0], [0], [1], [0, 0, 1, 1], [], []>, transpose_lhs_hint = false} : vector<256x512xbf16>, vector<512x128xbf16>, vector<256x128xf32> -> vector<256x128xf32>
    %swap3A_49 = arith.constant 0 : index
    %swap3A_50 = arith.constant 0 : index
    %swap3A_51 = vector.load %arg12[%swap3A_49, %swap3A_50] : memref<256x128xf32, #tpu.memory_space<vmem>>, vector<256x128xf32>
    tpu.vector_store %arg12[%swap3A_49, %swap3A_50], %dot_general3A_48 {strides = array<i32>} : memref<256x128xf32, #tpu.memory_space<vmem>>, vector<256x128xf32>,
    return
  }
  func.func @transform_0(%arg0: i32) -> (i32, i32) {
    %c0_i32 = arith.constant 0 : i32
    %c0_i32_0 = arith.constant 0 : i32
    return %arg0, %c0_i32 : i32, i32
  }
  func.func @transform_1(%arg0: i32) -> (i32, i32) {
    %c0_i32 = arith.constant 0 : i32
    %c0_i32_0 = arith.constant 0 : i32
    return %arg0, %c0_i32 : i32, i32
  }
  func.func @transform_2(%arg0: i32) -> (i32, i32) {
    %c0_i32 = arith.constant 0 : i32
    %c0_i32_0 = arith.constant 0 : i32
    return %arg0, %c0_i32 : i32, i32
  }
  func.func @transform_3(%arg0: i32) -> (i32, i32) {
    %c0_i32 = arith.constant 0 : i32
    %c0_i32_0 = arith.constant 0 : i32
    return %arg0, %c0_i32 : i32, i32
  }
  func.func @transform_4(%arg0: i32) -> (i32, i32) {
    %c0_i32 = arith.constant 0 : i32
    %c0_i32_0 = arith.constant 0 : i32
    return %arg0, %c0_i32 : i32, i32
  }
  func.func @transform_5(%arg0: i32) -> (i32, i32) {
    %c0_i32 = arith.constant 0 : i32
    %c0_i32_0 = arith.constant 0 : i32
    %c0_i32_1 = arith.constant 0 : i32
    return %c0_i32, %c0_i32_0 : i32, i32
  }
  func.func @transform_6(%arg0: i32) -> (i32, i32) {
    %c0_i32 = arith.constant 0 : i32
    %c0_i32_0 = arith.constant 0 : i32
    %c0_i32_1 = arith.constant 0 : i32
    return %c0_i32, %c0_i32_0 : i32, i32
  }
  func.func @transform_7(%arg0: i32) -> (i32, i32) {
    %c0_i32 = arith.constant 0 : i32
    %c0_i32_0 = arith.constant 0 : i32
    %c0_i32_1 = arith.constant 0 : i32
    return %c0_i32, %c0_i32_0 : i32, i32
  }
  func.func @transform_8(%arg0: i32) -> (i32, i32) {
    %c0_i32 = arith.constant 0 : i32
    %c0_i32_0 = arith.constant 0 : i32
    %c0_i32_1 = arith.constant 0 : i32
    return %c0_i32, %c0_i32_0 : i32, i32
  }
  func.func @transform_9(%arg0: i32) -> (i32, i32) {
    %c0_i32 = arith.constant 0 : i32
    %c0_i32_0 = arith.constant 0 : i32
    %c0_i32_1 = arith.constant 0 : i32
    return %c0_i32, %c0_i32_0 : i32, i32
  }
  func.func @transform_10(%arg0: i32) -> (i32, i32) {
    %c0_i32 = arith.constant 0 : i32
    %c0_i32_0 = arith.constant 0 : i32
    return %arg0, %c0_i32 : i32, i32
  }
  func.func @transform_11(%arg0: i32) -> (i32, i32) {
    %c0_i32 = arith.constant 0 : i32
    %c0_i32_0 = arith.constant 0 : i32
    return %arg0, %c0_i32 : i32, i32
  }
}

module attributes {stable_mosaic.version = 14 : i64} {
  func.func @_final_body(%arg0: i32, %arg1: memref<2x256x128xf32, #tpu.memory_space<vmem>>, %arg2: memref<256x128xbf16, #tpu.memory_space<vmem>>, %arg3: memref<256x128xf32, #tpu.memory_space<vmem>>, %arg4: memref<1x1x256xf32, #tpu.memory_space<vmem>>, %arg5: memref<1x128xf32, #tpu.memory_space<vmem>>, %arg6: memref<1x128xf32, #tpu.memory_space<vmem>>, %arg7: memref<1x128xf32, #tpu.memory_space<vmem>>, %arg8: memref<64x128xf32, #tpu.memory_space<vmem>>, %arg9: memref<64x128xf32, #tpu.memory_space<vmem>>, %arg10: memref<64x1xf32, #tpu.memory_space<vmem>>) attributes {dimension_semantics = [#tpu.dimension_semantics<arbitrary>], iteration_bounds = array<i64: 40>, scalar_prefetch = 0 : i64, scratch_operands = 2 : i64, tpu.core_type = #tpu.core_type<tc>, window_params = [{transform_indices = @transform_0, window_bounds = array<i64: 2, 256, 128>}, {transform_indices = @transform_1, window_bounds = array<i64: 256, 128>}, {transform_indices = @transform_2, window_bounds = array<i64: 256, 128>}, {transform_indices = @transform_3, window_bounds = array<i64: 1, 1, 256>}, {pipeline_mode = #tpu.pipeline_mode<synchronous>, transform_indices = @transform_4, window_bounds = array<i64: 1, 128>}, {pipeline_mode = #tpu.pipeline_mode<synchronous>, transform_indices = @transform_5, window_bounds = array<i64: 1, 128>}, {pipeline_mode = #tpu.pipeline_mode<synchronous>, transform_indices = @transform_6, window_bounds = array<i64: 1, 128>}, {pipeline_mode = #tpu.pipeline_mode<synchronous>, transform_indices = @transform_7, window_bounds = array<i64: 64, 128>}]} {
    %eq3A = arith.constant 0 : i32
    %eq3A_0 = arith.cmpi eq, %arg0, %eq3A : i32
    %convert_element_type3A = arith.extui %eq3A_0 : i1 to i32
    %cond3A = arith.constant 0 : i32
    %cond3A_1 = arith.cmpi ne, %convert_element_type3A, %cond3A : i32
    scf.if %cond3A_1 {
      %broadcast_in_dim3A_56 = arith.constant 0.000000e+00 : f32
      %broadcast_in_dim3A_57 = vector.broadcast %broadcast_in_dim3A_56 : f32 to vector<64x128xf32>
      %swap3A_58 = arith.constant 0 : index
      %swap3A_59 = arith.constant 0 : index
      %swap3A_60 = vector.load %arg9[%swap3A_58, %swap3A_59] : memref<64x128xf32, #tpu.memory_space<vmem>>, vector<64x128xf32>
      tpu.vector_store %arg9[%swap3A_58, %swap3A_59], %broadcast_in_dim3A_57 {strides = array<i32>} : memref<64x128xf32, #tpu.memory_space<vmem>>, vector<64x128xf32>,
      %broadcast_in_dim3A_61 = arith.constant 0.000000e+00 : f32
      %broadcast_in_dim3A_62 = vector.broadcast %broadcast_in_dim3A_61 : f32 to vector<64x1xf32>
      %swap3A_63 = arith.constant 0 : index
      %swap3A_64 = arith.constant 0 : index
      %swap3A_65 = vector.load %arg10[%swap3A_63, %swap3A_64] : memref<64x1xf32, #tpu.memory_space<vmem>>, vector<64x1xf32>
      tpu.vector_store %arg10[%swap3A_63, %swap3A_64], %broadcast_in_dim3A_62 {strides = array<i32>} : memref<64x1xf32, #tpu.memory_space<vmem>>, vector<64x1xf32>,
    } else {
    }
    %get3A = arith.constant 0 : index
    %get3A_2 = arith.constant 0 : index
    %get3A_3 = arith.constant 0 : index
    %get3A_4 = vector.load %arg1[%get3A, %get3A_2, %get3A_3] : memref<2x256x128xf32, #tpu.memory_space<vmem>>, vector<1x256x128xf32>
    %get3A_5 = vector.shape_cast %get3A_4 : vector<1x256x128xf32> to vector<256x128xf32>
    %get3A_6 = arith.constant 1 : index
    %get3A_7 = arith.constant 0 : index
    %get3A_8 = arith.constant 0 : index
    %get3A_9 = vector.load %arg1[%get3A_6, %get3A_7, %get3A_8] : memref<2x256x128xf32, #tpu.memory_space<vmem>>, vector<1x256x128xf32>
    %get3A_10 = vector.shape_cast %get3A_9 : vector<1x256x128xf32> to vector<256x128xf32>
    %add3A = arith.addf %get3A_5, %get3A_10 : vector<256x128xf32>
    %get3A_11 = arith.constant 0 : index
    %get3A_12 = arith.constant 0 : index
    %get3A_13 = vector.load %arg2[%get3A_11, %get3A_12] : memref<256x128xbf16, #tpu.memory_space<vmem>>, vector<256x1xbf16>
    %convert_element_type3A_14 = arith.extf %get3A_13 : vector<256x1xbf16> to vector<256x1xf32>
    %mul3A = vector.broadcast %convert_element_type3A_14 : vector<256x1xf32> to vector<256x128xf32>
    %mul3A_15 = arith.mulf %add3A, %mul3A : vector<256x128xf32>
    %get3A_16 = arith.constant 0 : index
    %get3A_17 = arith.constant 0 : index
    %get3A_18 = vector.load %arg3[%get3A_16, %get3A_17] : memref<256x128xf32, #tpu.memory_space<vmem>>, vector<256x128xf32>
    %add3A_19 = arith.addf %mul3A_15, %get3A_18 : vector<256x128xf32>
    %get3A_20 = arith.constant 0 : index
    %get3A_21 = arith.constant 0 : index
    %get3A_22 = vector.load %arg5[%get3A_20, %get3A_21] : memref<1x128xf32, #tpu.memory_space<vmem>>, vector<1x128xf32>
    %add3A_23 = vector.broadcast %get3A_22 : vector<1x128xf32> to vector<256x128xf32>
    %add3A_24 = arith.addf %add3A_19, %add3A_23 : vector<256x128xf32>
    %get3A_25 = arith.constant 0 : index
    %get3A_26 = arith.constant 0 : index
    %get3A_27 = arith.constant 0 : index
    %get3A_28 = vector.load %arg4[%get3A_25, %get3A_26, %get3A_27] : memref<1x1x256xf32, #tpu.memory_space<vmem>>, vector<1x1x256xf32>
    %get3A_29 = vector.shape_cast %get3A_28 : vector<1x1x256xf32> to vector<1x256xf32>
    %iota3A = tpu.iota {dimensions = array<i32: 0>} : vector<64x256xi32>
    %convert_element_type3A_30 = arith.sitofp %iota3A : vector<64x256xi32> to vector<64x256xf32>
    %eq3A_31 = vector.broadcast %get3A_29 : vector<1x256xf32> to vector<64x256xf32>
    %eq3A_32 = arith.cmpf oeq, %convert_element_type3A_30, %eq3A_31 : vector<64x256xf32>
    %jit3A = arith.constant 1.000000e+00 : f32
    %jit3A_33 = arith.constant 0.000000e+00 : f32
    %broadcast_in_dim3A = vector.broadcast %jit3A : f32 to vector<64x256xf32>
    %broadcast_in_dim3A_34 = vector.broadcast %jit3A_33 : f32 to vector<64x256xf32>
    %select_n3A = arith.select %eq3A_32, %broadcast_in_dim3A, %broadcast_in_dim3A_34 : vector<64x256xi1>, vector<64x256xf32>
    %get3A_35 = arith.constant 0 : index
    %get3A_36 = arith.constant 0 : index
    %get3A_37 = vector.load %arg9[%get3A_35, %get3A_36] : memref<64x128xf32, #tpu.memory_space<vmem>>, vector<64x128xf32>
    %dot_general3A = arith.constant dense<0.000000e+00> : vector<64x128xf32>
    %dot_general3A_38 = tpu.matmul %select_n3A, %add3A_24, %dot_general3A {dimension_numbers = #tpu.dot_dimension_numbers<[1], [0], [0], [1], [0, 0, 1, 1], [], []>, transpose_lhs_hint = false} : vector<64x256xf32>, vector<256x128xf32>, vector<64x128xf32> -> vector<64x128xf32>
    %add3A_39 = arith.addf %get3A_37, %dot_general3A_38 : vector<64x128xf32>
    %swap3A = arith.constant 0 : index
    %swap3A_40 = arith.constant 0 : index
    %swap3A_41 = vector.load %arg9[%swap3A, %swap3A_40] : memref<64x128xf32, #tpu.memory_space<vmem>>, vector<64x128xf32>
    tpu.vector_store %arg9[%swap3A, %swap3A_40], %add3A_39 {strides = array<i32>} : memref<64x128xf32, #tpu.memory_space<vmem>>, vector<64x128xf32>,
    %get3A_42 = arith.constant 0 : index
    %get3A_43 = arith.constant 0 : index
    %get3A_44 = vector.load %arg10[%get3A_42, %get3A_43] : memref<64x1xf32, #tpu.memory_space<vmem>>, vector<64x1xf32>
    %reduce_sum3A = arith.constant dense<0.000000e+00> : vector<64xf32>
    %reduce_sum3A_45 = vector.multi_reduction <add>, %select_n3A, %reduce_sum3A [1] : vector<64x256xf32> to vector<64xf32>
    %broadcast_in_dim3A_46 = vector.shape_cast %reduce_sum3A_45 : vector<64xf32> to vector<64x1xf32>
    %add3A_47 = arith.addf %get3A_44, %broadcast_in_dim3A_46 : vector<64x1xf32>
    %swap3A_48 = arith.constant 0 : index
    %swap3A_49 = arith.constant 0 : index
    %swap3A_50 = vector.load %arg10[%swap3A_48, %swap3A_49] : memref<64x1xf32, #tpu.memory_space<vmem>>, vector<64x1xf32>
    tpu.vector_store %arg10[%swap3A_48, %swap3A_49], %add3A_47 {strides = array<i32>} : memref<64x1xf32, #tpu.memory_space<vmem>>, vector<64x1xf32>,
    %eq3A_51 = arith.constant 39 : i32
    %eq3A_52 = arith.cmpi eq, %arg0, %eq3A_51 : i32
    %convert_element_type3A_53 = arith.extui %eq3A_52 : i1 to i32
    %cond3A_54 = arith.constant 0 : i32
    %cond3A_55 = arith.cmpi ne, %convert_element_type3A_53, %cond3A_54 : i32
    scf.if %cond3A_55 {
      %get3A_56 = arith.constant 0 : index
      %get3A_57 = arith.constant 0 : index
      %get3A_58 = vector.load %arg9[%get3A_56, %get3A_57] : memref<64x128xf32, #tpu.memory_space<vmem>>, vector<64x128xf32>
      %get3A_59 = arith.constant 0 : index
      %get3A_60 = arith.constant 0 : index
      %get3A_61 = vector.load %arg10[%get3A_59, %get3A_60] : memref<64x1xf32, #tpu.memory_space<vmem>>, vector<64x1xf32>
      %max3A = arith.constant 1.000000e+00 : f32
      %max3A_62 = vector.broadcast %max3A : f32 to vector<64x1xf32>
      %max3A_63 = arith.maximumf %get3A_61, %max3A_62 : vector<64x1xf32>
      %div3A = vector.broadcast %max3A_63 : vector<64x1xf32> to vector<64x128xf32>
      %div3A_64 = arith.divf %get3A_58, %div3A : vector<64x128xf32>
      %reduce_sum3A_65 = arith.constant dense<0.000000e+00> : vector<64xf32>
      %reduce_sum3A_66 = vector.multi_reduction <add>, %div3A_64, %reduce_sum3A_65 [1] : vector<64x128xf32> to vector<64xf32>
      %broadcast_in_dim3A_67 = vector.shape_cast %reduce_sum3A_66 : vector<64xf32> to vector<64x1xf32>
      %div3A_68 = arith.constant 1.280000e+02 : f32
      %div3A_69 = vector.broadcast %div3A_68 : f32 to vector<64x1xf32>
      %div3A_70 = arith.divf %broadcast_in_dim3A_67, %div3A_69 : vector<64x1xf32>
      %sub3A = vector.broadcast %div3A_70 : vector<64x1xf32> to vector<64x128xf32>
      %sub3A_71 = arith.subf %div3A_64, %sub3A : vector<64x128xf32>
      %integer_pow3A = arith.mulf %sub3A_71, %sub3A_71 : vector<64x128xf32>
      %reduce_sum3A_72 = arith.constant dense<0.000000e+00> : vector<64xf32>
      %reduce_sum3A_73 = vector.multi_reduction <add>, %integer_pow3A, %reduce_sum3A_72 [1] : vector<64x128xf32> to vector<64xf32>
      %broadcast_in_dim3A_74 = vector.shape_cast %reduce_sum3A_73 : vector<64xf32> to vector<64x1xf32>
      %div3A_75 = arith.constant 1.280000e+02 : f32
      %div3A_76 = vector.broadcast %div3A_75 : f32 to vector<64x1xf32>
      %div3A_77 = arith.divf %broadcast_in_dim3A_74, %div3A_76 : vector<64x1xf32>
      %sub3A_78 = vector.broadcast %div3A_70 : vector<64x1xf32> to vector<64x128xf32>
      %sub3A_79 = arith.subf %div3A_64, %sub3A_78 : vector<64x128xf32>
      %add3A_80 = arith.constant 9.99999974E-6 : f32
      %add3A_81 = vector.broadcast %add3A_80 : f32 to vector<64x1xf32>
      %add3A_82 = arith.addf %div3A_77, %add3A_81 : vector<64x1xf32>
      %rsqrt3A = math.rsqrt %add3A_82 : vector<64x1xf32>
      %mul3A_83 = vector.broadcast %rsqrt3A : vector<64x1xf32> to vector<64x128xf32>
      %mul3A_84 = arith.mulf %sub3A_79, %mul3A_83 : vector<64x128xf32>
      %get3A_85 = arith.constant 0 : index
      %get3A_86 = arith.constant 0 : index
      %get3A_87 = vector.load %arg6[%get3A_85, %get3A_86] : memref<1x128xf32, #tpu.memory_space<vmem>>, vector<1x128xf32>
      %mul3A_88 = vector.broadcast %get3A_87 : vector<1x128xf32> to vector<64x128xf32>
      %mul3A_89 = arith.mulf %mul3A_84, %mul3A_88 : vector<64x128xf32>
      %get3A_90 = arith.constant 0 : index
      %get3A_91 = arith.constant 0 : index
      %get3A_92 = vector.load %arg7[%get3A_90, %get3A_91] : memref<1x128xf32, #tpu.memory_space<vmem>>, vector<1x128xf32>
      %add3A_93 = vector.broadcast %get3A_92 : vector<1x128xf32> to vector<64x128xf32>
      %add3A_94 = arith.addf %mul3A_89, %add3A_93 : vector<64x128xf32>
      %swap3A_95 = arith.constant 0 : index
      %swap3A_96 = arith.constant 0 : index
      %swap3A_97 = vector.load %arg8[%swap3A_95, %swap3A_96] : memref<64x128xf32, #tpu.memory_space<vmem>>, vector<64x128xf32>
      tpu.vector_store %arg8[%swap3A_95, %swap3A_96], %add3A_94 {strides = array<i32>} : memref<64x128xf32, #tpu.memory_space<vmem>>, vector<64x128xf32>,
    } else {
    }
    return
  }
  func.func @transform_0(%arg0: i32) -> (i32, i32, i32) {
    %c0_i32 = arith.constant 0 : i32
    %c0_i32_0 = arith.constant 0 : i32
    %c0_i32_1 = arith.constant 0 : i32
    return %c0_i32, %arg0, %c0_i32_0 : i32, i32, i32
  }
  func.func @transform_1(%arg0: i32) -> (i32, i32) {
    %c0_i32 = arith.constant 0 : i32
    %c0_i32_0 = arith.constant 0 : i32
    return %arg0, %c0_i32 : i32, i32
  }
  func.func @transform_2(%arg0: i32) -> (i32, i32) {
    %c0_i32 = arith.constant 0 : i32
    %c0_i32_0 = arith.constant 0 : i32
    return %arg0, %c0_i32 : i32, i32
  }
  func.func @transform_3(%arg0: i32) -> (i32, i32, i32) {
    %c0_i32 = arith.constant 0 : i32
    %c0_i32_0 = arith.constant 0 : i32
    %c0_i32_1 = arith.constant 0 : i32
    return %arg0, %c0_i32, %c0_i32_0 : i32, i32, i32
  }
  func.func @transform_4(%arg0: i32) -> (i32, i32) {
    %c0_i32 = arith.constant 0 : i32
    %c0_i32_0 = arith.constant 0 : i32
    %c0_i32_1 = arith.constant 0 : i32
    return %c0_i32, %c0_i32_0 : i32, i32
  }
  func.func @transform_5(%arg0: i32) -> (i32, i32) {
    %c0_i32 = arith.constant 0 : i32
    %c0_i32_0 = arith.constant 0 : i32
    %c0_i32_1 = arith.constant 0 : i32
    return %c0_i32, %c0_i32_0 : i32, i32
  }
  func.func @transform_6(%arg0: i32) -> (i32, i32) {
    %c0_i32 = arith.constant 0 : i32
    %c0_i32_0 = arith.constant 0 : i32
    %c0_i32_1 = arith.constant 0 : i32
    return %c0_i32, %c0_i32_0 : i32, i32
  }
  func.func @transform_7(%arg0: i32) -> (i32, i32) {
    %c0_i32 = arith.constant 0 : i32
    %c0_i32_0 = arith.constant 0 : i32
    %c0_i32_1 = arith.constant 0 : i32
    return %c0_i32, %c0_i32_0 : i32, i32
  }
}

</mosaic_0001>

<sc_bundles>
// kernel: kernel.11.cloned.1.call-start
scs
__scs_entry_jumppad:
0x0: {  	(pc) =	sbr.rel $0x88, $3  }
0x1: {  	(tag) =	ssettag $0x0;
	lr =	simm.s32 $0x1  }
0x2: {  	[smem:$0x3F93] =	sst lr;
	_ =	strace $0xD0000000  }
0x3: {  	_ = 	snop  }
0x4: {  	_ = 	snop  }
0x5: {  	_ = 	snop  }
0x6: {  	_ = 	snop  }
0x7: {  	_ = 	snop  }
__scs_overlays_trampoline_lowered:
0x8: {  	[smem:$0x3FA2] =	sst s0  }
0x9: {  	[smem:$0x3FA3] =	sst s1  }
0xa: {  	[smem:$0x3FA4] =	sst s2  }
0xb: {  	[smem:$0x3FA5] =	sst s3  }
0xc: {  	[smem:$0x3FA6] =	sst s4  }
0xd: {  	[smem:$0x3FA7] =	sst s5  }
0xe: {  	[smem:$0x3FA8] =	sst s6  }
0xf: {  	[smem:$0x3FA9] =	sst s7  }
0x10: {  	[smem:$0x3FAA] =	sst s8  }
0x11: {  	[smem:$0x3FAB] =	sst s9;
	s0 =	simm.s32 @!p0 $0x0  }
0x12: {  	s1 =	sld [smem:$0x3F91];
	s0 =	simm.s32 @p0 $0x1  }
0x13: {  	[smem:$0x3FAC] =	sst s0;
	s0 =	simm.s32 @!p1 $0x0  }
0x14: {  	s2 =	sld [smem:$0x3F90];
	s0 =	simm.s32 @p1 $0x1  }
0x15: {  	[smem:$0x3FAD] =	sst s0;
	s0 =	simm.s32 @!p2 $0x0  }
0x16: {  	s3 =	sld [smem:$0x3FDB];
	s0 =	simm.s32 @p2 $0x1  }
0x17: {  	s4 =	simm.s32 $0x1BF5;
	[smem:$0x3FAF] =	sst s0  }
0x18: {  	s0 =	sld [smem:$0x3F92];
	_ =	swait.ge [sflag:s4], $0x0  }
0x19: {  	s7 =	sld [smem:$0x3F93]  }
0x1a: {  	s8 =	sadd.s32 $0xFFFFE003, lr  }
0x1b: {  	s9 =	sadd.s32 $0xFFFFFEF7, lr;
	s5 =	simm.s32 $0xFFFFFFFF;
	p2 =	slt.u32 s8, $0xFFFFF086  }
0x1c: {  	p1 =	slt.u32 s9, $0xF7A;
	s5 =	simm.s32 @!p2 $0x0  }
0x1d: {  	s5 =	simm.s32 @p1 $0x1;
	p0 =	seq.s32 s7, s2  }
0x1e: {  	s7 =	smul.u32 @!p0 $0xF7A, s2;
	p2 =	seq.s32 @!p0 s5, $0x0  }
0x1f: {  	s9 =	smul.u32 $0xF7A, s1;
	s8 =	simm.s32 @!p0 $0x1BF5;
	p2 =	por !p2, p0  }
0x20: {  	[sflag:s8] =	ssyncset.s32 @!p0 $0xFFFFF086;
	s6 =	sadd.s32 @!p0 s3, s7;
	s7 =	simm.s32 @!p0 $0x108  }
0x21: {  	s3 =	sadd.s32 s3, s9;
	s6 =	sadd.s32 @!p0 $0x88, s6;
	s7 =	simm.s32 @p2 $0x1082  }
0x22: {  	[simem:s7], [sflag:s8] =	dma.local @!p0 [hbm:s6], $0xF7A  }
0x23: {  	s9 =	sor.u32 $0xD0000000, s2;
	s6 =	simm.s32 $0x108;
	_ =	swait.ge @!p0 [sflag:s8], $0x0  }
0x24: {  	s3 =	sadd.s32 $0x88, s3;
	s6 =	simm.s32 @!p1 $0x1082;
	[sflag:s4] =	ssyncset.s32 $0xFFFFF086  }
0x25: {  	[simem:s6], [sflag:s4] =	dma.local [hbm:s3], $0xF7A  }
0x26: {  	[smem:$0x3F93] =	sst s1;
	(tag) =	ssettag s2;
	_ =	strace s9  }
0x27: {  	s1 =	sld [smem:$0x3FA3]  }
0x28: {  	s2 =	sld [smem:$0x3FA4]  }
0x29: {  	s4 =	sld [smem:$0x3FA6]  }
0x2a: {  	p0 =	seq.s32 s5, $0x0;
	s5 =	sld [smem:$0x3FA7]  }
0x2b: {  	s6 =	sld [smem:$0x3FA8]  }
0x2c: {  	s7 =	sld [smem:$0x3FA9]  }
0x2d: {  	s3 =	simm.s32 $0x108;
	s8 =	sld [smem:$0x3FAA]  }
0x2e: {  	s3 =	simm.s32 @!p0 $0x1082;
	s9 =	sld [smem:$0x3FAB]  }
0x2f: {  	lr =	sadd.s32 s0, s3;
	s0 =	sld [smem:$0x3FA2]  }
0x30: {  	s3 =	sld [smem:$0x3FA5]  }
0x31: {  	[smem:$0x3FAE] =	sst s10  }
0x32: {  	s10 =	sld [smem:$0x3FAC];
	_ =	sdelay $0x3  }
0x33: {  	p0 =	seq.s32 s10, $0x1;
	s10 =	sld [smem:$0x3FAE];
	_ =	sdelay $0x3  }
0x34: {  	[smem:$0x3FAE] =	sst s10  }
0x35: {  	s10 =	sld [smem:$0x3FAD];
	_ =	sdelay $0x3  }
0x36: {  	p1 =	seq.s32 s10, $0x1;
	s10 =	sld [smem:$0x3FAE];
	_ =	sdelay $0x3  }
0x37: {  	[smem:$0x3FAE] =	sst s10  }
0x38: {  	s10 =	sld [smem:$0x3FAF]  }
0x39: {  	_ = 	snop;
	(pc) =	sbr.ind lr, $3  }
0x3a: {  	_ = 	snop  }
0x3b: {  	_ = 	snop  }
0x3c: {  	p2 =	seq.s32 s10, $0x1;
	s10 =	sld [smem:$0x3FAE]  }
0x3d: {  	_ =	shalt  }
0x3e: {  	_ =	shalt  }
0x3f: {  	_ =	shalt  }
0x40: {  	_ =	shalt  }
0x41: {  	_ =	shalt  }
0x42: {  	_ =	shalt  }
0x43: {  	_ =	shalt  }
0x44: {  	_ =	shalt  }
0x45: {  	_ =	shalt  }
0x46: {  	_ =	shalt  }
0x47: {  	_ =	shalt  }
0x48: {  	_ =	shalt  }
0x49: {  	_ =	shalt  }
0x4a: {  	_ =	shalt  }
0x4b: {  	_ =	shalt  }
0x4c: {  	_ =	shalt  }
0x4d: {  	_ =	shalt  }
0x4e: {  	_ =	shalt  }
0x4f: {  	_ =	shalt  }
0x50: {  	_ =	shalt  }
0x51: {  	_ =	shalt  }
0x52: {  	_ =	shalt  }
0x53: {  	_ =	shalt  }
0x54: {  	_ =	shalt  }
0x55: {  	_ =	shalt  }
0x56: {  	_ =	shalt  }
0x57: {  	_ =	shalt  }
0x58: {  	_ =	shalt  }
0x59: {  	_ =	shalt  }
0x5a: {  	_ =	shalt  }
0x5b: {  	_ =	shalt  }
0x5c: {  	_ =	shalt  }
0x5d: {  	_ =	shalt  }
0x5e: {  	_ =	shalt  }
0x5f: {  	_ =	shalt  }
0x60: {  	_ =	shalt  }
0x61: {  	_ =	shalt  }
0x62: {  	_ =	shalt  }
0x63: {  	_ =	shalt  }
0x64: {  	_ =	shalt  }
0x65: {  	_ =	shalt  }
0x66: {  	_ =	shalt  }
0x67: {  	_ =	shalt  }
0x68: {  	_ =	shalt  }
0x69: {  	_ =	shalt  }
0x6a: {  	_ =	shalt  }
0x6b: {  	_ =	shalt  }
0x6c: {  	_ =	shalt  }
0x6d: {  	_ =	shalt  }
0x6e: {  	_ =	shalt  }
0x6f: {  	_ =	shalt  }
0x70: {  	_ =	shalt  }
0x71: {  	_ =	shalt  }
0x72: {  	_ =	shalt  }
0x73: {  	_ =	shalt  }
0x74: {  	_ =	shalt  }
0x75: {  	_ =	shalt  }
0x76: {  	_ =	shalt  }
0x77: {  	_ =	shalt  }
0x78: {  	_ =	shalt  }
0x79: {  	_ =	shalt  }
0x7a: {  	_ =	shalt  }
0x7b: {  	_ =	shalt  }
0x7c: {  	_ =	shalt  }
0x7d: {  	_ =	shalt  }
0x7e: {  	_ =	shalt  }
0x7f: {  	_ =	shalt  }
0x80: {  	_ =	shalt  }
0x81: {  	_ =	shalt  }
0x82: {  	_ =	shalt  }
0x83: {  	_ =	shalt  }
0x84: {  	_ =	shalt  }
0x85: {  	_ =	shalt  }
0x86: {  	_ =	shalt  }
0x87: {  	_ =	shalt  }
.Lfunc_end0:
.L_simem_size_0:
called_computation.1_lowered:
.L_overlay_start_0:
0x88: {  	s2 =	sld [smem:$0x3FD9]  }
0x89: {  	s3 =	sld [smem:$0x3FFE];
	_ =	sdelay $0x1  }
0x8a: {  	s1 =	srdreg.scid  }
0x8b: {  	s0 =	sand.u32 $0x1, s1  }
0x8c: {  	s16 =	sshll.u32 s0, $0xA;
	s2 =	sadd.s32 s3, s2  }
0x8d: {  	s2 =	sadd.s32 s2, s16  }
0x8e: {  	[smem:$0x3FBA] =	sst s2  }
0x8f: {  	_ = 	snop  }
0x90: {  	(tm) =	ssettm $0x1  }
0x91: {  	s17 =	sld [smem:$0x3FFB];
	_ =	sdelay $0x3  }
0x92: {  	_ =	strace s17  }
0x93: {  	s2 =	sld [smem:$0x3FFC];
	_ =	sdelay $0x3  }
0x94: {  	_ =	strace s2  }
0x95: {  	s2 =	sld [smem:$0x3FFD];
	_ =	sdelay $0x3  }
0x96: {  	_ =	strace s2  }
0x97: {  	_ =	strace $0x8FFFFFFF  }
0x98: {  	s18 =	sld [smem:$0x3FDB];
	_ =	sdelay $0x1  }
0x99: {  	s19 =	simm.s32 $_scs_section_size  }
0x9a: {  	s4 =	simm.s32 $_size__tile_overlayer_lowered;
	s5 =	simm.s32 $_tile_overlayer_lowered  }
0x9b: {  	s22 =	simm.s32 $0x1BFF;
	s21 =	sshll.u32 s5, $0x1;
	s2 =	sadd.s32 s19, s18  }
0x9c: {  	s6 =	simm.s32 $0x0;
	s20 =	sshll.u32 s4, $0x1;
	s4 =	sadd.s32 s21, s2  }
0x9d: {  	[timem:s6], [sflag:s22] =	dma.local [hbm:s4], s20  }
0x9e: {  	_ =	swait.ge [sflag:s22], s20  }
0x9f: {  	s3 =	ssub.s32 $0x0, s20;
	[sflag:s22] =	ssyncset.done $0x0  }
0xa0: {  	[sflag:s22] =	ssyncadd.s32 s3;
	_ =	sdelay $0x1  }
0xa1: {  	s23 =	simm.s32 $0x1B8B  }
0xa2: {  	_ =	swait.ge [sflag:s23], $0x1  }
0xa3: {  	[sflag:s23] =	ssyncset.done $0x0  }
0xa4: {  	s25 =	simm.s32 $0x1B8E;
	s24 =	sld [smem:$0x3FFE];
	[sflag:s23] =	ssyncadd.s32 $0xFFFFFFFF  }
0xa5: {  	s26 =	simm.s32 $execute0_lowered;
	[smem:$0x3FD2] =	sst s25  }
0xa6: {  	s4 =	sshll.u32 s26, $0x1;
	_ =	strace $0x80000049;
	[dreg:$0x1] =	wrdreg $0xFFFFFFFF  }
0xa7: {  	s28 =	simm.s32 $_size_execute0_lowered;
	s2 =	sadd.s32 s2, s4;
	[dreg:$0x0] =	wrdreg $0x0  }
0xa8: {  	s4 =	sshll.u32 s28, $0x1;
	[dreg:$0x2] =	wrdreg s2  }
0xa9: {  	[dreg:$0x3] =	wrdreg s4  }
0xaa: {  	[dreg:$0x4] =	wrdreg $0xC0  }
0xab: {  	_ =	task [dreg:s6], $0x5FFFF  }
0xac: {  	[dreg:$0x1] =	wrdreg $0xFFFFFFFF  }
0xad: {  	[dreg:$0x0] =	wrdreg $0x60  }
0xae: {  	[dreg:$0x2] =	wrdreg s24  }
0xaf: {  	[dreg:$0x3] =	wrdreg $0xBC000  }
0xb0: {  	[dreg:$0x4] =	wrdreg $0x9  }
0xb1: {  	_ =	task.clear_ibuf [dreg:s6], $0x5FFFF;
	_ =	strace $0x90000049  }
0xb2: {  	s29 =	simm.s32 $0x9;
	_ =	strace $0x8000004B  }
0xb3: {  	_ =	swait.ge [sflag:s29], $0x1  }
0xb4: {  	[sflag:s29] =	ssyncadd.s32 $0xFFFFFFFF  }
0xb5: {  	_ =	strace $0x9000004B  }
0xb6: {  	_ =	sfence  }
0xb7: {  	s30 =	sld [smem:$0x0];
	_ =	sdelay $0x2  }
0xb8: {  	s31 =	sshll.u32 s1, $0xD;
	s1 =	sshrl.u32 s1, $0x2  }
0xb9: {  	s3 =	sand.u32 $0x4000, s31;
	s1 =	sadd.s32 s1, s30  }
0xba: {  	s0 =	sor.u32 s3, s0;
	s1 =	sshll.u32 s1, $0x11  }
0xbb: {  	s0 =	sor.u32 s1, s0  }
0xbc: {  	s0 =	sadd.s32 $0x8F2B, s0  }
0xbd: {  	[sflag:s0] =	ssyncadd.remote.s32 $0x1  }
0xbe: {  	_ =	sfence.sel $0xFFFF  }
0xbf: {  	[dreg:$0x0] =	wrdreg $0xFFFFFFFF;
	(pc) =	sbr.abs _section_cstart, $3  }
0xc0: {  	[dreg:$0x1] =	wrdreg $0xFFFFFFFF  }
0xc1: {  	_ =	task.clear_ibuf [dreg:s6], $0x2FFFF;
	_ =	strace $0x9FFFFFFF  }
0xc2: {  	(tm) =	ssettm $0x7FFFFFFF  }
0xc3: {  	_ =	shalt  }
tec
execute0_lowered:
.L_overlay_start_1:
0x0: {  	(tag) =	ssettag $0x1  }
0x1: {  	s8 =	rddreg [dreg:$0x0]  }
0x2: {  	s2 =	rddreg [dreg:$0x1]  }
0x3: {  	s3 =	simm.s32 $0x0;
	s0 =	stileid.u32;
	s7 =	srdreg.scid  }
0x4: {  	s18 =	simm.s32 $0x6;
	s19 =	simm.s32 $0x40;
	s20 =	simm.s32 $0x5C00  }
0x5: {  	s21 =	simm.s32 $0x8;
	s22 =	simm.s32 $0x9C00;
	s23 =	simm.s32 $0x5  }
0x6: {  	s24 =	simm.s32 $0x7;
	s25 =	simm.s32 $0x0;
	s11 =	smul.u32 $0x500, s0  }
0x7: {  	[smem:$0x7FF] =	sst s3;
	s4 =	sadd.s32 $0x3A000, s8;
	s10 =	smul.u32 $0x28000, s0  }
0x8: {  	s5 =	sadd.s32 $0x3000, s8;
	s12 =	sadd.s32 $0x30000, s8;
	s13 =	sand.u32 $0x1, s7  }
0x9: {  	s1 =	sadd.s32 $0x8F000, s8;
	s17 =	smul.u32 $0x2800, s0;
	s31 =	sshll.u32 s0, $0x6  }
0xa: {  	_ =	strace $0x8000004A;
	[dreg:$0x3] =	wrdreg s1;
	s15 =	ssub.s32 $0x2, s13  }
0xb: {  	p0 =	seq.s32 s13, $0x1;
	s9 =	sadd.s32 s11, s8;
	s6 =	sshrl.u32 s10, $0x4  }
0xc: {  	s16 =	sshrl.u32 s15, $0x1;
	s10 =	sshrl.u32 s10, $0x1;
	s30 =	sshrl.u32 s17, $0x3  }
.Ltmp0:
0xd: {  	s11 =	sadd.s32 s12, s11;
	s17 =	simm.s32 $0x2800;
	(pc) =	sbr.rel .LBB2_1-.Ltmp0, $4  }
0xe: {  	s14 =	sadd.s32 s6, s8;
	s8 =	sadd.s32 $0xB7000, s8;
	s15 =	ssub.s32 s15, s16  }
0xf: {  	s9 =	sadd.s32 $0x35000, s9;
	s29 =	sadd.s32 s10, s2;
	s12 =	sadd.s32 s12, s30  }
0x10: {  	s10 =	sadd.s32 $0x67000, s14;
	s12 =	sadd.s32 $0x280, s12;
	s13 =	smax.u32 s15, $0x1  }
0x11: {  	s14 =	simm.s32 $0x9;
	s15 =	sor.u32 $0x1C09, s31;
	s16 =	sshrl.u32 s29, $0x3  }
.LBB2_33:
0x12: {  	s26 =	smov.u32 s8  }
.LBB2_34:
0x13: {  	_ =	swait.ge [sflag:s23], $0x2000  }
0x14: {  	[sflag:s23] =	ssyncset.done $0x0  }
0x15: {  	[sflag:s23] =	ssyncadd.s32 $0xFFFFE000  }
0x16: {  	_ =	swait.ge [sflag:s18], $0x2000  }
0x17: {  	[sflag:s18] =	ssyncset.done $0x0  }
0x18: {  	[sflag:s18] =	ssyncadd.s32 $0xFFFFE000  }
0x19: {  	_ =	swait.ge [sflag:s24], $0x2000  }
0x1a: {  	[sflag:s24] =	ssyncset.done $0x0  }
0x1b: {  	[sflag:s24] =	ssyncadd.s32 $0xFFFFE000  }
0x1c: {  	_ =	swait.ge [sflag:s21], $0x2000  }
0x1d: {  	s25 =	sadd.s32 $0x1, s25;
	[sflag:s21] =	ssyncset.done $0x0  }
0x1e: {  	p1 =	sne.s32 s25, s13;
	[sflag:s21] =	ssyncadd.s32 $0xFFFFE000  }
.Ltmp1:
0x1f: {  	s0 =	sadd.s32 s26, s6;
	[bflag:$0x0] =	sbarrier.arrive $0xFFFF;
	(pc) =	sbr.rel @!p1 .LBB2_35-.Ltmp1, $4  }
0x20: {  	[hbm:s0], [sflag:s15] =	dma.local [spmem:s16], $0x2800  }
0x21: {  	_ =	swait.ge [sflag:s14], $0x2800  }
0x22: {  	[sflag:s14] =	ssyncset.done $0x0  }
0x23: {  	[sflag:s14] =	ssyncadd.s32 $0xFFFFD800  }
.LBB2_1:
0x24: {  	[tilespmem:s3], [sflag:$0x9] =	stream.linear.gather [hbm4b:s9+s3], $0x2800, $0x38;
	[tilespmem:$0x1FC00] =	vst v63  }
0x25: {  	_ =	swait.ge [sflag:s14], $0x2800  }
0x26: {  	[sflag:s14] =	ssyncset.done $0x0  }
0x27: {  	[sflag:s14] =	ssyncadd.s32 $0xFFFFD800  }
0x28: {  	[spmem:s16], [sflag:s15] =	dma.local [hbm:s10], $0x2800  }
0x29: {  	_ =	swait.ge [sflag:s14], $0x2800  }
0x2a: {  	[sflag:s14] =	ssyncset.done $0x0  }
0x2b: {  	[sflag:s14] =	ssyncadd.s32 $0xFFFFD800  }
0x2c: {  	[bflag:$0x0] =	sbarrier.arrive $0xFFFF  }
0x2d: {  	[tilespmem:s17], [sflag:$0x9] =	stream.linear.gather [hbm4b:s11+s3], $0x1400, $0x38;
	[tilespmem:$0x1FC00] =	vst v63  }
.Ltmp2:
0x2e: {  	_ = 	snop;
	(pc) =	sbr.rel @p0 .LBB2_18-.Ltmp2, $4  }
.Ltmp3:
0x2f: {  	_ = 	snop;
	(pc) =	sbr.rel @!p0 .LBB2_2-.Ltmp3, $4  }
0x30: {  	s26 =	simm.s32 $0x3;
	_ =	swait.ge [sflag:s14], $0x1400  }
0x31: {  	s28 =	simm.s32 $0x0;
	s29 =	simm.s32 $0x0;
	[sflag:s14] =	ssyncset.done $0x0  }
0x32: {  	s30 =	simm.s32 $0x0;
	s31 =	simm.s32 $0x0;
	[sflag:s14] =	ssyncadd.s32 $0xFFFFEC00  }
0x33: {  	_ = 	snop  }
.LBB2_23:
0x34: {  	_ =	swait.ge [sflag:s21], $0x2000  }
0x35: {  	[sflag:s21] =	ssyncset.done $0x0  }
0x36: {  	[sflag:s21] =	ssyncadd.s32 $0xFFFFE000  }
.LBB2_25:
0x37: {  	s0 =	sshra.s32 s30, $0x2  }
0x38: {  	s0 =	sadd.s32 $0xC0, s0  }
0x39: {  	[tilespmem:s22], [sflag:$0x4] =	stream.indirect.gather [hbm4b:s5+s19], $0x80, s0, s19, $0xb8;
	[tilespmem:$0x1FC00] =	vst v63  }
.LBB2_26:
0x3a: {  	p1 =	sgt.u32 s26, $0x51  }
0x3b: {  	s0 =	simm.s32 @!p1 $0x2  }
0x3c: {  	_ =	swait.ge @!p1 [sflag:s0], $0x2000  }
0x3d: {  	[sflag:s0] =	ssyncset.done @!p1 $0x0  }
0x3e: {  	s31 =	sadd.s32 $0x1, s31;
	[sflag:s0] =	ssyncadd.s32 @!p1 $0xFFFFE000;
	s0 =	sshra.s32 @!p1 s30, $0x2  }
0x3f: {  	s1 =	simm.s32 @!p1 $0x40;
	s7 =	simm.s32 @!p1 $0x5C00;
	s0 =	sadd.s32 @!p1 $0x2840, s0  }
0x40: {  	[spmem:s2] =	stream.indirect.scatter.add.bf16 @!p1 [tilespmem:s7], [sflag:$0x6], $0x80, s0, s1, $0xb8;
	[tilespmem:$0x1FC00] =	vst v63  }
0x41: {  	p1 =	sne.s32 s31, $0x16  }
.Ltmp4:
0x42: {  	_ = 	snop;
	(pc) =	sbr.rel @!p1 .LBB2_27-.Ltmp4, $2  }
0x43: {  	_ =	sdelay $0x2  }
0x44: {  	s26 =	sadd.s32 $0x4, s26;
	s30 =	sadd.s32 $0x400, s30  }
.LBB2_18:
0x45: {  	s0 =	sadd.s32 $0xFFFFFFF9, s26  }
0x46: {  	p2 =	sgt.u32 s0, $0x4B  }
0x47: {  	p1 =	sgt.u32 s31, $0x13;
	s1 =	simm.s32 @!p2 $0x5  }
0x48: {  	s28 =	sshra.s32 @!p1 s30, $0x2;
	_ =	swait.ge @!p2 [sflag:s1], $0x2000  }
0x49: {  	s7 =	simm.s32 @!p1 $0x3C00;
	p3 =	sgt.u32 s0, $0x4F;
	[sflag:s1] =	ssyncset.done @!p2 $0x0  }
0x4a: {  	s0 =	simm.s32 @!p3 $0x3;
	[sflag:s1] =	ssyncadd.s32 @!p2 $0xFFFFE000;
	s1 =	simm.s32 @!p1 $0x40  }
0x4b: {  	[tilespmem:s7], [sflag:$0x1] =	stream.indirect.gather @!p1 [hbm4b:s5+s1], $0x80, s28, s1, $0xb8;
	[tilespmem:$0x1FC00] =	vst v63  }
0x4c: {  	_ =	swait.ge @!p3 [sflag:s0], $0x2000  }
0x4d: {  	[sflag:s0] =	ssyncset.done @!p3 $0x0  }
0x4e: {  	s29 =	sadd.s32 $0xFFFFFFFF, s31;
	[sflag:s0] =	ssyncadd.s32 @!p3 $0xFFFFE000;
	s0 =	sshra.s32 @!p3 s30, $0x2  }
0x4f: {  	s1 =	simm.s32 @!p3 $0x40;
	s7 =	simm.s32 @!p3 $0x7C00;
	s0 =	sadd.s32 @!p3 $0x2780, s0  }
0x50: {  	[spmem:s2] =	stream.indirect.scatter.add.bf16 @!p3 [tilespmem:s7], [sflag:$0x7], $0x80, s0, s1, $0xb8;
	[tilespmem:$0x1FC00] =	vst v63  }
0x51: {  	p3 =	sgt.u32 s29, $0x12  }
.Ltmp5:
0x52: {  	_ = 	snop;
	(pc) =	sbr.rel @p3 .LBB2_20-.Ltmp5, $1  }
0x53: {  	_ =	sdelay $0x3  }
.Ltmp6:
0x54: {  	(pc) =	sbr.rel .LBB2_21-.Ltmp6, $4  }
0x55: {  	_ = 	snop  }
0x56: {  	_ =	swait.ge [sflag:s18], $0x2000  }
0x57: {  	[sflag:s18] =	ssyncset.done $0x0  }
0x58: {  	[sflag:s18] =	ssyncadd.s32 $0xFFFFE000  }
.LBB2_20:
.Ltmp7:
0x59: {  	(pc) =	sbr.rel @p1 .LBB2_22-.Ltmp7, $1  }
0x5a: {  	_ =	sdelay $0x3  }
.LBB2_21:
0x5b: {  	s0 =	sshra.s32 s30, $0x2  }
0x5c: {  	s0 =	sadd.s32 $0x40, s0  }
0x5d: {  	[tilespmem:s20], [sflag:$0x2] =	stream.indirect.gather [hbm4b:s5+s19], $0x80, s0, s19, $0xb8;
	[tilespmem:$0x1FC00] =	vst v63  }
.LBB2_22:
0x5e: {  	p4 =	seq.s32 s31, $0x0  }
0x5f: {  	p5 =	seq.s32 @!p4 s31, $0x15  }
0x60: {  	p4 =	por p5, p4  }
0x61: {  	s0 =	simm.s32 @!p4 $0x4  }
0x62: {  	_ =	swait.ge @!p4 [sflag:s0], $0x2000  }
0x63: {  	[sflag:s0] =	ssyncset.done @!p4 $0x0  }
0x64: {  	[sflag:s0] =	ssyncadd.s32 @!p4 $0xFFFFE000;
	s0 =	sshra.s32 @!p4 s30, $0x2  }
0x65: {  	s1 =	simm.s32 @!p4 $0x40;
	s7 =	simm.s32 @!p4 $0x9C00;
	s0 =	sadd.s32 @!p4 $0x27C0, s0  }
0x66: {  	[spmem:s2] =	stream.indirect.scatter.add.bf16 @!p4 [tilespmem:s7], [sflag:$0x8], $0x80, s0, s1, $0xb8;
	[tilespmem:$0x1FC00] =	vst v63  }
0x67: {  	s0 =	simm.s32 @!p2 $0x7  }
0x68: {  	_ =	swait.ge @!p2 [sflag:s0], $0x2000  }
0x69: {  	[sflag:s0] =	ssyncset.done @!p2 $0x0  }
0x6a: {  	s29 =	sadd.s32 $0xFFFFFFFF, s26;
	s7 =	simm.s32 @!p1 $0x40;
	[sflag:s0] =	ssyncadd.s32 @!p2 $0xFFFFE000  }
0x6b: {  	s0 =	sadd.s32 @!p1 $0x80, s28;
	s28 =	simm.s32 @!p1 $0x7C00;
	p2 =	sgt.u32 s29, $0x51  }
0x6c: {  	[tilespmem:s28], [sflag:$0x3] =	stream.indirect.gather @!p1 [hbm4b:s5+s7], $0x80, s0, s7, $0xb8;
	[tilespmem:$0x1FC00] =	vst v63  }
0x6d: {  	s0 =	simm.s32 @!p2 $0x1  }
.Ltmp8:
0x6e: {  	_ =	swait.ge @!p2 [sflag:s0], $0x2000;
	(pc) =	sbr.rel @!p3 .LBB2_23-.Ltmp8, $4  }
0x6f: {  	[sflag:s0] =	ssyncset.done @!p2 $0x0  }
0x70: {  	[sflag:s0] =	ssyncadd.s32 @!p2 $0xFFFFE000;
	s0 =	sshra.s32 @!p2 s30, $0x2  }
0x71: {  	s1 =	simm.s32 @!p2 $0x40;
	s7 =	simm.s32 @!p2 $0x3C00;
	s0 =	sadd.s32 @!p2 $0x2800, s0  }
0x72: {  	[spmem:s2] =	stream.indirect.scatter.add.bf16 @!p2 [tilespmem:s7], [sflag:$0x5], $0x80, s0, s1, $0xb8;
	[tilespmem:$0x1FC00] =	vst v63  }
.Ltmp9:
0x73: {  	(pc) =	sbr.rel @p1 .LBB2_26-.Ltmp9, $4  }
.Ltmp10:
0x74: {  	(pc) =	sbr.rel @!p1 .LBB2_25-.Ltmp10, $4  }
0x75: {  	_ = 	snop  }
0x76: {  	_ = 	snop  }
0x77: {  	_ = 	snop  }
0x78: {  	_ = 	snop  }
.LBB2_7:
0x79: {  	_ =	swait.ge [sflag:s21], $0x2000  }
0x7a: {  	[sflag:s21] =	ssyncset.done $0x0  }
0x7b: {  	[sflag:s21] =	ssyncadd.s32 $0xFFFFE000  }
.LBB2_9:
0x7c: {  	s0 =	sshra.s32 s28, $0x2  }
0x7d: {  	s0 =	sadd.s32 $0xC0, s0  }
0x7e: {  	[tilespmem:s22], [sflag:$0x4] =	stream.indirect.gather [hbm4b:s4+s19], $0x80, s0, s19, $0xb8;
	[tilespmem:$0x1FC00] =	vst v63  }
.LBB2_10:
0x7f: {  	p1 =	sgt.u32 s26, $0x51  }
0x80: {  	s0 =	simm.s32 @!p1 $0x2  }
0x81: {  	_ =	swait.ge @!p1 [sflag:s0], $0x2000  }
0x82: {  	[sflag:s0] =	ssyncset.done @!p1 $0x0  }
0x83: {  	s29 =	sadd.s32 $0x1, s29;
	[sflag:s0] =	ssyncadd.s32 @!p1 $0xFFFFE000;
	s0 =	sshra.s32 @!p1 s28, $0x2  }
0x84: {  	s1 =	simm.s32 @!p1 $0x40;
	s30 =	simm.s32 @!p1 $0x5C00;
	s0 =	sadd.s32 @!p1 $0x2840, s0  }
0x85: {  	[spmem:s2] =	stream.indirect.scatter.add.bf16 @!p1 [tilespmem:s30], [sflag:$0x6], $0x80, s0, s1, $0xb8;
	[tilespmem:$0x1FC00] =	vst v63  }
0x86: {  	p1 =	sne.s32 s29, $0x16  }
.Ltmp11:
0x87: {  	_ = 	snop;
	(pc) =	sbr.rel @!p1 .LBB2_11-.Ltmp11, $2  }
0x88: {  	_ =	sdelay $0x2  }
0x89: {  	s26 =	sadd.s32 $0x4, s26;
	s28 =	sadd.s32 $0x400, s28  }
.LBB2_2:
0x8a: {  	s31 =	sadd.s32 $0xFFFFFFF9, s26  }
0x8b: {  	p2 =	sgt.u32 s31, $0x4B  }
0x8c: {  	s30 =	simm.s32 @!p2 $0x5  }
0x8d: {  	p1 =	sgt.u32 s29, $0x13;
	_ =	swait.ge @!p2 [sflag:s30], $0x2000  }
0x8e: {  	s0 =	simm.s32 @!p1 $0x40;
	s1 =	simm.s32 @!p1 $0x3C00;
	[sflag:s30] =	ssyncset.done @!p2 $0x0  }
0x8f: {  	p3 =	sgt.u32 s31, $0x4F;
	[sflag:s30] =	ssyncadd.s32 @!p2 $0xFFFFE000;
	s30 =	sshra.s32 @!p1 s28, $0x2  }
0x90: {  	[tilespmem:s1], [sflag:$0x1] =	stream.indirect.gather @!p1 [hbm4b:s4+s0], $0x80, s30, s0, $0xb8;
	[tilespmem:$0x1FC00] =	vst v63  }
0x91: {  	s0 =	simm.s32 @!p3 $0x3  }
0x92: {  	_ =	swait.ge @!p3 [sflag:s0], $0x2000  }
0x93: {  	[sflag:s0] =	ssyncset.done @!p3 $0x0  }
0x94: {  	[sflag:s0] =	ssyncadd.s32 @!p3 $0xFFFFE000;
	s0 =	sshra.s32 @!p3 s28, $0x2  }
0x95: {  	s31 =	simm.s32 @!p3 $0x7C00;
	s1 =	simm.s32 @!p3 $0x40;
	s0 =	sadd.s32 @!p3 $0x2780, s0  }
0x96: {  	[spmem:s2] =	stream.indirect.scatter.add.bf16 @!p3 [tilespmem:s31], [sflag:$0x7], $0x80, s0, s1, $0xb8;
	[tilespmem:$0x1FC00] =	vst v63  }
0x97: {  	s31 =	sadd.s32 $0xFFFFFFFF, s29  }
0x98: {  	p3 =	sgt.u32 s31, $0x12  }
.Ltmp12:
0x99: {  	_ = 	snop;
	(pc) =	sbr.rel @p3 .LBB2_4-.Ltmp12, $1  }
0x9a: {  	_ =	sdelay $0x3  }
.Ltmp13:
0x9b: {  	(pc) =	sbr.rel .LBB2_5-.Ltmp13, $4  }
0x9c: {  	_ = 	snop  }
0x9d: {  	_ =	swait.ge [sflag:s18], $0x2000  }
0x9e: {  	[sflag:s18] =	ssyncset.done $0x0  }
0x9f: {  	[sflag:s18] =	ssyncadd.s32 $0xFFFFE000  }
.LBB2_4:
.Ltmp14:
0xa0: {  	(pc) =	sbr.rel @p1 .LBB2_6-.Ltmp14, $1  }
0xa1: {  	_ =	sdelay $0x3  }
.LBB2_5:
0xa2: {  	s0 =	sshra.s32 s28, $0x2  }
0xa3: {  	s0 =	sadd.s32 $0x40, s0  }
0xa4: {  	[tilespmem:s20], [sflag:$0x2] =	stream.indirect.gather [hbm4b:s4+s19], $0x80, s0, s19, $0xb8;
	[tilespmem:$0x1FC00] =	vst v63  }
.LBB2_6:
0xa5: {  	p4 =	seq.s32 s29, $0x0  }
0xa6: {  	p5 =	seq.s32 @!p4 s29, $0x15  }
0xa7: {  	p4 =	por p5, p4  }
0xa8: {  	s0 =	simm.s32 @!p4 $0x4  }
0xa9: {  	_ =	swait.ge @!p4 [sflag:s0], $0x2000  }
0xaa: {  	[sflag:s0] =	ssyncset.done @!p4 $0x0  }
0xab: {  	[sflag:s0] =	ssyncadd.s32 @!p4 $0xFFFFE000;
	s0 =	sshra.s32 @!p4 s28, $0x2  }
0xac: {  	s1 =	simm.s32 @!p4 $0x40;
	s31 =	simm.s32 @!p4 $0x9C00;
	s0 =	sadd.s32 @!p4 $0x27C0, s0  }
0xad: {  	[spmem:s2] =	stream.indirect.scatter.add.bf16 @!p4 [tilespmem:s31], [sflag:$0x8], $0x80, s0, s1, $0xb8;
	[tilespmem:$0x1FC00] =	vst v63  }
0xae: {  	s0 =	simm.s32 @!p2 $0x7  }
0xaf: {  	_ =	swait.ge @!p2 [sflag:s0], $0x2000  }
0xb0: {  	[sflag:s0] =	ssyncset.done @!p2 $0x0  }
0xb1: {  	s7 =	sadd.s32 $0xFFFFFFFF, s26;
	s31 =	simm.s32 @!p1 $0x7C00;
	[sflag:s0] =	ssyncadd.s32 @!p2 $0xFFFFE000  }
0xb2: {  	s0 =	sadd.s32 @!p1 $0x80, s30;
	s30 =	simm.s32 @!p1 $0x40;
	p2 =	sgt.u32 s7, $0x51  }
0xb3: {  	[tilespmem:s31], [sflag:$0x3] =	stream.indirect.gather @!p1 [hbm4b:s4+s30], $0x80, s0, s30, $0xb8;
	[tilespmem:$0x1FC00] =	vst v63  }
0xb4: {  	s0 =	simm.s32 @!p2 $0x1  }
.Ltmp15:
0xb5: {  	_ =	swait.ge @!p2 [sflag:s0], $0x2000;
	(pc) =	sbr.rel @!p3 .LBB2_7-.Ltmp15, $4  }
0xb6: {  	[sflag:s0] =	ssyncset.done @!p2 $0x0  }
0xb7: {  	[sflag:s0] =	ssyncadd.s32 @!p2 $0xFFFFE000;
	s0 =	sshra.s32 @!p2 s28, $0x2  }
0xb8: {  	s1 =	simm.s32 @!p2 $0x40;
	s30 =	simm.s32 @!p2 $0x3C00;
	s0 =	sadd.s32 @!p2 $0x2800, s0  }
0xb9: {  	[spmem:s2] =	stream.indirect.scatter.add.bf16 @!p2 [tilespmem:s30], [sflag:$0x5], $0x80, s0, s1, $0xb8;
	[tilespmem:$0x1FC00] =	vst v63  }
.Ltmp16:
0xba: {  	(pc) =	sbr.rel @p1 .LBB2_10-.Ltmp16, $4  }
.Ltmp17:
0xbb: {  	(pc) =	sbr.rel @!p1 .LBB2_9-.Ltmp17, $4  }
0xbc: {  	_ = 	snop  }
0xbd: {  	_ = 	snop  }
0xbe: {  	_ = 	snop  }
0xbf: {  	_ = 	snop  }
.LBB2_27:
0xc0: {  	_ =	swait.ge [sflag:s23], $0x2000  }
0xc1: {  	[sflag:s23] =	ssyncset.done $0x0  }
0xc2: {  	[sflag:s23] =	ssyncadd.s32 $0xFFFFE000  }
0xc3: {  	_ =	swait.ge [sflag:s18], $0x2000  }
0xc4: {  	[sflag:s18] =	ssyncset.done $0x0  }
0xc5: {  	[sflag:s18] =	ssyncadd.s32 $0xFFFFE000  }
0xc6: {  	_ =	swait.ge [sflag:s24], $0x2000  }
0xc7: {  	[sflag:s24] =	ssyncset.done $0x0  }
0xc8: {  	[sflag:s24] =	ssyncadd.s32 $0xFFFFE000  }
0xc9: {  	_ =	swait.ge [sflag:s21], $0x2000  }
0xca: {  	[sflag:s21] =	ssyncset.done $0x0  }
.Ltmp18:
0xcb: {  	s26 =	simm.s32 $0x0;
	[sflag:s21] =	ssyncadd.s32 $0xFFFFE000;
	(pc) =	sbr.rel .LBB2_28-.Ltmp18, $4  }
0xcc: {  	[tilespmem:s17], [sflag:$0x9] =	stream.linear.gather [hbm4b:s12+s26], $0x1400, $0x38;
	[tilespmem:$0x1FC00] =	vst v63  }
0xcd: {  	_ =	swait.ge [sflag:s14], $0x1400  }
0xce: {  	[sflag:s14] =	ssyncset.done $0x0  }
0xcf: {  	s28 =	simm.s32 $0xFFFFFFFC;
	s29 =	simm.s32 $0x0;
	[sflag:s14] =	ssyncadd.s32 $0xFFFFEC00  }
.LBB2_29:
0xd0: {  	_ =	swait.ge [sflag:s18], $0x2000  }
0xd1: {  	[sflag:s18] =	ssyncset.done $0x0  }
0xd2: {  	[sflag:s18] =	ssyncadd.s32 $0xFFFFE000  }
.LBB2_31:
0xd3: {  	s0 =	sshra.s32 s26, $0x2  }
0xd4: {  	s0 =	sadd.s32 $0x1440, s0  }
0xd5: {  	[tilespmem:s20], [sflag:$0x2] =	stream.indirect.gather [hbm4b:s5+s19], $0x80, s0, s19, $0xb8;
	[tilespmem:$0x1FC00] =	vst v63  }
.LBB2_32:
0xd6: {  	p3 =	seq.s32 s29, $0x0  }
0xd7: {  	p4 =	seq.s32 @!p3 s29, $0x15  }
0xd8: {  	p3 =	por p4, p3  }
0xd9: {  	s0 =	simm.s32 @!p3 $0x4  }
0xda: {  	_ =	swait.ge @!p3 [sflag:s0], $0x2000  }
0xdb: {  	[sflag:s0] =	ssyncset.done @!p3 $0x0  }
0xdc: {  	[sflag:s0] =	ssyncadd.s32 @!p3 $0xFFFFE000;
	s0 =	sshra.s32 @!p3 s26, $0x2  }
0xdd: {  	s1 =	simm.s32 @!p3 $0x40;
	s7 =	simm.s32 @!p3 $0x9C00;
	s0 =	sadd.s32 @!p3 $0x27C0, s0  }
0xde: {  	[spmem:s2] =	stream.indirect.scatter.add.bf16 @!p3 [tilespmem:s7], [sflag:$0x8], $0x80, s0, s1, $0xb8;
	[tilespmem:$0x1FC00] =	vst v63  }
0xdf: {  	s0 =	simm.s32 @!p2 $0x7  }
0xe0: {  	_ =	swait.ge @!p2 [sflag:s0], $0x2000  }
0xe1: {  	s1 =	simm.s32 @!p1 $0x40;
	[sflag:s0] =	ssyncset.done @!p2 $0x0  }
0xe2: {  	s7 =	simm.s32 @!p1 $0x7C00;
	[sflag:s0] =	ssyncadd.s32 @!p2 $0xFFFFE000;
	s0 =	sadd.s32 @!p1 $0x1480, s30  }
0xe3: {  	[tilespmem:s7], [sflag:$0x3] =	stream.indirect.gather @!p1 [hbm4b:s5+s1], $0x80, s0, s1, $0xb8;
	[tilespmem:$0x1FC00] =	vst v63  }
0xe4: {  	s0 =	simm.s32 @!p1 $0x1  }
0xe5: {  	_ =	swait.ge @!p1 [sflag:s0], $0x2000  }
0xe6: {  	p2 =	sgt.u32 @!p1 s31, $0x12;
	s7 =	simm.s32 @!p1 $0x3C00;
	[sflag:s0] =	ssyncset.done @!p1 $0x0  }
0xe7: {  	p2 =	por p2, p1;
	[sflag:s0] =	ssyncadd.s32 @!p1 $0xFFFFE000;
	s0 =	sadd.s32 @!p1 $0x2800, s30  }
0xe8: {  	[spmem:s2] =	stream.indirect.scatter.add.bf16 @!p1 [tilespmem:s7], [sflag:$0x5], $0x80, s0, s1, $0xb8;
	[tilespmem:$0x1FC00] =	vst v63  }
0xe9: {  	s0 =	simm.s32 @!p2 $0x8  }
0xea: {  	_ =	swait.ge @!p2 [sflag:s0], $0x2000  }
0xeb: {  	[sflag:s0] =	ssyncset.done @!p2 $0x0  }
0xec: {  	s7 =	simm.s32 @!p1 $0x9C00;
	[sflag:s0] =	ssyncadd.s32 @!p2 $0xFFFFE000;
	s0 =	sadd.s32 @!p1 $0x14C0, s30  }
0xed: {  	[tilespmem:s7], [sflag:$0x4] =	stream.indirect.gather @!p1 [hbm4b:s5+s1], $0x80, s0, s1, $0xb8;
	[tilespmem:$0x1FC00] =	vst v63  }
0xee: {  	s0 =	simm.s32 @!p1 $0x2  }
0xef: {  	_ =	swait.ge @!p1 [sflag:s0], $0x2000  }
0xf0: {  	s29 =	sadd.s32 $0x1, s29;
	[sflag:s0] =	ssyncset.done @!p1 $0x0  }
0xf1: {  	s7 =	simm.s32 @!p1 $0x5C00;
	[sflag:s0] =	ssyncadd.s32 @!p1 $0xFFFFE000;
	s0 =	sadd.s32 @!p1 $0x2840, s30  }
0xf2: {  	[spmem:s2] =	stream.indirect.scatter.add.bf16 @!p1 [tilespmem:s7], [sflag:$0x6], $0x80, s0, s1, $0xb8;
	[tilespmem:$0x1FC00] =	vst v63  }
0xf3: {  	p1 =	sne.s32 s29, $0x16  }
.Ltmp19:
0xf4: {  	_ = 	snop;
	(pc) =	sbr.rel @!p1 .LBB2_33-.Ltmp19, $2  }
0xf5: {  	_ =	sdelay $0x2  }
0xf6: {  	s28 =	sadd.s32 $0x4, s28;
	s26 =	sadd.s32 $0x400, s26  }
.LBB2_28:
0xf7: {  	p2 =	sgt.u32 s28, $0x4B  }
0xf8: {  	s0 =	simm.s32 @!p2 $0x5  }
0xf9: {  	p1 =	sgt.u32 s29, $0x13;
	p3 =	sgt.u32 s28, $0x4F;
	_ =	swait.ge @!p2 [sflag:s0], $0x2000  }
0xfa: {  	s30 =	sshra.s32 @!p1 s26, $0x2;
	s1 =	simm.s32 @!p1 $0x40;
	[sflag:s0] =	ssyncset.done @!p2 $0x0  }
0xfb: {  	s7 =	simm.s32 @!p1 $0x3C00;
	[sflag:s0] =	ssyncadd.s32 @!p2 $0xFFFFE000;
	s0 =	sadd.s32 @!p1 $0x1400, s30  }
0xfc: {  	[tilespmem:s7], [sflag:$0x1] =	stream.indirect.gather @!p1 [hbm4b:s5+s1], $0x80, s0, s1, $0xb8;
	[tilespmem:$0x1FC00] =	vst v63  }
0xfd: {  	s0 =	simm.s32 @!p3 $0x3  }
0xfe: {  	_ =	swait.ge @!p3 [sflag:s0], $0x2000  }
0xff: {  	[sflag:s0] =	ssyncset.done @!p3 $0x0  }
0x100: {  	s31 =	sadd.s32 $0xFFFFFFFF, s29;
	[sflag:s0] =	ssyncadd.s32 @!p3 $0xFFFFE000;
	s0 =	sshra.s32 @!p3 s26, $0x2  }
0x101: {  	s1 =	simm.s32 @!p3 $0x40;
	s7 =	simm.s32 @!p3 $0x7C00;
	s0 =	sadd.s32 @!p3 $0x2780, s0  }
0x102: {  	[spmem:s2] =	stream.indirect.scatter.add.bf16 @!p3 [tilespmem:s7], [sflag:$0x7], $0x80, s0, s1, $0xb8;
	[tilespmem:$0x1FC00] =	vst v63  }
0x103: {  	p3 =	sgt.u32 s31, $0x12  }
.Ltmp20:
0x104: {  	_ = 	snop;
	(pc) =	sbr.rel @!p3 .LBB2_29-.Ltmp20, $1  }
0x105: {  	_ =	sdelay $0x3  }
.Ltmp21:
0x106: {  	(pc) =	sbr.rel @p1 .LBB2_32-.Ltmp21, $4  }
.Ltmp22:
0x107: {  	(pc) =	sbr.rel @!p1 .LBB2_31-.Ltmp22, $4  }
0x108: {  	_ = 	snop  }
0x109: {  	_ = 	snop  }
0x10a: {  	_ = 	snop  }
0x10b: {  	_ = 	snop  }
.LBB2_11:
0x10c: {  	_ =	swait.ge [sflag:s23], $0x2000  }
0x10d: {  	[sflag:s23] =	ssyncset.done $0x0  }
0x10e: {  	[sflag:s23] =	ssyncadd.s32 $0xFFFFE000  }
0x10f: {  	_ =	swait.ge [sflag:s18], $0x2000  }
0x110: {  	[sflag:s18] =	ssyncset.done $0x0  }
0x111: {  	[sflag:s18] =	ssyncadd.s32 $0xFFFFE000  }
0x112: {  	_ =	swait.ge [sflag:s24], $0x2000  }
0x113: {  	[sflag:s24] =	ssyncset.done $0x0  }
0x114: {  	[sflag:s24] =	ssyncadd.s32 $0xFFFFE000  }
0x115: {  	_ =	swait.ge [sflag:s21], $0x2000  }
0x116: {  	[sflag:s21] =	ssyncset.done $0x0  }
.Ltmp23:
0x117: {  	s26 =	simm.s32 $0x0;
	[sflag:s21] =	ssyncadd.s32 $0xFFFFE000;
	(pc) =	sbr.rel .LBB2_12-.Ltmp23, $4  }
0x118: {  	[tilespmem:s17], [sflag:$0x9] =	stream.linear.gather [hbm4b:s12+s26], $0x1400, $0x38;
	[tilespmem:$0x1FC00] =	vst v63  }
0x119: {  	_ =	swait.ge [sflag:s14], $0x1400  }
0x11a: {  	[sflag:s14] =	ssyncset.done $0x0  }
0x11b: {  	s28 =	simm.s32 $0xFFFFFFFC;
	s29 =	simm.s32 $0x0;
	[sflag:s14] =	ssyncadd.s32 $0xFFFFEC00  }
.LBB2_13:
0x11c: {  	_ =	swait.ge [sflag:s18], $0x2000  }
0x11d: {  	[sflag:s18] =	ssyncset.done $0x0  }
0x11e: {  	[sflag:s18] =	ssyncadd.s32 $0xFFFFE000  }
.LBB2_15:
0x11f: {  	s0 =	sshra.s32 s26, $0x2  }
0x120: {  	s0 =	sadd.s32 $0x1440, s0  }
0x121: {  	[tilespmem:s20], [sflag:$0x2] =	stream.indirect.gather [hbm4b:s4+s19], $0x80, s0, s19, $0xb8;
	[tilespmem:$0x1FC00] =	vst v63  }
.LBB2_16:
0x122: {  	p3 =	seq.s32 s29, $0x0  }
0x123: {  	p4 =	seq.s32 @!p3 s29, $0x15  }
0x124: {  	p3 =	por p4, p3  }
0x125: {  	s0 =	simm.s32 @!p3 $0x4  }
0x126: {  	_ =	swait.ge @!p3 [sflag:s0], $0x2000  }
0x127: {  	[sflag:s0] =	ssyncset.done @!p3 $0x0  }
0x128: {  	[sflag:s0] =	ssyncadd.s32 @!p3 $0xFFFFE000;
	s0 =	sshra.s32 @!p3 s26, $0x2  }
0x129: {  	s1 =	simm.s32 @!p3 $0x40;
	s7 =	simm.s32 @!p3 $0x9C00;
	s0 =	sadd.s32 @!p3 $0x27C0, s0  }
0x12a: {  	[spmem:s2] =	stream.indirect.scatter.add.bf16 @!p3 [tilespmem:s7], [sflag:$0x8], $0x80, s0, s1, $0xb8;
	[tilespmem:$0x1FC00] =	vst v63  }
0x12b: {  	s0 =	simm.s32 @!p2 $0x7  }
0x12c: {  	_ =	swait.ge @!p2 [sflag:s0], $0x2000  }
0x12d: {  	s1 =	simm.s32 @!p1 $0x40;
	[sflag:s0] =	ssyncset.done @!p2 $0x0  }
0x12e: {  	s7 =	simm.s32 @!p1 $0x7C00;
	[sflag:s0] =	ssyncadd.s32 @!p2 $0xFFFFE000;
	s0 =	sadd.s32 @!p1 $0x1480, s30  }
0x12f: {  	[tilespmem:s7], [sflag:$0x3] =	stream.indirect.gather @!p1 [hbm4b:s4+s1], $0x80, s0, s1, $0xb8;
	[tilespmem:$0x1FC00] =	vst v63  }
0x130: {  	s0 =	simm.s32 @!p1 $0x1  }
0x131: {  	_ =	swait.ge @!p1 [sflag:s0], $0x2000  }
0x132: {  	p2 =	sgt.u32 @!p1 s31, $0x12;
	s7 =	simm.s32 @!p1 $0x3C00;
	[sflag:s0] =	ssyncset.done @!p1 $0x0  }
0x133: {  	p2 =	por p2, p1;
	[sflag:s0] =	ssyncadd.s32 @!p1 $0xFFFFE000;
	s0 =	sadd.s32 @!p1 $0x2800, s30  }
0x134: {  	[spmem:s2] =	stream.indirect.scatter.add.bf16 @!p1 [tilespmem:s7], [sflag:$0x5], $0x80, s0, s1, $0xb8;
	[tilespmem:$0x1FC00] =	vst v63  }
0x135: {  	s0 =	simm.s32 @!p2 $0x8  }
0x136: {  	_ =	swait.ge @!p2 [sflag:s0], $0x2000  }
0x137: {  	[sflag:s0] =	ssyncset.done @!p2 $0x0  }
0x138: {  	s7 =	simm.s32 @!p1 $0x9C00;
	[sflag:s0] =	ssyncadd.s32 @!p2 $0xFFFFE000;
	s0 =	sadd.s32 @!p1 $0x14C0, s30  }
0x139: {  	[tilespmem:s7], [sflag:$0x4] =	stream.indirect.gather @!p1 [hbm4b:s4+s1], $0x80, s0, s1, $0xb8;
	[tilespmem:$0x1FC00] =	vst v63  }
0x13a: {  	s0 =	simm.s32 @!p1 $0x2  }
0x13b: {  	_ =	swait.ge @!p1 [sflag:s0], $0x2000  }
0x13c: {  	s29 =	sadd.s32 $0x1, s29;
	[sflag:s0] =	ssyncset.done @!p1 $0x0  }
0x13d: {  	s7 =	simm.s32 @!p1 $0x5C00;
	[sflag:s0] =	ssyncadd.s32 @!p1 $0xFFFFE000;
	s0 =	sadd.s32 @!p1 $0x2840, s30  }
0x13e: {  	[spmem:s2] =	stream.indirect.scatter.add.bf16 @!p1 [tilespmem:s7], [sflag:$0x6], $0x80, s0, s1, $0xb8;
	[tilespmem:$0x1FC00] =	vst v63  }
0x13f: {  	p1 =	seq.s32 s29, $0x16  }
.Ltmp24:
0x140: {  	_ = 	snop;
	(pc) =	sbr.rel @p1 .LBB2_17-.Ltmp24, $2  }
0x141: {  	_ =	sdelay $0x2  }
0x142: {  	s28 =	sadd.s32 $0x4, s28;
	s26 =	sadd.s32 $0x400, s26  }
.LBB2_12:
0x143: {  	p2 =	sgt.u32 s28, $0x4B  }
0x144: {  	s0 =	simm.s32 @!p2 $0x5  }
0x145: {  	p1 =	sgt.u32 s29, $0x13;
	p3 =	sgt.u32 s28, $0x4F;
	_ =	swait.ge @!p2 [sflag:s0], $0x2000  }
0x146: {  	s30 =	sshra.s32 @!p1 s26, $0x2;
	s1 =	simm.s32 @!p1 $0x40;
	[sflag:s0] =	ssyncset.done @!p2 $0x0  }
0x147: {  	s31 =	simm.s32 @!p1 $0x3C00;
	[sflag:s0] =	ssyncadd.s32 @!p2 $0xFFFFE000;
	s0 =	sadd.s32 @!p1 $0x1400, s30  }
0x148: {  	[tilespmem:s31], [sflag:$0x1] =	stream.indirect.gather @!p1 [hbm4b:s4+s1], $0x80, s0, s1, $0xb8;
	[tilespmem:$0x1FC00] =	vst v63  }
0x149: {  	s0 =	simm.s32 @!p3 $0x3  }
0x14a: {  	_ =	swait.ge @!p3 [sflag:s0], $0x2000  }
0x14b: {  	[sflag:s0] =	ssyncset.done @!p3 $0x0  }
0x14c: {  	[sflag:s0] =	ssyncadd.s32 @!p3 $0xFFFFE000;
	s0 =	sshra.s32 @!p3 s26, $0x2  }
0x14d: {  	s1 =	simm.s32 @!p3 $0x40;
	s31 =	simm.s32 @!p3 $0x7C00;
	s0 =	sadd.s32 @!p3 $0x2780, s0  }
0x14e: {  	[spmem:s2] =	stream.indirect.scatter.add.bf16 @!p3 [tilespmem:s31], [sflag:$0x7], $0x80, s0, s1, $0xb8;
	[tilespmem:$0x1FC00] =	vst v63  }
0x14f: {  	s31 =	sadd.s32 $0xFFFFFFFF, s29  }
0x150: {  	p3 =	sgt.u32 s31, $0x12  }
.Ltmp25:
0x151: {  	_ = 	snop;
	(pc) =	sbr.rel @!p3 .LBB2_13-.Ltmp25, $1  }
0x152: {  	_ =	sdelay $0x3  }
.Ltmp26:
0x153: {  	(pc) =	sbr.rel @p1 .LBB2_16-.Ltmp26, $4  }
.Ltmp27:
0x154: {  	(pc) =	sbr.rel @!p1 .LBB2_15-.Ltmp27, $4  }
0x155: {  	_ = 	snop  }
0x156: {  	_ = 	snop  }
0x157: {  	_ = 	snop  }
0x158: {  	_ = 	snop  }
.LBB2_17:
.Ltmp28:
0x159: {  	(pc) =	sbr.rel .LBB2_34-.Ltmp28, $2  }
0x15a: {  	_ =	sdelay $0x2  }
0x15b: {  	s26 =	rddreg [dreg:$0x3]  }
.LBB2_35:
0x15c: {  	_ =	sfence.sel $0x180000  }
0x15d: {  	[bflag:$0x0] =	sbarrier.arrive $0xFFFF  }
0x15e: {  	_ =	strace $0x9000004A  }
0x15f: {  	s0 =	stileid.u32;
	[bflag:$0x2] =	sbarrier.arrive $0xFFFF  }
0x160: {  	p0 =	sne.s32 s0, $0x0;
	s0 =	rddreg [dreg:$0x2]  }
0x161: {  	s0 =	sadd.s32 @!p0 $0x100000, s0  }
0x162: {  	[sflag:s0] =	ssyncadd.tile.s32 @!p0 $0x1;
	_ =	shalt  }
.Lfunc_end2:
_tile_overlayer_lowered:
.L_overlay_start_2:
0x163: {  	(tag) =	ssettag $0x2  }
0x164: {  	s0 =	rddreg [dreg:$0x0];
	s2 =	stileid.u32  }
0x165: {  	s1 =	rddreg [dreg:$0x1];
	p0 =	sne.s32 s2, $0x0  }
0x166: {  	s3 =	rddreg [dreg:$0x2];
	[bflag:$0x3] =	sbarrier.arrive $0xFFFF;
	s2 =	simm.s32 @!p0 $0x1C09  }
0x167: {  	[timem:s3], [sflag:s2] =	dma.local @!p0 [hbm:s0], s1  }
0x168: {  	s0 =	simm.s32 @!p0 $0x9  }
0x169: {  	_ =	swait.ge @!p0 [sflag:s0], s1  }
0x16a: {  	s1 =	ssub.s32 @!p0 $0x0, s1;
	[sflag:s0] =	ssyncset.done @!p0 $0x0  }
0x16b: {  	[sflag:s0] =	ssyncadd.s32 @!p0 s1  }
0x16c: {  	[bflag:$0x3] =	sbarrier.arrive $0xFFFF  }
0x16d: {  	_ =	shalt  }

// kernel: kernel.14.cloned.1.call-start
scs
__scs_entry_jumppad:
0x0: {  	(pc) =	sbr.rel $0x88, $3  }
0x1: {  	(tag) =	ssettag $0x0;
	lr =	simm.s32 $0x1  }
0x2: {  	[smem:$0x3F93] =	sst lr;
	_ =	strace $0xD0000000  }
0x3: {  	_ = 	snop  }
0x4: {  	_ = 	snop  }
0x5: {  	_ = 	snop  }
0x6: {  	_ = 	snop  }
0x7: {  	_ = 	snop  }
__scs_overlays_trampoline_lowered:
0x8: {  	[smem:$0x3FA2] =	sst s0  }
0x9: {  	[smem:$0x3FA3] =	sst s1  }
0xa: {  	[smem:$0x3FA4] =	sst s2  }
0xb: {  	[smem:$0x3FA5] =	sst s3  }
0xc: {  	[smem:$0x3FA6] =	sst s4  }
0xd: {  	[smem:$0x3FA7] =	sst s5  }
0xe: {  	[smem:$0x3FA8] =	sst s6  }
0xf: {  	[smem:$0x3FA9] =	sst s7  }
0x10: {  	[smem:$0x3FAA] =	sst s8  }
0x11: {  	[smem:$0x3FAB] =	sst s9;
	s0 =	simm.s32 @!p0 $0x0  }
0x12: {  	s1 =	sld [smem:$0x3F91];
	s0 =	simm.s32 @p0 $0x1  }
0x13: {  	[smem:$0x3FAC] =	sst s0;
	s0 =	simm.s32 @!p1 $0x0  }
0x14: {  	s2 =	sld [smem:$0x3F90];
	s0 =	simm.s32 @p1 $0x1  }
0x15: {  	[smem:$0x3FAD] =	sst s0;
	s0 =	simm.s32 @!p2 $0x0  }
0x16: {  	s3 =	sld [smem:$0x3FDB];
	s0 =	simm.s32 @p2 $0x1  }
0x17: {  	s4 =	simm.s32 $0x1BF5;
	[smem:$0x3FAF] =	sst s0  }
0x18: {  	s0 =	sld [smem:$0x3F92];
	_ =	swait.ge [sflag:s4], $0x0  }
0x19: {  	s7 =	sld [smem:$0x3F93]  }
0x1a: {  	s8 =	sadd.s32 $0xFFFFE003, lr  }
0x1b: {  	s9 =	sadd.s32 $0xFFFFFEF7, lr;
	s5 =	simm.s32 $0xFFFFFFFF;
	p2 =	slt.u32 s8, $0xFFFFF086  }
0x1c: {  	p1 =	slt.u32 s9, $0xF7A;
	s5 =	simm.s32 @!p2 $0x0  }
0x1d: {  	s5 =	simm.s32 @p1 $0x1;
	p0 =	seq.s32 s7, s2  }
0x1e: {  	s7 =	smul.u32 @!p0 $0xF7A, s2;
	p2 =	seq.s32 @!p0 s5, $0x0  }
0x1f: {  	s9 =	smul.u32 $0xF7A, s1;
	s8 =	simm.s32 @!p0 $0x1BF5;
	p2 =	por !p2, p0  }
0x20: {  	[sflag:s8] =	ssyncset.s32 @!p0 $0xFFFFF086;
	s6 =	sadd.s32 @!p0 s3, s7;
	s7 =	simm.s32 @!p0 $0x108  }
0x21: {  	s3 =	sadd.s32 s3, s9;
	s6 =	sadd.s32 @!p0 $0x88, s6;
	s7 =	simm.s32 @p2 $0x1082  }
0x22: {  	[simem:s7], [sflag:s8] =	dma.local @!p0 [hbm:s6], $0xF7A  }
0x23: {  	s9 =	sor.u32 $0xD0000000, s2;
	s6 =	simm.s32 $0x108;
	_ =	swait.ge @!p0 [sflag:s8], $0x0  }
0x24: {  	s3 =	sadd.s32 $0x88, s3;
	s6 =	simm.s32 @!p1 $0x1082;
	[sflag:s4] =	ssyncset.s32 $0xFFFFF086  }
0x25: {  	[simem:s6], [sflag:s4] =	dma.local [hbm:s3], $0xF7A  }
0x26: {  	[smem:$0x3F93] =	sst s1;
	(tag) =	ssettag s2;
	_ =	strace s9  }
0x27: {  	s1 =	sld [smem:$0x3FA3]  }
0x28: {  	s2 =	sld [smem:$0x3FA4]  }
0x29: {  	s4 =	sld [smem:$0x3FA6]  }
0x2a: {  	p0 =	seq.s32 s5, $0x0;
	s5 =	sld [smem:$0x3FA7]  }
0x2b: {  	s6 =	sld [smem:$0x3FA8]  }
0x2c: {  	s7 =	sld [smem:$0x3FA9]  }
0x2d: {  	s3 =	simm.s32 $0x108;
	s8 =	sld [smem:$0x3FAA]  }
0x2e: {  	s3 =	simm.s32 @!p0 $0x1082;
	s9 =	sld [smem:$0x3FAB]  }
0x2f: {  	lr =	sadd.s32 s0, s3;
	s0 =	sld [smem:$0x3FA2]  }
0x30: {  	s3 =	sld [smem:$0x3FA5]  }
0x31: {  	[smem:$0x3FAE] =	sst s10  }
0x32: {  	s10 =	sld [smem:$0x3FAC];
	_ =	sdelay $0x3  }
0x33: {  	p0 =	seq.s32 s10, $0x1;
	s10 =	sld [smem:$0x3FAE];
	_ =	sdelay $0x3  }
0x34: {  	[smem:$0x3FAE] =	sst s10  }
0x35: {  	s10 =	sld [smem:$0x3FAD];
	_ =	sdelay $0x3  }
0x36: {  	p1 =	seq.s32 s10, $0x1;
	s10 =	sld [smem:$0x3FAE];
	_ =	sdelay $0x3  }
0x37: {  	[smem:$0x3FAE] =	sst s10  }
0x38: {  	s10 =	sld [smem:$0x3FAF]  }
0x39: {  	_ = 	snop;
	(pc) =	sbr.ind lr, $3  }
0x3a: {  	_ = 	snop  }
0x3b: {  	_ = 	snop  }
0x3c: {  	p2 =	seq.s32 s10, $0x1;
	s10 =	sld [smem:$0x3FAE]  }
0x3d: {  	_ =	shalt  }
0x3e: {  	_ =	shalt  }
0x3f: {  	_ =	shalt  }
0x40: {  	_ =	shalt  }
0x41: {  	_ =	shalt  }
0x42: {  	_ =	shalt  }
0x43: {  	_ =	shalt  }
0x44: {  	_ =	shalt  }
0x45: {  	_ =	shalt  }
0x46: {  	_ =	shalt  }
0x47: {  	_ =	shalt  }
0x48: {  	_ =	shalt  }
0x49: {  	_ =	shalt  }
0x4a: {  	_ =	shalt  }
0x4b: {  	_ =	shalt  }
0x4c: {  	_ =	shalt  }
0x4d: {  	_ =	shalt  }
0x4e: {  	_ =	shalt  }
0x4f: {  	_ =	shalt  }
0x50: {  	_ =	shalt  }
0x51: {  	_ =	shalt  }
0x52: {  	_ =	shalt  }
0x53: {  	_ =	shalt  }
0x54: {  	_ =	shalt  }
0x55: {  	_ =	shalt  }
0x56: {  	_ =	shalt  }
0x57: {  	_ =	shalt  }
0x58: {  	_ =	shalt  }
0x59: {  	_ =	shalt  }
0x5a: {  	_ =	shalt  }
0x5b: {  	_ =	shalt  }
0x5c: {  	_ =	shalt  }
0x5d: {  	_ =	shalt  }
0x5e: {  	_ =	shalt  }
0x5f: {  	_ =	shalt  }
0x60: {  	_ =	shalt  }
0x61: {  	_ =	shalt  }
0x62: {  	_ =	shalt  }
0x63: {  	_ =	shalt  }
0x64: {  	_ =	shalt  }
0x65: {  	_ =	shalt  }
0x66: {  	_ =	shalt  }
0x67: {  	_ =	shalt  }
0x68: {  	_ =	shalt  }
0x69: {  	_ =	shalt  }
0x6a: {  	_ =	shalt  }
0x6b: {  	_ =	shalt  }
0x6c: {  	_ =	shalt  }
0x6d: {  	_ =	shalt  }
0x6e: {  	_ =	shalt  }
0x6f: {  	_ =	shalt  }
0x70: {  	_ =	shalt  }
0x71: {  	_ =	shalt  }
0x72: {  	_ =	shalt  }
0x73: {  	_ =	shalt  }
0x74: {  	_ =	shalt  }
0x75: {  	_ =	shalt  }
0x76: {  	_ =	shalt  }
0x77: {  	_ =	shalt  }
0x78: {  	_ =	shalt  }
0x79: {  	_ =	shalt  }
0x7a: {  	_ =	shalt  }
0x7b: {  	_ =	shalt  }
0x7c: {  	_ =	shalt  }
0x7d: {  	_ =	shalt  }
0x7e: {  	_ =	shalt  }
0x7f: {  	_ =	shalt  }
0x80: {  	_ =	shalt  }
0x81: {  	_ =	shalt  }
0x82: {  	_ =	shalt  }
0x83: {  	_ =	shalt  }
0x84: {  	_ =	shalt  }
0x85: {  	_ =	shalt  }
0x86: {  	_ =	shalt  }
0x87: {  	_ =	shalt  }
.Lfunc_end0:
.L_simem_size_0:
called_computation.2_lowered:
.L_overlay_start_0:
0x88: {  	s2 =	sld [smem:$0x3FD9]  }
0x89: {  	s3 =	sld [smem:$0x3FFE];
	_ =	sdelay $0x1  }
0x8a: {  	s1 =	srdreg.scid  }
0x8b: {  	s0 =	sand.u32 $0x1, s1  }
0x8c: {  	s16 =	sshll.u32 s0, $0xA;
	s2 =	sadd.s32 s3, s2  }
0x8d: {  	s2 =	sadd.s32 s2, s16  }
0x8e: {  	[smem:$0x3FBA] =	sst s2  }
0x8f: {  	_ = 	snop  }
0x90: {  	(tm) =	ssettm $0x1  }
0x91: {  	s17 =	sld [smem:$0x3FFB];
	_ =	sdelay $0x3  }
0x92: {  	_ =	strace s17  }
0x93: {  	s2 =	sld [smem:$0x3FFC];
	_ =	sdelay $0x3  }
0x94: {  	_ =	strace s2  }
0x95: {  	s2 =	sld [smem:$0x3FFD];
	_ =	sdelay $0x3  }
0x96: {  	_ =	strace s2  }
0x97: {  	_ =	strace $0x8FFFFFFF  }
0x98: {  	s18 =	sld [smem:$0x3FDB];
	_ =	sdelay $0x1  }
0x99: {  	s19 =	simm.s32 $_scs_section_size  }
0x9a: {  	s4 =	simm.s32 $_size__tile_overlayer_lowered;
	s5 =	simm.s32 $_tile_overlayer_lowered  }
0x9b: {  	s22 =	simm.s32 $0x1BFF;
	s21 =	sshll.u32 s5, $0x1;
	s2 =	sadd.s32 s19, s18  }
0x9c: {  	s6 =	simm.s32 $0x0;
	s20 =	sshll.u32 s4, $0x1;
	s4 =	sadd.s32 s21, s2  }
0x9d: {  	[timem:s6], [sflag:s22] =	dma.local [hbm:s4], s20  }
0x9e: {  	_ =	swait.ge [sflag:s22], s20  }
0x9f: {  	s3 =	ssub.s32 $0x0, s20;
	[sflag:s22] =	ssyncset.done $0x0  }
0xa0: {  	[sflag:s22] =	ssyncadd.s32 s3;
	_ =	sdelay $0x1  }
0xa1: {  	s23 =	simm.s32 $0x1B8B  }
0xa2: {  	_ =	swait.ge [sflag:s23], $0x1  }
0xa3: {  	[sflag:s23] =	ssyncset.done $0x0  }
0xa4: {  	s25 =	simm.s32 $0x1B8E;
	s24 =	sld [smem:$0x3FFE];
	[sflag:s23] =	ssyncadd.s32 $0xFFFFFFFF  }
0xa5: {  	s26 =	simm.s32 $execute0_lowered;
	[smem:$0x3FD2] =	sst s25  }
0xa6: {  	s4 =	sshll.u32 s26, $0x1;
	_ =	strace $0x8000004C;
	[dreg:$0x1] =	wrdreg $0xFFFFFFFF  }
0xa7: {  	s28 =	simm.s32 $_size_execute0_lowered;
	s2 =	sadd.s32 s2, s4;
	[dreg:$0x0] =	wrdreg $0x0  }
0xa8: {  	s4 =	sshll.u32 s28, $0x1;
	[dreg:$0x2] =	wrdreg s2  }
0xa9: {  	[dreg:$0x3] =	wrdreg s4  }
0xaa: {  	[dreg:$0x4] =	wrdreg $0xC0  }
0xab: {  	_ =	task [dreg:s6], $0x5FFFF  }
0xac: {  	[dreg:$0x1] =	wrdreg $0xFFFFFFFF  }
0xad: {  	[dreg:$0x0] =	wrdreg $0x60  }
0xae: {  	[dreg:$0x2] =	wrdreg s24  }
0xaf: {  	[dreg:$0x3] =	wrdreg $0xBC000  }
0xb0: {  	[dreg:$0x4] =	wrdreg $0x9  }
0xb1: {  	_ =	task.clear_ibuf [dreg:s6], $0x5FFFF;
	_ =	strace $0x9000004C  }
0xb2: {  	s29 =	simm.s32 $0x9;
	_ =	strace $0x8000004E  }
0xb3: {  	_ =	swait.ge [sflag:s29], $0x1  }
0xb4: {  	[sflag:s29] =	ssyncadd.s32 $0xFFFFFFFF  }
0xb5: {  	_ =	strace $0x9000004E  }
0xb6: {  	_ =	sfence  }
0xb7: {  	s30 =	sld [smem:$0x0];
	_ =	sdelay $0x2  }
0xb8: {  	s31 =	sshll.u32 s1, $0xD;
	s1 =	sshrl.u32 s1, $0x2  }
0xb9: {  	s3 =	sand.u32 $0x4000, s31;
	s1 =	sadd.s32 s1, s30  }
0xba: {  	s0 =	sor.u32 s3, s0;
	s1 =	sshll.u32 s1, $0x11  }
0xbb: {  	s0 =	sor.u32 s1, s0  }
0xbc: {  	s0 =	sadd.s32 $0x8F2B, s0  }
0xbd: {  	[sflag:s0] =	ssyncadd.remote.s32 $0x1  }
0xbe: {  	_ =	sfence.sel $0xFFFF  }
0xbf: {  	[dreg:$0x0] =	wrdreg $0xFFFFFFFF;
	(pc) =	sbr.abs _section_cstart, $3  }
0xc0: {  	[dreg:$0x1] =	wrdreg $0xFFFFFFFF  }
0xc1: {  	_ =	task.clear_ibuf [dreg:s6], $0x2FFFF;
	_ =	strace $0x9FFFFFFF  }
0xc2: {  	(tm) =	ssettm $0x7FFFFFFF  }
0xc3: {  	_ =	shalt  }
tec
execute0_lowered:
.L_overlay_start_1:
0x0: {  	(tag) =	ssettag $0x1  }
0x1: {  	s1 =	srdreg.scid  }
0x2: {  	s0 =	stileid.u32;
	s5 =	rddreg [dreg:$0x0]  }
0x3: {  	s2 =	rddreg [dreg:$0x1];
	s3 =	simm.s32 $0x0;
	s17 =	simm.s32 $0x5C00  }
0x4: {  	s18 =	simm.s32 $0x8;
	s19 =	simm.s32 $0x9C00;
	s20 =	simm.s32 $0x5  }
0x5: {  	s21 =	simm.s32 $0x7;
	s6 =	sand.u32 $0x1, s1;
	s1 =	rddreg [dreg:$0x2]  }
0x6: {  	s22 =	simm.s32 $0x0;
	s28 =	sshll.u32 s0, $0x1;
	[smem:$0x7FF] =	sst s3  }
0x7: {  	s9 =	smul.u32 $0x14000, s0;
	s4 =	sadd.s32 $0x3000, s5;
	s12 =	sadd.s32 $0xE9000, s5  }
0x8: {  	s29 =	smul.u32 $0x50000, s0;
	s30 =	sshll.u32 s0, $0x6;
	s7 =	sor.u32 s6, s28  }
0x9: {  	_ =	strace $0x8000004D;
	s10 =	smul.u32 $0x140000, s6;
	s6 =	ssub.s32 $0x2, s6  }
0xa: {  	s8 =	smul.u32 $0x500, s7;
	s13 =	sshrl.u32 s9, $0x3;
	s14 =	sshrl.u32 s6, $0x1  }
0xb: {  	s7 =	smul.u32 $0x2800, s7;
	s9 =	sadd.s32 s9, s10;
	s13 =	sadd.s32 s13, s5  }
0xc: {  	s10 =	sshrl.u32 s29, $0x2;
	s14 =	ssub.s32 s6, s14;
	s6 =	sor.u32 $0x1C09, s30  }
0xd: {  	s11 =	sadd.s32 s8, s5;
	s9 =	sshrl.u32 s9, $0x3;
	s16 =	sadd.s32 s10, s2  }
.Ltmp0:
0xe: {  	s31 =	sshrl.u32 s7, $0x3;
	s8 =	sadd.s32 s12, s8;
	(pc) =	sbr.rel .LBB2_1-.Ltmp0, $4  }
0xf: {  	s15 =	sadd.s32 s9, s5;
	s5 =	sadd.s32 $0x2B000, s13;
	s7 =	sadd.s32 $0xDF000, s11  }
0x10: {  	s9 =	sadd.s32 s12, s31;
	s11 =	smax.u32 s14, $0x1;
	s12 =	sshrl.u32 s16, $0x3  }
0x11: {  	s13 =	simm.s32 $0x9;
	s14 =	simm.s32 $0x2800;
	s16 =	simm.s32 $0x40  }
0x12: {  	s9 =	sadd.s32 $0x280, s9;
	s10 =	sadd.s32 $0x53000, s15;
	s15 =	simm.s32 $0x6  }
.LBB2_17:
0x13: {  	_ =	swait.ge [sflag:s20], $0x2000  }
0x14: {  	[sflag:s20] =	ssyncset.done $0x0  }
0x15: {  	[sflag:s20] =	ssyncadd.s32 $0xFFFFE000  }
0x16: {  	_ =	swait.ge [sflag:s15], $0x2000  }
0x17: {  	[sflag:s15] =	ssyncset.done $0x0  }
0x18: {  	[sflag:s15] =	ssyncadd.s32 $0xFFFFE000  }
0x19: {  	_ =	swait.ge [sflag:s21], $0x2000  }
0x1a: {  	[sflag:s21] =	ssyncset.done $0x0  }
0x1b: {  	[sflag:s21] =	ssyncadd.s32 $0xFFFFE000  }
0x1c: {  	_ =	swait.ge [sflag:s18], $0x2000  }
0x1d: {  	s22 =	sadd.s32 $0x1, s22;
	[sflag:s18] =	ssyncset.done $0x0  }
0x1e: {  	p0 =	sne.s32 s22, s11;
	[sflag:s18] =	ssyncadd.s32 $0xFFFFE000  }
.Ltmp1:
0x1f: {  	[bflag:$0x0] =	sbarrier.arrive $0xFFFF;
	(pc) =	sbr.rel @!p0 .LBB2_18-.Ltmp1, $4  }
0x20: {  	[hbm:s10], [sflag:s6] =	dma.local [spmem:s12], $0x2800  }
0x21: {  	_ =	swait.ge [sflag:s13], $0x2800  }
0x22: {  	[sflag:s13] =	ssyncset.done $0x0  }
0x23: {  	[sflag:s13] =	ssyncadd.s32 $0xFFFFD800  }
.LBB2_1:
0x24: {  	[spmem:s12], [sflag:s6] =	dma.local [hbm:s5], $0x2800  }
0x25: {  	_ =	swait.ge [sflag:s13], $0x2800  }
0x26: {  	[sflag:s13] =	ssyncset.done $0x0  }
0x27: {  	[sflag:s13] =	ssyncadd.s32 $0xFFFFD800  }
0x28: {  	[tilespmem:s3], [sflag:$0x9] =	stream.linear.gather [hbm4b:s7+s3], $0x2800, $0x38;
	[tilespmem:$0x1FC00] =	vst v63  }
0x29: {  	_ =	swait.ge [sflag:s13], $0x2800  }
0x2a: {  	[sflag:s13] =	ssyncset.done $0x0  }
0x2b: {  	[sflag:s13] =	ssyncadd.s32 $0xFFFFD800  }
.Ltmp2:
0x2c: {  	[bflag:$0x0] =	sbarrier.arrive $0xFFFF;
	(pc) =	sbr.rel .LBB2_2-.Ltmp2, $4  }
0x2d: {  	[tilespmem:s14], [sflag:$0x9] =	stream.linear.gather [hbm4b:s8+s3], $0x1400, $0x38;
	[tilespmem:$0x1FC00] =	vst v63  }
0x2e: {  	_ =	swait.ge [sflag:s13], $0x1400  }
0x2f: {  	s23 =	simm.s32 $0x3;
	[sflag:s13] =	ssyncset.done $0x0  }
0x30: {  	s24 =	simm.s32 $0x0;
	s25 =	simm.s32 $0x0;
	[sflag:s13] =	ssyncadd.s32 $0xFFFFEC00  }
.LBB2_7:
0x31: {  	_ =	swait.ge [sflag:s18], $0x2000  }
0x32: {  	[sflag:s18] =	ssyncset.done $0x0  }
0x33: {  	[sflag:s18] =	ssyncadd.s32 $0xFFFFE000  }
.LBB2_9:
0x34: {  	s26 =	sshra.s32 s24, $0x2  }
0x35: {  	s26 =	sadd.s32 $0x180, s26  }
0x36: {  	[tilespmem:s19], [sflag:$0x4] =	stream.indirect.gather [hbm4b:s4+s16], $0x80, s26, s16, $0xb8;
	[tilespmem:$0x1FC00] =	vst v63  }
.LBB2_10:
0x37: {  	p0 =	sgt.u32 s23, $0x29  }
0x38: {  	s26 =	simm.s32 @!p0 $0x2  }
0x39: {  	_ =	swait.ge @!p0 [sflag:s26], $0x2000  }
0x3a: {  	[sflag:s26] =	ssyncset.done @!p0 $0x0  }
0x3b: {  	s25 =	sadd.s32 $0x1, s25;
	[sflag:s26] =	ssyncadd.s32 @!p0 $0xFFFFE000;
	s26 =	sshra.s32 @!p0 s24, $0x2  }
0x3c: {  	s28 =	simm.s32 @!p0 $0x40;
	s29 =	simm.s32 @!p0 $0x5C00;
	s26 =	sadd.s32 @!p0 $0x2880, s26  }
0x3d: {  	[spmem:s2] =	stream.indirect.scatter.add.f32 @!p0 [tilespmem:s29], [sflag:$0x6], $0x80, s26, s28, $0xb8;
	[tilespmem:$0x1FC00] =	vst v63  }
0x3e: {  	p0 =	sne.s32 s25, $0xC  }
.Ltmp3:
0x3f: {  	_ = 	snop;
	(pc) =	sbr.rel @!p0 .LBB2_11-.Ltmp3, $2  }
0x40: {  	_ =	sdelay $0x2  }
0x41: {  	s23 =	sadd.s32 $0x4, s23;
	s24 =	sadd.s32 $0x800, s24  }
.LBB2_2:
0x42: {  	s28 =	sadd.s32 $0xFFFFFFF9, s23  }
0x43: {  	p1 =	sgt.u32 s28, $0x23  }
0x44: {  	p0 =	sgt.u32 s25, $0x9;
	s26 =	simm.s32 @!p1 $0x5  }
0x45: {  	s29 =	simm.s32 @!p0 $0x40;
	_ =	swait.ge @!p1 [sflag:s26], $0x2000  }
0x46: {  	s30 =	simm.s32 @!p0 $0x3C00;
	p2 =	sgt.u32 s28, $0x27;
	[sflag:s26] =	ssyncset.done @!p1 $0x0  }
0x47: {  	s28 =	simm.s32 @!p2 $0x3;
	[sflag:s26] =	ssyncadd.s32 @!p1 $0xFFFFE000;
	s26 =	sshra.s32 @!p0 s24, $0x2  }
0x48: {  	[tilespmem:s30], [sflag:$0x1] =	stream.indirect.gather @!p0 [hbm4b:s4+s29], $0x80, s26, s29, $0xb8;
	[tilespmem:$0x1FC00] =	vst v63  }
0x49: {  	_ =	swait.ge @!p2 [sflag:s28], $0x2000  }
0x4a: {  	[sflag:s28] =	ssyncset.done @!p2 $0x0  }
0x4b: {  	s31 =	sadd.s32 $0xFFFFFFFF, s25;
	[sflag:s28] =	ssyncadd.s32 @!p2 $0xFFFFE000;
	s28 =	sshra.s32 @!p2 s24, $0x2  }
0x4c: {  	s29 =	simm.s32 @!p2 $0x40;
	s30 =	simm.s32 @!p2 $0x7C00;
	s28 =	sadd.s32 @!p2 $0x2700, s28  }
0x4d: {  	[spmem:s2] =	stream.indirect.scatter.add.f32 @!p2 [tilespmem:s30], [sflag:$0x7], $0x80, s28, s29, $0xb8;
	[tilespmem:$0x1FC00] =	vst v63  }
0x4e: {  	p2 =	sgt.u32 s31, $0x8  }
.Ltmp4:
0x4f: {  	_ = 	snop;
	(pc) =	sbr.rel @p2 .LBB2_4-.Ltmp4, $1  }
0x50: {  	_ =	sdelay $0x3  }
.Ltmp5:
0x51: {  	(pc) =	sbr.rel .LBB2_5-.Ltmp5, $4  }
0x52: {  	_ = 	snop  }
0x53: {  	_ =	swait.ge [sflag:s15], $0x2000  }
0x54: {  	[sflag:s15] =	ssyncset.done $0x0  }
0x55: {  	[sflag:s15] =	ssyncadd.s32 $0xFFFFE000  }
.LBB2_4:
.Ltmp6:
0x56: {  	(pc) =	sbr.rel @p0 .LBB2_6-.Ltmp6, $1  }
0x57: {  	_ =	sdelay $0x3  }
.LBB2_5:
0x58: {  	s28 =	sshra.s32 s24, $0x2  }
0x59: {  	s28 =	sadd.s32 $0x80, s28  }
0x5a: {  	[tilespmem:s17], [sflag:$0x2] =	stream.indirect.gather [hbm4b:s4+s16], $0x80, s28, s16, $0xb8;
	[tilespmem:$0x1FC00] =	vst v63  }
.LBB2_6:
0x5b: {  	p3 =	seq.s32 s25, $0x0  }
0x5c: {  	p4 =	seq.s32 @!p3 s25, $0xB  }
0x5d: {  	p3 =	por p4, p3  }
0x5e: {  	s28 =	simm.s32 @!p3 $0x4  }
0x5f: {  	_ =	swait.ge @!p3 [sflag:s28], $0x2000  }
0x60: {  	[sflag:s28] =	ssyncset.done @!p3 $0x0  }
0x61: {  	[sflag:s28] =	ssyncadd.s32 @!p3 $0xFFFFE000;
	s28 =	sshra.s32 @!p3 s24, $0x2  }
0x62: {  	s29 =	simm.s32 @!p3 $0x40;
	s30 =	simm.s32 @!p3 $0x9C00;
	s28 =	sadd.s32 @!p3 $0x2780, s28  }
0x63: {  	[spmem:s2] =	stream.indirect.scatter.add.f32 @!p3 [tilespmem:s30], [sflag:$0x8], $0x80, s28, s29, $0xb8;
	[tilespmem:$0x1FC00] =	vst v63  }
0x64: {  	s28 =	simm.s32 @!p1 $0x7  }
0x65: {  	s31 =	sadd.s32 $0xFFFFFFFF, s23;
	_ =	swait.ge @!p1 [sflag:s28], $0x2000  }
0x66: {  	s26 =	sadd.s32 @!p0 $0x100, s26;
	s30 =	simm.s32 @!p0 $0x7C00;
	[sflag:s28] =	ssyncset.done @!p1 $0x0  }
0x67: {  	[sflag:s28] =	ssyncadd.s32 @!p1 $0xFFFFE000;
	s28 =	simm.s32 @!p0 $0x40;
	p1 =	sgt.u32 s31, $0x29  }
0x68: {  	[tilespmem:s30], [sflag:$0x3] =	stream.indirect.gather @!p0 [hbm4b:s4+s28], $0x80, s26, s28, $0xb8;
	[tilespmem:$0x1FC00] =	vst v63  }
0x69: {  	s26 =	simm.s32 @!p1 $0x1  }
.Ltmp7:
0x6a: {  	_ =	swait.ge @!p1 [sflag:s26], $0x2000;
	(pc) =	sbr.rel @!p2 .LBB2_7-.Ltmp7, $4  }
0x6b: {  	[sflag:s26] =	ssyncset.done @!p1 $0x0  }
0x6c: {  	[sflag:s26] =	ssyncadd.s32 @!p1 $0xFFFFE000;
	s26 =	sshra.s32 @!p1 s24, $0x2  }
0x6d: {  	s28 =	simm.s32 @!p1 $0x40;
	s29 =	simm.s32 @!p1 $0x3C00;
	s26 =	sadd.s32 @!p1 $0x2800, s26  }
0x6e: {  	[spmem:s2] =	stream.indirect.scatter.add.f32 @!p1 [tilespmem:s29], [sflag:$0x5], $0x80, s26, s28, $0xb8;
	[tilespmem:$0x1FC00] =	vst v63  }
.Ltmp8:
0x6f: {  	(pc) =	sbr.rel @p0 .LBB2_10-.Ltmp8, $4  }
.Ltmp9:
0x70: {  	(pc) =	sbr.rel @!p0 .LBB2_9-.Ltmp9, $4  }
0x71: {  	_ = 	snop  }
0x72: {  	_ = 	snop  }
0x73: {  	_ = 	snop  }
0x74: {  	_ = 	snop  }
.LBB2_11:
0x75: {  	_ =	swait.ge [sflag:s20], $0x2000  }
0x76: {  	[sflag:s20] =	ssyncset.done $0x0  }
0x77: {  	[sflag:s20] =	ssyncadd.s32 $0xFFFFE000  }
0x78: {  	_ =	swait.ge [sflag:s15], $0x2000  }
0x79: {  	[sflag:s15] =	ssyncset.done $0x0  }
0x7a: {  	[sflag:s15] =	ssyncadd.s32 $0xFFFFE000  }
0x7b: {  	_ =	swait.ge [sflag:s21], $0x2000  }
0x7c: {  	[sflag:s21] =	ssyncset.done $0x0  }
0x7d: {  	[sflag:s21] =	ssyncadd.s32 $0xFFFFE000  }
0x7e: {  	_ =	swait.ge [sflag:s18], $0x2000  }
0x7f: {  	[sflag:s18] =	ssyncset.done $0x0  }
.Ltmp10:
0x80: {  	s23 =	simm.s32 $0x0;
	[sflag:s18] =	ssyncadd.s32 $0xFFFFE000;
	(pc) =	sbr.rel .LBB2_12-.Ltmp10, $4  }
0x81: {  	[tilespmem:s14], [sflag:$0x9] =	stream.linear.gather [hbm4b:s9+s23], $0x1400, $0x38;
	[tilespmem:$0x1FC00] =	vst v63  }
0x82: {  	_ =	swait.ge [sflag:s13], $0x1400  }
0x83: {  	[sflag:s13] =	ssyncset.done $0x0  }
0x84: {  	s24 =	simm.s32 $0xFFFFFFFC;
	s25 =	simm.s32 $0x0;
	[sflag:s13] =	ssyncadd.s32 $0xFFFFEC00  }
.LBB2_13:
0x85: {  	_ =	swait.ge [sflag:s15], $0x2000  }
0x86: {  	[sflag:s15] =	ssyncset.done $0x0  }
0x87: {  	[sflag:s15] =	ssyncadd.s32 $0xFFFFE000  }
.LBB2_15:
0x88: {  	s29 =	sshra.s32 s23, $0x2  }
0x89: {  	s29 =	sadd.s32 $0x1480, s29  }
0x8a: {  	[tilespmem:s17], [sflag:$0x2] =	stream.indirect.gather [hbm4b:s4+s16], $0x80, s29, s16, $0xb8;
	[tilespmem:$0x1FC00] =	vst v63  }
.LBB2_16:
0x8b: {  	p2 =	seq.s32 s25, $0x0  }
0x8c: {  	p3 =	seq.s32 @!p2 s25, $0xB  }
0x8d: {  	p2 =	por p3, p2  }
0x8e: {  	s29 =	simm.s32 @!p2 $0x4  }
0x8f: {  	_ =	swait.ge @!p2 [sflag:s29], $0x2000  }
0x90: {  	[sflag:s29] =	ssyncset.done @!p2 $0x0  }
0x91: {  	[sflag:s29] =	ssyncadd.s32 @!p2 $0xFFFFE000;
	s29 =	sshra.s32 @!p2 s23, $0x2  }
0x92: {  	s30 =	simm.s32 @!p2 $0x40;
	s31 =	simm.s32 @!p2 $0x9C00;
	s29 =	sadd.s32 @!p2 $0x2780, s29  }
0x93: {  	[spmem:s2] =	stream.indirect.scatter.add.f32 @!p2 [tilespmem:s31], [sflag:$0x8], $0x80, s29, s30, $0xb8;
	[tilespmem:$0x1FC00] =	vst v63  }
0x94: {  	s29 =	simm.s32 @!p1 $0x7  }
0x95: {  	_ =	swait.ge @!p1 [sflag:s29], $0x2000  }
0x96: {  	s30 =	simm.s32 @!p0 $0x40;
	[sflag:s29] =	ssyncset.done @!p1 $0x0  }
0x97: {  	s31 =	simm.s32 @!p0 $0x7C00;
	[sflag:s29] =	ssyncadd.s32 @!p1 $0xFFFFE000;
	s29 =	sadd.s32 @!p0 $0x1500, s26  }
0x98: {  	[tilespmem:s31], [sflag:$0x3] =	stream.indirect.gather @!p0 [hbm4b:s4+s30], $0x80, s29, s30, $0xb8;
	[tilespmem:$0x1FC00] =	vst v63  }
0x99: {  	s29 =	simm.s32 @!p0 $0x1  }
0x9a: {  	_ =	swait.ge @!p0 [sflag:s29], $0x2000  }
0x9b: {  	p1 =	sgt.u32 @!p0 s28, $0x8;
	s28 =	sadd.s32 @!p0 $0x2800, s26;
	[sflag:s29] =	ssyncset.done @!p0 $0x0  }
0x9c: {  	p1 =	por p1, p0;
	[sflag:s29] =	ssyncadd.s32 @!p0 $0xFFFFE000;
	s29 =	simm.s32 @!p0 $0x3C00  }
0x9d: {  	[spmem:s2] =	stream.indirect.scatter.add.f32 @!p0 [tilespmem:s29], [sflag:$0x5], $0x80, s28, s30, $0xb8;
	[tilespmem:$0x1FC00] =	vst v63  }
0x9e: {  	s28 =	simm.s32 @!p1 $0x8  }
0x9f: {  	_ =	swait.ge @!p1 [sflag:s28], $0x2000  }
0xa0: {  	[sflag:s28] =	ssyncset.done @!p1 $0x0  }
0xa1: {  	s29 =	simm.s32 @!p0 $0x9C00;
	[sflag:s28] =	ssyncadd.s32 @!p1 $0xFFFFE000;
	s28 =	sadd.s32 @!p0 $0x1580, s26  }
0xa2: {  	[tilespmem:s29], [sflag:$0x4] =	stream.indirect.gather @!p0 [hbm4b:s4+s30], $0x80, s28, s30, $0xb8;
	[tilespmem:$0x1FC00] =	vst v63  }
0xa3: {  	s28 =	simm.s32 @!p0 $0x2  }
0xa4: {  	_ =	swait.ge @!p0 [sflag:s28], $0x2000  }
0xa5: {  	s25 =	sadd.s32 $0x1, s25;
	[sflag:s28] =	ssyncset.done @!p0 $0x0  }
0xa6: {  	s26 =	sadd.s32 @!p0 $0x2880, s26;
	[sflag:s28] =	ssyncadd.s32 @!p0 $0xFFFFE000;
	s28 =	simm.s32 @!p0 $0x5C00  }
0xa7: {  	[spmem:s2] =	stream.indirect.scatter.add.f32 @!p0 [tilespmem:s28], [sflag:$0x6], $0x80, s26, s30, $0xb8;
	[tilespmem:$0x1FC00] =	vst v63  }
0xa8: {  	p0 =	sne.s32 s25, $0xC  }
.Ltmp11:
0xa9: {  	_ = 	snop;
	(pc) =	sbr.rel @!p0 .LBB2_17-.Ltmp11, $2  }
0xaa: {  	_ =	sdelay $0x2  }
0xab: {  	s24 =	sadd.s32 $0x4, s24;
	s23 =	sadd.s32 $0x800, s23  }
.LBB2_12:
0xac: {  	p1 =	sgt.u32 s24, $0x23  }
0xad: {  	s26 =	simm.s32 @!p1 $0x5  }
0xae: {  	_ =	swait.ge @!p1 [sflag:s26], $0x2000  }
0xaf: {  	p0 =	sgt.u32 s25, $0x9;
	[sflag:s26] =	ssyncset.done @!p1 $0x0  }
0xb0: {  	p2 =	sgt.u32 s24, $0x27;
	[sflag:s26] =	ssyncadd.s32 @!p1 $0xFFFFE000;
	s26 =	sshra.s32 @!p0 s23, $0x2  }
0xb1: {  	s29 =	simm.s32 @!p0 $0x40;
	s30 =	simm.s32 @!p0 $0x3C00;
	s28 =	sadd.s32 @!p0 $0x1400, s26  }
0xb2: {  	[tilespmem:s30], [sflag:$0x1] =	stream.indirect.gather @!p0 [hbm4b:s4+s29], $0x80, s28, s29, $0xb8;
	[tilespmem:$0x1FC00] =	vst v63  }
0xb3: {  	s28 =	simm.s32 @!p2 $0x3  }
0xb4: {  	_ =	swait.ge @!p2 [sflag:s28], $0x2000  }
0xb5: {  	[sflag:s28] =	ssyncset.done @!p2 $0x0  }
0xb6: {  	[sflag:s28] =	ssyncadd.s32 @!p2 $0xFFFFE000;
	s28 =	sshra.s32 @!p2 s23, $0x2  }
0xb7: {  	s29 =	simm.s32 @!p2 $0x40;
	s30 =	simm.s32 @!p2 $0x7C00;
	s28 =	sadd.s32 @!p2 $0x2700, s28  }
0xb8: {  	[spmem:s2] =	stream.indirect.scatter.add.f32 @!p2 [tilespmem:s30], [sflag:$0x7], $0x80, s28, s29, $0xb8;
	[tilespmem:$0x1FC00] =	vst v63  }
0xb9: {  	s28 =	sadd.s32 $0xFFFFFFFF, s25  }
0xba: {  	p2 =	sgt.u32 s28, $0x8  }
.Ltmp12:
0xbb: {  	_ = 	snop;
	(pc) =	sbr.rel @!p2 .LBB2_13-.Ltmp12, $1  }
0xbc: {  	_ =	sdelay $0x3  }
.Ltmp13:
0xbd: {  	(pc) =	sbr.rel @p0 .LBB2_16-.Ltmp13, $4  }
.Ltmp14:
0xbe: {  	(pc) =	sbr.rel @!p0 .LBB2_15-.Ltmp14, $4  }
0xbf: {  	_ = 	snop  }
0xc0: {  	_ = 	snop  }
0xc1: {  	_ = 	snop  }
0xc2: {  	_ = 	snop  }
.LBB2_18:
0xc3: {  	_ =	sfence.sel $0x180000  }
0xc4: {  	[bflag:$0x0] =	sbarrier.arrive $0xFFFF  }
0xc5: {  	p0 =	sne.s32 s0, $0x0;
	_ =	strace $0x9000004D  }
0xc6: {  	s0 =	sadd.s32 @!p0 $0x100000, s1;
	[bflag:$0x2] =	sbarrier.arrive $0xFFFF  }
0xc7: {  	[sflag:s0] =	ssyncadd.tile.s32 @!p0 $0x1;
	_ =	shalt  }
.Lfunc_end2:
_tile_overlayer_lowered:
.L_overlay_start_2:
0xc8: {  	(tag) =	ssettag $0x2  }
0xc9: {  	s0 =	rddreg [dreg:$0x0];
	s2 =	stileid.u32  }
0xca: {  	s1 =	rddreg [dreg:$0x1];
	p0 =	sne.s32 s2, $0x0  }
0xcb: {  	s3 =	rddreg [dreg:$0x2];
	[bflag:$0x3] =	sbarrier.arrive $0xFFFF;
	s2 =	simm.s32 @!p0 $0x1C09  }
0xcc: {  	[timem:s3], [sflag:s2] =	dma.local @!p0 [hbm:s0], s1  }
0xcd: {  	s0 =	simm.s32 @!p0 $0x9  }
0xce: {  	_ =	swait.ge @!p0 [sflag:s0], s1  }
0xcf: {  	s1 =	ssub.s32 @!p0 $0x0, s1;
	[sflag:s0] =	ssyncset.done @!p0 $0x0  }
0xd0: {  	[sflag:s0] =	ssyncadd.s32 @!p0 s1  }
0xd1: {  	[bflag:$0x3] =	sbarrier.arrive $0xFFFF  }
0xd2: {  	_ =	shalt  }

// kernel: kernel.8.cloned.1.call-start
scs
__scs_entry_jumppad:
0x0: {  	(pc) =	sbr.rel $0x88, $3  }
0x1: {  	(tag) =	ssettag $0x0;
	lr =	simm.s32 $0x1  }
0x2: {  	[smem:$0x3F93] =	sst lr;
	_ =	strace $0xD0000000  }
0x3: {  	_ = 	snop  }
0x4: {  	_ = 	snop  }
0x5: {  	_ = 	snop  }
0x6: {  	_ = 	snop  }
0x7: {  	_ = 	snop  }
__scs_overlays_trampoline_lowered:
0x8: {  	[smem:$0x3FA2] =	sst s0  }
0x9: {  	[smem:$0x3FA3] =	sst s1  }
0xa: {  	[smem:$0x3FA4] =	sst s2  }
0xb: {  	[smem:$0x3FA5] =	sst s3  }
0xc: {  	[smem:$0x3FA6] =	sst s4  }
0xd: {  	[smem:$0x3FA7] =	sst s5  }
0xe: {  	[smem:$0x3FA8] =	sst s6  }
0xf: {  	[smem:$0x3FA9] =	sst s7  }
0x10: {  	[smem:$0x3FAA] =	sst s8  }
0x11: {  	[smem:$0x3FAB] =	sst s9;
	s0 =	simm.s32 @!p0 $0x0  }
0x12: {  	s1 =	sld [smem:$0x3F91];
	s0 =	simm.s32 @p0 $0x1  }
0x13: {  	[smem:$0x3FAC] =	sst s0;
	s0 =	simm.s32 @!p1 $0x0  }
0x14: {  	s2 =	sld [smem:$0x3F90];
	s0 =	simm.s32 @p1 $0x1  }
0x15: {  	[smem:$0x3FAD] =	sst s0;
	s0 =	simm.s32 @!p2 $0x0  }
0x16: {  	s3 =	sld [smem:$0x3FDB];
	s0 =	simm.s32 @p2 $0x1  }
0x17: {  	s4 =	simm.s32 $0x1BF5;
	[smem:$0x3FAF] =	sst s0  }
0x18: {  	s0 =	sld [smem:$0x3F92];
	_ =	swait.ge [sflag:s4], $0x0  }
0x19: {  	s7 =	sld [smem:$0x3F93]  }
0x1a: {  	s8 =	sadd.s32 $0xFFFFE003, lr  }
0x1b: {  	s9 =	sadd.s32 $0xFFFFFEF7, lr;
	s5 =	simm.s32 $0xFFFFFFFF;
	p2 =	slt.u32 s8, $0xFFFFF086  }
0x1c: {  	p1 =	slt.u32 s9, $0xF7A;
	s5 =	simm.s32 @!p2 $0x0  }
0x1d: {  	s5 =	simm.s32 @p1 $0x1;
	p0 =	seq.s32 s7, s2  }
0x1e: {  	s7 =	smul.u32 @!p0 $0xF7A, s2;
	p2 =	seq.s32 @!p0 s5, $0x0  }
0x1f: {  	s9 =	smul.u32 $0xF7A, s1;
	s8 =	simm.s32 @!p0 $0x1BF5;
	p2 =	por !p2, p0  }
0x20: {  	[sflag:s8] =	ssyncset.s32 @!p0 $0xFFFFF086;
	s6 =	sadd.s32 @!p0 s3, s7;
	s7 =	simm.s32 @!p0 $0x108  }
0x21: {  	s3 =	sadd.s32 s3, s9;
	s6 =	sadd.s32 @!p0 $0x88, s6;
	s7 =	simm.s32 @p2 $0x1082  }
0x22: {  	[simem:s7], [sflag:s8] =	dma.local @!p0 [hbm:s6], $0xF7A  }
0x23: {  	s9 =	sor.u32 $0xD0000000, s2;
	s6 =	simm.s32 $0x108;
	_ =	swait.ge @!p0 [sflag:s8], $0x0  }
0x24: {  	s3 =	sadd.s32 $0x88, s3;
	s6 =	simm.s32 @!p1 $0x1082;
	[sflag:s4] =	ssyncset.s32 $0xFFFFF086  }
0x25: {  	[simem:s6], [sflag:s4] =	dma.local [hbm:s3], $0xF7A  }
0x26: {  	[smem:$0x3F93] =	sst s1;
	(tag) =	ssettag s2;
	_ =	strace s9  }
0x27: {  	s1 =	sld [smem:$0x3FA3]  }
0x28: {  	s2 =	sld [smem:$0x3FA4]  }
0x29: {  	s4 =	sld [smem:$0x3FA6]  }
0x2a: {  	p0 =	seq.s32 s5, $0x0;
	s5 =	sld [smem:$0x3FA7]  }
0x2b: {  	s6 =	sld [smem:$0x3FA8]  }
0x2c: {  	s7 =	sld [smem:$0x3FA9]  }
0x2d: {  	s3 =	simm.s32 $0x108;
	s8 =	sld [smem:$0x3FAA]  }
0x2e: {  	s3 =	simm.s32 @!p0 $0x1082;
	s9 =	sld [smem:$0x3FAB]  }
0x2f: {  	lr =	sadd.s32 s0, s3;
	s0 =	sld [smem:$0x3FA2]  }
0x30: {  	s3 =	sld [smem:$0x3FA5]  }
0x31: {  	[smem:$0x3FAE] =	sst s10  }
0x32: {  	s10 =	sld [smem:$0x3FAC];
	_ =	sdelay $0x3  }
0x33: {  	p0 =	seq.s32 s10, $0x1;
	s10 =	sld [smem:$0x3FAE];
	_ =	sdelay $0x3  }
0x34: {  	[smem:$0x3FAE] =	sst s10  }
0x35: {  	s10 =	sld [smem:$0x3FAD];
	_ =	sdelay $0x3  }
0x36: {  	p1 =	seq.s32 s10, $0x1;
	s10 =	sld [smem:$0x3FAE];
	_ =	sdelay $0x3  }
0x37: {  	[smem:$0x3FAE] =	sst s10  }
0x38: {  	s10 =	sld [smem:$0x3FAF]  }
0x39: {  	_ = 	snop;
	(pc) =	sbr.ind lr, $3  }
0x3a: {  	_ = 	snop  }
0x3b: {  	_ = 	snop  }
0x3c: {  	p2 =	seq.s32 s10, $0x1;
	s10 =	sld [smem:$0x3FAE]  }
0x3d: {  	_ =	shalt  }
0x3e: {  	_ =	shalt  }
0x3f: {  	_ =	shalt  }
0x40: {  	_ =	shalt  }
0x41: {  	_ =	shalt  }
0x42: {  	_ =	shalt  }
0x43: {  	_ =	shalt  }
0x44: {  	_ =	shalt  }
0x45: {  	_ =	shalt  }
0x46: {  	_ =	shalt  }
0x47: {  	_ =	shalt  }
0x48: {  	_ =	shalt  }
0x49: {  	_ =	shalt  }
0x4a: {  	_ =	shalt  }
0x4b: {  	_ =	shalt  }
0x4c: {  	_ =	shalt  }
0x4d: {  	_ =	shalt  }
0x4e: {  	_ =	shalt  }
0x4f: {  	_ =	shalt  }
0x50: {  	_ =	shalt  }
0x51: {  	_ =	shalt  }
0x52: {  	_ =	shalt  }
0x53: {  	_ =	shalt  }
0x54: {  	_ =	shalt  }
0x55: {  	_ =	shalt  }
0x56: {  	_ =	shalt  }
0x57: {  	_ =	shalt  }
0x58: {  	_ =	shalt  }
0x59: {  	_ =	shalt  }
0x5a: {  	_ =	shalt  }
0x5b: {  	_ =	shalt  }
0x5c: {  	_ =	shalt  }
0x5d: {  	_ =	shalt  }
0x5e: {  	_ =	shalt  }
0x5f: {  	_ =	shalt  }
0x60: {  	_ =	shalt  }
0x61: {  	_ =	shalt  }
0x62: {  	_ =	shalt  }
0x63: {  	_ =	shalt  }
0x64: {  	_ =	shalt  }
0x65: {  	_ =	shalt  }
0x66: {  	_ =	shalt  }
0x67: {  	_ =	shalt  }
0x68: {  	_ =	shalt  }
0x69: {  	_ =	shalt  }
0x6a: {  	_ =	shalt  }
0x6b: {  	_ =	shalt  }
0x6c: {  	_ =	shalt  }
0x6d: {  	_ =	shalt  }
0x6e: {  	_ =	shalt  }
0x6f: {  	_ =	shalt  }
0x70: {  	_ =	shalt  }
0x71: {  	_ =	shalt  }
0x72: {  	_ =	shalt  }
0x73: {  	_ =	shalt  }
0x74: {  	_ =	shalt  }
0x75: {  	_ =	shalt  }
0x76: {  	_ =	shalt  }
0x77: {  	_ =	shalt  }
0x78: {  	_ =	shalt  }
0x79: {  	_ =	shalt  }
0x7a: {  	_ =	shalt  }
0x7b: {  	_ =	shalt  }
0x7c: {  	_ =	shalt  }
0x7d: {  	_ =	shalt  }
0x7e: {  	_ =	shalt  }
0x7f: {  	_ =	shalt  }
0x80: {  	_ =	shalt  }
0x81: {  	_ =	shalt  }
0x82: {  	_ =	shalt  }
0x83: {  	_ =	shalt  }
0x84: {  	_ =	shalt  }
0x85: {  	_ =	shalt  }
0x86: {  	_ =	shalt  }
0x87: {  	_ =	shalt  }
.Lfunc_end0:
.L_simem_size_0:
called_computation_lowered:
.L_overlay_start_0:
0x88: {  	s2 =	sld [smem:$0x3FD9]  }
0x89: {  	s3 =	sld [smem:$0x3FFE];
	_ =	sdelay $0x1  }
0x8a: {  	s1 =	srdreg.scid  }
0x8b: {  	s0 =	sand.u32 $0x1, s1  }
0x8c: {  	s16 =	sshll.u32 s0, $0xA;
	s2 =	sadd.s32 s3, s2  }
0x8d: {  	s2 =	sadd.s32 s2, s16  }
0x8e: {  	[smem:$0x3FBA] =	sst s2  }
0x8f: {  	_ = 	snop  }
0x90: {  	(tm) =	ssettm $0x1  }
0x91: {  	s17 =	sld [smem:$0x3FFB];
	_ =	sdelay $0x3  }
0x92: {  	_ =	strace s17  }
0x93: {  	s2 =	sld [smem:$0x3FFC];
	_ =	sdelay $0x3  }
0x94: {  	_ =	strace s2  }
0x95: {  	s2 =	sld [smem:$0x3FFD];
	_ =	sdelay $0x3  }
0x96: {  	_ =	strace s2  }
0x97: {  	_ =	strace $0x8FFFFFFF  }
0x98: {  	s18 =	sld [smem:$0x3FDB];
	_ =	sdelay $0x1  }
0x99: {  	s19 =	simm.s32 $_scs_section_size  }
0x9a: {  	s4 =	simm.s32 $_size__tile_overlayer_lowered;
	s5 =	simm.s32 $_tile_overlayer_lowered  }
0x9b: {  	s22 =	simm.s32 $0x1BFF;
	s21 =	sshll.u32 s5, $0x1;
	s2 =	sadd.s32 s19, s18  }
0x9c: {  	s6 =	simm.s32 $0x0;
	s20 =	sshll.u32 s4, $0x1;
	s4 =	sadd.s32 s21, s2  }
0x9d: {  	[timem:s6], [sflag:s22] =	dma.local [hbm:s4], s20  }
0x9e: {  	_ =	swait.ge [sflag:s22], s20  }
0x9f: {  	s3 =	ssub.s32 $0x0, s20;
	[sflag:s22] =	ssyncset.done $0x0  }
0xa0: {  	[sflag:s22] =	ssyncadd.s32 s3;
	_ =	sdelay $0x1  }
0xa1: {  	s23 =	simm.s32 $0x1B8B  }
0xa2: {  	_ =	swait.ge [sflag:s23], $0x1  }
0xa3: {  	[sflag:s23] =	ssyncset.done $0x0  }
0xa4: {  	s25 =	simm.s32 $0x1B8E;
	s24 =	sld [smem:$0x3FFE];
	[sflag:s23] =	ssyncadd.s32 $0xFFFFFFFF  }
0xa5: {  	s26 =	simm.s32 $execute0_lowered;
	[smem:$0x3FD2] =	sst s25  }
0xa6: {  	s4 =	sshll.u32 s26, $0x1;
	_ =	strace $0x80000046;
	[dreg:$0x1] =	wrdreg $0xFFFFFFFF  }
0xa7: {  	s28 =	simm.s32 $_size_execute0_lowered;
	s2 =	sadd.s32 s2, s4;
	[dreg:$0x0] =	wrdreg $0x0  }
0xa8: {  	s4 =	sshll.u32 s28, $0x1;
	[dreg:$0x2] =	wrdreg s2  }
0xa9: {  	[dreg:$0x3] =	wrdreg s4  }
0xaa: {  	[dreg:$0x4] =	wrdreg $0xC0  }
0xab: {  	_ =	task [dreg:s6], $0x5FFFF  }
0xac: {  	[dreg:$0x1] =	wrdreg $0xFFFFFFFF  }
0xad: {  	[dreg:$0x0] =	wrdreg $0x60  }
0xae: {  	[dreg:$0x2] =	wrdreg s24  }
0xaf: {  	[dreg:$0x3] =	wrdreg $0x66000  }
0xb0: {  	[dreg:$0x4] =	wrdreg $0x9  }
0xb1: {  	_ =	task.clear_ibuf [dreg:s6], $0x5FFFF;
	_ =	strace $0x90000046  }
0xb2: {  	s29 =	simm.s32 $0x9;
	_ =	strace $0x80000048  }
0xb3: {  	_ =	swait.ge [sflag:s29], $0x1  }
0xb4: {  	[sflag:s29] =	ssyncadd.s32 $0xFFFFFFFF  }
0xb5: {  	_ =	strace $0x90000048  }
0xb6: {  	_ =	sfence  }
0xb7: {  	s30 =	sld [smem:$0x0];
	_ =	sdelay $0x2  }
0xb8: {  	s31 =	sshll.u32 s1, $0xD;
	s1 =	sshrl.u32 s1, $0x2  }
0xb9: {  	s3 =	sand.u32 $0x4000, s31;
	s1 =	sadd.s32 s1, s30  }
0xba: {  	s0 =	sor.u32 s3, s0;
	s1 =	sshll.u32 s1, $0x11  }
0xbb: {  	s0 =	sor.u32 s1, s0  }
0xbc: {  	s0 =	sadd.s32 $0x8F2B, s0  }
0xbd: {  	[sflag:s0] =	ssyncadd.remote.s32 $0x1  }
0xbe: {  	_ =	sfence.sel $0xFFFF  }
0xbf: {  	[dreg:$0x0] =	wrdreg $0xFFFFFFFF;
	(pc) =	sbr.abs _section_cstart, $3  }
0xc0: {  	[dreg:$0x1] =	wrdreg $0xFFFFFFFF  }
0xc1: {  	_ =	task.clear_ibuf [dreg:s6], $0x2FFFF;
	_ =	strace $0x9FFFFFFF  }
0xc2: {  	(tm) =	ssettm $0x7FFFFFFF  }
0xc3: {  	_ =	shalt  }
tec
execute0_lowered:
.L_overlay_start_1:
0x0: {  	(tag) =	ssettag $0x1  }
0x1: {  	s1 =	srdreg.scid;
	s6 =	rddreg [dreg:$0x0]  }
0x2: {  	s0 =	stileid.u32;
	s2 =	rddreg [dreg:$0x1];
	s3 =	simm.s32 $0x0  }
0x3: {  	s16 =	simm.s32 $0x40;
	s17 =	simm.s32 $0x3000;
	s18 =	simm.s32 $0x8  }
0x4: {  	s19 =	simm.s32 $0x5400;
	s20 =	simm.s32 $0x5;
	s21 =	simm.s32 $0x7  }
0x5: {  	s22 =	simm.s32 $0x0;
	s5 =	sand.u32 $0x1, s1;
	s1 =	rddreg [dreg:$0x2]  }
0x6: {  	s29 =	sshll.u32 s0, $0x1;
	s9 =	smul.u32 $0x16800, s0;
	[smem:$0x7FF] =	sst s3  }
0x7: {  	s4 =	sadd.s32 $0x3000, s6;
	s12 =	sadd.s32 $0x30000, s6;
	s30 =	sshll.u32 s0, $0x6  }
0x8: {  	s7 =	sor.u32 s5, s29;
	s10 =	smul.u32 $0x168000, s5;
	_ =	strace $0x80000047  }
0x9: {  	s5 =	ssub.s32 $0x2, s5;
	s8 =	smul.u32 $0x280, s7;
	s13 =	sshrl.u32 s9, $0x4  }
0xa: {  	s14 =	sshrl.u32 s5, $0x1;
	s7 =	smul.u32 $0x1400, s7;
	s10 =	sadd.s32 s9, s10  }
0xb: {  	s13 =	sadd.s32 s13, s6;
	s9 =	sshrl.u32 s9, $0x1;
	s14 =	ssub.s32 s5, s14  }
0xc: {  	s11 =	sadd.s32 s8, s6;
	s10 =	sshrl.u32 s10, $0x4;
	s15 =	sadd.s32 s9, s2  }
.Ltmp0:
0xd: {  	s5 =	sadd.s32 $0x19800, s13;
	s31 =	sshrl.u32 s7, $0x3;
	(pc) =	sbr.rel .LBB2_1-.Ltmp0, $4  }
0xe: {  	s8 =	sadd.s32 s12, s8;
	s13 =	simm.s32 $0x9;
	s10 =	sadd.s32 s10, s6  }
0xf: {  	s6 =	sor.u32 $0x1C09, s30;
	s7 =	sadd.s32 $0x35000, s11;
	s9 =	sadd.s32 s12, s31  }
0x10: {  	s11 =	smax.u32 s14, $0x1;
	s12 =	sshrl.u32 s15, $0x3;
	s14 =	simm.s32 $0x1400  }
0x11: {  	s15 =	simm.s32 $0x6;
	s9 =	sadd.s32 $0x140, s9;
	s10 =	sadd.s32 $0x3A000, s10  }
.LBB2_17:
0x12: {  	_ =	swait.ge [sflag:s20], $0x1200  }
0x13: {  	[sflag:s20] =	ssyncset.done $0x0  }
0x14: {  	[sflag:s20] =	ssyncadd.s32 $0xFFFFEE00  }
0x15: {  	_ =	swait.ge [sflag:s15], $0x1200  }
0x16: {  	[sflag:s15] =	ssyncset.done $0x0  }
0x17: {  	[sflag:s15] =	ssyncadd.s32 $0xFFFFEE00  }
0x18: {  	_ =	swait.ge [sflag:s21], $0x1200  }
0x19: {  	[sflag:s21] =	ssyncset.done $0x0  }
0x1a: {  	[sflag:s21] =	ssyncadd.s32 $0xFFFFEE00  }
0x1b: {  	_ =	swait.ge [sflag:s18], $0x1200  }
0x1c: {  	s22 =	sadd.s32 $0x1, s22;
	[sflag:s18] =	ssyncset.done $0x0  }
0x1d: {  	p0 =	sne.s32 s22, s11;
	[sflag:s18] =	ssyncadd.s32 $0xFFFFEE00  }
.Ltmp1:
0x1e: {  	[bflag:$0x0] =	sbarrier.arrive $0xFFFF;
	(pc) =	sbr.rel @!p0 .LBB2_18-.Ltmp1, $4  }
0x1f: {  	[hbm:s10], [sflag:s6] =	dma.local [spmem:s12], $0x1680  }
0x20: {  	_ =	swait.ge [sflag:s13], $0x1680  }
0x21: {  	[sflag:s13] =	ssyncset.done $0x0  }
0x22: {  	[sflag:s13] =	ssyncadd.s32 $0xFFFFE980  }
.LBB2_1:
0x23: {  	[spmem:s12], [sflag:s6] =	dma.local [hbm:s5], $0x1680  }
0x24: {  	_ =	swait.ge [sflag:s13], $0x1680  }
0x25: {  	[sflag:s13] =	ssyncset.done $0x0  }
0x26: {  	[sflag:s13] =	ssyncadd.s32 $0xFFFFE980  }
0x27: {  	[tilespmem:s3], [sflag:$0x9] =	stream.linear.gather [hbm4b:s7+s3], $0x1400, $0x38;
	[tilespmem:$0x11A00] =	vst v63  }
0x28: {  	_ =	swait.ge [sflag:s13], $0x1400  }
0x29: {  	[sflag:s13] =	ssyncset.done $0x0  }
0x2a: {  	[sflag:s13] =	ssyncadd.s32 $0xFFFFEC00  }
.Ltmp2:
0x2b: {  	[bflag:$0x0] =	sbarrier.arrive $0xFFFF;
	(pc) =	sbr.rel .LBB2_2-.Ltmp2, $4  }
0x2c: {  	[tilespmem:s14], [sflag:$0x9] =	stream.linear.gather [hbm4b:s8+s3], $0xA00, $0x38;
	[tilespmem:$0x11A00] =	vst v63  }
0x2d: {  	_ =	swait.ge [sflag:s13], $0xA00  }
0x2e: {  	s23 =	simm.s32 $0x3;
	[sflag:s13] =	ssyncset.done $0x0  }
0x2f: {  	s24 =	simm.s32 $0x0;
	s25 =	simm.s32 $0x0;
	[sflag:s13] =	ssyncadd.s32 $0xFFFFF600  }
.LBB2_7:
0x30: {  	_ =	swait.ge [sflag:s18], $0x1200  }
0x31: {  	[sflag:s18] =	ssyncset.done $0x0  }
0x32: {  	[sflag:s18] =	ssyncadd.s32 $0xFFFFEE00  }
.LBB2_9:
0x33: {  	s26 =	sshra.s32 s24, $0x2  }
0x34: {  	s26 =	sadd.s32 $0xC0, s26  }
0x35: {  	[tilespmem:s19], [sflag:$0x4] =	stream.indirect.gather [hbm4b:s4+s16], $0x48, s26, s16, $0xb8;
	[tilespmem:$0x11A00] =	vst v63  }
.LBB2_10:
0x36: {  	p0 =	sgt.u32 s23, $0x29  }
0x37: {  	s26 =	simm.s32 @!p0 $0x2  }
0x38: {  	_ =	swait.ge @!p0 [sflag:s26], $0x1200  }
0x39: {  	[sflag:s26] =	ssyncset.done @!p0 $0x0  }
0x3a: {  	s25 =	sadd.s32 $0x1, s25;
	[sflag:s26] =	ssyncadd.s32 @!p0 $0xFFFFEE00;
	s26 =	sshra.s32 @!p0 s24, $0x2  }
0x3b: {  	s28 =	simm.s32 @!p0 $0x40;
	s29 =	simm.s32 @!p0 $0x3000;
	s26 =	sadd.s32 @!p0 $0x1440, s26  }
0x3c: {  	[spmem:s2] =	stream.indirect.scatter.add.bf16 @!p0 [tilespmem:s29], [sflag:$0x6], $0x48, s26, s28, $0xb8;
	[tilespmem:$0x11A00] =	vst v63  }
0x3d: {  	p0 =	sne.s32 s25, $0xC  }
.Ltmp3:
0x3e: {  	_ = 	snop;
	(pc) =	sbr.rel @!p0 .LBB2_11-.Ltmp3, $2  }
0x3f: {  	_ =	sdelay $0x2  }
0x40: {  	s23 =	sadd.s32 $0x4, s23;
	s24 =	sadd.s32 $0x400, s24  }
.LBB2_2:
0x41: {  	s28 =	sadd.s32 $0xFFFFFFF9, s23  }
0x42: {  	p1 =	sgt.u32 s28, $0x23  }
0x43: {  	p0 =	sgt.u32 s25, $0x9;
	s26 =	simm.s32 @!p1 $0x5  }
0x44: {  	s29 =	simm.s32 @!p0 $0x40;
	_ =	swait.ge @!p1 [sflag:s26], $0x1200  }
0x45: {  	s30 =	simm.s32 @!p0 $0x1E00;
	p2 =	sgt.u32 s28, $0x27;
	[sflag:s26] =	ssyncset.done @!p1 $0x0  }
0x46: {  	s28 =	simm.s32 @!p2 $0x3;
	[sflag:s26] =	ssyncadd.s32 @!p1 $0xFFFFEE00;
	s26 =	sshra.s32 @!p0 s24, $0x2  }
0x47: {  	[tilespmem:s30], [sflag:$0x1] =	stream.indirect.gather @!p0 [hbm4b:s4+s29], $0x48, s26, s29, $0xb8;
	[tilespmem:$0x11A00] =	vst v63  }
0x48: {  	_ =	swait.ge @!p2 [sflag:s28], $0x1200  }
0x49: {  	[sflag:s28] =	ssyncset.done @!p2 $0x0  }
0x4a: {  	s31 =	sadd.s32 $0xFFFFFFFF, s25;
	[sflag:s28] =	ssyncadd.s32 @!p2 $0xFFFFEE00;
	s28 =	sshra.s32 @!p2 s24, $0x2  }
0x4b: {  	s29 =	simm.s32 @!p2 $0x40;
	s30 =	simm.s32 @!p2 $0x4200;
	s28 =	sadd.s32 @!p2 $0x1380, s28  }
0x4c: {  	[spmem:s2] =	stream.indirect.scatter.add.bf16 @!p2 [tilespmem:s30], [sflag:$0x7], $0x48, s28, s29, $0xb8;
	[tilespmem:$0x11A00] =	vst v63  }
0x4d: {  	p2 =	sgt.u32 s31, $0x8  }
.Ltmp4:
0x4e: {  	_ = 	snop;
	(pc) =	sbr.rel @p2 .LBB2_4-.Ltmp4, $1  }
0x4f: {  	_ =	sdelay $0x3  }
.Ltmp5:
0x50: {  	(pc) =	sbr.rel .LBB2_5-.Ltmp5, $4  }
0x51: {  	_ = 	snop  }
0x52: {  	_ =	swait.ge [sflag:s15], $0x1200  }
0x53: {  	[sflag:s15] =	ssyncset.done $0x0  }
0x54: {  	[sflag:s15] =	ssyncadd.s32 $0xFFFFEE00  }
.LBB2_4:
.Ltmp6:
0x55: {  	(pc) =	sbr.rel @p0 .LBB2_6-.Ltmp6, $1  }
0x56: {  	_ =	sdelay $0x3  }
.LBB2_5:
0x57: {  	s28 =	sshra.s32 s24, $0x2  }
0x58: {  	s28 =	sadd.s32 $0x40, s28  }
0x59: {  	[tilespmem:s17], [sflag:$0x2] =	stream.indirect.gather [hbm4b:s4+s16], $0x48, s28, s16, $0xb8;
	[tilespmem:$0x11A00] =	vst v63  }
.LBB2_6:
0x5a: {  	p3 =	seq.s32 s25, $0x0  }
0x5b: {  	p4 =	seq.s32 @!p3 s25, $0xB  }
0x5c: {  	p3 =	por p4, p3  }
0x5d: {  	s28 =	simm.s32 @!p3 $0x4  }
0x5e: {  	_ =	swait.ge @!p3 [sflag:s28], $0x1200  }
0x5f: {  	[sflag:s28] =	ssyncset.done @!p3 $0x0  }
0x60: {  	[sflag:s28] =	ssyncadd.s32 @!p3 $0xFFFFEE00;
	s28 =	sshra.s32 @!p3 s24, $0x2  }
0x61: {  	s29 =	simm.s32 @!p3 $0x40;
	s30 =	simm.s32 @!p3 $0x5400;
	s28 =	sadd.s32 @!p3 $0x13C0, s28  }
0x62: {  	[spmem:s2] =	stream.indirect.scatter.add.bf16 @!p3 [tilespmem:s30], [sflag:$0x8], $0x48, s28, s29, $0xb8;
	[tilespmem:$0x11A00] =	vst v63  }
0x63: {  	s28 =	simm.s32 @!p1 $0x7  }
0x64: {  	s31 =	sadd.s32 $0xFFFFFFFF, s23;
	_ =	swait.ge @!p1 [sflag:s28], $0x1200  }
0x65: {  	s26 =	sadd.s32 @!p0 $0x80, s26;
	s30 =	simm.s32 @!p0 $0x4200;
	[sflag:s28] =	ssyncset.done @!p1 $0x0  }
0x66: {  	[sflag:s28] =	ssyncadd.s32 @!p1 $0xFFFFEE00;
	s28 =	simm.s32 @!p0 $0x40;
	p1 =	sgt.u32 s31, $0x29  }
0x67: {  	[tilespmem:s30], [sflag:$0x3] =	stream.indirect.gather @!p0 [hbm4b:s4+s28], $0x48, s26, s28, $0xb8;
	[tilespmem:$0x11A00] =	vst v63  }
0x68: {  	s26 =	simm.s32 @!p1 $0x1  }
.Ltmp7:
0x69: {  	_ =	swait.ge @!p1 [sflag:s26], $0x1200;
	(pc) =	sbr.rel @!p2 .LBB2_7-.Ltmp7, $4  }
0x6a: {  	[sflag:s26] =	ssyncset.done @!p1 $0x0  }
0x6b: {  	[sflag:s26] =	ssyncadd.s32 @!p1 $0xFFFFEE00;
	s26 =	sshra.s32 @!p1 s24, $0x2  }
0x6c: {  	s28 =	simm.s32 @!p1 $0x40;
	s29 =	simm.s32 @!p1 $0x1E00;
	s26 =	sadd.s32 @!p1 $0x1400, s26  }
0x6d: {  	[spmem:s2] =	stream.indirect.scatter.add.bf16 @!p1 [tilespmem:s29], [sflag:$0x5], $0x48, s26, s28, $0xb8;
	[tilespmem:$0x11A00] =	vst v63  }
.Ltmp8:
0x6e: {  	(pc) =	sbr.rel @p0 .LBB2_10-.Ltmp8, $4  }
.Ltmp9:
0x6f: {  	(pc) =	sbr.rel @!p0 .LBB2_9-.Ltmp9, $4  }
0x70: {  	_ = 	snop  }
0x71: {  	_ = 	snop  }
0x72: {  	_ = 	snop  }
0x73: {  	_ = 	snop  }
.LBB2_11:
0x74: {  	_ =	swait.ge [sflag:s20], $0x1200  }
0x75: {  	[sflag:s20] =	ssyncset.done $0x0  }
0x76: {  	[sflag:s20] =	ssyncadd.s32 $0xFFFFEE00  }
0x77: {  	_ =	swait.ge [sflag:s15], $0x1200  }
0x78: {  	[sflag:s15] =	ssyncset.done $0x0  }
0x79: {  	[sflag:s15] =	ssyncadd.s32 $0xFFFFEE00  }
0x7a: {  	_ =	swait.ge [sflag:s21], $0x1200  }
0x7b: {  	[sflag:s21] =	ssyncset.done $0x0  }
0x7c: {  	[sflag:s21] =	ssyncadd.s32 $0xFFFFEE00  }
0x7d: {  	_ =	swait.ge [sflag:s18], $0x1200  }
0x7e: {  	[sflag:s18] =	ssyncset.done $0x0  }
.Ltmp10:
0x7f: {  	s23 =	simm.s32 $0x0;
	[sflag:s18] =	ssyncadd.s32 $0xFFFFEE00;
	(pc) =	sbr.rel .LBB2_12-.Ltmp10, $4  }
0x80: {  	[tilespmem:s14], [sflag:$0x9] =	stream.linear.gather [hbm4b:s9+s23], $0xA00, $0x38;
	[tilespmem:$0x11A00] =	vst v63  }
0x81: {  	_ =	swait.ge [sflag:s13], $0xA00  }
0x82: {  	[sflag:s13] =	ssyncset.done $0x0  }
0x83: {  	s24 =	simm.s32 $0xFFFFFFFC;
	s25 =	simm.s32 $0x0;
	[sflag:s13] =	ssyncadd.s32 $0xFFFFF600  }
.LBB2_13:
0x84: {  	_ =	swait.ge [sflag:s15], $0x1200  }
0x85: {  	[sflag:s15] =	ssyncset.done $0x0  }
0x86: {  	[sflag:s15] =	ssyncadd.s32 $0xFFFFEE00  }
.LBB2_15:
0x87: {  	s29 =	sshra.s32 s23, $0x2  }
0x88: {  	s29 =	sadd.s32 $0xA40, s29  }
0x89: {  	[tilespmem:s17], [sflag:$0x2] =	stream.indirect.gather [hbm4b:s4+s16], $0x48, s29, s16, $0xb8;
	[tilespmem:$0x11A00] =	vst v63  }
.LBB2_16:
0x8a: {  	p2 =	seq.s32 s25, $0x0  }
0x8b: {  	p3 =	seq.s32 @!p2 s25, $0xB  }
0x8c: {  	p2 =	por p3, p2  }
0x8d: {  	s29 =	simm.s32 @!p2 $0x4  }
0x8e: {  	_ =	swait.ge @!p2 [sflag:s29], $0x1200  }
0x8f: {  	[sflag:s29] =	ssyncset.done @!p2 $0x0  }
0x90: {  	[sflag:s29] =	ssyncadd.s32 @!p2 $0xFFFFEE00;
	s29 =	sshra.s32 @!p2 s23, $0x2  }
0x91: {  	s30 =	simm.s32 @!p2 $0x40;
	s31 =	simm.s32 @!p2 $0x5400;
	s29 =	sadd.s32 @!p2 $0x13C0, s29  }
0x92: {  	[spmem:s2] =	stream.indirect.scatter.add.bf16 @!p2 [tilespmem:s31], [sflag:$0x8], $0x48, s29, s30, $0xb8;
	[tilespmem:$0x11A00] =	vst v63  }
0x93: {  	s29 =	simm.s32 @!p1 $0x7  }
0x94: {  	_ =	swait.ge @!p1 [sflag:s29], $0x1200  }
0x95: {  	s30 =	simm.s32 @!p0 $0x40;
	[sflag:s29] =	ssyncset.done @!p1 $0x0  }
0x96: {  	s31 =	simm.s32 @!p0 $0x4200;
	[sflag:s29] =	ssyncadd.s32 @!p1 $0xFFFFEE00;
	s29 =	sadd.s32 @!p0 $0xA80, s26  }
0x97: {  	[tilespmem:s31], [sflag:$0x3] =	stream.indirect.gather @!p0 [hbm4b:s4+s30], $0x48, s29, s30, $0xb8;
	[tilespmem:$0x11A00] =	vst v63  }
0x98: {  	s29 =	simm.s32 @!p0 $0x1  }
0x99: {  	_ =	swait.ge @!p0 [sflag:s29], $0x1200  }
0x9a: {  	p1 =	sgt.u32 @!p0 s28, $0x8;
	s28 =	sadd.s32 @!p0 $0x1400, s26;
	[sflag:s29] =	ssyncset.done @!p0 $0x0  }
0x9b: {  	p1 =	por p1, p0;
	[sflag:s29] =	ssyncadd.s32 @!p0 $0xFFFFEE00;
	s29 =	simm.s32 @!p0 $0x1E00  }
0x9c: {  	[spmem:s2] =	stream.indirect.scatter.add.bf16 @!p0 [tilespmem:s29], [sflag:$0x5], $0x48, s28, s30, $0xb8;
	[tilespmem:$0x11A00] =	vst v63  }
0x9d: {  	s28 =	simm.s32 @!p1 $0x8  }
0x9e: {  	_ =	swait.ge @!p1 [sflag:s28], $0x1200  }
0x9f: {  	[sflag:s28] =	ssyncset.done @!p1 $0x0  }
0xa0: {  	s29 =	simm.s32 @!p0 $0x5400;
	[sflag:s28] =	ssyncadd.s32 @!p1 $0xFFFFEE00;
	s28 =	sadd.s32 @!p0 $0xAC0, s26  }
0xa1: {  	[tilespmem:s29], [sflag:$0x4] =	stream.indirect.gather @!p0 [hbm4b:s4+s30], $0x48, s28, s30, $0xb8;
	[tilespmem:$0x11A00] =	vst v63  }
0xa2: {  	s28 =	simm.s32 @!p0 $0x2  }
0xa3: {  	_ =	swait.ge @!p0 [sflag:s28], $0x1200  }
0xa4: {  	s25 =	sadd.s32 $0x1, s25;
	[sflag:s28] =	ssyncset.done @!p0 $0x0  }
0xa5: {  	s26 =	sadd.s32 @!p0 $0x1440, s26;
	[sflag:s28] =	ssyncadd.s32 @!p0 $0xFFFFEE00;
	s28 =	simm.s32 @!p0 $0x3000  }
0xa6: {  	[spmem:s2] =	stream.indirect.scatter.add.bf16 @!p0 [tilespmem:s28], [sflag:$0x6], $0x48, s26, s30, $0xb8;
	[tilespmem:$0x11A00] =	vst v63  }
0xa7: {  	p0 =	sne.s32 s25, $0xC  }
.Ltmp11:
0xa8: {  	_ = 	snop;
	(pc) =	sbr.rel @!p0 .LBB2_17-.Ltmp11, $2  }
0xa9: {  	_ =	sdelay $0x2  }
0xaa: {  	s24 =	sadd.s32 $0x4, s24;
	s23 =	sadd.s32 $0x400, s23  }
.LBB2_12:
0xab: {  	p1 =	sgt.u32 s24, $0x23  }
0xac: {  	s26 =	simm.s32 @!p1 $0x5  }
0xad: {  	_ =	swait.ge @!p1 [sflag:s26], $0x1200  }
0xae: {  	p0 =	sgt.u32 s25, $0x9;
	[sflag:s26] =	ssyncset.done @!p1 $0x0  }
0xaf: {  	p2 =	sgt.u32 s24, $0x27;
	[sflag:s26] =	ssyncadd.s32 @!p1 $0xFFFFEE00;
	s26 =	sshra.s32 @!p0 s23, $0x2  }
0xb0: {  	s29 =	simm.s32 @!p0 $0x40;
	s30 =	simm.s32 @!p0 $0x1E00;
	s28 =	sadd.s32 @!p0 $0xA00, s26  }
0xb1: {  	[tilespmem:s30], [sflag:$0x1] =	stream.indirect.gather @!p0 [hbm4b:s4+s29], $0x48, s28, s29, $0xb8;
	[tilespmem:$0x11A00] =	vst v63  }
0xb2: {  	s28 =	simm.s32 @!p2 $0x3  }
0xb3: {  	_ =	swait.ge @!p2 [sflag:s28], $0x1200  }
0xb4: {  	[sflag:s28] =	ssyncset.done @!p2 $0x0  }
0xb5: {  	[sflag:s28] =	ssyncadd.s32 @!p2 $0xFFFFEE00;
	s28 =	sshra.s32 @!p2 s23, $0x2  }
0xb6: {  	s29 =	simm.s32 @!p2 $0x40;
	s30 =	simm.s32 @!p2 $0x4200;
	s28 =	sadd.s32 @!p2 $0x1380, s28  }
0xb7: {  	[spmem:s2] =	stream.indirect.scatter.add.bf16 @!p2 [tilespmem:s30], [sflag:$0x7], $0x48, s28, s29, $0xb8;
	[tilespmem:$0x11A00] =	vst v63  }
0xb8: {  	s28 =	sadd.s32 $0xFFFFFFFF, s25  }
0xb9: {  	p2 =	sgt.u32 s28, $0x8  }
.Ltmp12:
0xba: {  	_ = 	snop;
	(pc) =	sbr.rel @!p2 .LBB2_13-.Ltmp12, $1  }
0xbb: {  	_ =	sdelay $0x3  }
.Ltmp13:
0xbc: {  	(pc) =	sbr.rel @p0 .LBB2_16-.Ltmp13, $4  }
.Ltmp14:
0xbd: {  	(pc) =	sbr.rel @!p0 .LBB2_15-.Ltmp14, $4  }
0xbe: {  	_ = 	snop  }
0xbf: {  	_ = 	snop  }
0xc0: {  	_ = 	snop  }
0xc1: {  	_ = 	snop  }
.LBB2_18:
0xc2: {  	_ =	sfence.sel $0x180000  }
0xc3: {  	[bflag:$0x0] =	sbarrier.arrive $0xFFFF  }
0xc4: {  	p0 =	sne.s32 s0, $0x0;
	_ =	strace $0x90000047  }
0xc5: {  	s0 =	sadd.s32 @!p0 $0x100000, s1;
	[bflag:$0x2] =	sbarrier.arrive $0xFFFF  }
0xc6: {  	[sflag:s0] =	ssyncadd.tile.s32 @!p0 $0x1;
	_ =	shalt  }
.Lfunc_end2:
_tile_overlayer_lowered:
.L_overlay_start_2:
0xc7: {  	(tag) =	ssettag $0x2  }
0xc8: {  	s0 =	rddreg [dreg:$0x0];
	s2 =	stileid.u32  }
0xc9: {  	s1 =	rddreg [dreg:$0x1];
	p0 =	sne.s32 s2, $0x0  }
0xca: {  	s3 =	rddreg [dreg:$0x2];
	[bflag:$0x3] =	sbarrier.arrive $0xFFFF;
	s2 =	simm.s32 @!p0 $0x1C09  }
0xcb: {  	[timem:s3], [sflag:s2] =	dma.local @!p0 [hbm:s0], s1  }
0xcc: {  	s0 =	simm.s32 @!p0 $0x9  }
0xcd: {  	_ =	swait.ge @!p0 [sflag:s0], s1  }
0xce: {  	s1 =	ssub.s32 @!p0 $0x0, s1;
	[sflag:s0] =	ssyncset.done @!p0 $0x0  }
0xcf: {  	[sflag:s0] =	ssyncadd.s32 @!p0 s1  }
0xd0: {  	[bflag:$0x3] =	sbarrier.arrive $0xFFFF  }
0xd1: {  	_ =	shalt  }

</sc_bundles>
